<compile_context>
chip_gen: v7x
topology: tpu7x:2x2x1
jax: 0.10.2.dev20260603
libtpu: 0.0.44.dev20260713+nightly
codegen_flags: <defaults>
</compile_context>

<pallas_src>
import dataclasses
import functools

import jax
import jax.numpy as jnp
from jax import lax
from jax.experimental import pallas as pl
from jax.experimental.pallas import tpu as pltpu
from jax.experimental.pallas import tpu_sc as plsc

K = 100000
D = 128

S = 64000
KSC = K - S

NC = 2
NS = 16
NW = NC * NS
RPW = KSC // NW
NBUF = 5
CH = 75
NROUND = RPW // (NBUF * CH)
assert RPW == NBUF * CH * NROUND
U = 5
NV = D // 16

BT = 2560
NT = S // BT
assert S == BT * NT
TPB = BT // 128


def _sc_l1_argmin(keys_flat, query_flat):
    mesh = plsc.VectorSubcoreMesh(core_axis_name="c", subcore_axis_name="s")
    cp = pltpu.CompilerParams()
    if "needs_layout_passes" in pltpu.CompilerParams.__dataclass_fields__:
        cp = dataclasses.replace(cp, needs_layout_passes=False)

    @functools.partial(
        pl.kernel,
        mesh=mesh,
        compiler_params=cp,
        out_type=[
            jax.ShapeDtypeStruct((NW, 16), jnp.float32),
            jax.ShapeDtypeStruct((NW, 16), jnp.int32),
        ],
        scratch_types=[pltpu.VMEM((CH * D,), jnp.float32)] * NBUF + [
            pltpu.VMEM((D,), jnp.float32),
            pltpu.VMEM((16,), jnp.float32),
            pltpu.VMEM((16,), jnp.int32),
        ] + [pltpu.SemaphoreType.DMA] * NBUF,
    )
    def k(keys_hbm, q_hbm, out_v_hbm, out_i_hbm, *rest):
        bufs = rest[:NBUF]
        q_v, res_v, resi_v = rest[NBUF:NBUF + 3]
        sems = rest[NBUF + 3:]
        wid = lax.axis_index("s") * NC + lax.axis_index("c")
        base = S + wid * RPW
        pltpu.sync_copy(q_hbm, q_v)
        qs = [q_v[pl.ds(16 * j, 16)] for j in range(NV)]

        def start(g, b):
            pltpu.async_copy(
                keys_hbm.at[pl.ds((base + g * CH) * D, CH * D)],
                bufs[b], sems[b])

        def wait(b):
            pltpu.make_async_copy(
                keys_hbm.at[pl.ds(0, CH * D)], bufs[b], sems[b]).wait()

        for b in range(NBUF):
            start(b, b)

        def chunk_body(i, carry, b):
            bv, bi = carry
            g = i * NBUF + b
            wait(b)
            gbase = base + g * CH

            def body(r5, carry):
                bv, bi = carry
                for u in range(U):
                    r = r5 * U + u
                    d = [jnp.abs(bufs[b][pl.ds(r * D + 16 * j, 16)] - qs[j])
                         for j in range(NV)]
                    s1 = [d[0] + d[1], d[2] + d[3], d[4] + d[5], d[6] + d[7]]
                    acc = (s1[0] + s1[1]) + (s1[2] + s1[3])
                    s = jnp.sum(acc)
                    pred = s < bv
                    bv = jnp.where(pred, s, bv)
                    bi = jnp.where(pred, gbase + r, bi)
                return bv, bi

            bv, bi = lax.fori_loop(0, CH // U, body, (bv, bi))

            @pl.when(i < NROUND - 1)
            def _():
                start(g + NBUF, b)

            return bv, bi

        def round_body(i, carry):
            for b in range(NBUF):
                carry = chunk_body(i, carry, b)
            return carry

        bv, bi = lax.fori_loop(
            0, NROUND, round_body, (jnp.float32(jnp.inf), jnp.int32(0)))

        res_v[...] = jnp.full((16,), bv, jnp.float32)
        resi_v[...] = jnp.full((16,), bi, jnp.int32)
        pltpu.sync_copy(res_v, out_v_hbm.at[wid])
        pltpu.sync_copy(resi_v, out_i_hbm.at[wid])

    return k(keys_flat, query_flat)


NACC = 4
NCHT = S // BT
NBT = 5
NRT = NCHT // NBT
assert NCHT == NBT * NRT


def _tc_l1_argmin(keys, query):
    def body(kany, qref, ov, oi, *rest):
        bufs = rest[:NBT]
        sems = rest[NBT:]
        q = qref[...]
        lane = lax.broadcasted_iota(jnp.int32, (1, D), 1)

        def start(g, b):
            pltpu.make_async_copy(
                kany.at[pl.ds(g * BT, BT), :], bufs[b], sems[b]).start()

        def wait(b):
            pltpu.make_async_copy(
                kany.at[pl.ds(0, BT), :], bufs[b], sems[b]).wait()

        for b in range(NBT):
            start(b, b)

        def chunk(g, carry, b):
            bv, bi = carry
            bv = list(bv)
            bi = list(bi)
            wait(b)
            gbase = g * BT
            for t in range(TPB):
                a = jnp.abs(bufs[b][pl.ds(t * 128, 128), :] - q)
                s = jnp.sum(a.T, axis=0, keepdims=True)
                idx = lane + (gbase + t * 128)
                c = t % NACC
                pred = s < bv[c]
                bv[c] = jnp.where(pred, s, bv[c])
                bi[c] = jnp.where(pred, idx, bi[c])

            @pl.when(g + NBT < NCHT)
            def _():
                start(g + NBT, b)

            return tuple(bv), tuple(bi)

        def round_body(r, carry):
            for b in range(NBT):
                carry = chunk(r * NBT + b, carry, b)
            return carry

        init = (tuple(jnp.full((1, D), jnp.inf, jnp.float32)
                      for _ in range(NACC)),
                tuple(jnp.zeros((1, D), jnp.int32) for _ in range(NACC)))
        bv, bi = lax.fori_loop(0, NRT, round_body, init)

        mv, mi = bv[0], bi[0]
        for a in range(1, NACC):
            p = (bv[a] < mv) | ((bv[a] == mv) & (bi[a] < mi))
            mv = jnp.where(p, bv[a], mv)
            mi = jnp.where(p, bi[a], mi)
        m = jnp.min(mv)
        ci = jnp.min(jnp.where(mv == m, mi, jnp.int32(2 ** 30)))
        ov[0] = m
        oi[0] = ci

    return pl.pallas_call(
        body,
        in_specs=[pl.BlockSpec(memory_space=pl.ANY),
                  pl.BlockSpec(memory_space=pltpu.VMEM)],
        out_specs=[pl.BlockSpec(memory_space=pltpu.SMEM),
                   pl.BlockSpec(memory_space=pltpu.SMEM)],
        out_shape=[jax.ShapeDtypeStruct((1,), jnp.float32),
                   jax.ShapeDtypeStruct((1,), jnp.int32)],
        scratch_shapes=[pltpu.VMEM((BT, D), jnp.float32)] * NBT +
                       [pltpu.SemaphoreType.DMA] * NBT,
    )(keys, query)


def _combine(sc_v, sc_i, tc_v, tc_i):
    def body(svr, sir, tvr, tir, o):
        sv = svr[...]
        si = sir[...]
        m = jnp.min(sv)
        mi = jnp.min(jnp.where(sv == m, si, jnp.int32(2 ** 30)))
        tv = tvr[0]
        ti = tir[0]
        pred = (tv < m) | ((tv == m) & (ti < mi))
        o[0] = jnp.where(pred, ti, mi)

    return pl.pallas_call(
        body,
        in_specs=[pl.BlockSpec(memory_space=pltpu.VMEM),
                  pl.BlockSpec(memory_space=pltpu.VMEM),
                  pl.BlockSpec(memory_space=pltpu.SMEM),
                  pl.BlockSpec(memory_space=pltpu.SMEM)],
        out_specs=pl.BlockSpec(memory_space=pltpu.SMEM),
        out_shape=jax.ShapeDtypeStruct((1,), jnp.int32),
    )(sc_v, sc_i, tc_v, tc_i)


def kernel(keys, query):
    sc_v, sc_i = _sc_l1_argmin(keys.reshape((K * D,)), query.reshape((D,)))
    tc_v, tc_i = _tc_l1_argmin(keys, query)
    return _combine(sc_v, sc_i, tc_v, tc_i).reshape(())

# --- scband reference (transcript-rebuilt; emitter-appended) ---
"""Pipeline reference for scband-analogy-indice-layer-22308060135810 (READ-ONLY COPY).

The authoritative reference and input builder live on the scoring server;
editing this copy changes nothing except your own understanding.
"""

import jax, jax.numpy as jnp
import numpy as np


def setup_inputs(seed: int = 0) -> dict:
    key = jax.random.key(seed)
    k1, k2 = jax.random.split(key)
    keys = jax.random.normal(k1, (100000, 128), dtype=jnp.float32)
    query = jax.random.normal(k2, (1, 128), dtype=jnp.float32)
    return {"keys": keys, "query": query}


def reference(keys, query):
    # Faithful translation of AnalogyIndiceLayer.call:
    #   x = tf.subtract(inputs[0], inputs[1]); x = tf.abs(x)
    #   x = tf.reduce_sum(x, axis=1); x = tf.argmin(x)
    x = keys - query          # broadcast subtract [K, d]
    x = jnp.abs(x)
    x = jnp.sum(x, axis=1)    # L1 distance per key [K]
    return jnp.argmin(x)      # index of nearest key (int)

if __name__ == "__main__":
    import jax
    _d = setup_inputs()
    print(jax.jit(kernel)(*tuple(_d.values())))

</pallas_src>

<mosaic_0001>
#map = affine_map<(d0, d1) -> (0)>
#map1 = affine_map<(d0, d1) -> (0, 0)>
module attributes {stable_mosaic.version = 14 : i64} {
  func.func @k(%arg0: i32, %arg1: i32, %arg2: memref<12800000xf32, #tpu.memory_space<hbm>>, %arg3: memref<128xf32, #tpu.memory_space<hbm>>, %arg4: memref<32x16xf32, #tpu.memory_space<hbm>>, %arg5: memref<32x16xi32, #tpu.memory_space<hbm>>, %arg6: memref<9600xf32, #tpu.memory_space<vmem>>, %arg7: memref<9600xf32, #tpu.memory_space<vmem>>, %arg8: memref<9600xf32, #tpu.memory_space<vmem>>, %arg9: memref<9600xf32, #tpu.memory_space<vmem>>, %arg10: memref<9600xf32, #tpu.memory_space<vmem>>, %arg11: memref<128xf32, #tpu.memory_space<vmem>>, %arg12: memref<16xf32, #tpu.memory_space<vmem>>, %arg13: memref<16xi32, #tpu.memory_space<vmem>>, %arg14: memref<!tpu.dma_semaphore, #tpu.memory_space<semaphore_mem>>, %arg15: memref<!tpu.dma_semaphore, #tpu.memory_space<semaphore_mem>>, %arg16: memref<!tpu.dma_semaphore, #tpu.memory_space<semaphore_mem>>, %arg17: memref<!tpu.dma_semaphore, #tpu.memory_space<semaphore_mem>>, %arg18: memref<!tpu.dma_semaphore, #tpu.memory_space<semaphore_mem>>) attributes {dimension_semantics = [#tpu.dimension_semantics<core_parallel>, #tpu.dimension_semantics<subcore_parallel>], iteration_bounds = array<i64: 2, 16>, scalar_prefetch = 0 : i64, scratch_operands = 13 : i64, tpu.core_type = #tpu.core_type<sc_vector_subcore>, window_params = [{transform_indices = #map}, {transform_indices = #map}, {transform_indices = #map1}, {transform_indices = #map1}]} {
    %mul3A = arith.constant 2 : i32
    %mul3A_0 = arith.muli %arg1, %mul3A : i32
    %add3A = arith.addi %mul3A_0, %arg0 : i32
    %mul3A_1 = arith.constant 1125 : i32
    %mul3A_2 = arith.muli %add3A, %mul3A_1 : i32
    %add3A_3 = arith.constant 64000 : i32
    %add3A_4 = arith.addi %add3A_3, %mul3A_2 : i32
    "tpu.region"() ({
      %run_scoped3A = tpu.sem_alloc : memref<!tpu.dma_semaphore, #tpu.memory_space<semaphore_mem>>
      tpu.enqueue_dma source(%arg3 : memref<128xf32, #tpu.memory_space<hbm>>) target(%arg11 : memref<128xf32, #tpu.memory_space<vmem>>) target_semaphore(%run_scoped3A : memref<!tpu.dma_semaphore, #tpu.memory_space<semaphore_mem>>)
      tpu.wait_dma2 semaphore(%run_scoped3A : memref<!tpu.dma_semaphore, #tpu.memory_space<semaphore_mem>>) src(%arg3 : memref<128xf32, #tpu.memory_space<hbm>>) dst(%arg11 : memref<128xf32, #tpu.memory_space<vmem>>)
      tpu.yield
    }) : () -> ()
    %get3A = arith.constant 0 : index
    %get3A_5 = tpu.vector_load %arg11[%get3A] {strides = array<i32>} : memref<128xf32, #tpu.memory_space<vmem>>, vector<16xf32>,
    %get3A_6 = arith.constant 16 : index
    %get3A_7 = tpu.vector_load %arg11[%get3A_6] {strides = array<i32>} : memref<128xf32, #tpu.memory_space<vmem>>, vector<16xf32>,
    %get3A_8 = arith.constant 32 : index
    %get3A_9 = tpu.vector_load %arg11[%get3A_8] {strides = array<i32>} : memref<128xf32, #tpu.memory_space<vmem>>, vector<16xf32>,
    %get3A_10 = arith.constant 48 : index
    %get3A_11 = tpu.vector_load %arg11[%get3A_10] {strides = array<i32>} : memref<128xf32, #tpu.memory_space<vmem>>, vector<16xf32>,
    %get3A_12 = arith.constant 64 : index
    %get3A_13 = tpu.vector_load %arg11[%get3A_12] {strides = array<i32>} : memref<128xf32, #tpu.memory_space<vmem>>, vector<16xf32>,
    %get3A_14 = arith.constant 80 : index
    %get3A_15 = tpu.vector_load %arg11[%get3A_14] {strides = array<i32>} : memref<128xf32, #tpu.memory_space<vmem>>, vector<16xf32>,
    %get3A_16 = arith.constant 96 : index
    %get3A_17 = tpu.vector_load %arg11[%get3A_16] {strides = array<i32>} : memref<128xf32, #tpu.memory_space<vmem>>, vector<16xf32>,
    %get3A_18 = arith.constant 112 : index
    %get3A_19 = tpu.vector_load %arg11[%get3A_18] {strides = array<i32>} : memref<128xf32, #tpu.memory_space<vmem>>, vector<16xf32>,
    %add3A_20 = arith.constant 0 : i32
    %add3A_21 = arith.addi %add3A_4, %add3A_20 : i32
    %mul3A_22 = arith.constant 128 : i32
    %mul3A_23 = arith.muli %add3A_21, %mul3A_22 : i32
    %dma_start3A = tpu.memref_slice %arg2[%mul3A_23] : memref<12800000xf32, #tpu.memory_space<hbm>> -> memref<9600xf32, #tpu.memory_space<hbm>>
    %dma_start3A_24 = tpu.memref_slice %arg2[%mul3A_23] : memref<12800000xf32, #tpu.memory_space<hbm>> -> memref<9600xf32, #tpu.memory_space<hbm>>
    tpu.enqueue_dma source(%dma_start3A_24 : memref<9600xf32, #tpu.memory_space<hbm>>) target(%arg6 : memref<9600xf32, #tpu.memory_space<vmem>>) target_semaphore(%arg14 : memref<!tpu.dma_semaphore, #tpu.memory_space<semaphore_mem>>)
    %add3A_25 = arith.constant 75 : i32
    %add3A_26 = arith.addi %add3A_4, %add3A_25 : i32
    %mul3A_27 = arith.constant 128 : i32
    %mul3A_28 = arith.muli %add3A_26, %mul3A_27 : i32
    %dma_start3A_29 = tpu.memref_slice %arg2[%mul3A_28] : memref<12800000xf32, #tpu.memory_space<hbm>> -> memref<9600xf32, #tpu.memory_space<hbm>>
    %dma_start3A_30 = tpu.memref_slice %arg2[%mul3A_28] : memref<12800000xf32, #tpu.memory_space<hbm>> -> memref<9600xf32, #tpu.memory_space<hbm>>
    tpu.enqueue_dma source(%dma_start3A_30 : memref<9600xf32, #tpu.memory_space<hbm>>) target(%arg7 : memref<9600xf32, #tpu.memory_space<vmem>>) target_semaphore(%arg15 : memref<!tpu.dma_semaphore, #tpu.memory_space<semaphore_mem>>)
    %add3A_31 = arith.constant 150 : i32
    %add3A_32 = arith.addi %add3A_4, %add3A_31 : i32
    %mul3A_33 = arith.constant 128 : i32
    %mul3A_34 = arith.muli %add3A_32, %mul3A_33 : i32
    %dma_start3A_35 = tpu.memref_slice %arg2[%mul3A_34] : memref<12800000xf32, #tpu.memory_space<hbm>> -> memref<9600xf32, #tpu.memory_space<hbm>>
    %dma_start3A_36 = tpu.memref_slice %arg2[%mul3A_34] : memref<12800000xf32, #tpu.memory_space<hbm>> -> memref<9600xf32, #tpu.memory_space<hbm>>
    tpu.enqueue_dma source(%dma_start3A_36 : memref<9600xf32, #tpu.memory_space<hbm>>) target(%arg8 : memref<9600xf32, #tpu.memory_space<vmem>>) target_semaphore(%arg16 : memref<!tpu.dma_semaphore, #tpu.memory_space<semaphore_mem>>)
    %add3A_37 = arith.constant 225 : i32
    %add3A_38 = arith.addi %add3A_4, %add3A_37 : i32
    %mul3A_39 = arith.constant 128 : i32
    %mul3A_40 = arith.muli %add3A_38, %mul3A_39 : i32
    %dma_start3A_41 = tpu.memref_slice %arg2[%mul3A_40] : memref<12800000xf32, #tpu.memory_space<hbm>> -> memref<9600xf32, #tpu.memory_space<hbm>>
    %dma_start3A_42 = tpu.memref_slice %arg2[%mul3A_40] : memref<12800000xf32, #tpu.memory_space<hbm>> -> memref<9600xf32, #tpu.memory_space<hbm>>
    tpu.enqueue_dma source(%dma_start3A_42 : memref<9600xf32, #tpu.memory_space<hbm>>) target(%arg9 : memref<9600xf32, #tpu.memory_space<vmem>>) target_semaphore(%arg17 : memref<!tpu.dma_semaphore, #tpu.memory_space<semaphore_mem>>)
    %add3A_43 = arith.constant 300 : i32
    %add3A_44 = arith.addi %add3A_4, %add3A_43 : i32
    %mul3A_45 = arith.constant 128 : i32
    %mul3A_46 = arith.muli %add3A_44, %mul3A_45 : i32
    %dma_start3A_47 = tpu.memref_slice %arg2[%mul3A_46] : memref<12800000xf32, #tpu.memory_space<hbm>> -> memref<9600xf32, #tpu.memory_space<hbm>>
    %dma_start3A_48 = tpu.memref_slice %arg2[%mul3A_46] : memref<12800000xf32, #tpu.memory_space<hbm>> -> memref<9600xf32, #tpu.memory_space<hbm>>
    tpu.enqueue_dma source(%dma_start3A_48 : memref<9600xf32, #tpu.memory_space<hbm>>) target(%arg10 : memref<9600xf32, #tpu.memory_space<vmem>>) target_semaphore(%arg18 : memref<!tpu.dma_semaphore, #tpu.memory_space<semaphore_mem>>)
    %scan3A = arith.constant 0x7F800000 : f32
    %scan3A_49 = arith.constant 0 : i32
    %scan3A_50 = arith.constant 0 : i32
    %scan3A_51 = arith.constant 3 : i32
    %scan3A_52 = arith.addi %scan3A_50, %scan3A_51 : i32
    %scan3A_53 = arith.constant 1 : i32
    %scan3A_54:2 = scf.for %scan3A_60 = %scan3A_50 to %scan3A_52 step %scan3A_53 iter_args(%scan3A_61 = %scan3A, %scan3A_62 = %scan3A_49) -> (f32, i32)  : i32 {
      %mul3A_63 = arith.constant 5 : i32
      %mul3A_64 = arith.muli %scan3A_60, %mul3A_63 : i32
      %add3A_65 = arith.constant 0 : i32
      %add3A_66 = arith.addi %mul3A_64, %add3A_65 : i32
      %dma_wait3A = arith.constant 0 : i32
      %dma_wait3A_67 = tpu.memref_slice %arg2[%dma_wait3A] : memref<12800000xf32, #tpu.memory_space<hbm>> -> memref<9600xf32, #tpu.memory_space<hbm>>
      %dma_wait3A_68 = arith.constant 0 : i32
      %dma_wait3A_69 = tpu.memref_slice %arg2[%dma_wait3A_68] : memref<12800000xf32, #tpu.memory_space<hbm>> -> memref<9600xf32, #tpu.memory_space<hbm>>
      tpu.wait_dma2 semaphore(%arg14 : memref<!tpu.dma_semaphore, #tpu.memory_space<semaphore_mem>>) src(%dma_wait3A_69 : memref<9600xf32, #tpu.memory_space<hbm>>) dst(%arg6 : memref<9600xf32, #tpu.memory_space<vmem>>)
      %mul3A_70 = arith.constant 75 : i32
      %mul3A_71 = arith.muli %add3A_66, %mul3A_70 : i32
      %add3A_72 = arith.addi %add3A_4, %mul3A_71 : i32
      %scan3A_73 = arith.constant 0 : i32
      %scan3A_74 = arith.constant 15 : i32
      %scan3A_75 = arith.addi %scan3A_73, %scan3A_74 : i32
      %scan3A_76 = arith.constant 1 : i32
      %scan3A_77:2 = scf.for %scan3A_169 = %scan3A_73 to %scan3A_75 step %scan3A_76 iter_args(%scan3A_170 = %scan3A_61, %scan3A_171 = %scan3A_62) -> (f32, i32)  : i32 {
        %mul3A_172 = arith.constant 5 : i32
        %mul3A_173 = arith.muli %scan3A_169, %mul3A_172 : i32
        %add3A_174 = arith.constant 0 : i32
        %add3A_175 = arith.addi %mul3A_173, %add3A_174 : i32
        %mul3A_176 = arith.constant 128 : i32
        %mul3A_177 = arith.muli %add3A_175, %mul3A_176 : i32
        %add3A_178 = arith.constant 0 : i32
        %add3A_179 = arith.addi %mul3A_177, %add3A_178 : i32
        %get3A_180 = arith.index_cast %add3A_179 : i32 to index
        %get3A_181 = tpu.vector_load %arg6[%get3A_180] {strides = array<i32>} : memref<9600xf32, #tpu.memory_space<vmem>>, vector<16xf32>,
        %sub3A = arith.subf %get3A_181, %get3A_5 : vector<16xf32>
        %abs3A = math.absf %sub3A : vector<16xf32>
        %mul3A_182 = arith.constant 128 : i32
        %mul3A_183 = arith.muli %add3A_175, %mul3A_182 : i32
        %add3A_184 = arith.constant 16 : i32
        %add3A_185 = arith.addi %mul3A_183, %add3A_184 : i32
        %get3A_186 = arith.index_cast %add3A_185 : i32 to index
        %get3A_187 = tpu.vector_load %arg6[%get3A_186] {strides = array<i32>} : memref<9600xf32, #tpu.memory_space<vmem>>, vector<16xf32>,
        %sub3A_188 = arith.subf %get3A_187, %get3A_7 : vector<16xf32>
        %abs3A_189 = math.absf %sub3A_188 : vector<16xf32>
        %mul3A_190 = arith.constant 128 : i32
        %mul3A_191 = arith.muli %add3A_175, %mul3A_190 : i32
        %add3A_192 = arith.constant 32 : i32
        %add3A_193 = arith.addi %mul3A_191, %add3A_192 : i32
        %get3A_194 = arith.index_cast %add3A_193 : i32 to index
        %get3A_195 = tpu.vector_load %arg6[%get3A_194] {strides = array<i32>} : memref<9600xf32, #tpu.memory_space<vmem>>, vector<16xf32>,
        %sub3A_196 = arith.subf %get3A_195, %get3A_9 : vector<16xf32>
        %abs3A_197 = math.absf %sub3A_196 : vector<16xf32>
        %mul3A_198 = arith.constant 128 : i32
        %mul3A_199 = arith.muli %add3A_175, %mul3A_198 : i32
        %add3A_200 = arith.constant 48 : i32
        %add3A_201 = arith.addi %mul3A_199, %add3A_200 : i32
        %get3A_202 = arith.index_cast %add3A_201 : i32 to index
        %get3A_203 = tpu.vector_load %arg6[%get3A_202] {strides = array<i32>} : memref<9600xf32, #tpu.memory_space<vmem>>, vector<16xf32>,
        %sub3A_204 = arith.subf %get3A_203, %get3A_11 : vector<16xf32>
        %abs3A_205 = math.absf %sub3A_204 : vector<16xf32>
        %mul3A_206 = arith.constant 128 : i32
        %mul3A_207 = arith.muli %add3A_175, %mul3A_206 : i32
        %add3A_208 = arith.constant 64 : i32
        %add3A_209 = arith.addi %mul3A_207, %add3A_208 : i32
        %get3A_210 = arith.index_cast %add3A_209 : i32 to index
        %get3A_211 = tpu.vector_load %arg6[%get3A_210] {strides = array<i32>} : memref<9600xf32, #tpu.memory_space<vmem>>, vector<16xf32>,
        %sub3A_212 = arith.subf %get3A_211, %get3A_13 : vector<16xf32>
        %abs3A_213 = math.absf %sub3A_212 : vector<16xf32>
        %mul3A_214 = arith.constant 128 : i32
        %mul3A_215 = arith.muli %add3A_175, %mul3A_214 : i32
        %add3A_216 = arith.constant 80 : i32
        %add3A_217 = arith.addi %mul3A_215, %add3A_216 : i32
        %get3A_218 = arith.index_cast %add3A_217 : i32 to index
        %get3A_219 = tpu.vector_load %arg6[%get3A_218] {strides = array<i32>} : memref<9600xf32, #tpu.memory_space<vmem>>, vector<16xf32>,
        %sub3A_220 = arith.subf %get3A_219, %get3A_15 : vector<16xf32>
        %abs3A_221 = math.absf %sub3A_220 : vector<16xf32>
        %mul3A_222 = arith.constant 128 : i32
        %mul3A_223 = arith.muli %add3A_175, %mul3A_222 : i32
        %add3A_224 = arith.constant 96 : i32
        %add3A_225 = arith.addi %mul3A_223, %add3A_224 : i32
        %get3A_226 = arith.index_cast %add3A_225 : i32 to index
        %get3A_227 = tpu.vector_load %arg6[%get3A_226] {strides = array<i32>} : memref<9600xf32, #tpu.memory_space<vmem>>, vector<16xf32>,
        %sub3A_228 = arith.subf %get3A_227, %get3A_17 : vector<16xf32>
        %abs3A_229 = math.absf %sub3A_228 : vector<16xf32>
        %mul3A_230 = arith.constant 128 : i32
        %mul3A_231 = arith.muli %add3A_175, %mul3A_230 : i32
        %add3A_232 = arith.constant 112 : i32
        %add3A_233 = arith.addi %mul3A_231, %add3A_232 : i32
        %get3A_234 = arith.index_cast %add3A_233 : i32 to index
        %get3A_235 = tpu.vector_load %arg6[%get3A_234] {strides = array<i32>} : memref<9600xf32, #tpu.memory_space<vmem>>, vector<16xf32>,
        %sub3A_236 = arith.subf %get3A_235, %get3A_19 : vector<16xf32>
        %abs3A_237 = math.absf %sub3A_236 : vector<16xf32>
        %add3A_238 = arith.addf %abs3A, %abs3A_189 : vector<16xf32>
        %add3A_239 = arith.addf %abs3A_197, %abs3A_205 : vector<16xf32>
        %add3A_240 = arith.addf %abs3A_213, %abs3A_221 : vector<16xf32>
        %add3A_241 = arith.addf %abs3A_229, %abs3A_237 : vector<16xf32>
        %add3A_242 = arith.addf %add3A_238, %add3A_239 : vector<16xf32>
        %add3A_243 = arith.addf %add3A_240, %add3A_241 : vector<16xf32>
        %add3A_244 = arith.addf %add3A_242, %add3A_243 : vector<16xf32>
        %reduce_sum3A = arith.constant true
        %reduce_sum3A_245 = vector.broadcast %reduce_sum3A : i1 to vector<16xi1>
        %reduce_sum3A_246 = tpu.scan <sum>, %add3A_244 masked %reduce_sum3A_245 : vector<16xf32>, vector<16xi1> -> vector<16xf32>
        %reduce_sum3A_247 = vector.extract %reduce_sum3A_246[15] : f32 from vector<16xf32>
        %lt3A_248 = arith.cmpf olt, %reduce_sum3A_247, %scan3A_170 : f32
        %select_n3A = arith.select %lt3A_248, %reduce_sum3A_247, %scan3A_170 : f32
        %add3A_249 = arith.addi %add3A_72, %add3A_175 : i32
        %select_n3A_250 = arith.select %lt3A_248, %add3A_249, %scan3A_171 : i32
        %mul3A_251 = arith.constant 5 : i32
        %mul3A_252 = arith.muli %scan3A_169, %mul3A_251 : i32
        %add3A_253 = arith.constant 1 : i32
        %add3A_254 = arith.addi %mul3A_252, %add3A_253 : i32
        %mul3A_255 = arith.constant 128 : i32
        %mul3A_256 = arith.muli %add3A_254, %mul3A_255 : i32
        %add3A_257 = arith.constant 0 : i32
        %add3A_258 = arith.addi %mul3A_256, %add3A_257 : i32
        %get3A_259 = arith.index_cast %add3A_258 : i32 to index
        %get3A_260 = tpu.vector_load %arg6[%get3A_259] {strides = array<i32>} : memref<9600xf32, #tpu.memory_space<vmem>>, vector<16xf32>,
        %sub3A_261 = arith.subf %get3A_260, %get3A_5 : vector<16xf32>
        %abs3A_262 = math.absf %sub3A_261 : vector<16xf32>
        %mul3A_263 = arith.constant 128 : i32
        %mul3A_264 = arith.muli %add3A_254, %mul3A_263 : i32
        %add3A_265 = arith.constant 16 : i32
        %add3A_266 = arith.addi %mul3A_264, %add3A_265 : i32
        %get3A_267 = arith.index_cast %add3A_266 : i32 to index
        %get3A_268 = tpu.vector_load %arg6[%get3A_267] {strides = array<i32>} : memref<9600xf32, #tpu.memory_space<vmem>>, vector<16xf32>,
        %sub3A_269 = arith.subf %get3A_268, %get3A_7 : vector<16xf32>
        %abs3A_270 = math.absf %sub3A_269 : vector<16xf32>
        %mul3A_271 = arith.constant 128 : i32
        %mul3A_272 = arith.muli %add3A_254, %mul3A_271 : i32
        %add3A_273 = arith.constant 32 : i32
        %add3A_274 = arith.addi %mul3A_272, %add3A_273 : i32
        %get3A_275 = arith.index_cast %add3A_274 : i32 to index
        %get3A_276 = tpu.vector_load %arg6[%get3A_275] {strides = array<i32>} : memref<9600xf32, #tpu.memory_space<vmem>>, vector<16xf32>,
        %sub3A_277 = arith.subf %get3A_276, %get3A_9 : vector<16xf32>
        %abs3A_278 = math.absf %sub3A_277 : vector<16xf32>
        %mul3A_279 = arith.constant 128 : i32
        %mul3A_280 = arith.muli %add3A_254, %mul3A_279 : i32
        %add3A_281 = arith.constant 48 : i32
        %add3A_282 = arith.addi %mul3A_280, %add3A_281 : i32
        %get3A_283 = arith.index_cast %add3A_282 : i32 to index
        %get3A_284 = tpu.vector_load %arg6[%get3A_283] {strides = array<i32>} : memref<9600xf32, #tpu.memory_space<vmem>>, vector<16xf32>,
        %sub3A_285 = arith.subf %get3A_284, %get3A_11 : vector<16xf32>
        %abs3A_286 = math.absf %sub3A_285 : vector<16xf32>
        %mul3A_287 = arith.constant 128 : i32
        %mul3A_288 = arith.muli %add3A_254, %mul3A_287 : i32
        %add3A_289 = arith.constant 64 : i32
        %add3A_290 = arith.addi %mul3A_288, %add3A_289 : i32
        %get3A_291 = arith.index_cast %add3A_290 : i32 to index
        %get3A_292 = tpu.vector_load %arg6[%get3A_291] {strides = array<i32>} : memref<9600xf32, #tpu.memory_space<vmem>>, vector<16xf32>,
        %sub3A_293 = arith.subf %get3A_292, %get3A_13 : vector<16xf32>
        %abs3A_294 = math.absf %sub3A_293 : vector<16xf32>
        %mul3A_295 = arith.constant 128 : i32
        %mul3A_296 = arith.muli %add3A_254, %mul3A_295 : i32
        %add3A_297 = arith.constant 80 : i32
        %add3A_298 = arith.addi %mul3A_296, %add3A_297 : i32
        %get3A_299 = arith.index_cast %add3A_298 : i32 to index
        %get3A_300 = tpu.vector_load %arg6[%get3A_299] {strides = array<i32>} : memref<9600xf32, #tpu.memory_space<vmem>>, vector<16xf32>,
        %sub3A_301 = arith.subf %get3A_300, %get3A_15 : vector<16xf32>
        %abs3A_302 = math.absf %sub3A_301 : vector<16xf32>
        %mul3A_303 = arith.constant 128 : i32
        %mul3A_304 = arith.muli %add3A_254, %mul3A_303 : i32
        %add3A_305 = arith.constant 96 : i32
        %add3A_306 = arith.addi %mul3A_304, %add3A_305 : i32
        %get3A_307 = arith.index_cast %add3A_306 : i32 to index
        %get3A_308 = tpu.vector_load %arg6[%get3A_307] {strides = array<i32>} : memref<9600xf32, #tpu.memory_space<vmem>>, vector<16xf32>,
        %sub3A_309 = arith.subf %get3A_308, %get3A_17 : vector<16xf32>
        %abs3A_310 = math.absf %sub3A_309 : vector<16xf32>
        %mul3A_311 = arith.constant 128 : i32
        %mul3A_312 = arith.muli %add3A_254, %mul3A_311 : i32
        %add3A_313 = arith.constant 112 : i32
        %add3A_314 = arith.addi %mul3A_312, %add3A_313 : i32
        %get3A_315 = arith.index_cast %add3A_314 : i32 to index
        %get3A_316 = tpu.vector_load %arg6[%get3A_315] {strides = array<i32>} : memref<9600xf32, #tpu.memory_space<vmem>>, vector<16xf32>,
        %sub3A_317 = arith.subf %get3A_316, %get3A_19 : vector<16xf32>
        %abs3A_318 = math.absf %sub3A_317 : vector<16xf32>
        %add3A_319 = arith.addf %abs3A_262, %abs3A_270 : vector<16xf32>
        %add3A_320 = arith.addf %abs3A_278, %abs3A_286 : vector<16xf32>
        %add3A_321 = arith.addf %abs3A_294, %abs3A_302 : vector<16xf32>
        %add3A_322 = arith.addf %abs3A_310, %abs3A_318 : vector<16xf32>
        %add3A_323 = arith.addf %add3A_319, %add3A_320 : vector<16xf32>
        %add3A_324 = arith.addf %add3A_321, %add3A_322 : vector<16xf32>
        %add3A_325 = arith.addf %add3A_323, %add3A_324 : vector<16xf32>
        %reduce_sum3A_326 = arith.constant true
        %reduce_sum3A_327 = vector.broadcast %reduce_sum3A_326 : i1 to vector<16xi1>
        %reduce_sum3A_328 = tpu.scan <sum>, %add3A_325 masked %reduce_sum3A_327 : vector<16xf32>, vector<16xi1> -> vector<16xf32>
        %reduce_sum3A_329 = vector.extract %reduce_sum3A_328[15] : f32 from vector<16xf32>
        %lt3A_330 = arith.cmpf olt, %reduce_sum3A_329, %select_n3A : f32
        %select_n3A_331 = arith.select %lt3A_330, %reduce_sum3A_329, %select_n3A : f32
        %add3A_332 = arith.addi %add3A_72, %add3A_254 : i32
        %select_n3A_333 = arith.select %lt3A_330, %add3A_332, %select_n3A_250 : i32
        %mul3A_334 = arith.constant 5 : i32
        %mul3A_335 = arith.muli %scan3A_169, %mul3A_334 : i32
        %add3A_336 = arith.constant 2 : i32
        %add3A_337 = arith.addi %mul3A_335, %add3A_336 : i32
        %mul3A_338 = arith.constant 128 : i32
        %mul3A_339 = arith.muli %add3A_337, %mul3A_338 : i32
        %add3A_340 = arith.constant 0 : i32
        %add3A_341 = arith.addi %mul3A_339, %add3A_340 : i32
        %get3A_342 = arith.index_cast %add3A_341 : i32 to index
        %get3A_343 = tpu.vector_load %arg6[%get3A_342] {strides = array<i32>} : memref<9600xf32, #tpu.memory_space<vmem>>, vector<16xf32>,
        %sub3A_344 = arith.subf %get3A_343, %get3A_5 : vector<16xf32>
        %abs3A_345 = math.absf %sub3A_344 : vector<16xf32>
        %mul3A_346 = arith.constant 128 : i32
        %mul3A_347 = arith.muli %add3A_337, %mul3A_346 : i32
        %add3A_348 = arith.constant 16 : i32
        %add3A_349 = arith.addi %mul3A_347, %add3A_348 : i32
        %get3A_350 = arith.index_cast %add3A_349 : i32 to index
        %get3A_351 = tpu.vector_load %arg6[%get3A_350] {strides = array<i32>} : memref<9600xf32, #tpu.memory_space<vmem>>, vector<16xf32>,
        %sub3A_352 = arith.subf %get3A_351, %get3A_7 : vector<16xf32>
        %abs3A_353 = math.absf %sub3A_352 : vector<16xf32>
        %mul3A_354 = arith.constant 128 : i32
        %mul3A_355 = arith.muli %add3A_337, %mul3A_354 : i32
        %add3A_356 = arith.constant 32 : i32
        %add3A_357 = arith.addi %mul3A_355, %add3A_356 : i32
        %get3A_358 = arith.index_cast %add3A_357 : i32 to index
        %get3A_359 = tpu.vector_load %arg6[%get3A_358] {strides = array<i32>} : memref<9600xf32, #tpu.memory_space<vmem>>, vector<16xf32>,
        %sub3A_360 = arith.subf %get3A_359, %get3A_9 : vector<16xf32>
        %abs3A_361 = math.absf %sub3A_360 : vector<16xf32>
        %mul3A_362 = arith.constant 128 : i32
        %mul3A_363 = arith.muli %add3A_337, %mul3A_362 : i32
        %add3A_364 = arith.constant 48 : i32
        %add3A_365 = arith.addi %mul3A_363, %add3A_364 : i32
        %get3A_366 = arith.index_cast %add3A_365 : i32 to index
        %get3A_367 = tpu.vector_load %arg6[%get3A_366] {strides = array<i32>} : memref<9600xf32, #tpu.memory_space<vmem>>, vector<16xf32>,
        %sub3A_368 = arith.subf %get3A_367, %get3A_11 : vector<16xf32>
        %abs3A_369 = math.absf %sub3A_368 : vector<16xf32>
        %mul3A_370 = arith.constant 128 : i32
        %mul3A_371 = arith.muli %add3A_337, %mul3A_370 : i32
        %add3A_372 = arith.constant 64 : i32
        %add3A_373 = arith.addi %mul3A_371, %add3A_372 : i32
        %get3A_374 = arith.index_cast %add3A_373 : i32 to index
        %get3A_375 = tpu.vector_load %arg6[%get3A_374] {strides = array<i32>} : memref<9600xf32, #tpu.memory_space<vmem>>, vector<16xf32>,
        %sub3A_376 = arith.subf %get3A_375, %get3A_13 : vector<16xf32>
        %abs3A_377 = math.absf %sub3A_376 : vector<16xf32>
        %mul3A_378 = arith.constant 128 : i32
        %mul3A_379 = arith.muli %add3A_337, %mul3A_378 : i32
        %add3A_380 = arith.constant 80 : i32
        %add3A_381 = arith.addi %mul3A_379, %add3A_380 : i32
        %get3A_382 = arith.index_cast %add3A_381 : i32 to index
        %get3A_383 = tpu.vector_load %arg6[%get3A_382] {strides = array<i32>} : memref<9600xf32, #tpu.memory_space<vmem>>, vector<16xf32>,
        %sub3A_384 = arith.subf %get3A_383, %get3A_15 : vector<16xf32>
        %abs3A_385 = math.absf %sub3A_384 : vector<16xf32>
        %mul3A_386 = arith.constant 128 : i32
        %mul3A_387 = arith.muli %add3A_337, %mul3A_386 : i32
        %add3A_388 = arith.constant 96 : i32
        %add3A_389 = arith.addi %mul3A_387, %add3A_388 : i32
        %get3A_390 = arith.index_cast %add3A_389 : i32 to index
        %get3A_391 = tpu.vector_load %arg6[%get3A_390] {strides = array<i32>} : memref<9600xf32, #tpu.memory_space<vmem>>, vector<16xf32>,
        %sub3A_392 = arith.subf %get3A_391, %get3A_17 : vector<16xf32>
        %abs3A_393 = math.absf %sub3A_392 : vector<16xf32>
        %mul3A_394 = arith.constant 128 : i32
        %mul3A_395 = arith.muli %add3A_337, %mul3A_394 : i32
        %add3A_396 = arith.constant 112 : i32
        %add3A_397 = arith.addi %mul3A_395, %add3A_396 : i32
        %get3A_398 = arith.index_cast %add3A_397 : i32 to index
        %get3A_399 = tpu.vector_load %arg6[%get3A_398] {strides = array<i32>} : memref<9600xf32, #tpu.memory_space<vmem>>, vector<16xf32>,
        %sub3A_400 = arith.subf %get3A_399, %get3A_19 : vector<16xf32>
        %abs3A_401 = math.absf %sub3A_400 : vector<16xf32>
        %add3A_402 = arith.addf %abs3A_345, %abs3A_353 : vector<16xf32>
        %add3A_403 = arith.addf %abs3A_361, %abs3A_369 : vector<16xf32>
        %add3A_404 = arith.addf %abs3A_377, %abs3A_385 : vector<16xf32>
        %add3A_405 = arith.addf %abs3A_393, %abs3A_401 : vector<16xf32>
        %add3A_406 = arith.addf %add3A_402, %add3A_403 : vector<16xf32>
        %add3A_407 = arith.addf %add3A_404, %add3A_405 : vector<16xf32>
        %add3A_408 = arith.addf %add3A_406, %add3A_407 : vector<16xf32>
        %reduce_sum3A_409 = arith.constant true
        %reduce_sum3A_410 = vector.broadcast %reduce_sum3A_409 : i1 to vector<16xi1>
        %reduce_sum3A_411 = tpu.scan <sum>, %add3A_408 masked %reduce_sum3A_410 : vector<16xf32>, vector<16xi1> -> vector<16xf32>
        %reduce_sum3A_412 = vector.extract %reduce_sum3A_411[15] : f32 from vector<16xf32>
        %lt3A_413 = arith.cmpf olt, %reduce_sum3A_412, %select_n3A_331 : f32
        %select_n3A_414 = arith.select %lt3A_413, %reduce_sum3A_412, %select_n3A_331 : f32
        %add3A_415 = arith.addi %add3A_72, %add3A_337 : i32
        %select_n3A_416 = arith.select %lt3A_413, %add3A_415, %select_n3A_333 : i32
        %mul3A_417 = arith.constant 5 : i32
        %mul3A_418 = arith.muli %scan3A_169, %mul3A_417 : i32
        %add3A_419 = arith.constant 3 : i32
        %add3A_420 = arith.addi %mul3A_418, %add3A_419 : i32
        %mul3A_421 = arith.constant 128 : i32
        %mul3A_422 = arith.muli %add3A_420, %mul3A_421 : i32
        %add3A_423 = arith.constant 0 : i32
        %add3A_424 = arith.addi %mul3A_422, %add3A_423 : i32
        %get3A_425 = arith.index_cast %add3A_424 : i32 to index
        %get3A_426 = tpu.vector_load %arg6[%get3A_425] {strides = array<i32>} : memref<9600xf32, #tpu.memory_space<vmem>>, vector<16xf32>,
        %sub3A_427 = arith.subf %get3A_426, %get3A_5 : vector<16xf32>
        %abs3A_428 = math.absf %sub3A_427 : vector<16xf32>
        %mul3A_429 = arith.constant 128 : i32
        %mul3A_430 = arith.muli %add3A_420, %mul3A_429 : i32
        %add3A_431 = arith.constant 16 : i32
        %add3A_432 = arith.addi %mul3A_430, %add3A_431 : i32
        %get3A_433 = arith.index_cast %add3A_432 : i32 to index
        %get3A_434 = tpu.vector_load %arg6[%get3A_433] {strides = array<i32>} : memref<9600xf32, #tpu.memory_space<vmem>>, vector<16xf32>,
        %sub3A_435 = arith.subf %get3A_434, %get3A_7 : vector<16xf32>
        %abs3A_436 = math.absf %sub3A_435 : vector<16xf32>
        %mul3A_437 = arith.constant 128 : i32
        %mul3A_438 = arith.muli %add3A_420, %mul3A_437 : i32
        %add3A_439 = arith.constant 32 : i32
        %add3A_440 = arith.addi %mul3A_438, %add3A_439 : i32
        %get3A_441 = arith.index_cast %add3A_440 : i32 to index
        %get3A_442 = tpu.vector_load %arg6[%get3A_441] {strides = array<i32>} : memref<9600xf32, #tpu.memory_space<vmem>>, vector<16xf32>,
        %sub3A_443 = arith.subf %get3A_442, %get3A_9 : vector<16xf32>
        %abs3A_444 = math.absf %sub3A_443 : vector<16xf32>
        %mul3A_445 = arith.constant 128 : i32
        %mul3A_446 = arith.muli %add3A_420, %mul3A_445 : i32
        %add3A_447 = arith.constant 48 : i32
        %add3A_448 = arith.addi %mul3A_446, %add3A_447 : i32
        %get3A_449 = arith.index_cast %add3A_448 : i32 to index
        %get3A_450 = tpu.vector_load %arg6[%get3A_449] {strides = array<i32>} : memref<9600xf32, #tpu.memory_space<vmem>>, vector<16xf32>,
        %sub3A_451 = arith.subf %get3A_450, %get3A_11 : vector<16xf32>
        %abs3A_452 = math.absf %sub3A_451 : vector<16xf32>
        %mul3A_453 = arith.constant 128 : i32
        %mul3A_454 = arith.muli %add3A_420, %mul3A_453 : i32
        %add3A_455 = arith.constant 64 : i32
        %add3A_456 = arith.addi %mul3A_454, %add3A_455 : i32
        %get3A_457 = arith.index_cast %add3A_456 : i32 to index
        %get3A_458 = tpu.vector_load %arg6[%get3A_457] {strides = array<i32>} : memref<9600xf32, #tpu.memory_space<vmem>>, vector<16xf32>,
        %sub3A_459 = arith.subf %get3A_458, %get3A_13 : vector<16xf32>
        %abs3A_460 = math.absf %sub3A_459 : vector<16xf32>
        %mul3A_461 = arith.constant 128 : i32
        %mul3A_462 = arith.muli %add3A_420, %mul3A_461 : i32
        %add3A_463 = arith.constant 80 : i32
        %add3A_464 = arith.addi %mul3A_462, %add3A_463 : i32
        %get3A_465 = arith.index_cast %add3A_464 : i32 to index
        %get3A_466 = tpu.vector_load %arg6[%get3A_465] {strides = array<i32>} : memref<9600xf32, #tpu.memory_space<vmem>>, vector<16xf32>,
        %sub3A_467 = arith.subf %get3A_466, %get3A_15 : vector<16xf32>
        %abs3A_468 = math.absf %sub3A_467 : vector<16xf32>
        %mul3A_469 = arith.constant 128 : i32
        %mul3A_470 = arith.muli %add3A_420, %mul3A_469 : i32
        %add3A_471 = arith.constant 96 : i32
        %add3A_472 = arith.addi %mul3A_470, %add3A_471 : i32
        %get3A_473 = arith.index_cast %add3A_472 : i32 to index
        %get3A_474 = tpu.vector_load %arg6[%get3A_473] {strides = array<i32>} : memref<9600xf32, #tpu.memory_space<vmem>>, vector<16xf32>,
        %sub3A_475 = arith.subf %get3A_474, %get3A_17 : vector<16xf32>
        %abs3A_476 = math.absf %sub3A_475 : vector<16xf32>
        %mul3A_477 = arith.constant 128 : i32
        %mul3A_478 = arith.muli %add3A_420, %mul3A_477 : i32
        %add3A_479 = arith.constant 112 : i32
        %add3A_480 = arith.addi %mul3A_478, %add3A_479 : i32
        %get3A_481 = arith.index_cast %add3A_480 : i32 to index
        %get3A_482 = tpu.vector_load %arg6[%get3A_481] {strides = array<i32>} : memref<9600xf32, #tpu.memory_space<vmem>>, vector<16xf32>,
        %sub3A_483 = arith.subf %get3A_482, %get3A_19 : vector<16xf32>
        %abs3A_484 = math.absf %sub3A_483 : vector<16xf32>
        %add3A_485 = arith.addf %abs3A_428, %abs3A_436 : vector<16xf32>
        %add3A_486 = arith.addf %abs3A_444, %abs3A_452 : vector<16xf32>
        %add3A_487 = arith.addf %abs3A_460, %abs3A_468 : vector<16xf32>
        %add3A_488 = arith.addf %abs3A_476, %abs3A_484 : vector<16xf32>
        %add3A_489 = arith.addf %add3A_485, %add3A_486 : vector<16xf32>
        %add3A_490 = arith.addf %add3A_487, %add3A_488 : vector<16xf32>
        %add3A_491 = arith.addf %add3A_489, %add3A_490 : vector<16xf32>
        %reduce_sum3A_492 = arith.constant true
        %reduce_sum3A_493 = vector.broadcast %reduce_sum3A_492 : i1 to vector<16xi1>
        %reduce_sum3A_494 = tpu.scan <sum>, %add3A_491 masked %reduce_sum3A_493 : vector<16xf32>, vector<16xi1> -> vector<16xf32>
        %reduce_sum3A_495 = vector.extract %reduce_sum3A_494[15] : f32 from vector<16xf32>
        %lt3A_496 = arith.cmpf olt, %reduce_sum3A_495, %select_n3A_414 : f32
        %select_n3A_497 = arith.select %lt3A_496, %reduce_sum3A_495, %select_n3A_414 : f32
        %add3A_498 = arith.addi %add3A_72, %add3A_420 : i32
        %select_n3A_499 = arith.select %lt3A_496, %add3A_498, %select_n3A_416 : i32
        %mul3A_500 = arith.constant 5 : i32
        %mul3A_501 = arith.muli %scan3A_169, %mul3A_500 : i32
        %add3A_502 = arith.constant 4 : i32
        %add3A_503 = arith.addi %mul3A_501, %add3A_502 : i32
        %mul3A_504 = arith.constant 128 : i32
        %mul3A_505 = arith.muli %add3A_503, %mul3A_504 : i32
        %add3A_506 = arith.constant 0 : i32
        %add3A_507 = arith.addi %mul3A_505, %add3A_506 : i32
        %get3A_508 = arith.index_cast %add3A_507 : i32 to index
        %get3A_509 = tpu.vector_load %arg6[%get3A_508] {strides = array<i32>} : memref<9600xf32, #tpu.memory_space<vmem>>, vector<16xf32>,
        %sub3A_510 = arith.subf %get3A_509, %get3A_5 : vector<16xf32>
        %abs3A_511 = math.absf %sub3A_510 : vector<16xf32>
        %mul3A_512 = arith.constant 128 : i32
        %mul3A_513 = arith.muli %add3A_503, %mul3A_512 : i32
        %add3A_514 = arith.constant 16 : i32
        %add3A_515 = arith.addi %mul3A_513, %add3A_514 : i32
        %get3A_516 = arith.index_cast %add3A_515 : i32 to index
        %get3A_517 = tpu.vector_load %arg6[%get3A_516] {strides = array<i32>} : memref<9600xf32, #tpu.memory_space<vmem>>, vector<16xf32>,
        %sub3A_518 = arith.subf %get3A_517, %get3A_7 : vector<16xf32>
        %abs3A_519 = math.absf %sub3A_518 : vector<16xf32>
        %mul3A_520 = arith.constant 128 : i32
        %mul3A_521 = arith.muli %add3A_503, %mul3A_520 : i32
        %add3A_522 = arith.constant 32 : i32
        %add3A_523 = arith.addi %mul3A_521, %add3A_522 : i32
        %get3A_524 = arith.index_cast %add3A_523 : i32 to index
        %get3A_525 = tpu.vector_load %arg6[%get3A_524] {strides = array<i32>} : memref<9600xf32, #tpu.memory_space<vmem>>, vector<16xf32>,
        %sub3A_526 = arith.subf %get3A_525, %get3A_9 : vector<16xf32>
        %abs3A_527 = math.absf %sub3A_526 : vector<16xf32>
        %mul3A_528 = arith.constant 128 : i32
        %mul3A_529 = arith.muli %add3A_503, %mul3A_528 : i32
        %add3A_530 = arith.constant 48 : i32
        %add3A_531 = arith.addi %mul3A_529, %add3A_530 : i32
        %get3A_532 = arith.index_cast %add3A_531 : i32 to index
        %get3A_533 = tpu.vector_load %arg6[%get3A_532] {strides = array<i32>} : memref<9600xf32, #tpu.memory_space<vmem>>, vector<16xf32>,
        %sub3A_534 = arith.subf %get3A_533, %get3A_11 : vector<16xf32>
        %abs3A_535 = math.absf %sub3A_534 : vector<16xf32>
        %mul3A_536 = arith.constant 128 : i32
        %mul3A_537 = arith.muli %add3A_503, %mul3A_536 : i32
        %add3A_538 = arith.constant 64 : i32
        %add3A_539 = arith.addi %mul3A_537, %add3A_538 : i32
        %get3A_540 = arith.index_cast %add3A_539 : i32 to index
        %get3A_541 = tpu.vector_load %arg6[%get3A_540] {strides = array<i32>} : memref<9600xf32, #tpu.memory_space<vmem>>, vector<16xf32>,
        %sub3A_542 = arith.subf %get3A_541, %get3A_13 : vector<16xf32>
        %abs3A_543 = math.absf %sub3A_542 : vector<16xf32>
        %mul3A_544 = arith.constant 128 : i32
        %mul3A_545 = arith.muli %add3A_503, %mul3A_544 : i32
        %add3A_546 = arith.constant 80 : i32
        %add3A_547 = arith.addi %mul3A_545, %add3A_546 : i32
        %get3A_548 = arith.index_cast %add3A_547 : i32 to index
        %get3A_549 = tpu.vector_load %arg6[%get3A_548] {strides = array<i32>} : memref<9600xf32, #tpu.memory_space<vmem>>, vector<16xf32>,
        %sub3A_550 = arith.subf %get3A_549, %get3A_15 : vector<16xf32>
        %abs3A_551 = math.absf %sub3A_550 : vector<16xf32>
        %mul3A_552 = arith.constant 128 : i32
        %mul3A_553 = arith.muli %add3A_503, %mul3A_552 : i32
        %add3A_554 = arith.constant 96 : i32
        %add3A_555 = arith.addi %mul3A_553, %add3A_554 : i32
        %get3A_556 = arith.index_cast %add3A_555 : i32 to index
        %get3A_557 = tpu.vector_load %arg6[%get3A_556] {strides = array<i32>} : memref<9600xf32, #tpu.memory_space<vmem>>, vector<16xf32>,
        %sub3A_558 = arith.subf %get3A_557, %get3A_17 : vector<16xf32>
        %abs3A_559 = math.absf %sub3A_558 : vector<16xf32>
        %mul3A_560 = arith.constant 128 : i32
        %mul3A_561 = arith.muli %add3A_503, %mul3A_560 : i32
        %add3A_562 = arith.constant 112 : i32
        %add3A_563 = arith.addi %mul3A_561, %add3A_562 : i32
        %get3A_564 = arith.index_cast %add3A_563 : i32 to index
        %get3A_565 = tpu.vector_load %arg6[%get3A_564] {strides = array<i32>} : memref<9600xf32, #tpu.memory_space<vmem>>, vector<16xf32>,
        %sub3A_566 = arith.subf %get3A_565, %get3A_19 : vector<16xf32>
        %abs3A_567 = math.absf %sub3A_566 : vector<16xf32>
        %add3A_568 = arith.addf %abs3A_511, %abs3A_519 : vector<16xf32>
        %add3A_569 = arith.addf %abs3A_527, %abs3A_535 : vector<16xf32>
        %add3A_570 = arith.addf %abs3A_543, %abs3A_551 : vector<16xf32>
        %add3A_571 = arith.addf %abs3A_559, %abs3A_567 : vector<16xf32>
        %add3A_572 = arith.addf %add3A_568, %add3A_569 : vector<16xf32>
        %add3A_573 = arith.addf %add3A_570, %add3A_571 : vector<16xf32>
        %add3A_574 = arith.addf %add3A_572, %add3A_573 : vector<16xf32>
        %reduce_sum3A_575 = arith.constant true
        %reduce_sum3A_576 = vector.broadcast %reduce_sum3A_575 : i1 to vector<16xi1>
        %reduce_sum3A_577 = tpu.scan <sum>, %add3A_574 masked %reduce_sum3A_576 : vector<16xf32>, vector<16xi1> -> vector<16xf32>
        %reduce_sum3A_578 = vector.extract %reduce_sum3A_577[15] : f32 from vector<16xf32>
        %lt3A_579 = arith.cmpf olt, %reduce_sum3A_578, %select_n3A_497 : f32
        %select_n3A_580 = arith.select %lt3A_579, %reduce_sum3A_578, %select_n3A_497 : f32
        %add3A_581 = arith.addi %add3A_72, %add3A_503 : i32
        %select_n3A_582 = arith.select %lt3A_579, %add3A_581, %select_n3A_499 : i32
        scf.yield %select_n3A_580, %select_n3A_582 : f32, i32
      }
      %scan3A_78 = arith.constant 15 : i32
      %lt3A = arith.constant 2 : i32
      %lt3A_79 = arith.cmpi slt, %scan3A_60, %lt3A : i32
      %convert_element_type3A = arith.extui %lt3A_79 : i1 to i32
      %cond3A = arith.constant 0 : i32
      %cond3A_80 = arith.cmpi ne, %convert_element_type3A, %cond3A : i32
      scf.if %cond3A_80 {
        %add3A_169 = arith.constant 5 : i32
        %add3A_170 = arith.addi %add3A_66, %add3A_169 : i32
        %mul3A_171 = arith.constant 75 : i32
        %mul3A_172 = arith.muli %add3A_170, %mul3A_171 : i32
        %add3A_173 = arith.addi %add3A_4, %mul3A_172 : i32
        %mul3A_174 = arith.constant 128 : i32
        %mul3A_175 = arith.muli %add3A_173, %mul3A_174 : i32
        %dma_start3A_176 = tpu.memref_slice %arg2[%mul3A_175] : memref<12800000xf32, #tpu.memory_space<hbm>> -> memref<9600xf32, #tpu.memory_space<hbm>>
        %dma_start3A_177 = tpu.memref_slice %arg2[%mul3A_175] : memref<12800000xf32, #tpu.memory_space<hbm>> -> memref<9600xf32, #tpu.memory_space<hbm>>
        tpu.enqueue_dma source(%dma_start3A_177 : memref<9600xf32, #tpu.memory_space<hbm>>) target(%arg6 : memref<9600xf32, #tpu.memory_space<vmem>>) target_semaphore(%arg14 : memref<!tpu.dma_semaphore, #tpu.memory_space<semaphore_mem>>)
      } else {
      }
      %mul3A_81 = arith.constant 5 : i32
      %mul3A_82 = arith.muli %scan3A_60, %mul3A_81 : i32
      %add3A_83 = arith.constant 1 : i32
      %add3A_84 = arith.addi %mul3A_82, %add3A_83 : i32
      %dma_wait3A_85 = arith.constant 0 : i32
      %dma_wait3A_86 = tpu.memref_slice %arg2[%dma_wait3A_85] : memref<12800000xf32, #tpu.memory_space<hbm>> -> memref<9600xf32, #tpu.memory_space<hbm>>
      %dma_wait3A_87 = arith.constant 0 : i32
      %dma_wait3A_88 = tpu.memref_slice %arg2[%dma_wait3A_87] : memref<12800000xf32, #tpu.memory_space<hbm>> -> memref<9600xf32, #tpu.memory_space<hbm>>
      tpu.wait_dma2 semaphore(%arg15 : memref<!tpu.dma_semaphore, #tpu.memory_space<semaphore_mem>>) src(%dma_wait3A_88 : memref<9600xf32, #tpu.memory_space<hbm>>) dst(%arg7 : memref<9600xf32, #tpu.memory_space<vmem>>)
      %mul3A_89 = arith.constant 75 : i32
      %mul3A_90 = arith.muli %add3A_84, %mul3A_89 : i32
      %add3A_91 = arith.addi %add3A_4, %mul3A_90 : i32
      %scan3A_92 = arith.constant 0 : i32
      %scan3A_93 = arith.constant 15 : i32
      %scan3A_94 = arith.addi %scan3A_92, %scan3A_93 : i32
      %scan3A_95 = arith.constant 1 : i32
      %scan3A_96:2 = scf.for %scan3A_169 = %scan3A_92 to %scan3A_94 step %scan3A_95 iter_args(%scan3A_170 = %scan3A_77#0, %scan3A_171 = %scan3A_77#1) -> (f32, i32)  : i32 {
        %mul3A_172 = arith.constant 5 : i32
        %mul3A_173 = arith.muli %scan3A_169, %mul3A_172 : i32
        %add3A_174 = arith.constant 0 : i32
        %add3A_175 = arith.addi %mul3A_173, %add3A_174 : i32
        %mul3A_176 = arith.constant 128 : i32
        %mul3A_177 = arith.muli %add3A_175, %mul3A_176 : i32
        %add3A_178 = arith.constant 0 : i32
        %add3A_179 = arith.addi %mul3A_177, %add3A_178 : i32
        %get3A_180 = arith.index_cast %add3A_179 : i32 to index
        %get3A_181 = tpu.vector_load %arg7[%get3A_180] {strides = array<i32>} : memref<9600xf32, #tpu.memory_space<vmem>>, vector<16xf32>,
        %sub3A = arith.subf %get3A_181, %get3A_5 : vector<16xf32>
        %abs3A = math.absf %sub3A : vector<16xf32>
        %mul3A_182 = arith.constant 128 : i32
        %mul3A_183 = arith.muli %add3A_175, %mul3A_182 : i32
        %add3A_184 = arith.constant 16 : i32
        %add3A_185 = arith.addi %mul3A_183, %add3A_184 : i32
        %get3A_186 = arith.index_cast %add3A_185 : i32 to index
        %get3A_187 = tpu.vector_load %arg7[%get3A_186] {strides = array<i32>} : memref<9600xf32, #tpu.memory_space<vmem>>, vector<16xf32>,
        %sub3A_188 = arith.subf %get3A_187, %get3A_7 : vector<16xf32>
        %abs3A_189 = math.absf %sub3A_188 : vector<16xf32>
        %mul3A_190 = arith.constant 128 : i32
        %mul3A_191 = arith.muli %add3A_175, %mul3A_190 : i32
        %add3A_192 = arith.constant 32 : i32
        %add3A_193 = arith.addi %mul3A_191, %add3A_192 : i32
        %get3A_194 = arith.index_cast %add3A_193 : i32 to index
        %get3A_195 = tpu.vector_load %arg7[%get3A_194] {strides = array<i32>} : memref<9600xf32, #tpu.memory_space<vmem>>, vector<16xf32>,
        %sub3A_196 = arith.subf %get3A_195, %get3A_9 : vector<16xf32>
        %abs3A_197 = math.absf %sub3A_196 : vector<16xf32>
        %mul3A_198 = arith.constant 128 : i32
        %mul3A_199 = arith.muli %add3A_175, %mul3A_198 : i32
        %add3A_200 = arith.constant 48 : i32
        %add3A_201 = arith.addi %mul3A_199, %add3A_200 : i32
        %get3A_202 = arith.index_cast %add3A_201 : i32 to index
        %get3A_203 = tpu.vector_load %arg7[%get3A_202] {strides = array<i32>} : memref<9600xf32, #tpu.memory_space<vmem>>, vector<16xf32>,
        %sub3A_204 = arith.subf %get3A_203, %get3A_11 : vector<16xf32>
        %abs3A_205 = math.absf %sub3A_204 : vector<16xf32>
        %mul3A_206 = arith.constant 128 : i32
        %mul3A_207 = arith.muli %add3A_175, %mul3A_206 : i32
        %add3A_208 = arith.constant 64 : i32
        %add3A_209 = arith.addi %mul3A_207, %add3A_208 : i32
        %get3A_210 = arith.index_cast %add3A_209 : i32 to index
        %get3A_211 = tpu.vector_load %arg7[%get3A_210] {strides = array<i32>} : memref<9600xf32, #tpu.memory_space<vmem>>, vector<16xf32>,
        %sub3A_212 = arith.subf %get3A_211, %get3A_13 : vector<16xf32>
        %abs3A_213 = math.absf %sub3A_212 : vector<16xf32>
        %mul3A_214 = arith.constant 128 : i32
        %mul3A_215 = arith.muli %add3A_175, %mul3A_214 : i32
        %add3A_216 = arith.constant 80 : i32
        %add3A_217 = arith.addi %mul3A_215, %add3A_216 : i32
        %get3A_218 = arith.index_cast %add3A_217 : i32 to index
        %get3A_219 = tpu.vector_load %arg7[%get3A_218] {strides = array<i32>} : memref<9600xf32, #tpu.memory_space<vmem>>, vector<16xf32>,
        %sub3A_220 = arith.subf %get3A_219, %get3A_15 : vector<16xf32>
        %abs3A_221 = math.absf %sub3A_220 : vector<16xf32>
        %mul3A_222 = arith.constant 128 : i32
        %mul3A_223 = arith.muli %add3A_175, %mul3A_222 : i32
        %add3A_224 = arith.constant 96 : i32
        %add3A_225 = arith.addi %mul3A_223, %add3A_224 : i32
        %get3A_226 = arith.index_cast %add3A_225 : i32 to index
        %get3A_227 = tpu.vector_load %arg7[%get3A_226] {strides = array<i32>} : memref<9600xf32, #tpu.memory_space<vmem>>, vector<16xf32>,
        %sub3A_228 = arith.subf %get3A_227, %get3A_17 : vector<16xf32>
        %abs3A_229 = math.absf %sub3A_228 : vector<16xf32>
        %mul3A_230 = arith.constant 128 : i32
        %mul3A_231 = arith.muli %add3A_175, %mul3A_230 : i32
        %add3A_232 = arith.constant 112 : i32
        %add3A_233 = arith.addi %mul3A_231, %add3A_232 : i32
        %get3A_234 = arith.index_cast %add3A_233 : i32 to index
        %get3A_235 = tpu.vector_load %arg7[%get3A_234] {strides = array<i32>} : memref<9600xf32, #tpu.memory_space<vmem>>, vector<16xf32>,
        %sub3A_236 = arith.subf %get3A_235, %get3A_19 : vector<16xf32>
        %abs3A_237 = math.absf %sub3A_236 : vector<16xf32>
        %add3A_238 = arith.addf %abs3A, %abs3A_189 : vector<16xf32>
        %add3A_239 = arith.addf %abs3A_197, %abs3A_205 : vector<16xf32>
        %add3A_240 = arith.addf %abs3A_213, %abs3A_221 : vector<16xf32>
        %add3A_241 = arith.addf %abs3A_229, %abs3A_237 : vector<16xf32>
        %add3A_242 = arith.addf %add3A_238, %add3A_239 : vector<16xf32>
        %add3A_243 = arith.addf %add3A_240, %add3A_241 : vector<16xf32>
        %add3A_244 = arith.addf %add3A_242, %add3A_243 : vector<16xf32>
        %reduce_sum3A = arith.constant true
        %reduce_sum3A_245 = vector.broadcast %reduce_sum3A : i1 to vector<16xi1>
        %reduce_sum3A_246 = tpu.scan <sum>, %add3A_244 masked %reduce_sum3A_245 : vector<16xf32>, vector<16xi1> -> vector<16xf32>
        %reduce_sum3A_247 = vector.extract %reduce_sum3A_246[15] : f32 from vector<16xf32>
        %lt3A_248 = arith.cmpf olt, %reduce_sum3A_247, %scan3A_170 : f32
        %select_n3A = arith.select %lt3A_248, %reduce_sum3A_247, %scan3A_170 : f32
        %add3A_249 = arith.addi %add3A_91, %add3A_175 : i32
        %select_n3A_250 = arith.select %lt3A_248, %add3A_249, %scan3A_171 : i32
        %mul3A_251 = arith.constant 5 : i32
        %mul3A_252 = arith.muli %scan3A_169, %mul3A_251 : i32
        %add3A_253 = arith.constant 1 : i32
        %add3A_254 = arith.addi %mul3A_252, %add3A_253 : i32
        %mul3A_255 = arith.constant 128 : i32
        %mul3A_256 = arith.muli %add3A_254, %mul3A_255 : i32
        %add3A_257 = arith.constant 0 : i32
        %add3A_258 = arith.addi %mul3A_256, %add3A_257 : i32
        %get3A_259 = arith.index_cast %add3A_258 : i32 to index
        %get3A_260 = tpu.vector_load %arg7[%get3A_259] {strides = array<i32>} : memref<9600xf32, #tpu.memory_space<vmem>>, vector<16xf32>,
        %sub3A_261 = arith.subf %get3A_260, %get3A_5 : vector<16xf32>
        %abs3A_262 = math.absf %sub3A_261 : vector<16xf32>
        %mul3A_263 = arith.constant 128 : i32
        %mul3A_264 = arith.muli %add3A_254, %mul3A_263 : i32
        %add3A_265 = arith.constant 16 : i32
        %add3A_266 = arith.addi %mul3A_264, %add3A_265 : i32
        %get3A_267 = arith.index_cast %add3A_266 : i32 to index
        %get3A_268 = tpu.vector_load %arg7[%get3A_267] {strides = array<i32>} : memref<9600xf32, #tpu.memory_space<vmem>>, vector<16xf32>,
        %sub3A_269 = arith.subf %get3A_268, %get3A_7 : vector<16xf32>
        %abs3A_270 = math.absf %sub3A_269 : vector<16xf32>
        %mul3A_271 = arith.constant 128 : i32
        %mul3A_272 = arith.muli %add3A_254, %mul3A_271 : i32
        %add3A_273 = arith.constant 32 : i32
        %add3A_274 = arith.addi %mul3A_272, %add3A_273 : i32
        %get3A_275 = arith.index_cast %add3A_274 : i32 to index
        %get3A_276 = tpu.vector_load %arg7[%get3A_275] {strides = array<i32>} : memref<9600xf32, #tpu.memory_space<vmem>>, vector<16xf32>,
        %sub3A_277 = arith.subf %get3A_276, %get3A_9 : vector<16xf32>
        %abs3A_278 = math.absf %sub3A_277 : vector<16xf32>
        %mul3A_279 = arith.constant 128 : i32
        %mul3A_280 = arith.muli %add3A_254, %mul3A_279 : i32
        %add3A_281 = arith.constant 48 : i32
        %add3A_282 = arith.addi %mul3A_280, %add3A_281 : i32
        %get3A_283 = arith.index_cast %add3A_282 : i32 to index
        %get3A_284 = tpu.vector_load %arg7[%get3A_283] {strides = array<i32>} : memref<9600xf32, #tpu.memory_space<vmem>>, vector<16xf32>,
        %sub3A_285 = arith.subf %get3A_284, %get3A_11 : vector<16xf32>
        %abs3A_286 = math.absf %sub3A_285 : vector<16xf32>
        %mul3A_287 = arith.constant 128 : i32
        %mul3A_288 = arith.muli %add3A_254, %mul3A_287 : i32
        %add3A_289 = arith.constant 64 : i32
        %add3A_290 = arith.addi %mul3A_288, %add3A_289 : i32
        %get3A_291 = arith.index_cast %add3A_290 : i32 to index
        %get3A_292 = tpu.vector_load %arg7[%get3A_291] {strides = array<i32>} : memref<9600xf32, #tpu.memory_space<vmem>>, vector<16xf32>,
        %sub3A_293 = arith.subf %get3A_292, %get3A_13 : vector<16xf32>
        %abs3A_294 = math.absf %sub3A_293 : vector<16xf32>
        %mul3A_295 = arith.constant 128 : i32
        %mul3A_296 = arith.muli %add3A_254, %mul3A_295 : i32
        %add3A_297 = arith.constant 80 : i32
        %add3A_298 = arith.addi %mul3A_296, %add3A_297 : i32
        %get3A_299 = arith.index_cast %add3A_298 : i32 to index
        %get3A_300 = tpu.vector_load %arg7[%get3A_299] {strides = array<i32>} : memref<9600xf32, #tpu.memory_space<vmem>>, vector<16xf32>,
        %sub3A_301 = arith.subf %get3A_300, %get3A_15 : vector<16xf32>
        %abs3A_302 = math.absf %sub3A_301 : vector<16xf32>
        %mul3A_303 = arith.constant 128 : i32
        %mul3A_304 = arith.muli %add3A_254, %mul3A_303 : i32
        %add3A_305 = arith.constant 96 : i32
        %add3A_306 = arith.addi %mul3A_304, %add3A_305 : i32
        %get3A_307 = arith.index_cast %add3A_306 : i32 to index
        %get3A_308 = tpu.vector_load %arg7[%get3A_307] {strides = array<i32>} : memref<9600xf32, #tpu.memory_space<vmem>>, vector<16xf32>,
        %sub3A_309 = arith.subf %get3A_308, %get3A_17 : vector<16xf32>
        %abs3A_310 = math.absf %sub3A_309 : vector<16xf32>
        %mul3A_311 = arith.constant 128 : i32
        %mul3A_312 = arith.muli %add3A_254, %mul3A_311 : i32
        %add3A_313 = arith.constant 112 : i32
        %add3A_314 = arith.addi %mul3A_312, %add3A_313 : i32
        %get3A_315 = arith.index_cast %add3A_314 : i32 to index
        %get3A_316 = tpu.vector_load %arg7[%get3A_315] {strides = array<i32>} : memref<9600xf32, #tpu.memory_space<vmem>>, vector<16xf32>,
        %sub3A_317 = arith.subf %get3A_316, %get3A_19 : vector<16xf32>
        %abs3A_318 = math.absf %sub3A_317 : vector<16xf32>
        %add3A_319 = arith.addf %abs3A_262, %abs3A_270 : vector<16xf32>
        %add3A_320 = arith.addf %abs3A_278, %abs3A_286 : vector<16xf32>
        %add3A_321 = arith.addf %abs3A_294, %abs3A_302 : vector<16xf32>
        %add3A_322 = arith.addf %abs3A_310, %abs3A_318 : vector<16xf32>
        %add3A_323 = arith.addf %add3A_319, %add3A_320 : vector<16xf32>
        %add3A_324 = arith.addf %add3A_321, %add3A_322 : vector<16xf32>
        %add3A_325 = arith.addf %add3A_323, %add3A_324 : vector<16xf32>
        %reduce_sum3A_326 = arith.constant true
        %reduce_sum3A_327 = vector.broadcast %reduce_sum3A_326 : i1 to vector<16xi1>
        %reduce_sum3A_328 = tpu.scan <sum>, %add3A_325 masked %reduce_sum3A_327 : vector<16xf32>, vector<16xi1> -> vector<16xf32>
        %reduce_sum3A_329 = vector.extract %reduce_sum3A_328[15] : f32 from vector<16xf32>
        %lt3A_330 = arith.cmpf olt, %reduce_sum3A_329, %select_n3A : f32
        %select_n3A_331 = arith.select %lt3A_330, %reduce_sum3A_329, %select_n3A : f32
        %add3A_332 = arith.addi %add3A_91, %add3A_254 : i32
        %select_n3A_333 = arith.select %lt3A_330, %add3A_332, %select_n3A_250 : i32
        %mul3A_334 = arith.constant 5 : i32
        %mul3A_335 = arith.muli %scan3A_169, %mul3A_334 : i32
        %add3A_336 = arith.constant 2 : i32
        %add3A_337 = arith.addi %mul3A_335, %add3A_336 : i32
        %mul3A_338 = arith.constant 128 : i32
        %mul3A_339 = arith.muli %add3A_337, %mul3A_338 : i32
        %add3A_340 = arith.constant 0 : i32
        %add3A_341 = arith.addi %mul3A_339, %add3A_340 : i32
        %get3A_342 = arith.index_cast %add3A_341 : i32 to index
        %get3A_343 = tpu.vector_load %arg7[%get3A_342] {strides = array<i32>} : memref<9600xf32, #tpu.memory_space<vmem>>, vector<16xf32>,
        %sub3A_344 = arith.subf %get3A_343, %get3A_5 : vector<16xf32>
        %abs3A_345 = math.absf %sub3A_344 : vector<16xf32>
        %mul3A_346 = arith.constant 128 : i32
        %mul3A_347 = arith.muli %add3A_337, %mul3A_346 : i32
        %add3A_348 = arith.constant 16 : i32
        %add3A_349 = arith.addi %mul3A_347, %add3A_348 : i32
        %get3A_350 = arith.index_cast %add3A_349 : i32 to index
        %get3A_351 = tpu.vector_load %arg7[%get3A_350] {strides = array<i32>} : memref<9600xf32, #tpu.memory_space<vmem>>, vector<16xf32>,
        %sub3A_352 = arith.subf %get3A_351, %get3A_7 : vector<16xf32>
        %abs3A_353 = math.absf %sub3A_352 : vector<16xf32>
        %mul3A_354 = arith.constant 128 : i32
        %mul3A_355 = arith.muli %add3A_337, %mul3A_354 : i32
        %add3A_356 = arith.constant 32 : i32
        %add3A_357 = arith.addi %mul3A_355, %add3A_356 : i32
        %get3A_358 = arith.index_cast %add3A_357 : i32 to index
        %get3A_359 = tpu.vector_load %arg7[%get3A_358] {strides = array<i32>} : memref<9600xf32, #tpu.memory_space<vmem>>, vector<16xf32>,
        %sub3A_360 = arith.subf %get3A_359, %get3A_9 : vector<16xf32>
        %abs3A_361 = math.absf %sub3A_360 : vector<16xf32>
        %mul3A_362 = arith.constant 128 : i32
        %mul3A_363 = arith.muli %add3A_337, %mul3A_362 : i32
        %add3A_364 = arith.constant 48 : i32
        %add3A_365 = arith.addi %mul3A_363, %add3A_364 : i32
        %get3A_366 = arith.index_cast %add3A_365 : i32 to index
        %get3A_367 = tpu.vector_load %arg7[%get3A_366] {strides = array<i32>} : memref<9600xf32, #tpu.memory_space<vmem>>, vector<16xf32>,
        %sub3A_368 = arith.subf %get3A_367, %get3A_11 : vector<16xf32>
        %abs3A_369 = math.absf %sub3A_368 : vector<16xf32>
        %mul3A_370 = arith.constant 128 : i32
        %mul3A_371 = arith.muli %add3A_337, %mul3A_370 : i32
        %add3A_372 = arith.constant 64 : i32
        %add3A_373 = arith.addi %mul3A_371, %add3A_372 : i32
        %get3A_374 = arith.index_cast %add3A_373 : i32 to index
        %get3A_375 = tpu.vector_load %arg7[%get3A_374] {strides = array<i32>} : memref<9600xf32, #tpu.memory_space<vmem>>, vector<16xf32>,
        %sub3A_376 = arith.subf %get3A_375, %get3A_13 : vector<16xf32>
        %abs3A_377 = math.absf %sub3A_376 : vector<16xf32>
        %mul3A_378 = arith.constant 128 : i32
        %mul3A_379 = arith.muli %add3A_337, %mul3A_378 : i32
        %add3A_380 = arith.constant 80 : i32
        %add3A_381 = arith.addi %mul3A_379, %add3A_380 : i32
        %get3A_382 = arith.index_cast %add3A_381 : i32 to index
        %get3A_383 = tpu.vector_load %arg7[%get3A_382] {strides = array<i32>} : memref<9600xf32, #tpu.memory_space<vmem>>, vector<16xf32>,
        %sub3A_384 = arith.subf %get3A_383, %get3A_15 : vector<16xf32>
        %abs3A_385 = math.absf %sub3A_384 : vector<16xf32>
        %mul3A_386 = arith.constant 128 : i32
        %mul3A_387 = arith.muli %add3A_337, %mul3A_386 : i32
        %add3A_388 = arith.constant 96 : i32
        %add3A_389 = arith.addi %mul3A_387, %add3A_388 : i32
        %get3A_390 = arith.index_cast %add3A_389 : i32 to index
        %get3A_391 = tpu.vector_load %arg7[%get3A_390] {strides = array<i32>} : memref<9600xf32, #tpu.memory_space<vmem>>, vector<16xf32>,
        %sub3A_392 = arith.subf %get3A_391, %get3A_17 : vector<16xf32>
        %abs3A_393 = math.absf %sub3A_392 : vector<16xf32>
        %mul3A_394 = arith.constant 128 : i32
        %mul3A_395 = arith.muli %add3A_337, %mul3A_394 : i32
        %add3A_396 = arith.constant 112 : i32
        %add3A_397 = arith.addi %mul3A_395, %add3A_396 : i32
        %get3A_398 = arith.index_cast %add3A_397 : i32 to index
        %get3A_399 = tpu.vector_load %arg7[%get3A_398] {strides = array<i32>} : memref<9600xf32, #tpu.memory_space<vmem>>, vector<16xf32>,
        %sub3A_400 = arith.subf %get3A_399, %get3A_19 : vector<16xf32>
        %abs3A_401 = math.absf %sub3A_400 : vector<16xf32>
        %add3A_402 = arith.addf %abs3A_345, %abs3A_353 : vector<16xf32>
        %add3A_403 = arith.addf %abs3A_361, %abs3A_369 : vector<16xf32>
        %add3A_404 = arith.addf %abs3A_377, %abs3A_385 : vector<16xf32>
        %add3A_405 = arith.addf %abs3A_393, %abs3A_401 : vector<16xf32>
        %add3A_406 = arith.addf %add3A_402, %add3A_403 : vector<16xf32>
        %add3A_407 = arith.addf %add3A_404, %add3A_405 : vector<16xf32>
        %add3A_408 = arith.addf %add3A_406, %add3A_407 : vector<16xf32>
        %reduce_sum3A_409 = arith.constant true
        %reduce_sum3A_410 = vector.broadcast %reduce_sum3A_409 : i1 to vector<16xi1>
        %reduce_sum3A_411 = tpu.scan <sum>, %add3A_408 masked %reduce_sum3A_410 : vector<16xf32>, vector<16xi1> -> vector<16xf32>
        %reduce_sum3A_412 = vector.extract %reduce_sum3A_411[15] : f32 from vector<16xf32>
        %lt3A_413 = arith.cmpf olt, %reduce_sum3A_412, %select_n3A_331 : f32
        %select_n3A_414 = arith.select %lt3A_413, %reduce_sum3A_412, %select_n3A_331 : f32
        %add3A_415 = arith.addi %add3A_91, %add3A_337 : i32
        %select_n3A_416 = arith.select %lt3A_413, %add3A_415, %select_n3A_333 : i32
        %mul3A_417 = arith.constant 5 : i32
        %mul3A_418 = arith.muli %scan3A_169, %mul3A_417 : i32
        %add3A_419 = arith.constant 3 : i32
        %add3A_420 = arith.addi %mul3A_418, %add3A_419 : i32
        %mul3A_421 = arith.constant 128 : i32
        %mul3A_422 = arith.muli %add3A_420, %mul3A_421 : i32
        %add3A_423 = arith.constant 0 : i32
        %add3A_424 = arith.addi %mul3A_422, %add3A_423 : i32
        %get3A_425 = arith.index_cast %add3A_424 : i32 to index
        %get3A_426 = tpu.vector_load %arg7[%get3A_425] {strides = array<i32>} : memref<9600xf32, #tpu.memory_space<vmem>>, vector<16xf32>,
        %sub3A_427 = arith.subf %get3A_426, %get3A_5 : vector<16xf32>
        %abs3A_428 = math.absf %sub3A_427 : vector<16xf32>
        %mul3A_429 = arith.constant 128 : i32
        %mul3A_430 = arith.muli %add3A_420, %mul3A_429 : i32
        %add3A_431 = arith.constant 16 : i32
        %add3A_432 = arith.addi %mul3A_430, %add3A_431 : i32
        %get3A_433 = arith.index_cast %add3A_432 : i32 to index
        %get3A_434 = tpu.vector_load %arg7[%get3A_433] {strides = array<i32>} : memref<9600xf32, #tpu.memory_space<vmem>>, vector<16xf32>,
        %sub3A_435 = arith.subf %get3A_434, %get3A_7 : vector<16xf32>
        %abs3A_436 = math.absf %sub3A_435 : vector<16xf32>
        %mul3A_437 = arith.constant 128 : i32
        %mul3A_438 = arith.muli %add3A_420, %mul3A_437 : i32
        %add3A_439 = arith.constant 32 : i32
        %add3A_440 = arith.addi %mul3A_438, %add3A_439 : i32
        %get3A_441 = arith.index_cast %add3A_440 : i32 to index
        %get3A_442 = tpu.vector_load %arg7[%get3A_441] {strides = array<i32>} : memref<9600xf32, #tpu.memory_space<vmem>>, vector<16xf32>,
        %sub3A_443 = arith.subf %get3A_442, %get3A_9 : vector<16xf32>
        %abs3A_444 = math.absf %sub3A_443 : vector<16xf32>
        %mul3A_445 = arith.constant 128 : i32
        %mul3A_446 = arith.muli %add3A_420, %mul3A_445 : i32
        %add3A_447 = arith.constant 48 : i32
        %add3A_448 = arith.addi %mul3A_446, %add3A_447 : i32
        %get3A_449 = arith.index_cast %add3A_448 : i32 to index
        %get3A_450 = tpu.vector_load %arg7[%get3A_449] {strides = array<i32>} : memref<9600xf32, #tpu.memory_space<vmem>>, vector<16xf32>,
        %sub3A_451 = arith.subf %get3A_450, %get3A_11 : vector<16xf32>
        %abs3A_452 = math.absf %sub3A_451 : vector<16xf32>
        %mul3A_453 = arith.constant 128 : i32
        %mul3A_454 = arith.muli %add3A_420, %mul3A_453 : i32
        %add3A_455 = arith.constant 64 : i32
        %add3A_456 = arith.addi %mul3A_454, %add3A_455 : i32
        %get3A_457 = arith.index_cast %add3A_456 : i32 to index
        %get3A_458 = tpu.vector_load %arg7[%get3A_457] {strides = array<i32>} : memref<9600xf32, #tpu.memory_space<vmem>>, vector<16xf32>,
        %sub3A_459 = arith.subf %get3A_458, %get3A_13 : vector<16xf32>
        %abs3A_460 = math.absf %sub3A_459 : vector<16xf32>
        %mul3A_461 = arith.constant 128 : i32
        %mul3A_462 = arith.muli %add3A_420, %mul3A_461 : i32
        %add3A_463 = arith.constant 80 : i32
        %add3A_464 = arith.addi %mul3A_462, %add3A_463 : i32
        %get3A_465 = arith.index_cast %add3A_464 : i32 to index
        %get3A_466 = tpu.vector_load %arg7[%get3A_465] {strides = array<i32>} : memref<9600xf32, #tpu.memory_space<vmem>>, vector<16xf32>,
        %sub3A_467 = arith.subf %get3A_466, %get3A_15 : vector<16xf32>
        %abs3A_468 = math.absf %sub3A_467 : vector<16xf32>
        %mul3A_469 = arith.constant 128 : i32
        %mul3A_470 = arith.muli %add3A_420, %mul3A_469 : i32
        %add3A_471 = arith.constant 96 : i32
        %add3A_472 = arith.addi %mul3A_470, %add3A_471 : i32
        %get3A_473 = arith.index_cast %add3A_472 : i32 to index
        %get3A_474 = tpu.vector_load %arg7[%get3A_473] {strides = array<i32>} : memref<9600xf32, #tpu.memory_space<vmem>>, vector<16xf32>,
        %sub3A_475 = arith.subf %get3A_474, %get3A_17 : vector<16xf32>
        %abs3A_476 = math.absf %sub3A_475 : vector<16xf32>
        %mul3A_477 = arith.constant 128 : i32
        %mul3A_478 = arith.muli %add3A_420, %mul3A_477 : i32
        %add3A_479 = arith.constant 112 : i32
        %add3A_480 = arith.addi %mul3A_478, %add3A_479 : i32
        %get3A_481 = arith.index_cast %add3A_480 : i32 to index
        %get3A_482 = tpu.vector_load %arg7[%get3A_481] {strides = array<i32>} : memref<9600xf32, #tpu.memory_space<vmem>>, vector<16xf32>,
        %sub3A_483 = arith.subf %get3A_482, %get3A_19 : vector<16xf32>
        %abs3A_484 = math.absf %sub3A_483 : vector<16xf32>
        %add3A_485 = arith.addf %abs3A_428, %abs3A_436 : vector<16xf32>
        %add3A_486 = arith.addf %abs3A_444, %abs3A_452 : vector<16xf32>
        %add3A_487 = arith.addf %abs3A_460, %abs3A_468 : vector<16xf32>
        %add3A_488 = arith.addf %abs3A_476, %abs3A_484 : vector<16xf32>
        %add3A_489 = arith.addf %add3A_485, %add3A_486 : vector<16xf32>
        %add3A_490 = arith.addf %add3A_487, %add3A_488 : vector<16xf32>
        %add3A_491 = arith.addf %add3A_489, %add3A_490 : vector<16xf32>
        %reduce_sum3A_492 = arith.constant true
        %reduce_sum3A_493 = vector.broadcast %reduce_sum3A_492 : i1 to vector<16xi1>
        %reduce_sum3A_494 = tpu.scan <sum>, %add3A_491 masked %reduce_sum3A_493 : vector<16xf32>, vector<16xi1> -> vector<16xf32>
        %reduce_sum3A_495 = vector.extract %reduce_sum3A_494[15] : f32 from vector<16xf32>
        %lt3A_496 = arith.cmpf olt, %reduce_sum3A_495, %select_n3A_414 : f32
        %select_n3A_497 = arith.select %lt3A_496, %reduce_sum3A_495, %select_n3A_414 : f32
        %add3A_498 = arith.addi %add3A_91, %add3A_420 : i32
        %select_n3A_499 = arith.select %lt3A_496, %add3A_498, %select_n3A_416 : i32
        %mul3A_500 = arith.constant 5 : i32
        %mul3A_501 = arith.muli %scan3A_169, %mul3A_500 : i32
        %add3A_502 = arith.constant 4 : i32
        %add3A_503 = arith.addi %mul3A_501, %add3A_502 : i32
        %mul3A_504 = arith.constant 128 : i32
        %mul3A_505 = arith.muli %add3A_503, %mul3A_504 : i32
        %add3A_506 = arith.constant 0 : i32
        %add3A_507 = arith.addi %mul3A_505, %add3A_506 : i32
        %get3A_508 = arith.index_cast %add3A_507 : i32 to index
        %get3A_509 = tpu.vector_load %arg7[%get3A_508] {strides = array<i32>} : memref<9600xf32, #tpu.memory_space<vmem>>, vector<16xf32>,
        %sub3A_510 = arith.subf %get3A_509, %get3A_5 : vector<16xf32>
        %abs3A_511 = math.absf %sub3A_510 : vector<16xf32>
        %mul3A_512 = arith.constant 128 : i32
        %mul3A_513 = arith.muli %add3A_503, %mul3A_512 : i32
        %add3A_514 = arith.constant 16 : i32
        %add3A_515 = arith.addi %mul3A_513, %add3A_514 : i32
        %get3A_516 = arith.index_cast %add3A_515 : i32 to index
        %get3A_517 = tpu.vector_load %arg7[%get3A_516] {strides = array<i32>} : memref<9600xf32, #tpu.memory_space<vmem>>, vector<16xf32>,
        %sub3A_518 = arith.subf %get3A_517, %get3A_7 : vector<16xf32>
        %abs3A_519 = math.absf %sub3A_518 : vector<16xf32>
        %mul3A_520 = arith.constant 128 : i32
        %mul3A_521 = arith.muli %add3A_503, %mul3A_520 : i32
        %add3A_522 = arith.constant 32 : i32
        %add3A_523 = arith.addi %mul3A_521, %add3A_522 : i32
        %get3A_524 = arith.index_cast %add3A_523 : i32 to index
        %get3A_525 = tpu.vector_load %arg7[%get3A_524] {strides = array<i32>} : memref<9600xf32, #tpu.memory_space<vmem>>, vector<16xf32>,
        %sub3A_526 = arith.subf %get3A_525, %get3A_9 : vector<16xf32>
        %abs3A_527 = math.absf %sub3A_526 : vector<16xf32>
        %mul3A_528 = arith.constant 128 : i32
        %mul3A_529 = arith.muli %add3A_503, %mul3A_528 : i32
        %add3A_530 = arith.constant 48 : i32
        %add3A_531 = arith.addi %mul3A_529, %add3A_530 : i32
        %get3A_532 = arith.index_cast %add3A_531 : i32 to index
        %get3A_533 = tpu.vector_load %arg7[%get3A_532] {strides = array<i32>} : memref<9600xf32, #tpu.memory_space<vmem>>, vector<16xf32>,
        %sub3A_534 = arith.subf %get3A_533, %get3A_11 : vector<16xf32>
        %abs3A_535 = math.absf %sub3A_534 : vector<16xf32>
        %mul3A_536 = arith.constant 128 : i32
        %mul3A_537 = arith.muli %add3A_503, %mul3A_536 : i32
        %add3A_538 = arith.constant 64 : i32
        %add3A_539 = arith.addi %mul3A_537, %add3A_538 : i32
        %get3A_540 = arith.index_cast %add3A_539 : i32 to index
        %get3A_541 = tpu.vector_load %arg7[%get3A_540] {strides = array<i32>} : memref<9600xf32, #tpu.memory_space<vmem>>, vector<16xf32>,
        %sub3A_542 = arith.subf %get3A_541, %get3A_13 : vector<16xf32>
        %abs3A_543 = math.absf %sub3A_542 : vector<16xf32>
        %mul3A_544 = arith.constant 128 : i32
        %mul3A_545 = arith.muli %add3A_503, %mul3A_544 : i32
        %add3A_546 = arith.constant 80 : i32
        %add3A_547 = arith.addi %mul3A_545, %add3A_546 : i32
        %get3A_548 = arith.index_cast %add3A_547 : i32 to index
        %get3A_549 = tpu.vector_load %arg7[%get3A_548] {strides = array<i32>} : memref<9600xf32, #tpu.memory_space<vmem>>, vector<16xf32>,
        %sub3A_550 = arith.subf %get3A_549, %get3A_15 : vector<16xf32>
        %abs3A_551 = math.absf %sub3A_550 : vector<16xf32>
        %mul3A_552 = arith.constant 128 : i32
        %mul3A_553 = arith.muli %add3A_503, %mul3A_552 : i32
        %add3A_554 = arith.constant 96 : i32
        %add3A_555 = arith.addi %mul3A_553, %add3A_554 : i32
        %get3A_556 = arith.index_cast %add3A_555 : i32 to index
        %get3A_557 = tpu.vector_load %arg7[%get3A_556] {strides = array<i32>} : memref<9600xf32, #tpu.memory_space<vmem>>, vector<16xf32>,
        %sub3A_558 = arith.subf %get3A_557, %get3A_17 : vector<16xf32>
        %abs3A_559 = math.absf %sub3A_558 : vector<16xf32>
        %mul3A_560 = arith.constant 128 : i32
        %mul3A_561 = arith.muli %add3A_503, %mul3A_560 : i32
        %add3A_562 = arith.constant 112 : i32
        %add3A_563 = arith.addi %mul3A_561, %add3A_562 : i32
        %get3A_564 = arith.index_cast %add3A_563 : i32 to index
        %get3A_565 = tpu.vector_load %arg7[%get3A_564] {strides = array<i32>} : memref<9600xf32, #tpu.memory_space<vmem>>, vector<16xf32>,
        %sub3A_566 = arith.subf %get3A_565, %get3A_19 : vector<16xf32>
        %abs3A_567 = math.absf %sub3A_566 : vector<16xf32>
        %add3A_568 = arith.addf %abs3A_511, %abs3A_519 : vector<16xf32>
        %add3A_569 = arith.addf %abs3A_527, %abs3A_535 : vector<16xf32>
        %add3A_570 = arith.addf %abs3A_543, %abs3A_551 : vector<16xf32>
        %add3A_571 = arith.addf %abs3A_559, %abs3A_567 : vector<16xf32>
        %add3A_572 = arith.addf %add3A_568, %add3A_569 : vector<16xf32>
        %add3A_573 = arith.addf %add3A_570, %add3A_571 : vector<16xf32>
        %add3A_574 = arith.addf %add3A_572, %add3A_573 : vector<16xf32>
        %reduce_sum3A_575 = arith.constant true
        %reduce_sum3A_576 = vector.broadcast %reduce_sum3A_575 : i1 to vector<16xi1>
        %reduce_sum3A_577 = tpu.scan <sum>, %add3A_574 masked %reduce_sum3A_576 : vector<16xf32>, vector<16xi1> -> vector<16xf32>
        %reduce_sum3A_578 = vector.extract %reduce_sum3A_577[15] : f32 from vector<16xf32>
        %lt3A_579 = arith.cmpf olt, %reduce_sum3A_578, %select_n3A_497 : f32
        %select_n3A_580 = arith.select %lt3A_579, %reduce_sum3A_578, %select_n3A_497 : f32
        %add3A_581 = arith.addi %add3A_91, %add3A_503 : i32
        %select_n3A_582 = arith.select %lt3A_579, %add3A_581, %select_n3A_499 : i32
        scf.yield %select_n3A_580, %select_n3A_582 : f32, i32
      }
      %scan3A_97 = arith.constant 15 : i32
      %lt3A_98 = arith.constant 2 : i32
      %lt3A_99 = arith.cmpi slt, %scan3A_60, %lt3A_98 : i32
      %convert_element_type3A_100 = arith.extui %lt3A_99 : i1 to i32
      %cond3A_101 = arith.constant 0 : i32
      %cond3A_102 = arith.cmpi ne, %convert_element_type3A_100, %cond3A_101 : i32
      scf.if %cond3A_102 {
        %add3A_169 = arith.constant 5 : i32
        %add3A_170 = arith.addi %add3A_84, %add3A_169 : i32
        %mul3A_171 = arith.constant 75 : i32
        %mul3A_172 = arith.muli %add3A_170, %mul3A_171 : i32
        %add3A_173 = arith.addi %add3A_4, %mul3A_172 : i32
        %mul3A_174 = arith.constant 128 : i32
        %mul3A_175 = arith.muli %add3A_173, %mul3A_174 : i32
        %dma_start3A_176 = tpu.memref_slice %arg2[%mul3A_175] : memref<12800000xf32, #tpu.memory_space<hbm>> -> memref<9600xf32, #tpu.memory_space<hbm>>
        %dma_start3A_177 = tpu.memref_slice %arg2[%mul3A_175] : memref<12800000xf32, #tpu.memory_space<hbm>> -> memref<9600xf32, #tpu.memory_space<hbm>>
        tpu.enqueue_dma source(%dma_start3A_177 : memref<9600xf32, #tpu.memory_space<hbm>>) target(%arg7 : memref<9600xf32, #tpu.memory_space<vmem>>) target_semaphore(%arg15 : memref<!tpu.dma_semaphore, #tpu.memory_space<semaphore_mem>>)
      } else {
      }
      %mul3A_103 = arith.constant 5 : i32
      %mul3A_104 = arith.muli %scan3A_60, %mul3A_103 : i32
      %add3A_105 = arith.constant 2 : i32
      %add3A_106 = arith.addi %mul3A_104, %add3A_105 : i32
      %dma_wait3A_107 = arith.constant 0 : i32
      %dma_wait3A_108 = tpu.memref_slice %arg2[%dma_wait3A_107] : memref<12800000xf32, #tpu.memory_space<hbm>> -> memref<9600xf32, #tpu.memory_space<hbm>>
      %dma_wait3A_109 = arith.constant 0 : i32
      %dma_wait3A_110 = tpu.memref_slice %arg2[%dma_wait3A_109] : memref<12800000xf32, #tpu.memory_space<hbm>> -> memref<9600xf32, #tpu.memory_space<hbm>>
      tpu.wait_dma2 semaphore(%arg16 : memref<!tpu.dma_semaphore, #tpu.memory_space<semaphore_mem>>) src(%dma_wait3A_110 : memref<9600xf32, #tpu.memory_space<hbm>>) dst(%arg8 : memref<9600xf32, #tpu.memory_space<vmem>>)
      %mul3A_111 = arith.constant 75 : i32
      %mul3A_112 = arith.muli %add3A_106, %mul3A_111 : i32
      %add3A_113 = arith.addi %add3A_4, %mul3A_112 : i32
      %scan3A_114 = arith.constant 0 : i32
      %scan3A_115 = arith.constant 15 : i32
      %scan3A_116 = arith.addi %scan3A_114, %scan3A_115 : i32
      %scan3A_117 = arith.constant 1 : i32
      %scan3A_118:2 = scf.for %scan3A_169 = %scan3A_114 to %scan3A_116 step %scan3A_117 iter_args(%scan3A_170 = %scan3A_96#0, %scan3A_171 = %scan3A_96#1) -> (f32, i32)  : i32 {
        %mul3A_172 = arith.constant 5 : i32
        %mul3A_173 = arith.muli %scan3A_169, %mul3A_172 : i32
        %add3A_174 = arith.constant 0 : i32
        %add3A_175 = arith.addi %mul3A_173, %add3A_174 : i32
        %mul3A_176 = arith.constant 128 : i32
        %mul3A_177 = arith.muli %add3A_175, %mul3A_176 : i32
        %add3A_178 = arith.constant 0 : i32
        %add3A_179 = arith.addi %mul3A_177, %add3A_178 : i32
        %get3A_180 = arith.index_cast %add3A_179 : i32 to index
        %get3A_181 = tpu.vector_load %arg8[%get3A_180] {strides = array<i32>} : memref<9600xf32, #tpu.memory_space<vmem>>, vector<16xf32>,
        %sub3A = arith.subf %get3A_181, %get3A_5 : vector<16xf32>
        %abs3A = math.absf %sub3A : vector<16xf32>
        %mul3A_182 = arith.constant 128 : i32
        %mul3A_183 = arith.muli %add3A_175, %mul3A_182 : i32
        %add3A_184 = arith.constant 16 : i32
        %add3A_185 = arith.addi %mul3A_183, %add3A_184 : i32
        %get3A_186 = arith.index_cast %add3A_185 : i32 to index
        %get3A_187 = tpu.vector_load %arg8[%get3A_186] {strides = array<i32>} : memref<9600xf32, #tpu.memory_space<vmem>>, vector<16xf32>,
        %sub3A_188 = arith.subf %get3A_187, %get3A_7 : vector<16xf32>
        %abs3A_189 = math.absf %sub3A_188 : vector<16xf32>
        %mul3A_190 = arith.constant 128 : i32
        %mul3A_191 = arith.muli %add3A_175, %mul3A_190 : i32
        %add3A_192 = arith.constant 32 : i32
        %add3A_193 = arith.addi %mul3A_191, %add3A_192 : i32
        %get3A_194 = arith.index_cast %add3A_193 : i32 to index
        %get3A_195 = tpu.vector_load %arg8[%get3A_194] {strides = array<i32>} : memref<9600xf32, #tpu.memory_space<vmem>>, vector<16xf32>,
        %sub3A_196 = arith.subf %get3A_195, %get3A_9 : vector<16xf32>
        %abs3A_197 = math.absf %sub3A_196 : vector<16xf32>
        %mul3A_198 = arith.constant 128 : i32
        %mul3A_199 = arith.muli %add3A_175, %mul3A_198 : i32
        %add3A_200 = arith.constant 48 : i32
        %add3A_201 = arith.addi %mul3A_199, %add3A_200 : i32
        %get3A_202 = arith.index_cast %add3A_201 : i32 to index
        %get3A_203 = tpu.vector_load %arg8[%get3A_202] {strides = array<i32>} : memref<9600xf32, #tpu.memory_space<vmem>>, vector<16xf32>,
        %sub3A_204 = arith.subf %get3A_203, %get3A_11 : vector<16xf32>
        %abs3A_205 = math.absf %sub3A_204 : vector<16xf32>
        %mul3A_206 = arith.constant 128 : i32
        %mul3A_207 = arith.muli %add3A_175, %mul3A_206 : i32
        %add3A_208 = arith.constant 64 : i32
        %add3A_209 = arith.addi %mul3A_207, %add3A_208 : i32
        %get3A_210 = arith.index_cast %add3A_209 : i32 to index
        %get3A_211 = tpu.vector_load %arg8[%get3A_210] {strides = array<i32>} : memref<9600xf32, #tpu.memory_space<vmem>>, vector<16xf32>,
        %sub3A_212 = arith.subf %get3A_211, %get3A_13 : vector<16xf32>
        %abs3A_213 = math.absf %sub3A_212 : vector<16xf32>
        %mul3A_214 = arith.constant 128 : i32
        %mul3A_215 = arith.muli %add3A_175, %mul3A_214 : i32
        %add3A_216 = arith.constant 80 : i32
        %add3A_217 = arith.addi %mul3A_215, %add3A_216 : i32
        %get3A_218 = arith.index_cast %add3A_217 : i32 to index
        %get3A_219 = tpu.vector_load %arg8[%get3A_218] {strides = array<i32>} : memref<9600xf32, #tpu.memory_space<vmem>>, vector<16xf32>,
        %sub3A_220 = arith.subf %get3A_219, %get3A_15 : vector<16xf32>
        %abs3A_221 = math.absf %sub3A_220 : vector<16xf32>
        %mul3A_222 = arith.constant 128 : i32
        %mul3A_223 = arith.muli %add3A_175, %mul3A_222 : i32
        %add3A_224 = arith.constant 96 : i32
        %add3A_225 = arith.addi %mul3A_223, %add3A_224 : i32
        %get3A_226 = arith.index_cast %add3A_225 : i32 to index
        %get3A_227 = tpu.vector_load %arg8[%get3A_226] {strides = array<i32>} : memref<9600xf32, #tpu.memory_space<vmem>>, vector<16xf32>,
        %sub3A_228 = arith.subf %get3A_227, %get3A_17 : vector<16xf32>
        %abs3A_229 = math.absf %sub3A_228 : vector<16xf32>
        %mul3A_230 = arith.constant 128 : i32
        %mul3A_231 = arith.muli %add3A_175, %mul3A_230 : i32
        %add3A_232 = arith.constant 112 : i32
        %add3A_233 = arith.addi %mul3A_231, %add3A_232 : i32
        %get3A_234 = arith.index_cast %add3A_233 : i32 to index
        %get3A_235 = tpu.vector_load %arg8[%get3A_234] {strides = array<i32>} : memref<9600xf32, #tpu.memory_space<vmem>>, vector<16xf32>,
        %sub3A_236 = arith.subf %get3A_235, %get3A_19 : vector<16xf32>
        %abs3A_237 = math.absf %sub3A_236 : vector<16xf32>
        %add3A_238 = arith.addf %abs3A, %abs3A_189 : vector<16xf32>
        %add3A_239 = arith.addf %abs3A_197, %abs3A_205 : vector<16xf32>
        %add3A_240 = arith.addf %abs3A_213, %abs3A_221 : vector<16xf32>
        %add3A_241 = arith.addf %abs3A_229, %abs3A_237 : vector<16xf32>
        %add3A_242 = arith.addf %add3A_238, %add3A_239 : vector<16xf32>
        %add3A_243 = arith.addf %add3A_240, %add3A_241 : vector<16xf32>
        %add3A_244 = arith.addf %add3A_242, %add3A_243 : vector<16xf32>
        %reduce_sum3A = arith.constant true
        %reduce_sum3A_245 = vector.broadcast %reduce_sum3A : i1 to vector<16xi1>
        %reduce_sum3A_246 = tpu.scan <sum>, %add3A_244 masked %reduce_sum3A_245 : vector<16xf32>, vector<16xi1> -> vector<16xf32>
        %reduce_sum3A_247 = vector.extract %reduce_sum3A_246[15] : f32 from vector<16xf32>
        %lt3A_248 = arith.cmpf olt, %reduce_sum3A_247, %scan3A_170 : f32
        %select_n3A = arith.select %lt3A_248, %reduce_sum3A_247, %scan3A_170 : f32
        %add3A_249 = arith.addi %add3A_113, %add3A_175 : i32
        %select_n3A_250 = arith.select %lt3A_248, %add3A_249, %scan3A_171 : i32
        %mul3A_251 = arith.constant 5 : i32
        %mul3A_252 = arith.muli %scan3A_169, %mul3A_251 : i32
        %add3A_253 = arith.constant 1 : i32
        %add3A_254 = arith.addi %mul3A_252, %add3A_253 : i32
        %mul3A_255 = arith.constant 128 : i32
        %mul3A_256 = arith.muli %add3A_254, %mul3A_255 : i32
        %add3A_257 = arith.constant 0 : i32
        %add3A_258 = arith.addi %mul3A_256, %add3A_257 : i32
        %get3A_259 = arith.index_cast %add3A_258 : i32 to index
        %get3A_260 = tpu.vector_load %arg8[%get3A_259] {strides = array<i32>} : memref<9600xf32, #tpu.memory_space<vmem>>, vector<16xf32>,
        %sub3A_261 = arith.subf %get3A_260, %get3A_5 : vector<16xf32>
        %abs3A_262 = math.absf %sub3A_261 : vector<16xf32>
        %mul3A_263 = arith.constant 128 : i32
        %mul3A_264 = arith.muli %add3A_254, %mul3A_263 : i32
        %add3A_265 = arith.constant 16 : i32
        %add3A_266 = arith.addi %mul3A_264, %add3A_265 : i32
        %get3A_267 = arith.index_cast %add3A_266 : i32 to index
        %get3A_268 = tpu.vector_load %arg8[%get3A_267] {strides = array<i32>} : memref<9600xf32, #tpu.memory_space<vmem>>, vector<16xf32>,
        %sub3A_269 = arith.subf %get3A_268, %get3A_7 : vector<16xf32>
        %abs3A_270 = math.absf %sub3A_269 : vector<16xf32>
        %mul3A_271 = arith.constant 128 : i32
        %mul3A_272 = arith.muli %add3A_254, %mul3A_271 : i32
        %add3A_273 = arith.constant 32 : i32
        %add3A_274 = arith.addi %mul3A_272, %add3A_273 : i32
        %get3A_275 = arith.index_cast %add3A_274 : i32 to index
        %get3A_276 = tpu.vector_load %arg8[%get3A_275] {strides = array<i32>} : memref<9600xf32, #tpu.memory_space<vmem>>, vector<16xf32>,
        %sub3A_277 = arith.subf %get3A_276, %get3A_9 : vector<16xf32>
        %abs3A_278 = math.absf %sub3A_277 : vector<16xf32>
        %mul3A_279 = arith.constant 128 : i32
        %mul3A_280 = arith.muli %add3A_254, %mul3A_279 : i32
        %add3A_281 = arith.constant 48 : i32
        %add3A_282 = arith.addi %mul3A_280, %add3A_281 : i32
        %get3A_283 = arith.index_cast %add3A_282 : i32 to index
        %get3A_284 = tpu.vector_load %arg8[%get3A_283] {strides = array<i32>} : memref<9600xf32, #tpu.memory_space<vmem>>, vector<16xf32>,
        %sub3A_285 = arith.subf %get3A_284, %get3A_11 : vector<16xf32>
        %abs3A_286 = math.absf %sub3A_285 : vector<16xf32>
        %mul3A_287 = arith.constant 128 : i32
        %mul3A_288 = arith.muli %add3A_254, %mul3A_287 : i32
        %add3A_289 = arith.constant 64 : i32
        %add3A_290 = arith.addi %mul3A_288, %add3A_289 : i32
        %get3A_291 = arith.index_cast %add3A_290 : i32 to index
        %get3A_292 = tpu.vector_load %arg8[%get3A_291] {strides = array<i32>} : memref<9600xf32, #tpu.memory_space<vmem>>, vector<16xf32>,
        %sub3A_293 = arith.subf %get3A_292, %get3A_13 : vector<16xf32>
        %abs3A_294 = math.absf %sub3A_293 : vector<16xf32>
        %mul3A_295 = arith.constant 128 : i32
        %mul3A_296 = arith.muli %add3A_254, %mul3A_295 : i32
        %add3A_297 = arith.constant 80 : i32
        %add3A_298 = arith.addi %mul3A_296, %add3A_297 : i32
        %get3A_299 = arith.index_cast %add3A_298 : i32 to index
        %get3A_300 = tpu.vector_load %arg8[%get3A_299] {strides = array<i32>} : memref<9600xf32, #tpu.memory_space<vmem>>, vector<16xf32>,
        %sub3A_301 = arith.subf %get3A_300, %get3A_15 : vector<16xf32>
        %abs3A_302 = math.absf %sub3A_301 : vector<16xf32>
        %mul3A_303 = arith.constant 128 : i32
        %mul3A_304 = arith.muli %add3A_254, %mul3A_303 : i32
        %add3A_305 = arith.constant 96 : i32
        %add3A_306 = arith.addi %mul3A_304, %add3A_305 : i32
        %get3A_307 = arith.index_cast %add3A_306 : i32 to index
        %get3A_308 = tpu.vector_load %arg8[%get3A_307] {strides = array<i32>} : memref<9600xf32, #tpu.memory_space<vmem>>, vector<16xf32>,
        %sub3A_309 = arith.subf %get3A_308, %get3A_17 : vector<16xf32>
        %abs3A_310 = math.absf %sub3A_309 : vector<16xf32>
        %mul3A_311 = arith.constant 128 : i32
        %mul3A_312 = arith.muli %add3A_254, %mul3A_311 : i32
        %add3A_313 = arith.constant 112 : i32
        %add3A_314 = arith.addi %mul3A_312, %add3A_313 : i32
        %get3A_315 = arith.index_cast %add3A_314 : i32 to index
        %get3A_316 = tpu.vector_load %arg8[%get3A_315] {strides = array<i32>} : memref<9600xf32, #tpu.memory_space<vmem>>, vector<16xf32>,
        %sub3A_317 = arith.subf %get3A_316, %get3A_19 : vector<16xf32>
        %abs3A_318 = math.absf %sub3A_317 : vector<16xf32>
        %add3A_319 = arith.addf %abs3A_262, %abs3A_270 : vector<16xf32>
        %add3A_320 = arith.addf %abs3A_278, %abs3A_286 : vector<16xf32>
        %add3A_321 = arith.addf %abs3A_294, %abs3A_302 : vector<16xf32>
        %add3A_322 = arith.addf %abs3A_310, %abs3A_318 : vector<16xf32>
        %add3A_323 = arith.addf %add3A_319, %add3A_320 : vector<16xf32>
        %add3A_324 = arith.addf %add3A_321, %add3A_322 : vector<16xf32>
        %add3A_325 = arith.addf %add3A_323, %add3A_324 : vector<16xf32>
        %reduce_sum3A_326 = arith.constant true
        %reduce_sum3A_327 = vector.broadcast %reduce_sum3A_326 : i1 to vector<16xi1>
        %reduce_sum3A_328 = tpu.scan <sum>, %add3A_325 masked %reduce_sum3A_327 : vector<16xf32>, vector<16xi1> -> vector<16xf32>
        %reduce_sum3A_329 = vector.extract %reduce_sum3A_328[15] : f32 from vector<16xf32>
        %lt3A_330 = arith.cmpf olt, %reduce_sum3A_329, %select_n3A : f32
        %select_n3A_331 = arith.select %lt3A_330, %reduce_sum3A_329, %select_n3A : f32
        %add3A_332 = arith.addi %add3A_113, %add3A_254 : i32
        %select_n3A_333 = arith.select %lt3A_330, %add3A_332, %select_n3A_250 : i32
        %mul3A_334 = arith.constant 5 : i32
        %mul3A_335 = arith.muli %scan3A_169, %mul3A_334 : i32
        %add3A_336 = arith.constant 2 : i32
        %add3A_337 = arith.addi %mul3A_335, %add3A_336 : i32
        %mul3A_338 = arith.constant 128 : i32
        %mul3A_339 = arith.muli %add3A_337, %mul3A_338 : i32
        %add3A_340 = arith.constant 0 : i32
        %add3A_341 = arith.addi %mul3A_339, %add3A_340 : i32
        %get3A_342 = arith.index_cast %add3A_341 : i32 to index
        %get3A_343 = tpu.vector_load %arg8[%get3A_342] {strides = array<i32>} : memref<9600xf32, #tpu.memory_space<vmem>>, vector<16xf32>,
        %sub3A_344 = arith.subf %get3A_343, %get3A_5 : vector<16xf32>
        %abs3A_345 = math.absf %sub3A_344 : vector<16xf32>
        %mul3A_346 = arith.constant 128 : i32
        %mul3A_347 = arith.muli %add3A_337, %mul3A_346 : i32
        %add3A_348 = arith.constant 16 : i32
        %add3A_349 = arith.addi %mul3A_347, %add3A_348 : i32
        %get3A_350 = arith.index_cast %add3A_349 : i32 to index
        %get3A_351 = tpu.vector_load %arg8[%get3A_350] {strides = array<i32>} : memref<9600xf32, #tpu.memory_space<vmem>>, vector<16xf32>,
        %sub3A_352 = arith.subf %get3A_351, %get3A_7 : vector<16xf32>
        %abs3A_353 = math.absf %sub3A_352 : vector<16xf32>
        %mul3A_354 = arith.constant 128 : i32
        %mul3A_355 = arith.muli %add3A_337, %mul3A_354 : i32
        %add3A_356 = arith.constant 32 : i32
        %add3A_357 = arith.addi %mul3A_355, %add3A_356 : i32
        %get3A_358 = arith.index_cast %add3A_357 : i32 to index
        %get3A_359 = tpu.vector_load %arg8[%get3A_358] {strides = array<i32>} : memref<9600xf32, #tpu.memory_space<vmem>>, vector<16xf32>,
        %sub3A_360 = arith.subf %get3A_359, %get3A_9 : vector<16xf32>
        %abs3A_361 = math.absf %sub3A_360 : vector<16xf32>
        %mul3A_362 = arith.constant 128 : i32
        %mul3A_363 = arith.muli %add3A_337, %mul3A_362 : i32
        %add3A_364 = arith.constant 48 : i32
        %add3A_365 = arith.addi %mul3A_363, %add3A_364 : i32
        %get3A_366 = arith.index_cast %add3A_365 : i32 to index
        %get3A_367 = tpu.vector_load %arg8[%get3A_366] {strides = array<i32>} : memref<9600xf32, #tpu.memory_space<vmem>>, vector<16xf32>,
        %sub3A_368 = arith.subf %get3A_367, %get3A_11 : vector<16xf32>
        %abs3A_369 = math.absf %sub3A_368 : vector<16xf32>
        %mul3A_370 = arith.constant 128 : i32
        %mul3A_371 = arith.muli %add3A_337, %mul3A_370 : i32
        %add3A_372 = arith.constant 64 : i32
        %add3A_373 = arith.addi %mul3A_371, %add3A_372 : i32
        %get3A_374 = arith.index_cast %add3A_373 : i32 to index
        %get3A_375 = tpu.vector_load %arg8[%get3A_374] {strides = array<i32>} : memref<9600xf32, #tpu.memory_space<vmem>>, vector<16xf32>,
        %sub3A_376 = arith.subf %get3A_375, %get3A_13 : vector<16xf32>
        %abs3A_377 = math.absf %sub3A_376 : vector<16xf32>
        %mul3A_378 = arith.constant 128 : i32
        %mul3A_379 = arith.muli %add3A_337, %mul3A_378 : i32
        %add3A_380 = arith.constant 80 : i32
        %add3A_381 = arith.addi %mul3A_379, %add3A_380 : i32
        %get3A_382 = arith.index_cast %add3A_381 : i32 to index
        %get3A_383 = tpu.vector_load %arg8[%get3A_382] {strides = array<i32>} : memref<9600xf32, #tpu.memory_space<vmem>>, vector<16xf32>,
        %sub3A_384 = arith.subf %get3A_383, %get3A_15 : vector<16xf32>
        %abs3A_385 = math.absf %sub3A_384 : vector<16xf32>
        %mul3A_386 = arith.constant 128 : i32
        %mul3A_387 = arith.muli %add3A_337, %mul3A_386 : i32
        %add3A_388 = arith.constant 96 : i32
        %add3A_389 = arith.addi %mul3A_387, %add3A_388 : i32
        %get3A_390 = arith.index_cast %add3A_389 : i32 to index
        %get3A_391 = tpu.vector_load %arg8[%get3A_390] {strides = array<i32>} : memref<9600xf32, #tpu.memory_space<vmem>>, vector<16xf32>,
        %sub3A_392 = arith.subf %get3A_391, %get3A_17 : vector<16xf32>
        %abs3A_393 = math.absf %sub3A_392 : vector<16xf32>
        %mul3A_394 = arith.constant 128 : i32
        %mul3A_395 = arith.muli %add3A_337, %mul3A_394 : i32
        %add3A_396 = arith.constant 112 : i32
        %add3A_397 = arith.addi %mul3A_395, %add3A_396 : i32
        %get3A_398 = arith.index_cast %add3A_397 : i32 to index
        %get3A_399 = tpu.vector_load %arg8[%get3A_398] {strides = array<i32>} : memref<9600xf32, #tpu.memory_space<vmem>>, vector<16xf32>,
        %sub3A_400 = arith.subf %get3A_399, %get3A_19 : vector<16xf32>
        %abs3A_401 = math.absf %sub3A_400 : vector<16xf32>
        %add3A_402 = arith.addf %abs3A_345, %abs3A_353 : vector<16xf32>
        %add3A_403 = arith.addf %abs3A_361, %abs3A_369 : vector<16xf32>
        %add3A_404 = arith.addf %abs3A_377, %abs3A_385 : vector<16xf32>
        %add3A_405 = arith.addf %abs3A_393, %abs3A_401 : vector<16xf32>
        %add3A_406 = arith.addf %add3A_402, %add3A_403 : vector<16xf32>
        %add3A_407 = arith.addf %add3A_404, %add3A_405 : vector<16xf32>
        %add3A_408 = arith.addf %add3A_406, %add3A_407 : vector<16xf32>
        %reduce_sum3A_409 = arith.constant true
        %reduce_sum3A_410 = vector.broadcast %reduce_sum3A_409 : i1 to vector<16xi1>
        %reduce_sum3A_411 = tpu.scan <sum>, %add3A_408 masked %reduce_sum3A_410 : vector<16xf32>, vector<16xi1> -> vector<16xf32>
        %reduce_sum3A_412 = vector.extract %reduce_sum3A_411[15] : f32 from vector<16xf32>
        %lt3A_413 = arith.cmpf olt, %reduce_sum3A_412, %select_n3A_331 : f32
        %select_n3A_414 = arith.select %lt3A_413, %reduce_sum3A_412, %select_n3A_331 : f32
        %add3A_415 = arith.addi %add3A_113, %add3A_337 : i32
        %select_n3A_416 = arith.select %lt3A_413, %add3A_415, %select_n3A_333 : i32
        %mul3A_417 = arith.constant 5 : i32
        %mul3A_418 = arith.muli %scan3A_169, %mul3A_417 : i32
        %add3A_419 = arith.constant 3 : i32
        %add3A_420 = arith.addi %mul3A_418, %add3A_419 : i32
        %mul3A_421 = arith.constant 128 : i32
        %mul3A_422 = arith.muli %add3A_420, %mul3A_421 : i32
        %add3A_423 = arith.constant 0 : i32
        %add3A_424 = arith.addi %mul3A_422, %add3A_423 : i32
        %get3A_425 = arith.index_cast %add3A_424 : i32 to index
        %get3A_426 = tpu.vector_load %arg8[%get3A_425] {strides = array<i32>} : memref<9600xf32, #tpu.memory_space<vmem>>, vector<16xf32>,
        %sub3A_427 = arith.subf %get3A_426, %get3A_5 : vector<16xf32>
        %abs3A_428 = math.absf %sub3A_427 : vector<16xf32>
        %mul3A_429 = arith.constant 128 : i32
        %mul3A_430 = arith.muli %add3A_420, %mul3A_429 : i32
        %add3A_431 = arith.constant 16 : i32
        %add3A_432 = arith.addi %mul3A_430, %add3A_431 : i32
        %get3A_433 = arith.index_cast %add3A_432 : i32 to index
        %get3A_434 = tpu.vector_load %arg8[%get3A_433] {strides = array<i32>} : memref<9600xf32, #tpu.memory_space<vmem>>, vector<16xf32>,
        %sub3A_435 = arith.subf %get3A_434, %get3A_7 : vector<16xf32>
        %abs3A_436 = math.absf %sub3A_435 : vector<16xf32>
        %mul3A_437 = arith.constant 128 : i32
        %mul3A_438 = arith.muli %add3A_420, %mul3A_437 : i32
        %add3A_439 = arith.constant 32 : i32
        %add3A_440 = arith.addi %mul3A_438, %add3A_439 : i32
        %get3A_441 = arith.index_cast %add3A_440 : i32 to index
        %get3A_442 = tpu.vector_load %arg8[%get3A_441] {strides = array<i32>} : memref<9600xf32, #tpu.memory_space<vmem>>, vector<16xf32>,
        %sub3A_443 = arith.subf %get3A_442, %get3A_9 : vector<16xf32>
        %abs3A_444 = math.absf %sub3A_443 : vector<16xf32>
        %mul3A_445 = arith.constant 128 : i32
        %mul3A_446 = arith.muli %add3A_420, %mul3A_445 : i32
        %add3A_447 = arith.constant 48 : i32
        %add3A_448 = arith.addi %mul3A_446, %add3A_447 : i32
        %get3A_449 = arith.index_cast %add3A_448 : i32 to index
        %get3A_450 = tpu.vector_load %arg8[%get3A_449] {strides = array<i32>} : memref<9600xf32, #tpu.memory_space<vmem>>, vector<16xf32>,
        %sub3A_451 = arith.subf %get3A_450, %get3A_11 : vector<16xf32>
        %abs3A_452 = math.absf %sub3A_451 : vector<16xf32>
        %mul3A_453 = arith.constant 128 : i32
        %mul3A_454 = arith.muli %add3A_420, %mul3A_453 : i32
        %add3A_455 = arith.constant 64 : i32
        %add3A_456 = arith.addi %mul3A_454, %add3A_455 : i32
        %get3A_457 = arith.index_cast %add3A_456 : i32 to index
        %get3A_458 = tpu.vector_load %arg8[%get3A_457] {strides = array<i32>} : memref<9600xf32, #tpu.memory_space<vmem>>, vector<16xf32>,
        %sub3A_459 = arith.subf %get3A_458, %get3A_13 : vector<16xf32>
        %abs3A_460 = math.absf %sub3A_459 : vector<16xf32>
        %mul3A_461 = arith.constant 128 : i32
        %mul3A_462 = arith.muli %add3A_420, %mul3A_461 : i32
        %add3A_463 = arith.constant 80 : i32
        %add3A_464 = arith.addi %mul3A_462, %add3A_463 : i32
        %get3A_465 = arith.index_cast %add3A_464 : i32 to index
        %get3A_466 = tpu.vector_load %arg8[%get3A_465] {strides = array<i32>} : memref<9600xf32, #tpu.memory_space<vmem>>, vector<16xf32>,
        %sub3A_467 = arith.subf %get3A_466, %get3A_15 : vector<16xf32>
        %abs3A_468 = math.absf %sub3A_467 : vector<16xf32>
        %mul3A_469 = arith.constant 128 : i32
        %mul3A_470 = arith.muli %add3A_420, %mul3A_469 : i32
        %add3A_471 = arith.constant 96 : i32
        %add3A_472 = arith.addi %mul3A_470, %add3A_471 : i32
        %get3A_473 = arith.index_cast %add3A_472 : i32 to index
        %get3A_474 = tpu.vector_load %arg8[%get3A_473] {strides = array<i32>} : memref<9600xf32, #tpu.memory_space<vmem>>, vector<16xf32>,
        %sub3A_475 = arith.subf %get3A_474, %get3A_17 : vector<16xf32>
        %abs3A_476 = math.absf %sub3A_475 : vector<16xf32>
        %mul3A_477 = arith.constant 128 : i32
        %mul3A_478 = arith.muli %add3A_420, %mul3A_477 : i32
        %add3A_479 = arith.constant 112 : i32
        %add3A_480 = arith.addi %mul3A_478, %add3A_479 : i32
        %get3A_481 = arith.index_cast %add3A_480 : i32 to index
        %get3A_482 = tpu.vector_load %arg8[%get3A_481] {strides = array<i32>} : memref<9600xf32, #tpu.memory_space<vmem>>, vector<16xf32>,
        %sub3A_483 = arith.subf %get3A_482, %get3A_19 : vector<16xf32>
        %abs3A_484 = math.absf %sub3A_483 : vector<16xf32>
        %add3A_485 = arith.addf %abs3A_428, %abs3A_436 : vector<16xf32>
        %add3A_486 = arith.addf %abs3A_444, %abs3A_452 : vector<16xf32>
        %add3A_487 = arith.addf %abs3A_460, %abs3A_468 : vector<16xf32>
        %add3A_488 = arith.addf %abs3A_476, %abs3A_484 : vector<16xf32>
        %add3A_489 = arith.addf %add3A_485, %add3A_486 : vector<16xf32>
        %add3A_490 = arith.addf %add3A_487, %add3A_488 : vector<16xf32>
        %add3A_491 = arith.addf %add3A_489, %add3A_490 : vector<16xf32>
        %reduce_sum3A_492 = arith.constant true
        %reduce_sum3A_493 = vector.broadcast %reduce_sum3A_492 : i1 to vector<16xi1>
        %reduce_sum3A_494 = tpu.scan <sum>, %add3A_491 masked %reduce_sum3A_493 : vector<16xf32>, vector<16xi1> -> vector<16xf32>
        %reduce_sum3A_495 = vector.extract %reduce_sum3A_494[15] : f32 from vector<16xf32>
        %lt3A_496 = arith.cmpf olt, %reduce_sum3A_495, %select_n3A_414 : f32
        %select_n3A_497 = arith.select %lt3A_496, %reduce_sum3A_495, %select_n3A_414 : f32
        %add3A_498 = arith.addi %add3A_113, %add3A_420 : i32
        %select_n3A_499 = arith.select %lt3A_496, %add3A_498, %select_n3A_416 : i32
        %mul3A_500 = arith.constant 5 : i32
        %mul3A_501 = arith.muli %scan3A_169, %mul3A_500 : i32
        %add3A_502 = arith.constant 4 : i32
        %add3A_503 = arith.addi %mul3A_501, %add3A_502 : i32
        %mul3A_504 = arith.constant 128 : i32
        %mul3A_505 = arith.muli %add3A_503, %mul3A_504 : i32
        %add3A_506 = arith.constant 0 : i32
        %add3A_507 = arith.addi %mul3A_505, %add3A_506 : i32
        %get3A_508 = arith.index_cast %add3A_507 : i32 to index
        %get3A_509 = tpu.vector_load %arg8[%get3A_508] {strides = array<i32>} : memref<9600xf32, #tpu.memory_space<vmem>>, vector<16xf32>,
        %sub3A_510 = arith.subf %get3A_509, %get3A_5 : vector<16xf32>
        %abs3A_511 = math.absf %sub3A_510 : vector<16xf32>
        %mul3A_512 = arith.constant 128 : i32
        %mul3A_513 = arith.muli %add3A_503, %mul3A_512 : i32
        %add3A_514 = arith.constant 16 : i32
        %add3A_515 = arith.addi %mul3A_513, %add3A_514 : i32
        %get3A_516 = arith.index_cast %add3A_515 : i32 to index
        %get3A_517 = tpu.vector_load %arg8[%get3A_516] {strides = array<i32>} : memref<9600xf32, #tpu.memory_space<vmem>>, vector<16xf32>,
        %sub3A_518 = arith.subf %get3A_517, %get3A_7 : vector<16xf32>
        %abs3A_519 = math.absf %sub3A_518 : vector<16xf32>
        %mul3A_520 = arith.constant 128 : i32
        %mul3A_521 = arith.muli %add3A_503, %mul3A_520 : i32
        %add3A_522 = arith.constant 32 : i32
        %add3A_523 = arith.addi %mul3A_521, %add3A_522 : i32
        %get3A_524 = arith.index_cast %add3A_523 : i32 to index
        %get3A_525 = tpu.vector_load %arg8[%get3A_524] {strides = array<i32>} : memref<9600xf32, #tpu.memory_space<vmem>>, vector<16xf32>,
        %sub3A_526 = arith.subf %get3A_525, %get3A_9 : vector<16xf32>
        %abs3A_527 = math.absf %sub3A_526 : vector<16xf32>
        %mul3A_528 = arith.constant 128 : i32
        %mul3A_529 = arith.muli %add3A_503, %mul3A_528 : i32
        %add3A_530 = arith.constant 48 : i32
        %add3A_531 = arith.addi %mul3A_529, %add3A_530 : i32
        %get3A_532 = arith.index_cast %add3A_531 : i32 to index
        %get3A_533 = tpu.vector_load %arg8[%get3A_532] {strides = array<i32>} : memref<9600xf32, #tpu.memory_space<vmem>>, vector<16xf32>,
        %sub3A_534 = arith.subf %get3A_533, %get3A_11 : vector<16xf32>
        %abs3A_535 = math.absf %sub3A_534 : vector<16xf32>
        %mul3A_536 = arith.constant 128 : i32
        %mul3A_537 = arith.muli %add3A_503, %mul3A_536 : i32
        %add3A_538 = arith.constant 64 : i32
        %add3A_539 = arith.addi %mul3A_537, %add3A_538 : i32
        %get3A_540 = arith.index_cast %add3A_539 : i32 to index
        %get3A_541 = tpu.vector_load %arg8[%get3A_540] {strides = array<i32>} : memref<9600xf32, #tpu.memory_space<vmem>>, vector<16xf32>,
        %sub3A_542 = arith.subf %get3A_541, %get3A_13 : vector<16xf32>
        %abs3A_543 = math.absf %sub3A_542 : vector<16xf32>
        %mul3A_544 = arith.constant 128 : i32
        %mul3A_545 = arith.muli %add3A_503, %mul3A_544 : i32
        %add3A_546 = arith.constant 80 : i32
        %add3A_547 = arith.addi %mul3A_545, %add3A_546 : i32
        %get3A_548 = arith.index_cast %add3A_547 : i32 to index
        %get3A_549 = tpu.vector_load %arg8[%get3A_548] {strides = array<i32>} : memref<9600xf32, #tpu.memory_space<vmem>>, vector<16xf32>,
        %sub3A_550 = arith.subf %get3A_549, %get3A_15 : vector<16xf32>
        %abs3A_551 = math.absf %sub3A_550 : vector<16xf32>
        %mul3A_552 = arith.constant 128 : i32
        %mul3A_553 = arith.muli %add3A_503, %mul3A_552 : i32
        %add3A_554 = arith.constant 96 : i32
        %add3A_555 = arith.addi %mul3A_553, %add3A_554 : i32
        %get3A_556 = arith.index_cast %add3A_555 : i32 to index
        %get3A_557 = tpu.vector_load %arg8[%get3A_556] {strides = array<i32>} : memref<9600xf32, #tpu.memory_space<vmem>>, vector<16xf32>,
        %sub3A_558 = arith.subf %get3A_557, %get3A_17 : vector<16xf32>
        %abs3A_559 = math.absf %sub3A_558 : vector<16xf32>
        %mul3A_560 = arith.constant 128 : i32
        %mul3A_561 = arith.muli %add3A_503, %mul3A_560 : i32
        %add3A_562 = arith.constant 112 : i32
        %add3A_563 = arith.addi %mul3A_561, %add3A_562 : i32
        %get3A_564 = arith.index_cast %add3A_563 : i32 to index
        %get3A_565 = tpu.vector_load %arg8[%get3A_564] {strides = array<i32>} : memref<9600xf32, #tpu.memory_space<vmem>>, vector<16xf32>,
        %sub3A_566 = arith.subf %get3A_565, %get3A_19 : vector<16xf32>
        %abs3A_567 = math.absf %sub3A_566 : vector<16xf32>
        %add3A_568 = arith.addf %abs3A_511, %abs3A_519 : vector<16xf32>
        %add3A_569 = arith.addf %abs3A_527, %abs3A_535 : vector<16xf32>
        %add3A_570 = arith.addf %abs3A_543, %abs3A_551 : vector<16xf32>
        %add3A_571 = arith.addf %abs3A_559, %abs3A_567 : vector<16xf32>
        %add3A_572 = arith.addf %add3A_568, %add3A_569 : vector<16xf32>
        %add3A_573 = arith.addf %add3A_570, %add3A_571 : vector<16xf32>
        %add3A_574 = arith.addf %add3A_572, %add3A_573 : vector<16xf32>
        %reduce_sum3A_575 = arith.constant true
        %reduce_sum3A_576 = vector.broadcast %reduce_sum3A_575 : i1 to vector<16xi1>
        %reduce_sum3A_577 = tpu.scan <sum>, %add3A_574 masked %reduce_sum3A_576 : vector<16xf32>, vector<16xi1> -> vector<16xf32>
        %reduce_sum3A_578 = vector.extract %reduce_sum3A_577[15] : f32 from vector<16xf32>
        %lt3A_579 = arith.cmpf olt, %reduce_sum3A_578, %select_n3A_497 : f32
        %select_n3A_580 = arith.select %lt3A_579, %reduce_sum3A_578, %select_n3A_497 : f32
        %add3A_581 = arith.addi %add3A_113, %add3A_503 : i32
        %select_n3A_582 = arith.select %lt3A_579, %add3A_581, %select_n3A_499 : i32
        scf.yield %select_n3A_580, %select_n3A_582 : f32, i32
      }
      %scan3A_119 = arith.constant 15 : i32
      %lt3A_120 = arith.constant 2 : i32
      %lt3A_121 = arith.cmpi slt, %scan3A_60, %lt3A_120 : i32
      %convert_element_type3A_122 = arith.extui %lt3A_121 : i1 to i32
      %cond3A_123 = arith.constant 0 : i32
      %cond3A_124 = arith.cmpi ne, %convert_element_type3A_122, %cond3A_123 : i32
      scf.if %cond3A_124 {
        %add3A_169 = arith.constant 5 : i32
        %add3A_170 = arith.addi %add3A_106, %add3A_169 : i32
        %mul3A_171 = arith.constant 75 : i32
        %mul3A_172 = arith.muli %add3A_170, %mul3A_171 : i32
        %add3A_173 = arith.addi %add3A_4, %mul3A_172 : i32
        %mul3A_174 = arith.constant 128 : i32
        %mul3A_175 = arith.muli %add3A_173, %mul3A_174 : i32
        %dma_start3A_176 = tpu.memref_slice %arg2[%mul3A_175] : memref<12800000xf32, #tpu.memory_space<hbm>> -> memref<9600xf32, #tpu.memory_space<hbm>>
        %dma_start3A_177 = tpu.memref_slice %arg2[%mul3A_175] : memref<12800000xf32, #tpu.memory_space<hbm>> -> memref<9600xf32, #tpu.memory_space<hbm>>
        tpu.enqueue_dma source(%dma_start3A_177 : memref<9600xf32, #tpu.memory_space<hbm>>) target(%arg8 : memref<9600xf32, #tpu.memory_space<vmem>>) target_semaphore(%arg16 : memref<!tpu.dma_semaphore, #tpu.memory_space<semaphore_mem>>)
      } else {
      }
      %mul3A_125 = arith.constant 5 : i32
      %mul3A_126 = arith.muli %scan3A_60, %mul3A_125 : i32
      %add3A_127 = arith.constant 3 : i32
      %add3A_128 = arith.addi %mul3A_126, %add3A_127 : i32
      %dma_wait3A_129 = arith.constant 0 : i32
      %dma_wait3A_130 = tpu.memref_slice %arg2[%dma_wait3A_129] : memref<12800000xf32, #tpu.memory_space<hbm>> -> memref<9600xf32, #tpu.memory_space<hbm>>
      %dma_wait3A_131 = arith.constant 0 : i32
      %dma_wait3A_132 = tpu.memref_slice %arg2[%dma_wait3A_131] : memref<12800000xf32, #tpu.memory_space<hbm>> -> memref<9600xf32, #tpu.memory_space<hbm>>
      tpu.wait_dma2 semaphore(%arg17 : memref<!tpu.dma_semaphore, #tpu.memory_space<semaphore_mem>>) src(%dma_wait3A_132 : memref<9600xf32, #tpu.memory_space<hbm>>) dst(%arg9 : memref<9600xf32, #tpu.memory_space<vmem>>)
      %mul3A_133 = arith.constant 75 : i32
      %mul3A_134 = arith.muli %add3A_128, %mul3A_133 : i32
      %add3A_135 = arith.addi %add3A_4, %mul3A_134 : i32
      %scan3A_136 = arith.constant 0 : i32
      %scan3A_137 = arith.constant 15 : i32
      %scan3A_138 = arith.addi %scan3A_136, %scan3A_137 : i32
      %scan3A_139 = arith.constant 1 : i32
      %scan3A_140:2 = scf.for %scan3A_169 = %scan3A_136 to %scan3A_138 step %scan3A_139 iter_args(%scan3A_170 = %scan3A_118#0, %scan3A_171 = %scan3A_118#1) -> (f32, i32)  : i32 {
        %mul3A_172 = arith.constant 5 : i32
        %mul3A_173 = arith.muli %scan3A_169, %mul3A_172 : i32
        %add3A_174 = arith.constant 0 : i32
        %add3A_175 = arith.addi %mul3A_173, %add3A_174 : i32
        %mul3A_176 = arith.constant 128 : i32
        %mul3A_177 = arith.muli %add3A_175, %mul3A_176 : i32
        %add3A_178 = arith.constant 0 : i32
        %add3A_179 = arith.addi %mul3A_177, %add3A_178 : i32
        %get3A_180 = arith.index_cast %add3A_179 : i32 to index
        %get3A_181 = tpu.vector_load %arg9[%get3A_180] {strides = array<i32>} : memref<9600xf32, #tpu.memory_space<vmem>>, vector<16xf32>,
        %sub3A = arith.subf %get3A_181, %get3A_5 : vector<16xf32>
        %abs3A = math.absf %sub3A : vector<16xf32>
        %mul3A_182 = arith.constant 128 : i32
        %mul3A_183 = arith.muli %add3A_175, %mul3A_182 : i32
        %add3A_184 = arith.constant 16 : i32
        %add3A_185 = arith.addi %mul3A_183, %add3A_184 : i32
        %get3A_186 = arith.index_cast %add3A_185 : i32 to index
        %get3A_187 = tpu.vector_load %arg9[%get3A_186] {strides = array<i32>} : memref<9600xf32, #tpu.memory_space<vmem>>, vector<16xf32>,
        %sub3A_188 = arith.subf %get3A_187, %get3A_7 : vector<16xf32>
        %abs3A_189 = math.absf %sub3A_188 : vector<16xf32>
        %mul3A_190 = arith.constant 128 : i32
        %mul3A_191 = arith.muli %add3A_175, %mul3A_190 : i32
        %add3A_192 = arith.constant 32 : i32
        %add3A_193 = arith.addi %mul3A_191, %add3A_192 : i32
        %get3A_194 = arith.index_cast %add3A_193 : i32 to index
        %get3A_195 = tpu.vector_load %arg9[%get3A_194] {strides = array<i32>} : memref<9600xf32, #tpu.memory_space<vmem>>, vector<16xf32>,
        %sub3A_196 = arith.subf %get3A_195, %get3A_9 : vector<16xf32>
        %abs3A_197 = math.absf %sub3A_196 : vector<16xf32>
        %mul3A_198 = arith.constant 128 : i32
        %mul3A_199 = arith.muli %add3A_175, %mul3A_198 : i32
        %add3A_200 = arith.constant 48 : i32
        %add3A_201 = arith.addi %mul3A_199, %add3A_200 : i32
        %get3A_202 = arith.index_cast %add3A_201 : i32 to index
        %get3A_203 = tpu.vector_load %arg9[%get3A_202] {strides = array<i32>} : memref<9600xf32, #tpu.memory_space<vmem>>, vector<16xf32>,
        %sub3A_204 = arith.subf %get3A_203, %get3A_11 : vector<16xf32>
        %abs3A_205 = math.absf %sub3A_204 : vector<16xf32>
        %mul3A_206 = arith.constant 128 : i32
        %mul3A_207 = arith.muli %add3A_175, %mul3A_206 : i32
        %add3A_208 = arith.constant 64 : i32
        %add3A_209 = arith.addi %mul3A_207, %add3A_208 : i32
        %get3A_210 = arith.index_cast %add3A_209 : i32 to index
        %get3A_211 = tpu.vector_load %arg9[%get3A_210] {strides = array<i32>} : memref<9600xf32, #tpu.memory_space<vmem>>, vector<16xf32>,
        %sub3A_212 = arith.subf %get3A_211, %get3A_13 : vector<16xf32>
        %abs3A_213 = math.absf %sub3A_212 : vector<16xf32>
        %mul3A_214 = arith.constant 128 : i32
        %mul3A_215 = arith.muli %add3A_175, %mul3A_214 : i32
        %add3A_216 = arith.constant 80 : i32
        %add3A_217 = arith.addi %mul3A_215, %add3A_216 : i32
        %get3A_218 = arith.index_cast %add3A_217 : i32 to index
        %get3A_219 = tpu.vector_load %arg9[%get3A_218] {strides = array<i32>} : memref<9600xf32, #tpu.memory_space<vmem>>, vector<16xf32>,
        %sub3A_220 = arith.subf %get3A_219, %get3A_15 : vector<16xf32>
        %abs3A_221 = math.absf %sub3A_220 : vector<16xf32>
        %mul3A_222 = arith.constant 128 : i32
        %mul3A_223 = arith.muli %add3A_175, %mul3A_222 : i32
        %add3A_224 = arith.constant 96 : i32
        %add3A_225 = arith.addi %mul3A_223, %add3A_224 : i32
        %get3A_226 = arith.index_cast %add3A_225 : i32 to index
        %get3A_227 = tpu.vector_load %arg9[%get3A_226] {strides = array<i32>} : memref<9600xf32, #tpu.memory_space<vmem>>, vector<16xf32>,
        %sub3A_228 = arith.subf %get3A_227, %get3A_17 : vector<16xf32>
        %abs3A_229 = math.absf %sub3A_228 : vector<16xf32>
        %mul3A_230 = arith.constant 128 : i32
        %mul3A_231 = arith.muli %add3A_175, %mul3A_230 : i32
        %add3A_232 = arith.constant 112 : i32
        %add3A_233 = arith.addi %mul3A_231, %add3A_232 : i32
        %get3A_234 = arith.index_cast %add3A_233 : i32 to index
        %get3A_235 = tpu.vector_load %arg9[%get3A_234] {strides = array<i32>} : memref<9600xf32, #tpu.memory_space<vmem>>, vector<16xf32>,
        %sub3A_236 = arith.subf %get3A_235, %get3A_19 : vector<16xf32>
        %abs3A_237 = math.absf %sub3A_236 : vector<16xf32>
        %add3A_238 = arith.addf %abs3A, %abs3A_189 : vector<16xf32>
        %add3A_239 = arith.addf %abs3A_197, %abs3A_205 : vector<16xf32>
        %add3A_240 = arith.addf %abs3A_213, %abs3A_221 : vector<16xf32>
        %add3A_241 = arith.addf %abs3A_229, %abs3A_237 : vector<16xf32>
        %add3A_242 = arith.addf %add3A_238, %add3A_239 : vector<16xf32>
        %add3A_243 = arith.addf %add3A_240, %add3A_241 : vector<16xf32>
        %add3A_244 = arith.addf %add3A_242, %add3A_243 : vector<16xf32>
        %reduce_sum3A = arith.constant true
        %reduce_sum3A_245 = vector.broadcast %reduce_sum3A : i1 to vector<16xi1>
        %reduce_sum3A_246 = tpu.scan <sum>, %add3A_244 masked %reduce_sum3A_245 : vector<16xf32>, vector<16xi1> -> vector<16xf32>
        %reduce_sum3A_247 = vector.extract %reduce_sum3A_246[15] : f32 from vector<16xf32>
        %lt3A_248 = arith.cmpf olt, %reduce_sum3A_247, %scan3A_170 : f32
        %select_n3A = arith.select %lt3A_248, %reduce_sum3A_247, %scan3A_170 : f32
        %add3A_249 = arith.addi %add3A_135, %add3A_175 : i32
        %select_n3A_250 = arith.select %lt3A_248, %add3A_249, %scan3A_171 : i32
        %mul3A_251 = arith.constant 5 : i32
        %mul3A_252 = arith.muli %scan3A_169, %mul3A_251 : i32
        %add3A_253 = arith.constant 1 : i32
        %add3A_254 = arith.addi %mul3A_252, %add3A_253 : i32
        %mul3A_255 = arith.constant 128 : i32
        %mul3A_256 = arith.muli %add3A_254, %mul3A_255 : i32
        %add3A_257 = arith.constant 0 : i32
        %add3A_258 = arith.addi %mul3A_256, %add3A_257 : i32
        %get3A_259 = arith.index_cast %add3A_258 : i32 to index
        %get3A_260 = tpu.vector_load %arg9[%get3A_259] {strides = array<i32>} : memref<9600xf32, #tpu.memory_space<vmem>>, vector<16xf32>,
        %sub3A_261 = arith.subf %get3A_260, %get3A_5 : vector<16xf32>
        %abs3A_262 = math.absf %sub3A_261 : vector<16xf32>
        %mul3A_263 = arith.constant 128 : i32
        %mul3A_264 = arith.muli %add3A_254, %mul3A_263 : i32
        %add3A_265 = arith.constant 16 : i32
        %add3A_266 = arith.addi %mul3A_264, %add3A_265 : i32
        %get3A_267 = arith.index_cast %add3A_266 : i32 to index
        %get3A_268 = tpu.vector_load %arg9[%get3A_267] {strides = array<i32>} : memref<9600xf32, #tpu.memory_space<vmem>>, vector<16xf32>,
        %sub3A_269 = arith.subf %get3A_268, %get3A_7 : vector<16xf32>
        %abs3A_270 = math.absf %sub3A_269 : vector<16xf32>
        %mul3A_271 = arith.constant 128 : i32
        %mul3A_272 = arith.muli %add3A_254, %mul3A_271 : i32
        %add3A_273 = arith.constant 32 : i32
        %add3A_274 = arith.addi %mul3A_272, %add3A_273 : i32
        %get3A_275 = arith.index_cast %add3A_274 : i32 to index
        %get3A_276 = tpu.vector_load %arg9[%get3A_275] {strides = array<i32>} : memref<9600xf32, #tpu.memory_space<vmem>>, vector<16xf32>,
        %sub3A_277 = arith.subf %get3A_276, %get3A_9 : vector<16xf32>
        %abs3A_278 = math.absf %sub3A_277 : vector<16xf32>
        %mul3A_279 = arith.constant 128 : i32
        %mul3A_280 = arith.muli %add3A_254, %mul3A_279 : i32
        %add3A_281 = arith.constant 48 : i32
        %add3A_282 = arith.addi %mul3A_280, %add3A_281 : i32
        %get3A_283 = arith.index_cast %add3A_282 : i32 to index
        %get3A_284 = tpu.vector_load %arg9[%get3A_283] {strides = array<i32>} : memref<9600xf32, #tpu.memory_space<vmem>>, vector<16xf32>,
        %sub3A_285 = arith.subf %get3A_284, %get3A_11 : vector<16xf32>
        %abs3A_286 = math.absf %sub3A_285 : vector<16xf32>
        %mul3A_287 = arith.constant 128 : i32
        %mul3A_288 = arith.muli %add3A_254, %mul3A_287 : i32
        %add3A_289 = arith.constant 64 : i32
        %add3A_290 = arith.addi %mul3A_288, %add3A_289 : i32
        %get3A_291 = arith.index_cast %add3A_290 : i32 to index
        %get3A_292 = tpu.vector_load %arg9[%get3A_291] {strides = array<i32>} : memref<9600xf32, #tpu.memory_space<vmem>>, vector<16xf32>,
        %sub3A_293 = arith.subf %get3A_292, %get3A_13 : vector<16xf32>
        %abs3A_294 = math.absf %sub3A_293 : vector<16xf32>
        %mul3A_295 = arith.constant 128 : i32
        %mul3A_296 = arith.muli %add3A_254, %mul3A_295 : i32
        %add3A_297 = arith.constant 80 : i32
        %add3A_298 = arith.addi %mul3A_296, %add3A_297 : i32
        %get3A_299 = arith.index_cast %add3A_298 : i32 to index
        %get3A_300 = tpu.vector_load %arg9[%get3A_299] {strides = array<i32>} : memref<9600xf32, #tpu.memory_space<vmem>>, vector<16xf32>,
        %sub3A_301 = arith.subf %get3A_300, %get3A_15 : vector<16xf32>
        %abs3A_302 = math.absf %sub3A_301 : vector<16xf32>
        %mul3A_303 = arith.constant 128 : i32
        %mul3A_304 = arith.muli %add3A_254, %mul3A_303 : i32
        %add3A_305 = arith.constant 96 : i32
        %add3A_306 = arith.addi %mul3A_304, %add3A_305 : i32
        %get3A_307 = arith.index_cast %add3A_306 : i32 to index
        %get3A_308 = tpu.vector_load %arg9[%get3A_307] {strides = array<i32>} : memref<9600xf32, #tpu.memory_space<vmem>>, vector<16xf32>,
        %sub3A_309 = arith.subf %get3A_308, %get3A_17 : vector<16xf32>
        %abs3A_310 = math.absf %sub3A_309 : vector<16xf32>
        %mul3A_311 = arith.constant 128 : i32
        %mul3A_312 = arith.muli %add3A_254, %mul3A_311 : i32
        %add3A_313 = arith.constant 112 : i32
        %add3A_314 = arith.addi %mul3A_312, %add3A_313 : i32
        %get3A_315 = arith.index_cast %add3A_314 : i32 to index
        %get3A_316 = tpu.vector_load %arg9[%get3A_315] {strides = array<i32>} : memref<9600xf32, #tpu.memory_space<vmem>>, vector<16xf32>,
        %sub3A_317 = arith.subf %get3A_316, %get3A_19 : vector<16xf32>
        %abs3A_318 = math.absf %sub3A_317 : vector<16xf32>
        %add3A_319 = arith.addf %abs3A_262, %abs3A_270 : vector<16xf32>
        %add3A_320 = arith.addf %abs3A_278, %abs3A_286 : vector<16xf32>
        %add3A_321 = arith.addf %abs3A_294, %abs3A_302 : vector<16xf32>
        %add3A_322 = arith.addf %abs3A_310, %abs3A_318 : vector<16xf32>
        %add3A_323 = arith.addf %add3A_319, %add3A_320 : vector<16xf32>
        %add3A_324 = arith.addf %add3A_321, %add3A_322 : vector<16xf32>
        %add3A_325 = arith.addf %add3A_323, %add3A_324 : vector<16xf32>
        %reduce_sum3A_326 = arith.constant true
        %reduce_sum3A_327 = vector.broadcast %reduce_sum3A_326 : i1 to vector<16xi1>
        %reduce_sum3A_328 = tpu.scan <sum>, %add3A_325 masked %reduce_sum3A_327 : vector<16xf32>, vector<16xi1> -> vector<16xf32>
        %reduce_sum3A_329 = vector.extract %reduce_sum3A_328[15] : f32 from vector<16xf32>
        %lt3A_330 = arith.cmpf olt, %reduce_sum3A_329, %select_n3A : f32
        %select_n3A_331 = arith.select %lt3A_330, %reduce_sum3A_329, %select_n3A : f32
        %add3A_332 = arith.addi %add3A_135, %add3A_254 : i32
        %select_n3A_333 = arith.select %lt3A_330, %add3A_332, %select_n3A_250 : i32
        %mul3A_334 = arith.constant 5 : i32
        %mul3A_335 = arith.muli %scan3A_169, %mul3A_334 : i32
        %add3A_336 = arith.constant 2 : i32
        %add3A_337 = arith.addi %mul3A_335, %add3A_336 : i32
        %mul3A_338 = arith.constant 128 : i32
        %mul3A_339 = arith.muli %add3A_337, %mul3A_338 : i32
        %add3A_340 = arith.constant 0 : i32
        %add3A_341 = arith.addi %mul3A_339, %add3A_340 : i32
        %get3A_342 = arith.index_cast %add3A_341 : i32 to index
        %get3A_343 = tpu.vector_load %arg9[%get3A_342] {strides = array<i32>} : memref<9600xf32, #tpu.memory_space<vmem>>, vector<16xf32>,
        %sub3A_344 = arith.subf %get3A_343, %get3A_5 : vector<16xf32>
        %abs3A_345 = math.absf %sub3A_344 : vector<16xf32>
        %mul3A_346 = arith.constant 128 : i32
        %mul3A_347 = arith.muli %add3A_337, %mul3A_346 : i32
        %add3A_348 = arith.constant 16 : i32
        %add3A_349 = arith.addi %mul3A_347, %add3A_348 : i32
        %get3A_350 = arith.index_cast %add3A_349 : i32 to index
        %get3A_351 = tpu.vector_load %arg9[%get3A_350] {strides = array<i32>} : memref<9600xf32, #tpu.memory_space<vmem>>, vector<16xf32>,
        %sub3A_352 = arith.subf %get3A_351, %get3A_7 : vector<16xf32>
        %abs3A_353 = math.absf %sub3A_352 : vector<16xf32>
        %mul3A_354 = arith.constant 128 : i32
        %mul3A_355 = arith.muli %add3A_337, %mul3A_354 : i32
        %add3A_356 = arith.constant 32 : i32
        %add3A_357 = arith.addi %mul3A_355, %add3A_356 : i32
        %get3A_358 = arith.index_cast %add3A_357 : i32 to index
        %get3A_359 = tpu.vector_load %arg9[%get3A_358] {strides = array<i32>} : memref<9600xf32, #tpu.memory_space<vmem>>, vector<16xf32>,
        %sub3A_360 = arith.subf %get3A_359, %get3A_9 : vector<16xf32>
        %abs3A_361 = math.absf %sub3A_360 : vector<16xf32>
        %mul3A_362 = arith.constant 128 : i32
        %mul3A_363 = arith.muli %add3A_337, %mul3A_362 : i32
        %add3A_364 = arith.constant 48 : i32
        %add3A_365 = arith.addi %mul3A_363, %add3A_364 : i32
        %get3A_366 = arith.index_cast %add3A_365 : i32 to index
        %get3A_367 = tpu.vector_load %arg9[%get3A_366] {strides = array<i32>} : memref<9600xf32, #tpu.memory_space<vmem>>, vector<16xf32>,
        %sub3A_368 = arith.subf %get3A_367, %get3A_11 : vector<16xf32>
        %abs3A_369 = math.absf %sub3A_368 : vector<16xf32>
        %mul3A_370 = arith.constant 128 : i32
        %mul3A_371 = arith.muli %add3A_337, %mul3A_370 : i32
        %add3A_372 = arith.constant 64 : i32
        %add3A_373 = arith.addi %mul3A_371, %add3A_372 : i32
        %get3A_374 = arith.index_cast %add3A_373 : i32 to index
        %get3A_375 = tpu.vector_load %arg9[%get3A_374] {strides = array<i32>} : memref<9600xf32, #tpu.memory_space<vmem>>, vector<16xf32>,
        %sub3A_376 = arith.subf %get3A_375, %get3A_13 : vector<16xf32>
        %abs3A_377 = math.absf %sub3A_376 : vector<16xf32>
        %mul3A_378 = arith.constant 128 : i32
        %mul3A_379 = arith.muli %add3A_337, %mul3A_378 : i32
        %add3A_380 = arith.constant 80 : i32
        %add3A_381 = arith.addi %mul3A_379, %add3A_380 : i32
        %get3A_382 = arith.index_cast %add3A_381 : i32 to index
        %get3A_383 = tpu.vector_load %arg9[%get3A_382] {strides = array<i32>} : memref<9600xf32, #tpu.memory_space<vmem>>, vector<16xf32>,
        %sub3A_384 = arith.subf %get3A_383, %get3A_15 : vector<16xf32>
        %abs3A_385 = math.absf %sub3A_384 : vector<16xf32>
        %mul3A_386 = arith.constant 128 : i32
        %mul3A_387 = arith.muli %add3A_337, %mul3A_386 : i32
        %add3A_388 = arith.constant 96 : i32
        %add3A_389 = arith.addi %mul3A_387, %add3A_388 : i32
        %get3A_390 = arith.index_cast %add3A_389 : i32 to index
        %get3A_391 = tpu.vector_load %arg9[%get3A_390] {strides = array<i32>} : memref<9600xf32, #tpu.memory_space<vmem>>, vector<16xf32>,
        %sub3A_392 = arith.subf %get3A_391, %get3A_17 : vector<16xf32>
        %abs3A_393 = math.absf %sub3A_392 : vector<16xf32>
        %mul3A_394 = arith.constant 128 : i32
        %mul3A_395 = arith.muli %add3A_337, %mul3A_394 : i32
        %add3A_396 = arith.constant 112 : i32
        %add3A_397 = arith.addi %mul3A_395, %add3A_396 : i32
        %get3A_398 = arith.index_cast %add3A_397 : i32 to index
        %get3A_399 = tpu.vector_load %arg9[%get3A_398] {strides = array<i32>} : memref<9600xf32, #tpu.memory_space<vmem>>, vector<16xf32>,
        %sub3A_400 = arith.subf %get3A_399, %get3A_19 : vector<16xf32>
        %abs3A_401 = math.absf %sub3A_400 : vector<16xf32>
        %add3A_402 = arith.addf %abs3A_345, %abs3A_353 : vector<16xf32>
        %add3A_403 = arith.addf %abs3A_361, %abs3A_369 : vector<16xf32>
        %add3A_404 = arith.addf %abs3A_377, %abs3A_385 : vector<16xf32>
        %add3A_405 = arith.addf %abs3A_393, %abs3A_401 : vector<16xf32>
        %add3A_406 = arith.addf %add3A_402, %add3A_403 : vector<16xf32>
        %add3A_407 = arith.addf %add3A_404, %add3A_405 : vector<16xf32>
        %add3A_408 = arith.addf %add3A_406, %add3A_407 : vector<16xf32>
        %reduce_sum3A_409 = arith.constant true
        %reduce_sum3A_410 = vector.broadcast %reduce_sum3A_409 : i1 to vector<16xi1>
        %reduce_sum3A_411 = tpu.scan <sum>, %add3A_408 masked %reduce_sum3A_410 : vector<16xf32>, vector<16xi1> -> vector<16xf32>
        %reduce_sum3A_412 = vector.extract %reduce_sum3A_411[15] : f32 from vector<16xf32>
        %lt3A_413 = arith.cmpf olt, %reduce_sum3A_412, %select_n3A_331 : f32
        %select_n3A_414 = arith.select %lt3A_413, %reduce_sum3A_412, %select_n3A_331 : f32
        %add3A_415 = arith.addi %add3A_135, %add3A_337 : i32
        %select_n3A_416 = arith.select %lt3A_413, %add3A_415, %select_n3A_333 : i32
        %mul3A_417 = arith.constant 5 : i32
        %mul3A_418 = arith.muli %scan3A_169, %mul3A_417 : i32
        %add3A_419 = arith.constant 3 : i32
        %add3A_420 = arith.addi %mul3A_418, %add3A_419 : i32
        %mul3A_421 = arith.constant 128 : i32
        %mul3A_422 = arith.muli %add3A_420, %mul3A_421 : i32
        %add3A_423 = arith.constant 0 : i32
        %add3A_424 = arith.addi %mul3A_422, %add3A_423 : i32
        %get3A_425 = arith.index_cast %add3A_424 : i32 to index
        %get3A_426 = tpu.vector_load %arg9[%get3A_425] {strides = array<i32>} : memref<9600xf32, #tpu.memory_space<vmem>>, vector<16xf32>,
        %sub3A_427 = arith.subf %get3A_426, %get3A_5 : vector<16xf32>
        %abs3A_428 = math.absf %sub3A_427 : vector<16xf32>
        %mul3A_429 = arith.constant 128 : i32
        %mul3A_430 = arith.muli %add3A_420, %mul3A_429 : i32
        %add3A_431 = arith.constant 16 : i32
        %add3A_432 = arith.addi %mul3A_430, %add3A_431 : i32
        %get3A_433 = arith.index_cast %add3A_432 : i32 to index
        %get3A_434 = tpu.vector_load %arg9[%get3A_433] {strides = array<i32>} : memref<9600xf32, #tpu.memory_space<vmem>>, vector<16xf32>,
        %sub3A_435 = arith.subf %get3A_434, %get3A_7 : vector<16xf32>
        %abs3A_436 = math.absf %sub3A_435 : vector<16xf32>
        %mul3A_437 = arith.constant 128 : i32
        %mul3A_438 = arith.muli %add3A_420, %mul3A_437 : i32
        %add3A_439 = arith.constant 32 : i32
        %add3A_440 = arith.addi %mul3A_438, %add3A_439 : i32
        %get3A_441 = arith.index_cast %add3A_440 : i32 to index
        %get3A_442 = tpu.vector_load %arg9[%get3A_441] {strides = array<i32>} : memref<9600xf32, #tpu.memory_space<vmem>>, vector<16xf32>,
        %sub3A_443 = arith.subf %get3A_442, %get3A_9 : vector<16xf32>
        %abs3A_444 = math.absf %sub3A_443 : vector<16xf32>
        %mul3A_445 = arith.constant 128 : i32
        %mul3A_446 = arith.muli %add3A_420, %mul3A_445 : i32
        %add3A_447 = arith.constant 48 : i32
        %add3A_448 = arith.addi %mul3A_446, %add3A_447 : i32
        %get3A_449 = arith.index_cast %add3A_448 : i32 to index
        %get3A_450 = tpu.vector_load %arg9[%get3A_449] {strides = array<i32>} : memref<9600xf32, #tpu.memory_space<vmem>>, vector<16xf32>,
        %sub3A_451 = arith.subf %get3A_450, %get3A_11 : vector<16xf32>
        %abs3A_452 = math.absf %sub3A_451 : vector<16xf32>
        %mul3A_453 = arith.constant 128 : i32
        %mul3A_454 = arith.muli %add3A_420, %mul3A_453 : i32
        %add3A_455 = arith.constant 64 : i32
        %add3A_456 = arith.addi %mul3A_454, %add3A_455 : i32
        %get3A_457 = arith.index_cast %add3A_456 : i32 to index
        %get3A_458 = tpu.vector_load %arg9[%get3A_457] {strides = array<i32>} : memref<9600xf32, #tpu.memory_space<vmem>>, vector<16xf32>,
        %sub3A_459 = arith.subf %get3A_458, %get3A_13 : vector<16xf32>
        %abs3A_460 = math.absf %sub3A_459 : vector<16xf32>
        %mul3A_461 = arith.constant 128 : i32
        %mul3A_462 = arith.muli %add3A_420, %mul3A_461 : i32
        %add3A_463 = arith.constant 80 : i32
        %add3A_464 = arith.addi %mul3A_462, %add3A_463 : i32
        %get3A_465 = arith.index_cast %add3A_464 : i32 to index
        %get3A_466 = tpu.vector_load %arg9[%get3A_465] {strides = array<i32>} : memref<9600xf32, #tpu.memory_space<vmem>>, vector<16xf32>,
        %sub3A_467 = arith.subf %get3A_466, %get3A_15 : vector<16xf32>
        %abs3A_468 = math.absf %sub3A_467 : vector<16xf32>
        %mul3A_469 = arith.constant 128 : i32
        %mul3A_470 = arith.muli %add3A_420, %mul3A_469 : i32
        %add3A_471 = arith.constant 96 : i32
        %add3A_472 = arith.addi %mul3A_470, %add3A_471 : i32
        %get3A_473 = arith.index_cast %add3A_472 : i32 to index
        %get3A_474 = tpu.vector_load %arg9[%get3A_473] {strides = array<i32>} : memref<9600xf32, #tpu.memory_space<vmem>>, vector<16xf32>,
        %sub3A_475 = arith.subf %get3A_474, %get3A_17 : vector<16xf32>
        %abs3A_476 = math.absf %sub3A_475 : vector<16xf32>
        %mul3A_477 = arith.constant 128 : i32
        %mul3A_478 = arith.muli %add3A_420, %mul3A_477 : i32
        %add3A_479 = arith.constant 112 : i32
        %add3A_480 = arith.addi %mul3A_478, %add3A_479 : i32
        %get3A_481 = arith.index_cast %add3A_480 : i32 to index
        %get3A_482 = tpu.vector_load %arg9[%get3A_481] {strides = array<i32>} : memref<9600xf32, #tpu.memory_space<vmem>>, vector<16xf32>,
        %sub3A_483 = arith.subf %get3A_482, %get3A_19 : vector<16xf32>
        %abs3A_484 = math.absf %sub3A_483 : vector<16xf32>
        %add3A_485 = arith.addf %abs3A_428, %abs3A_436 : vector<16xf32>
        %add3A_486 = arith.addf %abs3A_444, %abs3A_452 : vector<16xf32>
        %add3A_487 = arith.addf %abs3A_460, %abs3A_468 : vector<16xf32>
        %add3A_488 = arith.addf %abs3A_476, %abs3A_484 : vector<16xf32>
        %add3A_489 = arith.addf %add3A_485, %add3A_486 : vector<16xf32>
        %add3A_490 = arith.addf %add3A_487, %add3A_488 : vector<16xf32>
        %add3A_491 = arith.addf %add3A_489, %add3A_490 : vector<16xf32>
        %reduce_sum3A_492 = arith.constant true
        %reduce_sum3A_493 = vector.broadcast %reduce_sum3A_492 : i1 to vector<16xi1>
        %reduce_sum3A_494 = tpu.scan <sum>, %add3A_491 masked %reduce_sum3A_493 : vector<16xf32>, vector<16xi1> -> vector<16xf32>
        %reduce_sum3A_495 = vector.extract %reduce_sum3A_494[15] : f32 from vector<16xf32>
        %lt3A_496 = arith.cmpf olt, %reduce_sum3A_495, %select_n3A_414 : f32
        %select_n3A_497 = arith.select %lt3A_496, %reduce_sum3A_495, %select_n3A_414 : f32
        %add3A_498 = arith.addi %add3A_135, %add3A_420 : i32
        %select_n3A_499 = arith.select %lt3A_496, %add3A_498, %select_n3A_416 : i32
        %mul3A_500 = arith.constant 5 : i32
        %mul3A_501 = arith.muli %scan3A_169, %mul3A_500 : i32
        %add3A_502 = arith.constant 4 : i32
        %add3A_503 = arith.addi %mul3A_501, %add3A_502 : i32
        %mul3A_504 = arith.constant 128 : i32
        %mul3A_505 = arith.muli %add3A_503, %mul3A_504 : i32
        %add3A_506 = arith.constant 0 : i32
        %add3A_507 = arith.addi %mul3A_505, %add3A_506 : i32
        %get3A_508 = arith.index_cast %add3A_507 : i32 to index
        %get3A_509 = tpu.vector_load %arg9[%get3A_508] {strides = array<i32>} : memref<9600xf32, #tpu.memory_space<vmem>>, vector<16xf32>,
        %sub3A_510 = arith.subf %get3A_509, %get3A_5 : vector<16xf32>
        %abs3A_511 = math.absf %sub3A_510 : vector<16xf32>
        %mul3A_512 = arith.constant 128 : i32
        %mul3A_513 = arith.muli %add3A_503, %mul3A_512 : i32
        %add3A_514 = arith.constant 16 : i32
        %add3A_515 = arith.addi %mul3A_513, %add3A_514 : i32
        %get3A_516 = arith.index_cast %add3A_515 : i32 to index
        %get3A_517 = tpu.vector_load %arg9[%get3A_516] {strides = array<i32>} : memref<9600xf32, #tpu.memory_space<vmem>>, vector<16xf32>,
        %sub3A_518 = arith.subf %get3A_517, %get3A_7 : vector<16xf32>
        %abs3A_519 = math.absf %sub3A_518 : vector<16xf32>
        %mul3A_520 = arith.constant 128 : i32
        %mul3A_521 = arith.muli %add3A_503, %mul3A_520 : i32
        %add3A_522 = arith.constant 32 : i32
        %add3A_523 = arith.addi %mul3A_521, %add3A_522 : i32
        %get3A_524 = arith.index_cast %add3A_523 : i32 to index
        %get3A_525 = tpu.vector_load %arg9[%get3A_524] {strides = array<i32>} : memref<9600xf32, #tpu.memory_space<vmem>>, vector<16xf32>,
        %sub3A_526 = arith.subf %get3A_525, %get3A_9 : vector<16xf32>
        %abs3A_527 = math.absf %sub3A_526 : vector<16xf32>
        %mul3A_528 = arith.constant 128 : i32
        %mul3A_529 = arith.muli %add3A_503, %mul3A_528 : i32
        %add3A_530 = arith.constant 48 : i32
        %add3A_531 = arith.addi %mul3A_529, %add3A_530 : i32
        %get3A_532 = arith.index_cast %add3A_531 : i32 to index
        %get3A_533 = tpu.vector_load %arg9[%get3A_532] {strides = array<i32>} : memref<9600xf32, #tpu.memory_space<vmem>>, vector<16xf32>,
        %sub3A_534 = arith.subf %get3A_533, %get3A_11 : vector<16xf32>
        %abs3A_535 = math.absf %sub3A_534 : vector<16xf32>
        %mul3A_536 = arith.constant 128 : i32
        %mul3A_537 = arith.muli %add3A_503, %mul3A_536 : i32
        %add3A_538 = arith.constant 64 : i32
        %add3A_539 = arith.addi %mul3A_537, %add3A_538 : i32
        %get3A_540 = arith.index_cast %add3A_539 : i32 to index
        %get3A_541 = tpu.vector_load %arg9[%get3A_540] {strides = array<i32>} : memref<9600xf32, #tpu.memory_space<vmem>>, vector<16xf32>,
        %sub3A_542 = arith.subf %get3A_541, %get3A_13 : vector<16xf32>
        %abs3A_543 = math.absf %sub3A_542 : vector<16xf32>
        %mul3A_544 = arith.constant 128 : i32
        %mul3A_545 = arith.muli %add3A_503, %mul3A_544 : i32
        %add3A_546 = arith.constant 80 : i32
        %add3A_547 = arith.addi %mul3A_545, %add3A_546 : i32
        %get3A_548 = arith.index_cast %add3A_547 : i32 to index
        %get3A_549 = tpu.vector_load %arg9[%get3A_548] {strides = array<i32>} : memref<9600xf32, #tpu.memory_space<vmem>>, vector<16xf32>,
        %sub3A_550 = arith.subf %get3A_549, %get3A_15 : vector<16xf32>
        %abs3A_551 = math.absf %sub3A_550 : vector<16xf32>
        %mul3A_552 = arith.constant 128 : i32
        %mul3A_553 = arith.muli %add3A_503, %mul3A_552 : i32
        %add3A_554 = arith.constant 96 : i32
        %add3A_555 = arith.addi %mul3A_553, %add3A_554 : i32
        %get3A_556 = arith.index_cast %add3A_555 : i32 to index
        %get3A_557 = tpu.vector_load %arg9[%get3A_556] {strides = array<i32>} : memref<9600xf32, #tpu.memory_space<vmem>>, vector<16xf32>,
        %sub3A_558 = arith.subf %get3A_557, %get3A_17 : vector<16xf32>
        %abs3A_559 = math.absf %sub3A_558 : vector<16xf32>
        %mul3A_560 = arith.constant 128 : i32
        %mul3A_561 = arith.muli %add3A_503, %mul3A_560 : i32
        %add3A_562 = arith.constant 112 : i32
        %add3A_563 = arith.addi %mul3A_561, %add3A_562 : i32
        %get3A_564 = arith.index_cast %add3A_563 : i32 to index
        %get3A_565 = tpu.vector_load %arg9[%get3A_564] {strides = array<i32>} : memref<9600xf32, #tpu.memory_space<vmem>>, vector<16xf32>,
        %sub3A_566 = arith.subf %get3A_565, %get3A_19 : vector<16xf32>
        %abs3A_567 = math.absf %sub3A_566 : vector<16xf32>
        %add3A_568 = arith.addf %abs3A_511, %abs3A_519 : vector<16xf32>
        %add3A_569 = arith.addf %abs3A_527, %abs3A_535 : vector<16xf32>
        %add3A_570 = arith.addf %abs3A_543, %abs3A_551 : vector<16xf32>
        %add3A_571 = arith.addf %abs3A_559, %abs3A_567 : vector<16xf32>
        %add3A_572 = arith.addf %add3A_568, %add3A_569 : vector<16xf32>
        %add3A_573 = arith.addf %add3A_570, %add3A_571 : vector<16xf32>
        %add3A_574 = arith.addf %add3A_572, %add3A_573 : vector<16xf32>
        %reduce_sum3A_575 = arith.constant true
        %reduce_sum3A_576 = vector.broadcast %reduce_sum3A_575 : i1 to vector<16xi1>
        %reduce_sum3A_577 = tpu.scan <sum>, %add3A_574 masked %reduce_sum3A_576 : vector<16xf32>, vector<16xi1> -> vector<16xf32>
        %reduce_sum3A_578 = vector.extract %reduce_sum3A_577[15] : f32 from vector<16xf32>
        %lt3A_579 = arith.cmpf olt, %reduce_sum3A_578, %select_n3A_497 : f32
        %select_n3A_580 = arith.select %lt3A_579, %reduce_sum3A_578, %select_n3A_497 : f32
        %add3A_581 = arith.addi %add3A_135, %add3A_503 : i32
        %select_n3A_582 = arith.select %lt3A_579, %add3A_581, %select_n3A_499 : i32
        scf.yield %select_n3A_580, %select_n3A_582 : f32, i32
      }
      %scan3A_141 = arith.constant 15 : i32
      %lt3A_142 = arith.constant 2 : i32
      %lt3A_143 = arith.cmpi slt, %scan3A_60, %lt3A_142 : i32
      %convert_element_type3A_144 = arith.extui %lt3A_143 : i1 to i32
      %cond3A_145 = arith.constant 0 : i32
      %cond3A_146 = arith.cmpi ne, %convert_element_type3A_144, %cond3A_145 : i32
      scf.if %cond3A_146 {
        %add3A_169 = arith.constant 5 : i32
        %add3A_170 = arith.addi %add3A_128, %add3A_169 : i32
        %mul3A_171 = arith.constant 75 : i32
        %mul3A_172 = arith.muli %add3A_170, %mul3A_171 : i32
        %add3A_173 = arith.addi %add3A_4, %mul3A_172 : i32
        %mul3A_174 = arith.constant 128 : i32
        %mul3A_175 = arith.muli %add3A_173, %mul3A_174 : i32
        %dma_start3A_176 = tpu.memref_slice %arg2[%mul3A_175] : memref<12800000xf32, #tpu.memory_space<hbm>> -> memref<9600xf32, #tpu.memory_space<hbm>>
        %dma_start3A_177 = tpu.memref_slice %arg2[%mul3A_175] : memref<12800000xf32, #tpu.memory_space<hbm>> -> memref<9600xf32, #tpu.memory_space<hbm>>
        tpu.enqueue_dma source(%dma_start3A_177 : memref<9600xf32, #tpu.memory_space<hbm>>) target(%arg9 : memref<9600xf32, #tpu.memory_space<vmem>>) target_semaphore(%arg17 : memref<!tpu.dma_semaphore, #tpu.memory_space<semaphore_mem>>)
      } else {
      }
      %mul3A_147 = arith.constant 5 : i32
      %mul3A_148 = arith.muli %scan3A_60, %mul3A_147 : i32
      %add3A_149 = arith.constant 4 : i32
      %add3A_150 = arith.addi %mul3A_148, %add3A_149 : i32
      %dma_wait3A_151 = arith.constant 0 : i32
      %dma_wait3A_152 = tpu.memref_slice %arg2[%dma_wait3A_151] : memref<12800000xf32, #tpu.memory_space<hbm>> -> memref<9600xf32, #tpu.memory_space<hbm>>
      %dma_wait3A_153 = arith.constant 0 : i32
      %dma_wait3A_154 = tpu.memref_slice %arg2[%dma_wait3A_153] : memref<12800000xf32, #tpu.memory_space<hbm>> -> memref<9600xf32, #tpu.memory_space<hbm>>
      tpu.wait_dma2 semaphore(%arg18 : memref<!tpu.dma_semaphore, #tpu.memory_space<semaphore_mem>>) src(%dma_wait3A_154 : memref<9600xf32, #tpu.memory_space<hbm>>) dst(%arg10 : memref<9600xf32, #tpu.memory_space<vmem>>)
      %mul3A_155 = arith.constant 75 : i32
      %mul3A_156 = arith.muli %add3A_150, %mul3A_155 : i32
      %add3A_157 = arith.addi %add3A_4, %mul3A_156 : i32
      %scan3A_158 = arith.constant 0 : i32
      %scan3A_159 = arith.constant 15 : i32
      %scan3A_160 = arith.addi %scan3A_158, %scan3A_159 : i32
      %scan3A_161 = arith.constant 1 : i32
      %scan3A_162:2 = scf.for %scan3A_169 = %scan3A_158 to %scan3A_160 step %scan3A_161 iter_args(%scan3A_170 = %scan3A_140#0, %scan3A_171 = %scan3A_140#1) -> (f32, i32)  : i32 {
        %mul3A_172 = arith.constant 5 : i32
        %mul3A_173 = arith.muli %scan3A_169, %mul3A_172 : i32
        %add3A_174 = arith.constant 0 : i32
        %add3A_175 = arith.addi %mul3A_173, %add3A_174 : i32
        %mul3A_176 = arith.constant 128 : i32
        %mul3A_177 = arith.muli %add3A_175, %mul3A_176 : i32
        %add3A_178 = arith.constant 0 : i32
        %add3A_179 = arith.addi %mul3A_177, %add3A_178 : i32
        %get3A_180 = arith.index_cast %add3A_179 : i32 to index
        %get3A_181 = tpu.vector_load %arg10[%get3A_180] {strides = array<i32>} : memref<9600xf32, #tpu.memory_space<vmem>>, vector<16xf32>,
        %sub3A = arith.subf %get3A_181, %get3A_5 : vector<16xf32>
        %abs3A = math.absf %sub3A : vector<16xf32>
        %mul3A_182 = arith.constant 128 : i32
        %mul3A_183 = arith.muli %add3A_175, %mul3A_182 : i32
        %add3A_184 = arith.constant 16 : i32
        %add3A_185 = arith.addi %mul3A_183, %add3A_184 : i32
        %get3A_186 = arith.index_cast %add3A_185 : i32 to index
        %get3A_187 = tpu.vector_load %arg10[%get3A_186] {strides = array<i32>} : memref<9600xf32, #tpu.memory_space<vmem>>, vector<16xf32>,
        %sub3A_188 = arith.subf %get3A_187, %get3A_7 : vector<16xf32>
        %abs3A_189 = math.absf %sub3A_188 : vector<16xf32>
        %mul3A_190 = arith.constant 128 : i32
        %mul3A_191 = arith.muli %add3A_175, %mul3A_190 : i32
        %add3A_192 = arith.constant 32 : i32
        %add3A_193 = arith.addi %mul3A_191, %add3A_192 : i32
        %get3A_194 = arith.index_cast %add3A_193 : i32 to index
        %get3A_195 = tpu.vector_load %arg10[%get3A_194] {strides = array<i32>} : memref<9600xf32, #tpu.memory_space<vmem>>, vector<16xf32>,
        %sub3A_196 = arith.subf %get3A_195, %get3A_9 : vector<16xf32>
        %abs3A_197 = math.absf %sub3A_196 : vector<16xf32>
        %mul3A_198 = arith.constant 128 : i32
        %mul3A_199 = arith.muli %add3A_175, %mul3A_198 : i32
        %add3A_200 = arith.constant 48 : i32
        %add3A_201 = arith.addi %mul3A_199, %add3A_200 : i32
        %get3A_202 = arith.index_cast %add3A_201 : i32 to index
        %get3A_203 = tpu.vector_load %arg10[%get3A_202] {strides = array<i32>} : memref<9600xf32, #tpu.memory_space<vmem>>, vector<16xf32>,
        %sub3A_204 = arith.subf %get3A_203, %get3A_11 : vector<16xf32>
        %abs3A_205 = math.absf %sub3A_204 : vector<16xf32>
        %mul3A_206 = arith.constant 128 : i32
        %mul3A_207 = arith.muli %add3A_175, %mul3A_206 : i32
        %add3A_208 = arith.constant 64 : i32
        %add3A_209 = arith.addi %mul3A_207, %add3A_208 : i32
        %get3A_210 = arith.index_cast %add3A_209 : i32 to index
        %get3A_211 = tpu.vector_load %arg10[%get3A_210] {strides = array<i32>} : memref<9600xf32, #tpu.memory_space<vmem>>, vector<16xf32>,
        %sub3A_212 = arith.subf %get3A_211, %get3A_13 : vector<16xf32>
        %abs3A_213 = math.absf %sub3A_212 : vector<16xf32>
        %mul3A_214 = arith.constant 128 : i32
        %mul3A_215 = arith.muli %add3A_175, %mul3A_214 : i32
        %add3A_216 = arith.constant 80 : i32
        %add3A_217 = arith.addi %mul3A_215, %add3A_216 : i32
        %get3A_218 = arith.index_cast %add3A_217 : i32 to index
        %get3A_219 = tpu.vector_load %arg10[%get3A_218] {strides = array<i32>} : memref<9600xf32, #tpu.memory_space<vmem>>, vector<16xf32>,
        %sub3A_220 = arith.subf %get3A_219, %get3A_15 : vector<16xf32>
        %abs3A_221 = math.absf %sub3A_220 : vector<16xf32>
        %mul3A_222 = arith.constant 128 : i32
        %mul3A_223 = arith.muli %add3A_175, %mul3A_222 : i32
        %add3A_224 = arith.constant 96 : i32
        %add3A_225 = arith.addi %mul3A_223, %add3A_224 : i32
        %get3A_226 = arith.index_cast %add3A_225 : i32 to index
        %get3A_227 = tpu.vector_load %arg10[%get3A_226] {strides = array<i32>} : memref<9600xf32, #tpu.memory_space<vmem>>, vector<16xf32>,
        %sub3A_228 = arith.subf %get3A_227, %get3A_17 : vector<16xf32>
        %abs3A_229 = math.absf %sub3A_228 : vector<16xf32>
        %mul3A_230 = arith.constant 128 : i32
        %mul3A_231 = arith.muli %add3A_175, %mul3A_230 : i32
        %add3A_232 = arith.constant 112 : i32
        %add3A_233 = arith.addi %mul3A_231, %add3A_232 : i32
        %get3A_234 = arith.index_cast %add3A_233 : i32 to index
        %get3A_235 = tpu.vector_load %arg10[%get3A_234] {strides = array<i32>} : memref<9600xf32, #tpu.memory_space<vmem>>, vector<16xf32>,
        %sub3A_236 = arith.subf %get3A_235, %get3A_19 : vector<16xf32>
        %abs3A_237 = math.absf %sub3A_236 : vector<16xf32>
        %add3A_238 = arith.addf %abs3A, %abs3A_189 : vector<16xf32>
        %add3A_239 = arith.addf %abs3A_197, %abs3A_205 : vector<16xf32>
        %add3A_240 = arith.addf %abs3A_213, %abs3A_221 : vector<16xf32>
        %add3A_241 = arith.addf %abs3A_229, %abs3A_237 : vector<16xf32>
        %add3A_242 = arith.addf %add3A_238, %add3A_239 : vector<16xf32>
        %add3A_243 = arith.addf %add3A_240, %add3A_241 : vector<16xf32>
        %add3A_244 = arith.addf %add3A_242, %add3A_243 : vector<16xf32>
        %reduce_sum3A = arith.constant true
        %reduce_sum3A_245 = vector.broadcast %reduce_sum3A : i1 to vector<16xi1>
        %reduce_sum3A_246 = tpu.scan <sum>, %add3A_244 masked %reduce_sum3A_245 : vector<16xf32>, vector<16xi1> -> vector<16xf32>
        %reduce_sum3A_247 = vector.extract %reduce_sum3A_246[15] : f32 from vector<16xf32>
        %lt3A_248 = arith.cmpf olt, %reduce_sum3A_247, %scan3A_170 : f32
        %select_n3A = arith.select %lt3A_248, %reduce_sum3A_247, %scan3A_170 : f32
        %add3A_249 = arith.addi %add3A_157, %add3A_175 : i32
        %select_n3A_250 = arith.select %lt3A_248, %add3A_249, %scan3A_171 : i32
        %mul3A_251 = arith.constant 5 : i32
        %mul3A_252 = arith.muli %scan3A_169, %mul3A_251 : i32
        %add3A_253 = arith.constant 1 : i32
        %add3A_254 = arith.addi %mul3A_252, %add3A_253 : i32
        %mul3A_255 = arith.constant 128 : i32
        %mul3A_256 = arith.muli %add3A_254, %mul3A_255 : i32
        %add3A_257 = arith.constant 0 : i32
        %add3A_258 = arith.addi %mul3A_256, %add3A_257 : i32
        %get3A_259 = arith.index_cast %add3A_258 : i32 to index
        %get3A_260 = tpu.vector_load %arg10[%get3A_259] {strides = array<i32>} : memref<9600xf32, #tpu.memory_space<vmem>>, vector<16xf32>,
        %sub3A_261 = arith.subf %get3A_260, %get3A_5 : vector<16xf32>
        %abs3A_262 = math.absf %sub3A_261 : vector<16xf32>
        %mul3A_263 = arith.constant 128 : i32
        %mul3A_264 = arith.muli %add3A_254, %mul3A_263 : i32
        %add3A_265 = arith.constant 16 : i32
        %add3A_266 = arith.addi %mul3A_264, %add3A_265 : i32
        %get3A_267 = arith.index_cast %add3A_266 : i32 to index
        %get3A_268 = tpu.vector_load %arg10[%get3A_267] {strides = array<i32>} : memref<9600xf32, #tpu.memory_space<vmem>>, vector<16xf32>,
        %sub3A_269 = arith.subf %get3A_268, %get3A_7 : vector<16xf32>
        %abs3A_270 = math.absf %sub3A_269 : vector<16xf32>
        %mul3A_271 = arith.constant 128 : i32
        %mul3A_272 = arith.muli %add3A_254, %mul3A_271 : i32
        %add3A_273 = arith.constant 32 : i32
        %add3A_274 = arith.addi %mul3A_272, %add3A_273 : i32
        %get3A_275 = arith.index_cast %add3A_274 : i32 to index
        %get3A_276 = tpu.vector_load %arg10[%get3A_275] {strides = array<i32>} : memref<9600xf32, #tpu.memory_space<vmem>>, vector<16xf32>,
        %sub3A_277 = arith.subf %get3A_276, %get3A_9 : vector<16xf32>
        %abs3A_278 = math.absf %sub3A_277 : vector<16xf32>
        %mul3A_279 = arith.constant 128 : i32
        %mul3A_280 = arith.muli %add3A_254, %mul3A_279 : i32
        %add3A_281 = arith.constant 48 : i32
        %add3A_282 = arith.addi %mul3A_280, %add3A_281 : i32
        %get3A_283 = arith.index_cast %add3A_282 : i32 to index
        %get3A_284 = tpu.vector_load %arg10[%get3A_283] {strides = array<i32>} : memref<9600xf32, #tpu.memory_space<vmem>>, vector<16xf32>,
        %sub3A_285 = arith.subf %get3A_284, %get3A_11 : vector<16xf32>
        %abs3A_286 = math.absf %sub3A_285 : vector<16xf32>
        %mul3A_287 = arith.constant 128 : i32
        %mul3A_288 = arith.muli %add3A_254, %mul3A_287 : i32
        %add3A_289 = arith.constant 64 : i32
        %add3A_290 = arith.addi %mul3A_288, %add3A_289 : i32
        %get3A_291 = arith.index_cast %add3A_290 : i32 to index
        %get3A_292 = tpu.vector_load %arg10[%get3A_291] {strides = array<i32>} : memref<9600xf32, #tpu.memory_space<vmem>>, vector<16xf32>,
        %sub3A_293 = arith.subf %get3A_292, %get3A_13 : vector<16xf32>
        %abs3A_294 = math.absf %sub3A_293 : vector<16xf32>
        %mul3A_295 = arith.constant 128 : i32
        %mul3A_296 = arith.muli %add3A_254, %mul3A_295 : i32
        %add3A_297 = arith.constant 80 : i32
        %add3A_298 = arith.addi %mul3A_296, %add3A_297 : i32
        %get3A_299 = arith.index_cast %add3A_298 : i32 to index
        %get3A_300 = tpu.vector_load %arg10[%get3A_299] {strides = array<i32>} : memref<9600xf32, #tpu.memory_space<vmem>>, vector<16xf32>,
        %sub3A_301 = arith.subf %get3A_300, %get3A_15 : vector<16xf32>
        %abs3A_302 = math.absf %sub3A_301 : vector<16xf32>
        %mul3A_303 = arith.constant 128 : i32
        %mul3A_304 = arith.muli %add3A_254, %mul3A_303 : i32
        %add3A_305 = arith.constant 96 : i32
        %add3A_306 = arith.addi %mul3A_304, %add3A_305 : i32
        %get3A_307 = arith.index_cast %add3A_306 : i32 to index
        %get3A_308 = tpu.vector_load %arg10[%get3A_307] {strides = array<i32>} : memref<9600xf32, #tpu.memory_space<vmem>>, vector<16xf32>,
        %sub3A_309 = arith.subf %get3A_308, %get3A_17 : vector<16xf32>
        %abs3A_310 = math.absf %sub3A_309 : vector<16xf32>
        %mul3A_311 = arith.constant 128 : i32
        %mul3A_312 = arith.muli %add3A_254, %mul3A_311 : i32
        %add3A_313 = arith.constant 112 : i32
        %add3A_314 = arith.addi %mul3A_312, %add3A_313 : i32
        %get3A_315 = arith.index_cast %add3A_314 : i32 to index
        %get3A_316 = tpu.vector_load %arg10[%get3A_315] {strides = array<i32>} : memref<9600xf32, #tpu.memory_space<vmem>>, vector<16xf32>,
        %sub3A_317 = arith.subf %get3A_316, %get3A_19 : vector<16xf32>
        %abs3A_318 = math.absf %sub3A_317 : vector<16xf32>
        %add3A_319 = arith.addf %abs3A_262, %abs3A_270 : vector<16xf32>
        %add3A_320 = arith.addf %abs3A_278, %abs3A_286 : vector<16xf32>
        %add3A_321 = arith.addf %abs3A_294, %abs3A_302 : vector<16xf32>
        %add3A_322 = arith.addf %abs3A_310, %abs3A_318 : vector<16xf32>
        %add3A_323 = arith.addf %add3A_319, %add3A_320 : vector<16xf32>
        %add3A_324 = arith.addf %add3A_321, %add3A_322 : vector<16xf32>
        %add3A_325 = arith.addf %add3A_323, %add3A_324 : vector<16xf32>
        %reduce_sum3A_326 = arith.constant true
        %reduce_sum3A_327 = vector.broadcast %reduce_sum3A_326 : i1 to vector<16xi1>
        %reduce_sum3A_328 = tpu.scan <sum>, %add3A_325 masked %reduce_sum3A_327 : vector<16xf32>, vector<16xi1> -> vector<16xf32>
        %reduce_sum3A_329 = vector.extract %reduce_sum3A_328[15] : f32 from vector<16xf32>
        %lt3A_330 = arith.cmpf olt, %reduce_sum3A_329, %select_n3A : f32
        %select_n3A_331 = arith.select %lt3A_330, %reduce_sum3A_329, %select_n3A : f32
        %add3A_332 = arith.addi %add3A_157, %add3A_254 : i32
        %select_n3A_333 = arith.select %lt3A_330, %add3A_332, %select_n3A_250 : i32
        %mul3A_334 = arith.constant 5 : i32
        %mul3A_335 = arith.muli %scan3A_169, %mul3A_334 : i32
        %add3A_336 = arith.constant 2 : i32
        %add3A_337 = arith.addi %mul3A_335, %add3A_336 : i32
        %mul3A_338 = arith.constant 128 : i32
        %mul3A_339 = arith.muli %add3A_337, %mul3A_338 : i32
        %add3A_340 = arith.constant 0 : i32
        %add3A_341 = arith.addi %mul3A_339, %add3A_340 : i32
        %get3A_342 = arith.index_cast %add3A_341 : i32 to index
        %get3A_343 = tpu.vector_load %arg10[%get3A_342] {strides = array<i32>} : memref<9600xf32, #tpu.memory_space<vmem>>, vector<16xf32>,
        %sub3A_344 = arith.subf %get3A_343, %get3A_5 : vector<16xf32>
        %abs3A_345 = math.absf %sub3A_344 : vector<16xf32>
        %mul3A_346 = arith.constant 128 : i32
        %mul3A_347 = arith.muli %add3A_337, %mul3A_346 : i32
        %add3A_348 = arith.constant 16 : i32
        %add3A_349 = arith.addi %mul3A_347, %add3A_348 : i32
        %get3A_350 = arith.index_cast %add3A_349 : i32 to index
        %get3A_351 = tpu.vector_load %arg10[%get3A_350] {strides = array<i32>} : memref<9600xf32, #tpu.memory_space<vmem>>, vector<16xf32>,
        %sub3A_352 = arith.subf %get3A_351, %get3A_7 : vector<16xf32>
        %abs3A_353 = math.absf %sub3A_352 : vector<16xf32>
        %mul3A_354 = arith.constant 128 : i32
        %mul3A_355 = arith.muli %add3A_337, %mul3A_354 : i32
        %add3A_356 = arith.constant 32 : i32
        %add3A_357 = arith.addi %mul3A_355, %add3A_356 : i32
        %get3A_358 = arith.index_cast %add3A_357 : i32 to index
        %get3A_359 = tpu.vector_load %arg10[%get3A_358] {strides = array<i32>} : memref<9600xf32, #tpu.memory_space<vmem>>, vector<16xf32>,
        %sub3A_360 = arith.subf %get3A_359, %get3A_9 : vector<16xf32>
        %abs3A_361 = math.absf %sub3A_360 : vector<16xf32>
        %mul3A_362 = arith.constant 128 : i32
        %mul3A_363 = arith.muli %add3A_337, %mul3A_362 : i32
        %add3A_364 = arith.constant 48 : i32
        %add3A_365 = arith.addi %mul3A_363, %add3A_364 : i32
        %get3A_366 = arith.index_cast %add3A_365 : i32 to index
        %get3A_367 = tpu.vector_load %arg10[%get3A_366] {strides = array<i32>} : memref<9600xf32, #tpu.memory_space<vmem>>, vector<16xf32>,
        %sub3A_368 = arith.subf %get3A_367, %get3A_11 : vector<16xf32>
        %abs3A_369 = math.absf %sub3A_368 : vector<16xf32>
        %mul3A_370 = arith.constant 128 : i32
        %mul3A_371 = arith.muli %add3A_337, %mul3A_370 : i32
        %add3A_372 = arith.constant 64 : i32
        %add3A_373 = arith.addi %mul3A_371, %add3A_372 : i32
        %get3A_374 = arith.index_cast %add3A_373 : i32 to index
        %get3A_375 = tpu.vector_load %arg10[%get3A_374] {strides = array<i32>} : memref<9600xf32, #tpu.memory_space<vmem>>, vector<16xf32>,
        %sub3A_376 = arith.subf %get3A_375, %get3A_13 : vector<16xf32>
        %abs3A_377 = math.absf %sub3A_376 : vector<16xf32>
        %mul3A_378 = arith.constant 128 : i32
        %mul3A_379 = arith.muli %add3A_337, %mul3A_378 : i32
        %add3A_380 = arith.constant 80 : i32
        %add3A_381 = arith.addi %mul3A_379, %add3A_380 : i32
        %get3A_382 = arith.index_cast %add3A_381 : i32 to index
        %get3A_383 = tpu.vector_load %arg10[%get3A_382] {strides = array<i32>} : memref<9600xf32, #tpu.memory_space<vmem>>, vector<16xf32>,
        %sub3A_384 = arith.subf %get3A_383, %get3A_15 : vector<16xf32>
        %abs3A_385 = math.absf %sub3A_384 : vector<16xf32>
        %mul3A_386 = arith.constant 128 : i32
        %mul3A_387 = arith.muli %add3A_337, %mul3A_386 : i32
        %add3A_388 = arith.constant 96 : i32
        %add3A_389 = arith.addi %mul3A_387, %add3A_388 : i32
        %get3A_390 = arith.index_cast %add3A_389 : i32 to index
        %get3A_391 = tpu.vector_load %arg10[%get3A_390] {strides = array<i32>} : memref<9600xf32, #tpu.memory_space<vmem>>, vector<16xf32>,
        %sub3A_392 = arith.subf %get3A_391, %get3A_17 : vector<16xf32>
        %abs3A_393 = math.absf %sub3A_392 : vector<16xf32>
        %mul3A_394 = arith.constant 128 : i32
        %mul3A_395 = arith.muli %add3A_337, %mul3A_394 : i32
        %add3A_396 = arith.constant 112 : i32
        %add3A_397 = arith.addi %mul3A_395, %add3A_396 : i32
        %get3A_398 = arith.index_cast %add3A_397 : i32 to index
        %get3A_399 = tpu.vector_load %arg10[%get3A_398] {strides = array<i32>} : memref<9600xf32, #tpu.memory_space<vmem>>, vector<16xf32>,
        %sub3A_400 = arith.subf %get3A_399, %get3A_19 : vector<16xf32>
        %abs3A_401 = math.absf %sub3A_400 : vector<16xf32>
        %add3A_402 = arith.addf %abs3A_345, %abs3A_353 : vector<16xf32>
        %add3A_403 = arith.addf %abs3A_361, %abs3A_369 : vector<16xf32>
        %add3A_404 = arith.addf %abs3A_377, %abs3A_385 : vector<16xf32>
        %add3A_405 = arith.addf %abs3A_393, %abs3A_401 : vector<16xf32>
        %add3A_406 = arith.addf %add3A_402, %add3A_403 : vector<16xf32>
        %add3A_407 = arith.addf %add3A_404, %add3A_405 : vector<16xf32>
        %add3A_408 = arith.addf %add3A_406, %add3A_407 : vector<16xf32>
        %reduce_sum3A_409 = arith.constant true
        %reduce_sum3A_410 = vector.broadcast %reduce_sum3A_409 : i1 to vector<16xi1>
        %reduce_sum3A_411 = tpu.scan <sum>, %add3A_408 masked %reduce_sum3A_410 : vector<16xf32>, vector<16xi1> -> vector<16xf32>
        %reduce_sum3A_412 = vector.extract %reduce_sum3A_411[15] : f32 from vector<16xf32>
        %lt3A_413 = arith.cmpf olt, %reduce_sum3A_412, %select_n3A_331 : f32
        %select_n3A_414 = arith.select %lt3A_413, %reduce_sum3A_412, %select_n3A_331 : f32
        %add3A_415 = arith.addi %add3A_157, %add3A_337 : i32
        %select_n3A_416 = arith.select %lt3A_413, %add3A_415, %select_n3A_333 : i32
        %mul3A_417 = arith.constant 5 : i32
        %mul3A_418 = arith.muli %scan3A_169, %mul3A_417 : i32
        %add3A_419 = arith.constant 3 : i32
        %add3A_420 = arith.addi %mul3A_418, %add3A_419 : i32
        %mul3A_421 = arith.constant 128 : i32
        %mul3A_422 = arith.muli %add3A_420, %mul3A_421 : i32
        %add3A_423 = arith.constant 0 : i32
        %add3A_424 = arith.addi %mul3A_422, %add3A_423 : i32
        %get3A_425 = arith.index_cast %add3A_424 : i32 to index
        %get3A_426 = tpu.vector_load %arg10[%get3A_425] {strides = array<i32>} : memref<9600xf32, #tpu.memory_space<vmem>>, vector<16xf32>,
        %sub3A_427 = arith.subf %get3A_426, %get3A_5 : vector<16xf32>
        %abs3A_428 = math.absf %sub3A_427 : vector<16xf32>
        %mul3A_429 = arith.constant 128 : i32
        %mul3A_430 = arith.muli %add3A_420, %mul3A_429 : i32
        %add3A_431 = arith.constant 16 : i32
        %add3A_432 = arith.addi %mul3A_430, %add3A_431 : i32
        %get3A_433 = arith.index_cast %add3A_432 : i32 to index
        %get3A_434 = tpu.vector_load %arg10[%get3A_433] {strides = array<i32>} : memref<9600xf32, #tpu.memory_space<vmem>>, vector<16xf32>,
        %sub3A_435 = arith.subf %get3A_434, %get3A_7 : vector<16xf32>
        %abs3A_436 = math.absf %sub3A_435 : vector<16xf32>
        %mul3A_437 = arith.constant 128 : i32
        %mul3A_438 = arith.muli %add3A_420, %mul3A_437 : i32
        %add3A_439 = arith.constant 32 : i32
        %add3A_440 = arith.addi %mul3A_438, %add3A_439 : i32
        %get3A_441 = arith.index_cast %add3A_440 : i32 to index
        %get3A_442 = tpu.vector_load %arg10[%get3A_441] {strides = array<i32>} : memref<9600xf32, #tpu.memory_space<vmem>>, vector<16xf32>,
        %sub3A_443 = arith.subf %get3A_442, %get3A_9 : vector<16xf32>
        %abs3A_444 = math.absf %sub3A_443 : vector<16xf32>
        %mul3A_445 = arith.constant 128 : i32
        %mul3A_446 = arith.muli %add3A_420, %mul3A_445 : i32
        %add3A_447 = arith.constant 48 : i32
        %add3A_448 = arith.addi %mul3A_446, %add3A_447 : i32
        %get3A_449 = arith.index_cast %add3A_448 : i32 to index
        %get3A_450 = tpu.vector_load %arg10[%get3A_449] {strides = array<i32>} : memref<9600xf32, #tpu.memory_space<vmem>>, vector<16xf32>,
        %sub3A_451 = arith.subf %get3A_450, %get3A_11 : vector<16xf32>
        %abs3A_452 = math.absf %sub3A_451 : vector<16xf32>
        %mul3A_453 = arith.constant 128 : i32
        %mul3A_454 = arith.muli %add3A_420, %mul3A_453 : i32
        %add3A_455 = arith.constant 64 : i32
        %add3A_456 = arith.addi %mul3A_454, %add3A_455 : i32
        %get3A_457 = arith.index_cast %add3A_456 : i32 to index
        %get3A_458 = tpu.vector_load %arg10[%get3A_457] {strides = array<i32>} : memref<9600xf32, #tpu.memory_space<vmem>>, vector<16xf32>,
        %sub3A_459 = arith.subf %get3A_458, %get3A_13 : vector<16xf32>
        %abs3A_460 = math.absf %sub3A_459 : vector<16xf32>
        %mul3A_461 = arith.constant 128 : i32
        %mul3A_462 = arith.muli %add3A_420, %mul3A_461 : i32
        %add3A_463 = arith.constant 80 : i32
        %add3A_464 = arith.addi %mul3A_462, %add3A_463 : i32
        %get3A_465 = arith.index_cast %add3A_464 : i32 to index
        %get3A_466 = tpu.vector_load %arg10[%get3A_465] {strides = array<i32>} : memref<9600xf32, #tpu.memory_space<vmem>>, vector<16xf32>,
        %sub3A_467 = arith.subf %get3A_466, %get3A_15 : vector<16xf32>
        %abs3A_468 = math.absf %sub3A_467 : vector<16xf32>
        %mul3A_469 = arith.constant 128 : i32
        %mul3A_470 = arith.muli %add3A_420, %mul3A_469 : i32
        %add3A_471 = arith.constant 96 : i32
        %add3A_472 = arith.addi %mul3A_470, %add3A_471 : i32
        %get3A_473 = arith.index_cast %add3A_472 : i32 to index
        %get3A_474 = tpu.vector_load %arg10[%get3A_473] {strides = array<i32>} : memref<9600xf32, #tpu.memory_space<vmem>>, vector<16xf32>,
        %sub3A_475 = arith.subf %get3A_474, %get3A_17 : vector<16xf32>
        %abs3A_476 = math.absf %sub3A_475 : vector<16xf32>
        %mul3A_477 = arith.constant 128 : i32
        %mul3A_478 = arith.muli %add3A_420, %mul3A_477 : i32
        %add3A_479 = arith.constant 112 : i32
        %add3A_480 = arith.addi %mul3A_478, %add3A_479 : i32
        %get3A_481 = arith.index_cast %add3A_480 : i32 to index
        %get3A_482 = tpu.vector_load %arg10[%get3A_481] {strides = array<i32>} : memref<9600xf32, #tpu.memory_space<vmem>>, vector<16xf32>,
        %sub3A_483 = arith.subf %get3A_482, %get3A_19 : vector<16xf32>
        %abs3A_484 = math.absf %sub3A_483 : vector<16xf32>
        %add3A_485 = arith.addf %abs3A_428, %abs3A_436 : vector<16xf32>
        %add3A_486 = arith.addf %abs3A_444, %abs3A_452 : vector<16xf32>
        %add3A_487 = arith.addf %abs3A_460, %abs3A_468 : vector<16xf32>
        %add3A_488 = arith.addf %abs3A_476, %abs3A_484 : vector<16xf32>
        %add3A_489 = arith.addf %add3A_485, %add3A_486 : vector<16xf32>
        %add3A_490 = arith.addf %add3A_487, %add3A_488 : vector<16xf32>
        %add3A_491 = arith.addf %add3A_489, %add3A_490 : vector<16xf32>
        %reduce_sum3A_492 = arith.constant true
        %reduce_sum3A_493 = vector.broadcast %reduce_sum3A_492 : i1 to vector<16xi1>
        %reduce_sum3A_494 = tpu.scan <sum>, %add3A_491 masked %reduce_sum3A_493 : vector<16xf32>, vector<16xi1> -> vector<16xf32>
        %reduce_sum3A_495 = vector.extract %reduce_sum3A_494[15] : f32 from vector<16xf32>
        %lt3A_496 = arith.cmpf olt, %reduce_sum3A_495, %select_n3A_414 : f32
        %select_n3A_497 = arith.select %lt3A_496, %reduce_sum3A_495, %select_n3A_414 : f32
        %add3A_498 = arith.addi %add3A_157, %add3A_420 : i32
        %select_n3A_499 = arith.select %lt3A_496, %add3A_498, %select_n3A_416 : i32
        %mul3A_500 = arith.constant 5 : i32
        %mul3A_501 = arith.muli %scan3A_169, %mul3A_500 : i32
        %add3A_502 = arith.constant 4 : i32
        %add3A_503 = arith.addi %mul3A_501, %add3A_502 : i32
        %mul3A_504 = arith.constant 128 : i32
        %mul3A_505 = arith.muli %add3A_503, %mul3A_504 : i32
        %add3A_506 = arith.constant 0 : i32
        %add3A_507 = arith.addi %mul3A_505, %add3A_506 : i32
        %get3A_508 = arith.index_cast %add3A_507 : i32 to index
        %get3A_509 = tpu.vector_load %arg10[%get3A_508] {strides = array<i32>} : memref<9600xf32, #tpu.memory_space<vmem>>, vector<16xf32>,
        %sub3A_510 = arith.subf %get3A_509, %get3A_5 : vector<16xf32>
        %abs3A_511 = math.absf %sub3A_510 : vector<16xf32>
        %mul3A_512 = arith.constant 128 : i32
        %mul3A_513 = arith.muli %add3A_503, %mul3A_512 : i32
        %add3A_514 = arith.constant 16 : i32
        %add3A_515 = arith.addi %mul3A_513, %add3A_514 : i32
        %get3A_516 = arith.index_cast %add3A_515 : i32 to index
        %get3A_517 = tpu.vector_load %arg10[%get3A_516] {strides = array<i32>} : memref<9600xf32, #tpu.memory_space<vmem>>, vector<16xf32>,
        %sub3A_518 = arith.subf %get3A_517, %get3A_7 : vector<16xf32>
        %abs3A_519 = math.absf %sub3A_518 : vector<16xf32>
        %mul3A_520 = arith.constant 128 : i32
        %mul3A_521 = arith.muli %add3A_503, %mul3A_520 : i32
        %add3A_522 = arith.constant 32 : i32
        %add3A_523 = arith.addi %mul3A_521, %add3A_522 : i32
        %get3A_524 = arith.index_cast %add3A_523 : i32 to index
        %get3A_525 = tpu.vector_load %arg10[%get3A_524] {strides = array<i32>} : memref<9600xf32, #tpu.memory_space<vmem>>, vector<16xf32>,
        %sub3A_526 = arith.subf %get3A_525, %get3A_9 : vector<16xf32>
        %abs3A_527 = math.absf %sub3A_526 : vector<16xf32>
        %mul3A_528 = arith.constant 128 : i32
        %mul3A_529 = arith.muli %add3A_503, %mul3A_528 : i32
        %add3A_530 = arith.constant 48 : i32
        %add3A_531 = arith.addi %mul3A_529, %add3A_530 : i32
        %get3A_532 = arith.index_cast %add3A_531 : i32 to index
        %get3A_533 = tpu.vector_load %arg10[%get3A_532] {strides = array<i32>} : memref<9600xf32, #tpu.memory_space<vmem>>, vector<16xf32>,
        %sub3A_534 = arith.subf %get3A_533, %get3A_11 : vector<16xf32>
        %abs3A_535 = math.absf %sub3A_534 : vector<16xf32>
        %mul3A_536 = arith.constant 128 : i32
        %mul3A_537 = arith.muli %add3A_503, %mul3A_536 : i32
        %add3A_538 = arith.constant 64 : i32
        %add3A_539 = arith.addi %mul3A_537, %add3A_538 : i32
        %get3A_540 = arith.index_cast %add3A_539 : i32 to index
        %get3A_541 = tpu.vector_load %arg10[%get3A_540] {strides = array<i32>} : memref<9600xf32, #tpu.memory_space<vmem>>, vector<16xf32>,
        %sub3A_542 = arith.subf %get3A_541, %get3A_13 : vector<16xf32>
        %abs3A_543 = math.absf %sub3A_542 : vector<16xf32>
        %mul3A_544 = arith.constant 128 : i32
        %mul3A_545 = arith.muli %add3A_503, %mul3A_544 : i32
        %add3A_546 = arith.constant 80 : i32
        %add3A_547 = arith.addi %mul3A_545, %add3A_546 : i32
        %get3A_548 = arith.index_cast %add3A_547 : i32 to index
        %get3A_549 = tpu.vector_load %arg10[%get3A_548] {strides = array<i32>} : memref<9600xf32, #tpu.memory_space<vmem>>, vector<16xf32>,
        %sub3A_550 = arith.subf %get3A_549, %get3A_15 : vector<16xf32>
        %abs3A_551 = math.absf %sub3A_550 : vector<16xf32>
        %mul3A_552 = arith.constant 128 : i32
        %mul3A_553 = arith.muli %add3A_503, %mul3A_552 : i32
        %add3A_554 = arith.constant 96 : i32
        %add3A_555 = arith.addi %mul3A_553, %add3A_554 : i32
        %get3A_556 = arith.index_cast %add3A_555 : i32 to index
        %get3A_557 = tpu.vector_load %arg10[%get3A_556] {strides = array<i32>} : memref<9600xf32, #tpu.memory_space<vmem>>, vector<16xf32>,
        %sub3A_558 = arith.subf %get3A_557, %get3A_17 : vector<16xf32>
        %abs3A_559 = math.absf %sub3A_558 : vector<16xf32>
        %mul3A_560 = arith.constant 128 : i32
        %mul3A_561 = arith.muli %add3A_503, %mul3A_560 : i32
        %add3A_562 = arith.constant 112 : i32
        %add3A_563 = arith.addi %mul3A_561, %add3A_562 : i32
        %get3A_564 = arith.index_cast %add3A_563 : i32 to index
        %get3A_565 = tpu.vector_load %arg10[%get3A_564] {strides = array<i32>} : memref<9600xf32, #tpu.memory_space<vmem>>, vector<16xf32>,
        %sub3A_566 = arith.subf %get3A_565, %get3A_19 : vector<16xf32>
        %abs3A_567 = math.absf %sub3A_566 : vector<16xf32>
        %add3A_568 = arith.addf %abs3A_511, %abs3A_519 : vector<16xf32>
        %add3A_569 = arith.addf %abs3A_527, %abs3A_535 : vector<16xf32>
        %add3A_570 = arith.addf %abs3A_543, %abs3A_551 : vector<16xf32>
        %add3A_571 = arith.addf %abs3A_559, %abs3A_567 : vector<16xf32>
        %add3A_572 = arith.addf %add3A_568, %add3A_569 : vector<16xf32>
        %add3A_573 = arith.addf %add3A_570, %add3A_571 : vector<16xf32>
        %add3A_574 = arith.addf %add3A_572, %add3A_573 : vector<16xf32>
        %reduce_sum3A_575 = arith.constant true
        %reduce_sum3A_576 = vector.broadcast %reduce_sum3A_575 : i1 to vector<16xi1>
        %reduce_sum3A_577 = tpu.scan <sum>, %add3A_574 masked %reduce_sum3A_576 : vector<16xf32>, vector<16xi1> -> vector<16xf32>
        %reduce_sum3A_578 = vector.extract %reduce_sum3A_577[15] : f32 from vector<16xf32>
        %lt3A_579 = arith.cmpf olt, %reduce_sum3A_578, %select_n3A_497 : f32
        %select_n3A_580 = arith.select %lt3A_579, %reduce_sum3A_578, %select_n3A_497 : f32
        %add3A_581 = arith.addi %add3A_157, %add3A_503 : i32
        %select_n3A_582 = arith.select %lt3A_579, %add3A_581, %select_n3A_499 : i32
        scf.yield %select_n3A_580, %select_n3A_582 : f32, i32
      }
      %scan3A_163 = arith.constant 15 : i32
      %lt3A_164 = arith.constant 2 : i32
      %lt3A_165 = arith.cmpi slt, %scan3A_60, %lt3A_164 : i32
      %convert_element_type3A_166 = arith.extui %lt3A_165 : i1 to i32
      %cond3A_167 = arith.constant 0 : i32
      %cond3A_168 = arith.cmpi ne, %convert_element_type3A_166, %cond3A_167 : i32
      scf.if %cond3A_168 {
        %add3A_169 = arith.constant 5 : i32
        %add3A_170 = arith.addi %add3A_150, %add3A_169 : i32
        %mul3A_171 = arith.constant 75 : i32
        %mul3A_172 = arith.muli %add3A_170, %mul3A_171 : i32
        %add3A_173 = arith.addi %add3A_4, %mul3A_172 : i32
        %mul3A_174 = arith.constant 128 : i32
        %mul3A_175 = arith.muli %add3A_173, %mul3A_174 : i32
        %dma_start3A_176 = tpu.memref_slice %arg2[%mul3A_175] : memref<12800000xf32, #tpu.memory_space<hbm>> -> memref<9600xf32, #tpu.memory_space<hbm>>
        %dma_start3A_177 = tpu.memref_slice %arg2[%mul3A_175] : memref<12800000xf32, #tpu.memory_space<hbm>> -> memref<9600xf32, #tpu.memory_space<hbm>>
        tpu.enqueue_dma source(%dma_start3A_177 : memref<9600xf32, #tpu.memory_space<hbm>>) target(%arg10 : memref<9600xf32, #tpu.memory_space<vmem>>) target_semaphore(%arg18 : memref<!tpu.dma_semaphore, #tpu.memory_space<semaphore_mem>>)
      } else {
      }
      scf.yield %scan3A_162#0, %scan3A_162#1 : f32, i32
    }
    %scan3A_55 = arith.constant 3 : i32
    %broadcast_in_dim3A = vector.broadcast %scan3A_54#0 : f32 to vector<16xf32>
    %swap3A = arith.constant 0 : index
    %swap3A_56 = tpu.vector_load %arg12[%swap3A] {strides = array<i32>} : memref<16xf32, #tpu.memory_space<vmem>>, vector<16xf32>,
    tpu.vector_store %arg12[%swap3A], %broadcast_in_dim3A {strides = array<i32>} : memref<16xf32, #tpu.memory_space<vmem>>, vector<16xf32>,
    %broadcast_in_dim3A_57 = vector.broadcast %scan3A_54#1 : i32 to vector<16xi32>
    %swap3A_58 = arith.constant 0 : index
    %swap3A_59 = tpu.vector_load %arg13[%swap3A_58] {strides = array<i32>} : memref<16xi32, #tpu.memory_space<vmem>>, vector<16xi32>,
    tpu.vector_store %arg13[%swap3A_58], %broadcast_in_dim3A_57 {strides = array<i32>} : memref<16xi32, #tpu.memory_space<vmem>>, vector<16xi32>,
    "tpu.region"() ({
      %run_scoped3A = tpu.sem_alloc : memref<!tpu.dma_semaphore, #tpu.memory_space<semaphore_mem>>
      %dma_start3A_60 = arith.constant 0 : i32
      %dma_start3A_61 = tpu.memref_slice %arg4[%add3A, %dma_start3A_60] : memref<32x16xf32, #tpu.memory_space<hbm>> -> memref<1x16xf32, #tpu.memory_space<hbm>>
      %dma_start3A_62 = tpu.memref_squeeze %dma_start3A_61 : memref<1x16xf32, #tpu.memory_space<hbm>> -> memref<16xf32, #tpu.memory_space<hbm>>
      %dma_start3A_63 = arith.constant 0 : i32
      %dma_start3A_64 = tpu.memref_slice %arg4[%add3A, %dma_start3A_63] : memref<32x16xf32, #tpu.memory_space<hbm>> -> memref<1x16xf32, #tpu.memory_space<hbm>>
      %dma_start3A_65 = tpu.memref_squeeze %dma_start3A_64 : memref<1x16xf32, #tpu.memory_space<hbm>> -> memref<16xf32, #tpu.memory_space<hbm>>
      tpu.enqueue_dma source(%arg12 : memref<16xf32, #tpu.memory_space<vmem>>) target(%dma_start3A_65 : memref<16xf32, #tpu.memory_space<hbm>>) target_semaphore(%run_scoped3A : memref<!tpu.dma_semaphore, #tpu.memory_space<semaphore_mem>>)
      %dma_wait3A = arith.constant 0 : i32
      %dma_wait3A_66 = tpu.memref_slice %arg4[%add3A, %dma_wait3A] : memref<32x16xf32, #tpu.memory_space<hbm>> -> memref<1x16xf32, #tpu.memory_space<hbm>>
      %dma_wait3A_67 = tpu.memref_squeeze %dma_wait3A_66 : memref<1x16xf32, #tpu.memory_space<hbm>> -> memref<16xf32, #tpu.memory_space<hbm>>
      %dma_wait3A_68 = arith.constant 0 : i32
      %dma_wait3A_69 = tpu.memref_slice %arg4[%add3A, %dma_wait3A_68] : memref<32x16xf32, #tpu.memory_space<hbm>> -> memref<1x16xf32, #tpu.memory_space<hbm>>
      %dma_wait3A_70 = tpu.memref_squeeze %dma_wait3A_69 : memref<1x16xf32, #tpu.memory_space<hbm>> -> memref<16xf32, #tpu.memory_space<hbm>>
      tpu.wait_dma2 semaphore(%run_scoped3A : memref<!tpu.dma_semaphore, #tpu.memory_space<semaphore_mem>>) src(%arg12 : memref<16xf32, #tpu.memory_space<vmem>>) dst(%dma_wait3A_70 : memref<16xf32, #tpu.memory_space<hbm>>)
      tpu.yield
    }) : () -> ()
    "tpu.region"() ({
      %run_scoped3A = tpu.sem_alloc : memref<!tpu.dma_semaphore, #tpu.memory_space<semaphore_mem>>
      %dma_start3A_60 = arith.constant 0 : i32
      %dma_start3A_61 = tpu.memref_slice %arg5[%add3A, %dma_start3A_60] : memref<32x16xi32, #tpu.memory_space<hbm>> -> memref<1x16xi32, #tpu.memory_space<hbm>>
      %dma_start3A_62 = tpu.memref_squeeze %dma_start3A_61 : memref<1x16xi32, #tpu.memory_space<hbm>> -> memref<16xi32, #tpu.memory_space<hbm>>
      %dma_start3A_63 = arith.constant 0 : i32
      %dma_start3A_64 = tpu.memref_slice %arg5[%add3A, %dma_start3A_63] : memref<32x16xi32, #tpu.memory_space<hbm>> -> memref<1x16xi32, #tpu.memory_space<hbm>>
      %dma_start3A_65 = tpu.memref_squeeze %dma_start3A_64 : memref<1x16xi32, #tpu.memory_space<hbm>> -> memref<16xi32, #tpu.memory_space<hbm>>
      tpu.enqueue_dma source(%arg13 : memref<16xi32, #tpu.memory_space<vmem>>) target(%dma_start3A_65 : memref<16xi32, #tpu.memory_space<hbm>>) target_semaphore(%run_scoped3A : memref<!tpu.dma_semaphore, #tpu.memory_space<semaphore_mem>>)
      %dma_wait3A = arith.constant 0 : i32
      %dma_wait3A_66 = tpu.memref_slice %arg5[%add3A, %dma_wait3A] : memref<32x16xi32, #tpu.memory_space<hbm>> -> memref<1x16xi32, #tpu.memory_space<hbm>>
      %dma_wait3A_67 = tpu.memref_squeeze %dma_wait3A_66 : memref<1x16xi32, #tpu.memory_space<hbm>> -> memref<16xi32, #tpu.memory_space<hbm>>
      %dma_wait3A_68 = arith.constant 0 : i32
      %dma_wait3A_69 = tpu.memref_slice %arg5[%add3A, %dma_wait3A_68] : memref<32x16xi32, #tpu.memory_space<hbm>> -> memref<1x16xi32, #tpu.memory_space<hbm>>
      %dma_wait3A_70 = tpu.memref_squeeze %dma_wait3A_69 : memref<1x16xi32, #tpu.memory_space<hbm>> -> memref<16xi32, #tpu.memory_space<hbm>>
      tpu.wait_dma2 semaphore(%run_scoped3A : memref<!tpu.dma_semaphore, #tpu.memory_space<semaphore_mem>>) src(%arg13 : memref<16xi32, #tpu.memory_space<vmem>>) dst(%dma_wait3A_70 : memref<16xi32, #tpu.memory_space<hbm>>)
      tpu.yield
    }) : () -> ()
    return
  }
}

module attributes {stable_mosaic.version = 14 : i64} {
  func.func @body(%arg0: memref<100000x128xf32, #tpu.memory_space<any>>, %arg1: memref<1x128xf32, #tpu.memory_space<vmem>>, %arg2: memref<1xf32, #tpu.memory_space<smem>>, %arg3: memref<1xi32, #tpu.memory_space<smem>>, %arg4: memref<2560x128xf32, #tpu.memory_space<vmem>>, %arg5: memref<2560x128xf32, #tpu.memory_space<vmem>>, %arg6: memref<2560x128xf32, #tpu.memory_space<vmem>>, %arg7: memref<2560x128xf32, #tpu.memory_space<vmem>>, %arg8: memref<2560x128xf32, #tpu.memory_space<vmem>>, %arg9: memref<!tpu.dma_semaphore, #tpu.memory_space<semaphore_mem>>, %arg10: memref<!tpu.dma_semaphore, #tpu.memory_space<semaphore_mem>>, %arg11: memref<!tpu.dma_semaphore, #tpu.memory_space<semaphore_mem>>, %arg12: memref<!tpu.dma_semaphore, #tpu.memory_space<semaphore_mem>>, %arg13: memref<!tpu.dma_semaphore, #tpu.memory_space<semaphore_mem>>) attributes {dimension_semantics = [], scalar_prefetch = 0 : i64, scratch_operands = 10 : i64, tpu.core_type = #tpu.core_type<tc>} {
    %get3A = arith.constant 0 : index
    %get3A_0 = arith.constant 0 : index
    %get3A_1 = vector.load %arg1[%get3A, %get3A_0] : memref<1x128xf32, #tpu.memory_space<vmem>>, vector<1x128xf32>
    %iota3A = tpu.iota {dimensions = array<i32: 1>} : vector<1x128xi32>
    %dma_start3A = arith.constant 0 : i32
    %dma_start3A_2 = arith.constant 0 : i32
    %dma_start3A_3 = tpu.memref_slice %arg0[%dma_start3A, %dma_start3A_2] : memref<100000x128xf32, #tpu.memory_space<any>> -> memref<2560x128xf32, #tpu.memory_space<any>>
    tpu.enqueue_dma source(%dma_start3A_3 : memref<2560x128xf32, #tpu.memory_space<any>>) target(%arg4 : memref<2560x128xf32, #tpu.memory_space<vmem>>) target_semaphore(%arg9 : memref<!tpu.dma_semaphore, #tpu.memory_space<semaphore_mem>>)
    %dma_start3A_4 = arith.constant 2560 : i32
    %dma_start3A_5 = arith.constant 0 : i32
    %dma_start3A_6 = tpu.memref_slice %arg0[%dma_start3A_4, %dma_start3A_5] : memref<100000x128xf32, #tpu.memory_space<any>> -> memref<2560x128xf32, #tpu.memory_space<any>>
    tpu.enqueue_dma source(%dma_start3A_6 : memref<2560x128xf32, #tpu.memory_space<any>>) target(%arg5 : memref<2560x128xf32, #tpu.memory_space<vmem>>) target_semaphore(%arg10 : memref<!tpu.dma_semaphore, #tpu.memory_space<semaphore_mem>>)
    %dma_start3A_7 = arith.constant 5120 : i32
    %dma_start3A_8 = arith.constant 0 : i32
    %dma_start3A_9 = tpu.memref_slice %arg0[%dma_start3A_7, %dma_start3A_8] : memref<100000x128xf32, #tpu.memory_space<any>> -> memref<2560x128xf32, #tpu.memory_space<any>>
    tpu.enqueue_dma source(%dma_start3A_9 : memref<2560x128xf32, #tpu.memory_space<any>>) target(%arg6 : memref<2560x128xf32, #tpu.memory_space<vmem>>) target_semaphore(%arg11 : memref<!tpu.dma_semaphore, #tpu.memory_space<semaphore_mem>>)
    %dma_start3A_10 = arith.constant 7680 : i32
    %dma_start3A_11 = arith.constant 0 : i32
    %dma_start3A_12 = tpu.memref_slice %arg0[%dma_start3A_10, %dma_start3A_11] : memref<100000x128xf32, #tpu.memory_space<any>> -> memref<2560x128xf32, #tpu.memory_space<any>>
    tpu.enqueue_dma source(%dma_start3A_12 : memref<2560x128xf32, #tpu.memory_space<any>>) target(%arg7 : memref<2560x128xf32, #tpu.memory_space<vmem>>) target_semaphore(%arg12 : memref<!tpu.dma_semaphore, #tpu.memory_space<semaphore_mem>>)
    %dma_start3A_13 = arith.constant 10240 : i32
    %dma_start3A_14 = arith.constant 0 : i32
    %dma_start3A_15 = tpu.memref_slice %arg0[%dma_start3A_13, %dma_start3A_14] : memref<100000x128xf32, #tpu.memory_space<any>> -> memref<2560x128xf32, #tpu.memory_space<any>>
    tpu.enqueue_dma source(%dma_start3A_15 : memref<2560x128xf32, #tpu.memory_space<any>>) target(%arg8 : memref<2560x128xf32, #tpu.memory_space<vmem>>) target_semaphore(%arg13 : memref<!tpu.dma_semaphore, #tpu.memory_space<semaphore_mem>>)
    %broadcast_in_dim3A = arith.constant 0x7F800000 : f32
    %broadcast_in_dim3A_16 = vector.broadcast %broadcast_in_dim3A : f32 to vector<1x128xf32>
    %broadcast_in_dim3A_17 = arith.constant 0x7F800000 : f32
    %broadcast_in_dim3A_18 = vector.broadcast %broadcast_in_dim3A_17 : f32 to vector<1x128xf32>
    %broadcast_in_dim3A_19 = arith.constant 0x7F800000 : f32
    %broadcast_in_dim3A_20 = vector.broadcast %broadcast_in_dim3A_19 : f32 to vector<1x128xf32>
    %broadcast_in_dim3A_21 = arith.constant 0x7F800000 : f32
    %broadcast_in_dim3A_22 = vector.broadcast %broadcast_in_dim3A_21 : f32 to vector<1x128xf32>
    %broadcast_in_dim3A_23 = arith.constant 0 : i32
    %broadcast_in_dim3A_24 = vector.broadcast %broadcast_in_dim3A_23 : i32 to vector<1x128xi32>
    %broadcast_in_dim3A_25 = arith.constant 0 : i32
    %broadcast_in_dim3A_26 = vector.broadcast %broadcast_in_dim3A_25 : i32 to vector<1x128xi32>
    %broadcast_in_dim3A_27 = arith.constant 0 : i32
    %broadcast_in_dim3A_28 = vector.broadcast %broadcast_in_dim3A_27 : i32 to vector<1x128xi32>
    %broadcast_in_dim3A_29 = arith.constant 0 : i32
    %broadcast_in_dim3A_30 = vector.broadcast %broadcast_in_dim3A_29 : i32 to vector<1x128xi32>
    %scan3A = arith.constant 0 : i32
    %scan3A_31 = arith.constant 5 : i32
    %scan3A_32 = arith.addi %scan3A, %scan3A_31 : i32
    %scan3A_33 = arith.constant 1 : i32
    %scan3A_34:8 = scf.for %scan3A_68 = %scan3A to %scan3A_32 step %scan3A_33 iter_args(%scan3A_69 = %broadcast_in_dim3A_16, %scan3A_70 = %broadcast_in_dim3A_18, %scan3A_71 = %broadcast_in_dim3A_20, %scan3A_72 = %broadcast_in_dim3A_22, %scan3A_73 = %broadcast_in_dim3A_24, %scan3A_74 = %broadcast_in_dim3A_26, %scan3A_75 = %broadcast_in_dim3A_28, %scan3A_76 = %broadcast_in_dim3A_30) -> (vector<1x128xf32>, vector<1x128xf32>, vector<1x128xf32>, vector<1x128xf32>, vector<1x128xi32>, vector<1x128xi32>, vector<1x128xi32>, vector<1x128xi32>)  : i32 {
      %mul3A = arith.constant 5 : i32
      %mul3A_77 = arith.muli %scan3A_68, %mul3A : i32
      %add3A = arith.constant 0 : i32
      %add3A_78 = arith.addi %mul3A_77, %add3A : i32
      %dma_wait3A = arith.constant 0 : i32
      %dma_wait3A_79 = arith.constant 0 : i32
      %dma_wait3A_80 = tpu.memref_slice %arg0[%dma_wait3A, %dma_wait3A_79] : memref<100000x128xf32, #tpu.memory_space<any>> -> memref<2560x128xf32, #tpu.memory_space<any>>
      tpu.wait_dma2 semaphore(%arg9 : memref<!tpu.dma_semaphore, #tpu.memory_space<semaphore_mem>>) src(%dma_wait3A_80 : memref<2560x128xf32, #tpu.memory_space<any>>) dst(%arg4 : memref<2560x128xf32, #tpu.memory_space<vmem>>)
      %mul3A_81 = arith.constant 2560 : i32
      %mul3A_82 = arith.muli %add3A_78, %mul3A_81 : i32
      %get3A_83 = arith.constant 0 : index
      %get3A_84 = arith.constant 0 : index
      %get3A_85 = vector.load %arg4[%get3A_83, %get3A_84] : memref<2560x128xf32, #tpu.memory_space<vmem>>, vector<128x128xf32>
      %sub3A = vector.broadcast %get3A_1 : vector<1x128xf32> to vector<128x128xf32>
      %sub3A_86 = arith.subf %get3A_85, %sub3A : vector<128x128xf32>
      %abs3A = math.absf %sub3A_86 : vector<128x128xf32>
      %transpose3A = tpu.transpose %abs3A, [1, 0] : vector<128x128xf32> -> vector<128x128xf32>
      %reduce_sum3A = arith.constant dense<0.000000e+00> : vector<128xf32>
      %reduce_sum3A_87 = vector.multi_reduction <add>, %transpose3A, %reduce_sum3A [0] : vector<128x128xf32> to vector<128xf32>
      %broadcast_in_dim3A_88 = vector.shape_cast %reduce_sum3A_87 : vector<128xf32> to vector<1x128xf32>
      %add3A_89 = arith.constant 0 : i32
      %add3A_90 = arith.addi %mul3A_82, %add3A_89 : i32
      %add3A_91 = vector.broadcast %add3A_90 : i32 to vector<1x128xi32>
      %add3A_92 = arith.addi %iota3A, %add3A_91 : vector<1x128xi32>
      %lt3A_93 = arith.cmpf olt, %broadcast_in_dim3A_88, %scan3A_69 : vector<1x128xf32>
      %select_n3A_94 = arith.select %lt3A_93, %broadcast_in_dim3A_88, %scan3A_69 : vector<1x128xi1>, vector<1x128xf32>
      %select_n3A_95 = arith.select %lt3A_93, %add3A_92, %scan3A_73 : vector<1x128xi1>, vector<1x128xi32>
      %get3A_96 = arith.constant 128 : index
      %get3A_97 = arith.constant 0 : index
      %get3A_98 = vector.load %arg4[%get3A_96, %get3A_97] : memref<2560x128xf32, #tpu.memory_space<vmem>>, vector<128x128xf32>
      %sub3A_99 = vector.broadcast %get3A_1 : vector<1x128xf32> to vector<128x128xf32>
      %sub3A_100 = arith.subf %get3A_98, %sub3A_99 : vector<128x128xf32>
      %abs3A_101 = math.absf %sub3A_100 : vector<128x128xf32>
      %transpose3A_102 = tpu.transpose %abs3A_101, [1, 0] : vector<128x128xf32> -> vector<128x128xf32>
      %reduce_sum3A_103 = arith.constant dense<0.000000e+00> : vector<128xf32>
      %reduce_sum3A_104 = vector.multi_reduction <add>, %transpose3A_102, %reduce_sum3A_103 [0] : vector<128x128xf32> to vector<128xf32>
      %broadcast_in_dim3A_105 = vector.shape_cast %reduce_sum3A_104 : vector<128xf32> to vector<1x128xf32>
      %add3A_106 = arith.constant 128 : i32
      %add3A_107 = arith.addi %mul3A_82, %add3A_106 : i32
      %add3A_108 = vector.broadcast %add3A_107 : i32 to vector<1x128xi32>
      %add3A_109 = arith.addi %iota3A, %add3A_108 : vector<1x128xi32>
      %lt3A_110 = arith.cmpf olt, %broadcast_in_dim3A_105, %scan3A_70 : vector<1x128xf32>
      %select_n3A_111 = arith.select %lt3A_110, %broadcast_in_dim3A_105, %scan3A_70 : vector<1x128xi1>, vector<1x128xf32>
      %select_n3A_112 = arith.select %lt3A_110, %add3A_109, %scan3A_74 : vector<1x128xi1>, vector<1x128xi32>
      %get3A_113 = arith.constant 256 : index
      %get3A_114 = arith.constant 0 : index
      %get3A_115 = vector.load %arg4[%get3A_113, %get3A_114] : memref<2560x128xf32, #tpu.memory_space<vmem>>, vector<128x128xf32>
      %sub3A_116 = vector.broadcast %get3A_1 : vector<1x128xf32> to vector<128x128xf32>
      %sub3A_117 = arith.subf %get3A_115, %sub3A_116 : vector<128x128xf32>
      %abs3A_118 = math.absf %sub3A_117 : vector<128x128xf32>
      %transpose3A_119 = tpu.transpose %abs3A_118, [1, 0] : vector<128x128xf32> -> vector<128x128xf32>
      %reduce_sum3A_120 = arith.constant dense<0.000000e+00> : vector<128xf32>
      %reduce_sum3A_121 = vector.multi_reduction <add>, %transpose3A_119, %reduce_sum3A_120 [0] : vector<128x128xf32> to vector<128xf32>
      %broadcast_in_dim3A_122 = vector.shape_cast %reduce_sum3A_121 : vector<128xf32> to vector<1x128xf32>
      %add3A_123 = arith.constant 256 : i32
      %add3A_124 = arith.addi %mul3A_82, %add3A_123 : i32
      %add3A_125 = vector.broadcast %add3A_124 : i32 to vector<1x128xi32>
      %add3A_126 = arith.addi %iota3A, %add3A_125 : vector<1x128xi32>
      %lt3A_127 = arith.cmpf olt, %broadcast_in_dim3A_122, %scan3A_71 : vector<1x128xf32>
      %select_n3A_128 = arith.select %lt3A_127, %broadcast_in_dim3A_122, %scan3A_71 : vector<1x128xi1>, vector<1x128xf32>
      %select_n3A_129 = arith.select %lt3A_127, %add3A_126, %scan3A_75 : vector<1x128xi1>, vector<1x128xi32>
      %get3A_130 = arith.constant 384 : index
      %get3A_131 = arith.constant 0 : index
      %get3A_132 = vector.load %arg4[%get3A_130, %get3A_131] : memref<2560x128xf32, #tpu.memory_space<vmem>>, vector<128x128xf32>
      %sub3A_133 = vector.broadcast %get3A_1 : vector<1x128xf32> to vector<128x128xf32>
      %sub3A_134 = arith.subf %get3A_132, %sub3A_133 : vector<128x128xf32>
      %abs3A_135 = math.absf %sub3A_134 : vector<128x128xf32>
      %transpose3A_136 = tpu.transpose %abs3A_135, [1, 0] : vector<128x128xf32> -> vector<128x128xf32>
      %reduce_sum3A_137 = arith.constant dense<0.000000e+00> : vector<128xf32>
      %reduce_sum3A_138 = vector.multi_reduction <add>, %transpose3A_136, %reduce_sum3A_137 [0] : vector<128x128xf32> to vector<128xf32>
      %broadcast_in_dim3A_139 = vector.shape_cast %reduce_sum3A_138 : vector<128xf32> to vector<1x128xf32>
      %add3A_140 = arith.constant 384 : i32
      %add3A_141 = arith.addi %mul3A_82, %add3A_140 : i32
      %add3A_142 = vector.broadcast %add3A_141 : i32 to vector<1x128xi32>
      %add3A_143 = arith.addi %iota3A, %add3A_142 : vector<1x128xi32>
      %lt3A_144 = arith.cmpf olt, %broadcast_in_dim3A_139, %scan3A_72 : vector<1x128xf32>
      %select_n3A_145 = arith.select %lt3A_144, %broadcast_in_dim3A_139, %scan3A_72 : vector<1x128xi1>, vector<1x128xf32>
      %select_n3A_146 = arith.select %lt3A_144, %add3A_143, %scan3A_76 : vector<1x128xi1>, vector<1x128xi32>
      %get3A_147 = arith.constant 512 : index
      %get3A_148 = arith.constant 0 : index
      %get3A_149 = vector.load %arg4[%get3A_147, %get3A_148] : memref<2560x128xf32, #tpu.memory_space<vmem>>, vector<128x128xf32>
      %sub3A_150 = vector.broadcast %get3A_1 : vector<1x128xf32> to vector<128x128xf32>
      %sub3A_151 = arith.subf %get3A_149, %sub3A_150 : vector<128x128xf32>
      %abs3A_152 = math.absf %sub3A_151 : vector<128x128xf32>
      %transpose3A_153 = tpu.transpose %abs3A_152, [1, 0] : vector<128x128xf32> -> vector<128x128xf32>
      %reduce_sum3A_154 = arith.constant dense<0.000000e+00> : vector<128xf32>
      %reduce_sum3A_155 = vector.multi_reduction <add>, %transpose3A_153, %reduce_sum3A_154 [0] : vector<128x128xf32> to vector<128xf32>
      %broadcast_in_dim3A_156 = vector.shape_cast %reduce_sum3A_155 : vector<128xf32> to vector<1x128xf32>
      %add3A_157 = arith.constant 512 : i32
      %add3A_158 = arith.addi %mul3A_82, %add3A_157 : i32
      %add3A_159 = vector.broadcast %add3A_158 : i32 to vector<1x128xi32>
      %add3A_160 = arith.addi %iota3A, %add3A_159 : vector<1x128xi32>
      %lt3A_161 = arith.cmpf olt, %broadcast_in_dim3A_156, %select_n3A_94 : vector<1x128xf32>
      %select_n3A_162 = arith.select %lt3A_161, %broadcast_in_dim3A_156, %select_n3A_94 : vector<1x128xi1>, vector<1x128xf32>
      %select_n3A_163 = arith.select %lt3A_161, %add3A_160, %select_n3A_95 : vector<1x128xi1>, vector<1x128xi32>
      %get3A_164 = arith.constant 640 : index
      %get3A_165 = arith.constant 0 : index
      %get3A_166 = vector.load %arg4[%get3A_164, %get3A_165] : memref<2560x128xf32, #tpu.memory_space<vmem>>, vector<128x128xf32>
      %sub3A_167 = vector.broadcast %get3A_1 : vector<1x128xf32> to vector<128x128xf32>
      %sub3A_168 = arith.subf %get3A_166, %sub3A_167 : vector<128x128xf32>
      %abs3A_169 = math.absf %sub3A_168 : vector<128x128xf32>
      %transpose3A_170 = tpu.transpose %abs3A_169, [1, 0] : vector<128x128xf32> -> vector<128x128xf32>
      %reduce_sum3A_171 = arith.constant dense<0.000000e+00> : vector<128xf32>
      %reduce_sum3A_172 = vector.multi_reduction <add>, %transpose3A_170, %reduce_sum3A_171 [0] : vector<128x128xf32> to vector<128xf32>
      %broadcast_in_dim3A_173 = vector.shape_cast %reduce_sum3A_172 : vector<128xf32> to vector<1x128xf32>
      %add3A_174 = arith.constant 640 : i32
      %add3A_175 = arith.addi %mul3A_82, %add3A_174 : i32
      %add3A_176 = vector.broadcast %add3A_175 : i32 to vector<1x128xi32>
      %add3A_177 = arith.addi %iota3A, %add3A_176 : vector<1x128xi32>
      %lt3A_178 = arith.cmpf olt, %broadcast_in_dim3A_173, %select_n3A_111 : vector<1x128xf32>
      %select_n3A_179 = arith.select %lt3A_178, %broadcast_in_dim3A_173, %select_n3A_111 : vector<1x128xi1>, vector<1x128xf32>
      %select_n3A_180 = arith.select %lt3A_178, %add3A_177, %select_n3A_112 : vector<1x128xi1>, vector<1x128xi32>
      %get3A_181 = arith.constant 768 : index
      %get3A_182 = arith.constant 0 : index
      %get3A_183 = vector.load %arg4[%get3A_181, %get3A_182] : memref<2560x128xf32, #tpu.memory_space<vmem>>, vector<128x128xf32>
      %sub3A_184 = vector.broadcast %get3A_1 : vector<1x128xf32> to vector<128x128xf32>
      %sub3A_185 = arith.subf %get3A_183, %sub3A_184 : vector<128x128xf32>
      %abs3A_186 = math.absf %sub3A_185 : vector<128x128xf32>
      %transpose3A_187 = tpu.transpose %abs3A_186, [1, 0] : vector<128x128xf32> -> vector<128x128xf32>
      %reduce_sum3A_188 = arith.constant dense<0.000000e+00> : vector<128xf32>
      %reduce_sum3A_189 = vector.multi_reduction <add>, %transpose3A_187, %reduce_sum3A_188 [0] : vector<128x128xf32> to vector<128xf32>
      %broadcast_in_dim3A_190 = vector.shape_cast %reduce_sum3A_189 : vector<128xf32> to vector<1x128xf32>
      %add3A_191 = arith.constant 768 : i32
      %add3A_192 = arith.addi %mul3A_82, %add3A_191 : i32
      %add3A_193 = vector.broadcast %add3A_192 : i32 to vector<1x128xi32>
      %add3A_194 = arith.addi %iota3A, %add3A_193 : vector<1x128xi32>
      %lt3A_195 = arith.cmpf olt, %broadcast_in_dim3A_190, %select_n3A_128 : vector<1x128xf32>
      %select_n3A_196 = arith.select %lt3A_195, %broadcast_in_dim3A_190, %select_n3A_128 : vector<1x128xi1>, vector<1x128xf32>
      %select_n3A_197 = arith.select %lt3A_195, %add3A_194, %select_n3A_129 : vector<1x128xi1>, vector<1x128xi32>
      %get3A_198 = arith.constant 896 : index
      %get3A_199 = arith.constant 0 : index
      %get3A_200 = vector.load %arg4[%get3A_198, %get3A_199] : memref<2560x128xf32, #tpu.memory_space<vmem>>, vector<128x128xf32>
      %sub3A_201 = vector.broadcast %get3A_1 : vector<1x128xf32> to vector<128x128xf32>
      %sub3A_202 = arith.subf %get3A_200, %sub3A_201 : vector<128x128xf32>
      %abs3A_203 = math.absf %sub3A_202 : vector<128x128xf32>
      %transpose3A_204 = tpu.transpose %abs3A_203, [1, 0] : vector<128x128xf32> -> vector<128x128xf32>
      %reduce_sum3A_205 = arith.constant dense<0.000000e+00> : vector<128xf32>
      %reduce_sum3A_206 = vector.multi_reduction <add>, %transpose3A_204, %reduce_sum3A_205 [0] : vector<128x128xf32> to vector<128xf32>
      %broadcast_in_dim3A_207 = vector.shape_cast %reduce_sum3A_206 : vector<128xf32> to vector<1x128xf32>
      %add3A_208 = arith.constant 896 : i32
      %add3A_209 = arith.addi %mul3A_82, %add3A_208 : i32
      %add3A_210 = vector.broadcast %add3A_209 : i32 to vector<1x128xi32>
      %add3A_211 = arith.addi %iota3A, %add3A_210 : vector<1x128xi32>
      %lt3A_212 = arith.cmpf olt, %broadcast_in_dim3A_207, %select_n3A_145 : vector<1x128xf32>
      %select_n3A_213 = arith.select %lt3A_212, %broadcast_in_dim3A_207, %select_n3A_145 : vector<1x128xi1>, vector<1x128xf32>
      %select_n3A_214 = arith.select %lt3A_212, %add3A_211, %select_n3A_146 : vector<1x128xi1>, vector<1x128xi32>
      %get3A_215 = arith.constant 1024 : index
      %get3A_216 = arith.constant 0 : index
      %get3A_217 = vector.load %arg4[%get3A_215, %get3A_216] : memref<2560x128xf32, #tpu.memory_space<vmem>>, vector<128x128xf32>
      %sub3A_218 = vector.broadcast %get3A_1 : vector<1x128xf32> to vector<128x128xf32>
      %sub3A_219 = arith.subf %get3A_217, %sub3A_218 : vector<128x128xf32>
      %abs3A_220 = math.absf %sub3A_219 : vector<128x128xf32>
      %transpose3A_221 = tpu.transpose %abs3A_220, [1, 0] : vector<128x128xf32> -> vector<128x128xf32>
      %reduce_sum3A_222 = arith.constant dense<0.000000e+00> : vector<128xf32>
      %reduce_sum3A_223 = vector.multi_reduction <add>, %transpose3A_221, %reduce_sum3A_222 [0] : vector<128x128xf32> to vector<128xf32>
      %broadcast_in_dim3A_224 = vector.shape_cast %reduce_sum3A_223 : vector<128xf32> to vector<1x128xf32>
      %add3A_225 = arith.constant 1024 : i32
      %add3A_226 = arith.addi %mul3A_82, %add3A_225 : i32
      %add3A_227 = vector.broadcast %add3A_226 : i32 to vector<1x128xi32>
      %add3A_228 = arith.addi %iota3A, %add3A_227 : vector<1x128xi32>
      %lt3A_229 = arith.cmpf olt, %broadcast_in_dim3A_224, %select_n3A_162 : vector<1x128xf32>
      %select_n3A_230 = arith.select %lt3A_229, %broadcast_in_dim3A_224, %select_n3A_162 : vector<1x128xi1>, vector<1x128xf32>
      %select_n3A_231 = arith.select %lt3A_229, %add3A_228, %select_n3A_163 : vector<1x128xi1>, vector<1x128xi32>
      %get3A_232 = arith.constant 1152 : index
      %get3A_233 = arith.constant 0 : index
      %get3A_234 = vector.load %arg4[%get3A_232, %get3A_233] : memref<2560x128xf32, #tpu.memory_space<vmem>>, vector<128x128xf32>
      %sub3A_235 = vector.broadcast %get3A_1 : vector<1x128xf32> to vector<128x128xf32>
      %sub3A_236 = arith.subf %get3A_234, %sub3A_235 : vector<128x128xf32>
      %abs3A_237 = math.absf %sub3A_236 : vector<128x128xf32>
      %transpose3A_238 = tpu.transpose %abs3A_237, [1, 0] : vector<128x128xf32> -> vector<128x128xf32>
      %reduce_sum3A_239 = arith.constant dense<0.000000e+00> : vector<128xf32>
      %reduce_sum3A_240 = vector.multi_reduction <add>, %transpose3A_238, %reduce_sum3A_239 [0] : vector<128x128xf32> to vector<128xf32>
      %broadcast_in_dim3A_241 = vector.shape_cast %reduce_sum3A_240 : vector<128xf32> to vector<1x128xf32>
      %add3A_242 = arith.constant 1152 : i32
      %add3A_243 = arith.addi %mul3A_82, %add3A_242 : i32
      %add3A_244 = vector.broadcast %add3A_243 : i32 to vector<1x128xi32>
      %add3A_245 = arith.addi %iota3A, %add3A_244 : vector<1x128xi32>
      %lt3A_246 = arith.cmpf olt, %broadcast_in_dim3A_241, %select_n3A_179 : vector<1x128xf32>
      %select_n3A_247 = arith.select %lt3A_246, %broadcast_in_dim3A_241, %select_n3A_179 : vector<1x128xi1>, vector<1x128xf32>
      %select_n3A_248 = arith.select %lt3A_246, %add3A_245, %select_n3A_180 : vector<1x128xi1>, vector<1x128xi32>
      %get3A_249 = arith.constant 1280 : index
      %get3A_250 = arith.constant 0 : index
      %get3A_251 = vector.load %arg4[%get3A_249, %get3A_250] : memref<2560x128xf32, #tpu.memory_space<vmem>>, vector<128x128xf32>
      %sub3A_252 = vector.broadcast %get3A_1 : vector<1x128xf32> to vector<128x128xf32>
      %sub3A_253 = arith.subf %get3A_251, %sub3A_252 : vector<128x128xf32>
      %abs3A_254 = math.absf %sub3A_253 : vector<128x128xf32>
      %transpose3A_255 = tpu.transpose %abs3A_254, [1, 0] : vector<128x128xf32> -> vector<128x128xf32>
      %reduce_sum3A_256 = arith.constant dense<0.000000e+00> : vector<128xf32>
      %reduce_sum3A_257 = vector.multi_reduction <add>, %transpose3A_255, %reduce_sum3A_256 [0] : vector<128x128xf32> to vector<128xf32>
      %broadcast_in_dim3A_258 = vector.shape_cast %reduce_sum3A_257 : vector<128xf32> to vector<1x128xf32>
      %add3A_259 = arith.constant 1280 : i32
      %add3A_260 = arith.addi %mul3A_82, %add3A_259 : i32
      %add3A_261 = vector.broadcast %add3A_260 : i32 to vector<1x128xi32>
      %add3A_262 = arith.addi %iota3A, %add3A_261 : vector<1x128xi32>
      %lt3A_263 = arith.cmpf olt, %broadcast_in_dim3A_258, %select_n3A_196 : vector<1x128xf32>
      %select_n3A_264 = arith.select %lt3A_263, %broadcast_in_dim3A_258, %select_n3A_196 : vector<1x128xi1>, vector<1x128xf32>
      %select_n3A_265 = arith.select %lt3A_263, %add3A_262, %select_n3A_197 : vector<1x128xi1>, vector<1x128xi32>
      %get3A_266 = arith.constant 1408 : index
      %get3A_267 = arith.constant 0 : index
      %get3A_268 = vector.load %arg4[%get3A_266, %get3A_267] : memref<2560x128xf32, #tpu.memory_space<vmem>>, vector<128x128xf32>
      %sub3A_269 = vector.broadcast %get3A_1 : vector<1x128xf32> to vector<128x128xf32>
      %sub3A_270 = arith.subf %get3A_268, %sub3A_269 : vector<128x128xf32>
      %abs3A_271 = math.absf %sub3A_270 : vector<128x128xf32>
      %transpose3A_272 = tpu.transpose %abs3A_271, [1, 0] : vector<128x128xf32> -> vector<128x128xf32>
      %reduce_sum3A_273 = arith.constant dense<0.000000e+00> : vector<128xf32>
      %reduce_sum3A_274 = vector.multi_reduction <add>, %transpose3A_272, %reduce_sum3A_273 [0] : vector<128x128xf32> to vector<128xf32>
      %broadcast_in_dim3A_275 = vector.shape_cast %reduce_sum3A_274 : vector<128xf32> to vector<1x128xf32>
      %add3A_276 = arith.constant 1408 : i32
      %add3A_277 = arith.addi %mul3A_82, %add3A_276 : i32
      %add3A_278 = vector.broadcast %add3A_277 : i32 to vector<1x128xi32>
      %add3A_279 = arith.addi %iota3A, %add3A_278 : vector<1x128xi32>
      %lt3A_280 = arith.cmpf olt, %broadcast_in_dim3A_275, %select_n3A_213 : vector<1x128xf32>
      %select_n3A_281 = arith.select %lt3A_280, %broadcast_in_dim3A_275, %select_n3A_213 : vector<1x128xi1>, vector<1x128xf32>
      %select_n3A_282 = arith.select %lt3A_280, %add3A_279, %select_n3A_214 : vector<1x128xi1>, vector<1x128xi32>
      %get3A_283 = arith.constant 1536 : index
      %get3A_284 = arith.constant 0 : index
      %get3A_285 = vector.load %arg4[%get3A_283, %get3A_284] : memref<2560x128xf32, #tpu.memory_space<vmem>>, vector<128x128xf32>
      %sub3A_286 = vector.broadcast %get3A_1 : vector<1x128xf32> to vector<128x128xf32>
      %sub3A_287 = arith.subf %get3A_285, %sub3A_286 : vector<128x128xf32>
      %abs3A_288 = math.absf %sub3A_287 : vector<128x128xf32>
      %transpose3A_289 = tpu.transpose %abs3A_288, [1, 0] : vector<128x128xf32> -> vector<128x128xf32>
      %reduce_sum3A_290 = arith.constant dense<0.000000e+00> : vector<128xf32>
      %reduce_sum3A_291 = vector.multi_reduction <add>, %transpose3A_289, %reduce_sum3A_290 [0] : vector<128x128xf32> to vector<128xf32>
      %broadcast_in_dim3A_292 = vector.shape_cast %reduce_sum3A_291 : vector<128xf32> to vector<1x128xf32>
      %add3A_293 = arith.constant 1536 : i32
      %add3A_294 = arith.addi %mul3A_82, %add3A_293 : i32
      %add3A_295 = vector.broadcast %add3A_294 : i32 to vector<1x128xi32>
      %add3A_296 = arith.addi %iota3A, %add3A_295 : vector<1x128xi32>
      %lt3A_297 = arith.cmpf olt, %broadcast_in_dim3A_292, %select_n3A_230 : vector<1x128xf32>
      %select_n3A_298 = arith.select %lt3A_297, %broadcast_in_dim3A_292, %select_n3A_230 : vector<1x128xi1>, vector<1x128xf32>
      %select_n3A_299 = arith.select %lt3A_297, %add3A_296, %select_n3A_231 : vector<1x128xi1>, vector<1x128xi32>
      %get3A_300 = arith.constant 1664 : index
      %get3A_301 = arith.constant 0 : index
      %get3A_302 = vector.load %arg4[%get3A_300, %get3A_301] : memref<2560x128xf32, #tpu.memory_space<vmem>>, vector<128x128xf32>
      %sub3A_303 = vector.broadcast %get3A_1 : vector<1x128xf32> to vector<128x128xf32>
      %sub3A_304 = arith.subf %get3A_302, %sub3A_303 : vector<128x128xf32>
      %abs3A_305 = math.absf %sub3A_304 : vector<128x128xf32>
      %transpose3A_306 = tpu.transpose %abs3A_305, [1, 0] : vector<128x128xf32> -> vector<128x128xf32>
      %reduce_sum3A_307 = arith.constant dense<0.000000e+00> : vector<128xf32>
      %reduce_sum3A_308 = vector.multi_reduction <add>, %transpose3A_306, %reduce_sum3A_307 [0] : vector<128x128xf32> to vector<128xf32>
      %broadcast_in_dim3A_309 = vector.shape_cast %reduce_sum3A_308 : vector<128xf32> to vector<1x128xf32>
      %add3A_310 = arith.constant 1664 : i32
      %add3A_311 = arith.addi %mul3A_82, %add3A_310 : i32
      %add3A_312 = vector.broadcast %add3A_311 : i32 to vector<1x128xi32>
      %add3A_313 = arith.addi %iota3A, %add3A_312 : vector<1x128xi32>
      %lt3A_314 = arith.cmpf olt, %broadcast_in_dim3A_309, %select_n3A_247 : vector<1x128xf32>
      %select_n3A_315 = arith.select %lt3A_314, %broadcast_in_dim3A_309, %select_n3A_247 : vector<1x128xi1>, vector<1x128xf32>
      %select_n3A_316 = arith.select %lt3A_314, %add3A_313, %select_n3A_248 : vector<1x128xi1>, vector<1x128xi32>
      %get3A_317 = arith.constant 1792 : index
      %get3A_318 = arith.constant 0 : index
      %get3A_319 = vector.load %arg4[%get3A_317, %get3A_318] : memref<2560x128xf32, #tpu.memory_space<vmem>>, vector<128x128xf32>
      %sub3A_320 = vector.broadcast %get3A_1 : vector<1x128xf32> to vector<128x128xf32>
      %sub3A_321 = arith.subf %get3A_319, %sub3A_320 : vector<128x128xf32>
      %abs3A_322 = math.absf %sub3A_321 : vector<128x128xf32>
      %transpose3A_323 = tpu.transpose %abs3A_322, [1, 0] : vector<128x128xf32> -> vector<128x128xf32>
      %reduce_sum3A_324 = arith.constant dense<0.000000e+00> : vector<128xf32>
      %reduce_sum3A_325 = vector.multi_reduction <add>, %transpose3A_323, %reduce_sum3A_324 [0] : vector<128x128xf32> to vector<128xf32>
      %broadcast_in_dim3A_326 = vector.shape_cast %reduce_sum3A_325 : vector<128xf32> to vector<1x128xf32>
      %add3A_327 = arith.constant 1792 : i32
      %add3A_328 = arith.addi %mul3A_82, %add3A_327 : i32
      %add3A_329 = vector.broadcast %add3A_328 : i32 to vector<1x128xi32>
      %add3A_330 = arith.addi %iota3A, %add3A_329 : vector<1x128xi32>
      %lt3A_331 = arith.cmpf olt, %broadcast_in_dim3A_326, %select_n3A_264 : vector<1x128xf32>
      %select_n3A_332 = arith.select %lt3A_331, %broadcast_in_dim3A_326, %select_n3A_264 : vector<1x128xi1>, vector<1x128xf32>
      %select_n3A_333 = arith.select %lt3A_331, %add3A_330, %select_n3A_265 : vector<1x128xi1>, vector<1x128xi32>
      %get3A_334 = arith.constant 1920 : index
      %get3A_335 = arith.constant 0 : index
      %get3A_336 = vector.load %arg4[%get3A_334, %get3A_335] : memref<2560x128xf32, #tpu.memory_space<vmem>>, vector<128x128xf32>
      %sub3A_337 = vector.broadcast %get3A_1 : vector<1x128xf32> to vector<128x128xf32>
      %sub3A_338 = arith.subf %get3A_336, %sub3A_337 : vector<128x128xf32>
      %abs3A_339 = math.absf %sub3A_338 : vector<128x128xf32>
      %transpose3A_340 = tpu.transpose %abs3A_339, [1, 0] : vector<128x128xf32> -> vector<128x128xf32>
      %reduce_sum3A_341 = arith.constant dense<0.000000e+00> : vector<128xf32>
      %reduce_sum3A_342 = vector.multi_reduction <add>, %transpose3A_340, %reduce_sum3A_341 [0] : vector<128x128xf32> to vector<128xf32>
      %broadcast_in_dim3A_343 = vector.shape_cast %reduce_sum3A_342 : vector<128xf32> to vector<1x128xf32>
      %add3A_344 = arith.constant 1920 : i32
      %add3A_345 = arith.addi %mul3A_82, %add3A_344 : i32
      %add3A_346 = vector.broadcast %add3A_345 : i32 to vector<1x128xi32>
      %add3A_347 = arith.addi %iota3A, %add3A_346 : vector<1x128xi32>
      %lt3A_348 = arith.cmpf olt, %broadcast_in_dim3A_343, %select_n3A_281 : vector<1x128xf32>
      %select_n3A_349 = arith.select %lt3A_348, %broadcast_in_dim3A_343, %select_n3A_281 : vector<1x128xi1>, vector<1x128xf32>
      %select_n3A_350 = arith.select %lt3A_348, %add3A_347, %select_n3A_282 : vector<1x128xi1>, vector<1x128xi32>
      %get3A_351 = arith.constant 2048 : index
      %get3A_352 = arith.constant 0 : index
      %get3A_353 = vector.load %arg4[%get3A_351, %get3A_352] : memref<2560x128xf32, #tpu.memory_space<vmem>>, vector<128x128xf32>
      %sub3A_354 = vector.broadcast %get3A_1 : vector<1x128xf32> to vector<128x128xf32>
      %sub3A_355 = arith.subf %get3A_353, %sub3A_354 : vector<128x128xf32>
      %abs3A_356 = math.absf %sub3A_355 : vector<128x128xf32>
      %transpose3A_357 = tpu.transpose %abs3A_356, [1, 0] : vector<128x128xf32> -> vector<128x128xf32>
      %reduce_sum3A_358 = arith.constant dense<0.000000e+00> : vector<128xf32>
      %reduce_sum3A_359 = vector.multi_reduction <add>, %transpose3A_357, %reduce_sum3A_358 [0] : vector<128x128xf32> to vector<128xf32>
      %broadcast_in_dim3A_360 = vector.shape_cast %reduce_sum3A_359 : vector<128xf32> to vector<1x128xf32>
      %add3A_361 = arith.constant 2048 : i32
      %add3A_362 = arith.addi %mul3A_82, %add3A_361 : i32
      %add3A_363 = vector.broadcast %add3A_362 : i32 to vector<1x128xi32>
      %add3A_364 = arith.addi %iota3A, %add3A_363 : vector<1x128xi32>
      %lt3A_365 = arith.cmpf olt, %broadcast_in_dim3A_360, %select_n3A_298 : vector<1x128xf32>
      %select_n3A_366 = arith.select %lt3A_365, %broadcast_in_dim3A_360, %select_n3A_298 : vector<1x128xi1>, vector<1x128xf32>
      %select_n3A_367 = arith.select %lt3A_365, %add3A_364, %select_n3A_299 : vector<1x128xi1>, vector<1x128xi32>
      %get3A_368 = arith.constant 2176 : index
      %get3A_369 = arith.constant 0 : index
      %get3A_370 = vector.load %arg4[%get3A_368, %get3A_369] : memref<2560x128xf32, #tpu.memory_space<vmem>>, vector<128x128xf32>
      %sub3A_371 = vector.broadcast %get3A_1 : vector<1x128xf32> to vector<128x128xf32>
      %sub3A_372 = arith.subf %get3A_370, %sub3A_371 : vector<128x128xf32>
      %abs3A_373 = math.absf %sub3A_372 : vector<128x128xf32>
      %transpose3A_374 = tpu.transpose %abs3A_373, [1, 0] : vector<128x128xf32> -> vector<128x128xf32>
      %reduce_sum3A_375 = arith.constant dense<0.000000e+00> : vector<128xf32>
      %reduce_sum3A_376 = vector.multi_reduction <add>, %transpose3A_374, %reduce_sum3A_375 [0] : vector<128x128xf32> to vector<128xf32>
      %broadcast_in_dim3A_377 = vector.shape_cast %reduce_sum3A_376 : vector<128xf32> to vector<1x128xf32>
      %add3A_378 = arith.constant 2176 : i32
      %add3A_379 = arith.addi %mul3A_82, %add3A_378 : i32
      %add3A_380 = vector.broadcast %add3A_379 : i32 to vector<1x128xi32>
      %add3A_381 = arith.addi %iota3A, %add3A_380 : vector<1x128xi32>
      %lt3A_382 = arith.cmpf olt, %broadcast_in_dim3A_377, %select_n3A_315 : vector<1x128xf32>
      %select_n3A_383 = arith.select %lt3A_382, %broadcast_in_dim3A_377, %select_n3A_315 : vector<1x128xi1>, vector<1x128xf32>
      %select_n3A_384 = arith.select %lt3A_382, %add3A_381, %select_n3A_316 : vector<1x128xi1>, vector<1x128xi32>
      %get3A_385 = arith.constant 2304 : index
      %get3A_386 = arith.constant 0 : index
      %get3A_387 = vector.load %arg4[%get3A_385, %get3A_386] : memref<2560x128xf32, #tpu.memory_space<vmem>>, vector<128x128xf32>
      %sub3A_388 = vector.broadcast %get3A_1 : vector<1x128xf32> to vector<128x128xf32>
      %sub3A_389 = arith.subf %get3A_387, %sub3A_388 : vector<128x128xf32>
      %abs3A_390 = math.absf %sub3A_389 : vector<128x128xf32>
      %transpose3A_391 = tpu.transpose %abs3A_390, [1, 0] : vector<128x128xf32> -> vector<128x128xf32>
      %reduce_sum3A_392 = arith.constant dense<0.000000e+00> : vector<128xf32>
      %reduce_sum3A_393 = vector.multi_reduction <add>, %transpose3A_391, %reduce_sum3A_392 [0] : vector<128x128xf32> to vector<128xf32>
      %broadcast_in_dim3A_394 = vector.shape_cast %reduce_sum3A_393 : vector<128xf32> to vector<1x128xf32>
      %add3A_395 = arith.constant 2304 : i32
      %add3A_396 = arith.addi %mul3A_82, %add3A_395 : i32
      %add3A_397 = vector.broadcast %add3A_396 : i32 to vector<1x128xi32>
      %add3A_398 = arith.addi %iota3A, %add3A_397 : vector<1x128xi32>
      %lt3A_399 = arith.cmpf olt, %broadcast_in_dim3A_394, %select_n3A_332 : vector<1x128xf32>
      %select_n3A_400 = arith.select %lt3A_399, %broadcast_in_dim3A_394, %select_n3A_332 : vector<1x128xi1>, vector<1x128xf32>
      %select_n3A_401 = arith.select %lt3A_399, %add3A_398, %select_n3A_333 : vector<1x128xi1>, vector<1x128xi32>
      %get3A_402 = arith.constant 2432 : index
      %get3A_403 = arith.constant 0 : index
      %get3A_404 = vector.load %arg4[%get3A_402, %get3A_403] : memref<2560x128xf32, #tpu.memory_space<vmem>>, vector<128x128xf32>
      %sub3A_405 = vector.broadcast %get3A_1 : vector<1x128xf32> to vector<128x128xf32>
      %sub3A_406 = arith.subf %get3A_404, %sub3A_405 : vector<128x128xf32>
      %abs3A_407 = math.absf %sub3A_406 : vector<128x128xf32>
      %transpose3A_408 = tpu.transpose %abs3A_407, [1, 0] : vector<128x128xf32> -> vector<128x128xf32>
      %reduce_sum3A_409 = arith.constant dense<0.000000e+00> : vector<128xf32>
      %reduce_sum3A_410 = vector.multi_reduction <add>, %transpose3A_408, %reduce_sum3A_409 [0] : vector<128x128xf32> to vector<128xf32>
      %broadcast_in_dim3A_411 = vector.shape_cast %reduce_sum3A_410 : vector<128xf32> to vector<1x128xf32>
      %add3A_412 = arith.constant 2432 : i32
      %add3A_413 = arith.addi %mul3A_82, %add3A_412 : i32
      %add3A_414 = vector.broadcast %add3A_413 : i32 to vector<1x128xi32>
      %add3A_415 = arith.addi %iota3A, %add3A_414 : vector<1x128xi32>
      %lt3A_416 = arith.cmpf olt, %broadcast_in_dim3A_411, %select_n3A_349 : vector<1x128xf32>
      %select_n3A_417 = arith.select %lt3A_416, %broadcast_in_dim3A_411, %select_n3A_349 : vector<1x128xi1>, vector<1x128xf32>
      %select_n3A_418 = arith.select %lt3A_416, %add3A_415, %select_n3A_350 : vector<1x128xi1>, vector<1x128xi32>
      %add3A_419 = arith.constant 5 : i32
      %add3A_420 = arith.addi %add3A_78, %add3A_419 : i32
      %lt3A_421 = arith.constant 25 : i32
      %lt3A_422 = arith.cmpi slt, %add3A_420, %lt3A_421 : i32
      %convert_element_type3A = arith.extui %lt3A_422 : i1 to i32
      %cond3A = arith.constant 0 : i32
      %cond3A_423 = arith.cmpi ne, %convert_element_type3A, %cond3A : i32
      scf.if %cond3A_423 {
        %add3A_1848 = arith.constant 5 : i32
        %add3A_1849 = arith.addi %add3A_78, %add3A_1848 : i32
        %mul3A_1850 = arith.constant 2560 : i32
        %mul3A_1851 = arith.muli %add3A_1849, %mul3A_1850 : i32
        %dma_start3A_1852 = arith.constant 0 : i32
        %dma_start3A_1853 = tpu.memref_slice %arg0[%mul3A_1851, %dma_start3A_1852] : memref<100000x128xf32, #tpu.memory_space<any>> -> memref<2560x128xf32, #tpu.memory_space<any>>
        tpu.enqueue_dma source(%dma_start3A_1853 : memref<2560x128xf32, #tpu.memory_space<any>>) target(%arg4 : memref<2560x128xf32, #tpu.memory_space<vmem>>) target_semaphore(%arg9 : memref<!tpu.dma_semaphore, #tpu.memory_space<semaphore_mem>>)
      } else {
      }
      %mul3A_424 = arith.constant 5 : i32
      %mul3A_425 = arith.muli %scan3A_68, %mul3A_424 : i32
      %add3A_426 = arith.constant 1 : i32
      %add3A_427 = arith.addi %mul3A_425, %add3A_426 : i32
      %dma_wait3A_428 = arith.constant 0 : i32
      %dma_wait3A_429 = arith.constant 0 : i32
      %dma_wait3A_430 = tpu.memref_slice %arg0[%dma_wait3A_428, %dma_wait3A_429] : memref<100000x128xf32, #tpu.memory_space<any>> -> memref<2560x128xf32, #tpu.memory_space<any>>
      tpu.wait_dma2 semaphore(%arg10 : memref<!tpu.dma_semaphore, #tpu.memory_space<semaphore_mem>>) src(%dma_wait3A_430 : memref<2560x128xf32, #tpu.memory_space<any>>) dst(%arg5 : memref<2560x128xf32, #tpu.memory_space<vmem>>)
      %mul3A_431 = arith.constant 2560 : i32
      %mul3A_432 = arith.muli %add3A_427, %mul3A_431 : i32
      %get3A_433 = arith.constant 0 : index
      %get3A_434 = arith.constant 0 : index
      %get3A_435 = vector.load %arg5[%get3A_433, %get3A_434] : memref<2560x128xf32, #tpu.memory_space<vmem>>, vector<128x128xf32>
      %sub3A_436 = vector.broadcast %get3A_1 : vector<1x128xf32> to vector<128x128xf32>
      %sub3A_437 = arith.subf %get3A_435, %sub3A_436 : vector<128x128xf32>
      %abs3A_438 = math.absf %sub3A_437 : vector<128x128xf32>
      %transpose3A_439 = tpu.transpose %abs3A_438, [1, 0] : vector<128x128xf32> -> vector<128x128xf32>
      %reduce_sum3A_440 = arith.constant dense<0.000000e+00> : vector<128xf32>
      %reduce_sum3A_441 = vector.multi_reduction <add>, %transpose3A_439, %reduce_sum3A_440 [0] : vector<128x128xf32> to vector<128xf32>
      %broadcast_in_dim3A_442 = vector.shape_cast %reduce_sum3A_441 : vector<128xf32> to vector<1x128xf32>
      %add3A_443 = arith.constant 0 : i32
      %add3A_444 = arith.addi %mul3A_432, %add3A_443 : i32
      %add3A_445 = vector.broadcast %add3A_444 : i32 to vector<1x128xi32>
      %add3A_446 = arith.addi %iota3A, %add3A_445 : vector<1x128xi32>
      %lt3A_447 = arith.cmpf olt, %broadcast_in_dim3A_442, %select_n3A_366 : vector<1x128xf32>
      %select_n3A_448 = arith.select %lt3A_447, %broadcast_in_dim3A_442, %select_n3A_366 : vector<1x128xi1>, vector<1x128xf32>
      %select_n3A_449 = arith.select %lt3A_447, %add3A_446, %select_n3A_367 : vector<1x128xi1>, vector<1x128xi32>
      %get3A_450 = arith.constant 128 : index
      %get3A_451 = arith.constant 0 : index
      %get3A_452 = vector.load %arg5[%get3A_450, %get3A_451] : memref<2560x128xf32, #tpu.memory_space<vmem>>, vector<128x128xf32>
      %sub3A_453 = vector.broadcast %get3A_1 : vector<1x128xf32> to vector<128x128xf32>
      %sub3A_454 = arith.subf %get3A_452, %sub3A_453 : vector<128x128xf32>
      %abs3A_455 = math.absf %sub3A_454 : vector<128x128xf32>
      %transpose3A_456 = tpu.transpose %abs3A_455, [1, 0] : vector<128x128xf32> -> vector<128x128xf32>
      %reduce_sum3A_457 = arith.constant dense<0.000000e+00> : vector<128xf32>
      %reduce_sum3A_458 = vector.multi_reduction <add>, %transpose3A_456, %reduce_sum3A_457 [0] : vector<128x128xf32> to vector<128xf32>
      %broadcast_in_dim3A_459 = vector.shape_cast %reduce_sum3A_458 : vector<128xf32> to vector<1x128xf32>
      %add3A_460 = arith.constant 128 : i32
      %add3A_461 = arith.addi %mul3A_432, %add3A_460 : i32
      %add3A_462 = vector.broadcast %add3A_461 : i32 to vector<1x128xi32>
      %add3A_463 = arith.addi %iota3A, %add3A_462 : vector<1x128xi32>
      %lt3A_464 = arith.cmpf olt, %broadcast_in_dim3A_459, %select_n3A_383 : vector<1x128xf32>
      %select_n3A_465 = arith.select %lt3A_464, %broadcast_in_dim3A_459, %select_n3A_383 : vector<1x128xi1>, vector<1x128xf32>
      %select_n3A_466 = arith.select %lt3A_464, %add3A_463, %select_n3A_384 : vector<1x128xi1>, vector<1x128xi32>
      %get3A_467 = arith.constant 256 : index
      %get3A_468 = arith.constant 0 : index
      %get3A_469 = vector.load %arg5[%get3A_467, %get3A_468] : memref<2560x128xf32, #tpu.memory_space<vmem>>, vector<128x128xf32>
      %sub3A_470 = vector.broadcast %get3A_1 : vector<1x128xf32> to vector<128x128xf32>
      %sub3A_471 = arith.subf %get3A_469, %sub3A_470 : vector<128x128xf32>
      %abs3A_472 = math.absf %sub3A_471 : vector<128x128xf32>
      %transpose3A_473 = tpu.transpose %abs3A_472, [1, 0] : vector<128x128xf32> -> vector<128x128xf32>
      %reduce_sum3A_474 = arith.constant dense<0.000000e+00> : vector<128xf32>
      %reduce_sum3A_475 = vector.multi_reduction <add>, %transpose3A_473, %reduce_sum3A_474 [0] : vector<128x128xf32> to vector<128xf32>
      %broadcast_in_dim3A_476 = vector.shape_cast %reduce_sum3A_475 : vector<128xf32> to vector<1x128xf32>
      %add3A_477 = arith.constant 256 : i32
      %add3A_478 = arith.addi %mul3A_432, %add3A_477 : i32
      %add3A_479 = vector.broadcast %add3A_478 : i32 to vector<1x128xi32>
      %add3A_480 = arith.addi %iota3A, %add3A_479 : vector<1x128xi32>
      %lt3A_481 = arith.cmpf olt, %broadcast_in_dim3A_476, %select_n3A_400 : vector<1x128xf32>
      %select_n3A_482 = arith.select %lt3A_481, %broadcast_in_dim3A_476, %select_n3A_400 : vector<1x128xi1>, vector<1x128xf32>
      %select_n3A_483 = arith.select %lt3A_481, %add3A_480, %select_n3A_401 : vector<1x128xi1>, vector<1x128xi32>
      %get3A_484 = arith.constant 384 : index
      %get3A_485 = arith.constant 0 : index
      %get3A_486 = vector.load %arg5[%get3A_484, %get3A_485] : memref<2560x128xf32, #tpu.memory_space<vmem>>, vector<128x128xf32>
      %sub3A_487 = vector.broadcast %get3A_1 : vector<1x128xf32> to vector<128x128xf32>
      %sub3A_488 = arith.subf %get3A_486, %sub3A_487 : vector<128x128xf32>
      %abs3A_489 = math.absf %sub3A_488 : vector<128x128xf32>
      %transpose3A_490 = tpu.transpose %abs3A_489, [1, 0] : vector<128x128xf32> -> vector<128x128xf32>
      %reduce_sum3A_491 = arith.constant dense<0.000000e+00> : vector<128xf32>
      %reduce_sum3A_492 = vector.multi_reduction <add>, %transpose3A_490, %reduce_sum3A_491 [0] : vector<128x128xf32> to vector<128xf32>
      %broadcast_in_dim3A_493 = vector.shape_cast %reduce_sum3A_492 : vector<128xf32> to vector<1x128xf32>
      %add3A_494 = arith.constant 384 : i32
      %add3A_495 = arith.addi %mul3A_432, %add3A_494 : i32
      %add3A_496 = vector.broadcast %add3A_495 : i32 to vector<1x128xi32>
      %add3A_497 = arith.addi %iota3A, %add3A_496 : vector<1x128xi32>
      %lt3A_498 = arith.cmpf olt, %broadcast_in_dim3A_493, %select_n3A_417 : vector<1x128xf32>
      %select_n3A_499 = arith.select %lt3A_498, %broadcast_in_dim3A_493, %select_n3A_417 : vector<1x128xi1>, vector<1x128xf32>
      %select_n3A_500 = arith.select %lt3A_498, %add3A_497, %select_n3A_418 : vector<1x128xi1>, vector<1x128xi32>
      %get3A_501 = arith.constant 512 : index
      %get3A_502 = arith.constant 0 : index
      %get3A_503 = vector.load %arg5[%get3A_501, %get3A_502] : memref<2560x128xf32, #tpu.memory_space<vmem>>, vector<128x128xf32>
      %sub3A_504 = vector.broadcast %get3A_1 : vector<1x128xf32> to vector<128x128xf32>
      %sub3A_505 = arith.subf %get3A_503, %sub3A_504 : vector<128x128xf32>
      %abs3A_506 = math.absf %sub3A_505 : vector<128x128xf32>
      %transpose3A_507 = tpu.transpose %abs3A_506, [1, 0] : vector<128x128xf32> -> vector<128x128xf32>
      %reduce_sum3A_508 = arith.constant dense<0.000000e+00> : vector<128xf32>
      %reduce_sum3A_509 = vector.multi_reduction <add>, %transpose3A_507, %reduce_sum3A_508 [0] : vector<128x128xf32> to vector<128xf32>
      %broadcast_in_dim3A_510 = vector.shape_cast %reduce_sum3A_509 : vector<128xf32> to vector<1x128xf32>
      %add3A_511 = arith.constant 512 : i32
      %add3A_512 = arith.addi %mul3A_432, %add3A_511 : i32
      %add3A_513 = vector.broadcast %add3A_512 : i32 to vector<1x128xi32>
      %add3A_514 = arith.addi %iota3A, %add3A_513 : vector<1x128xi32>
      %lt3A_515 = arith.cmpf olt, %broadcast_in_dim3A_510, %select_n3A_448 : vector<1x128xf32>
      %select_n3A_516 = arith.select %lt3A_515, %broadcast_in_dim3A_510, %select_n3A_448 : vector<1x128xi1>, vector<1x128xf32>
      %select_n3A_517 = arith.select %lt3A_515, %add3A_514, %select_n3A_449 : vector<1x128xi1>, vector<1x128xi32>
      %get3A_518 = arith.constant 640 : index
      %get3A_519 = arith.constant 0 : index
      %get3A_520 = vector.load %arg5[%get3A_518, %get3A_519] : memref<2560x128xf32, #tpu.memory_space<vmem>>, vector<128x128xf32>
      %sub3A_521 = vector.broadcast %get3A_1 : vector<1x128xf32> to vector<128x128xf32>
      %sub3A_522 = arith.subf %get3A_520, %sub3A_521 : vector<128x128xf32>
      %abs3A_523 = math.absf %sub3A_522 : vector<128x128xf32>
      %transpose3A_524 = tpu.transpose %abs3A_523, [1, 0] : vector<128x128xf32> -> vector<128x128xf32>
      %reduce_sum3A_525 = arith.constant dense<0.000000e+00> : vector<128xf32>
      %reduce_sum3A_526 = vector.multi_reduction <add>, %transpose3A_524, %reduce_sum3A_525 [0] : vector<128x128xf32> to vector<128xf32>
      %broadcast_in_dim3A_527 = vector.shape_cast %reduce_sum3A_526 : vector<128xf32> to vector<1x128xf32>
      %add3A_528 = arith.constant 640 : i32
      %add3A_529 = arith.addi %mul3A_432, %add3A_528 : i32
      %add3A_530 = vector.broadcast %add3A_529 : i32 to vector<1x128xi32>
      %add3A_531 = arith.addi %iota3A, %add3A_530 : vector<1x128xi32>
      %lt3A_532 = arith.cmpf olt, %broadcast_in_dim3A_527, %select_n3A_465 : vector<1x128xf32>
      %select_n3A_533 = arith.select %lt3A_532, %broadcast_in_dim3A_527, %select_n3A_465 : vector<1x128xi1>, vector<1x128xf32>
      %select_n3A_534 = arith.select %lt3A_532, %add3A_531, %select_n3A_466 : vector<1x128xi1>, vector<1x128xi32>
      %get3A_535 = arith.constant 768 : index
      %get3A_536 = arith.constant 0 : index
      %get3A_537 = vector.load %arg5[%get3A_535, %get3A_536] : memref<2560x128xf32, #tpu.memory_space<vmem>>, vector<128x128xf32>
      %sub3A_538 = vector.broadcast %get3A_1 : vector<1x128xf32> to vector<128x128xf32>
      %sub3A_539 = arith.subf %get3A_537, %sub3A_538 : vector<128x128xf32>
      %abs3A_540 = math.absf %sub3A_539 : vector<128x128xf32>
      %transpose3A_541 = tpu.transpose %abs3A_540, [1, 0] : vector<128x128xf32> -> vector<128x128xf32>
      %reduce_sum3A_542 = arith.constant dense<0.000000e+00> : vector<128xf32>
      %reduce_sum3A_543 = vector.multi_reduction <add>, %transpose3A_541, %reduce_sum3A_542 [0] : vector<128x128xf32> to vector<128xf32>
      %broadcast_in_dim3A_544 = vector.shape_cast %reduce_sum3A_543 : vector<128xf32> to vector<1x128xf32>
      %add3A_545 = arith.constant 768 : i32
      %add3A_546 = arith.addi %mul3A_432, %add3A_545 : i32
      %add3A_547 = vector.broadcast %add3A_546 : i32 to vector<1x128xi32>
      %add3A_548 = arith.addi %iota3A, %add3A_547 : vector<1x128xi32>
      %lt3A_549 = arith.cmpf olt, %broadcast_in_dim3A_544, %select_n3A_482 : vector<1x128xf32>
      %select_n3A_550 = arith.select %lt3A_549, %broadcast_in_dim3A_544, %select_n3A_482 : vector<1x128xi1>, vector<1x128xf32>
      %select_n3A_551 = arith.select %lt3A_549, %add3A_548, %select_n3A_483 : vector<1x128xi1>, vector<1x128xi32>
      %get3A_552 = arith.constant 896 : index
      %get3A_553 = arith.constant 0 : index
      %get3A_554 = vector.load %arg5[%get3A_552, %get3A_553] : memref<2560x128xf32, #tpu.memory_space<vmem>>, vector<128x128xf32>
      %sub3A_555 = vector.broadcast %get3A_1 : vector<1x128xf32> to vector<128x128xf32>
      %sub3A_556 = arith.subf %get3A_554, %sub3A_555 : vector<128x128xf32>
      %abs3A_557 = math.absf %sub3A_556 : vector<128x128xf32>
      %transpose3A_558 = tpu.transpose %abs3A_557, [1, 0] : vector<128x128xf32> -> vector<128x128xf32>
      %reduce_sum3A_559 = arith.constant dense<0.000000e+00> : vector<128xf32>
      %reduce_sum3A_560 = vector.multi_reduction <add>, %transpose3A_558, %reduce_sum3A_559 [0] : vector<128x128xf32> to vector<128xf32>
      %broadcast_in_dim3A_561 = vector.shape_cast %reduce_sum3A_560 : vector<128xf32> to vector<1x128xf32>
      %add3A_562 = arith.constant 896 : i32
      %add3A_563 = arith.addi %mul3A_432, %add3A_562 : i32
      %add3A_564 = vector.broadcast %add3A_563 : i32 to vector<1x128xi32>
      %add3A_565 = arith.addi %iota3A, %add3A_564 : vector<1x128xi32>
      %lt3A_566 = arith.cmpf olt, %broadcast_in_dim3A_561, %select_n3A_499 : vector<1x128xf32>
      %select_n3A_567 = arith.select %lt3A_566, %broadcast_in_dim3A_561, %select_n3A_499 : vector<1x128xi1>, vector<1x128xf32>
      %select_n3A_568 = arith.select %lt3A_566, %add3A_565, %select_n3A_500 : vector<1x128xi1>, vector<1x128xi32>
      %get3A_569 = arith.constant 1024 : index
      %get3A_570 = arith.constant 0 : index
      %get3A_571 = vector.load %arg5[%get3A_569, %get3A_570] : memref<2560x128xf32, #tpu.memory_space<vmem>>, vector<128x128xf32>
      %sub3A_572 = vector.broadcast %get3A_1 : vector<1x128xf32> to vector<128x128xf32>
      %sub3A_573 = arith.subf %get3A_571, %sub3A_572 : vector<128x128xf32>
      %abs3A_574 = math.absf %sub3A_573 : vector<128x128xf32>
      %transpose3A_575 = tpu.transpose %abs3A_574, [1, 0] : vector<128x128xf32> -> vector<128x128xf32>
      %reduce_sum3A_576 = arith.constant dense<0.000000e+00> : vector<128xf32>
      %reduce_sum3A_577 = vector.multi_reduction <add>, %transpose3A_575, %reduce_sum3A_576 [0] : vector<128x128xf32> to vector<128xf32>
      %broadcast_in_dim3A_578 = vector.shape_cast %reduce_sum3A_577 : vector<128xf32> to vector<1x128xf32>
      %add3A_579 = arith.constant 1024 : i32
      %add3A_580 = arith.addi %mul3A_432, %add3A_579 : i32
      %add3A_581 = vector.broadcast %add3A_580 : i32 to vector<1x128xi32>
      %add3A_582 = arith.addi %iota3A, %add3A_581 : vector<1x128xi32>
      %lt3A_583 = arith.cmpf olt, %broadcast_in_dim3A_578, %select_n3A_516 : vector<1x128xf32>
      %select_n3A_584 = arith.select %lt3A_583, %broadcast_in_dim3A_578, %select_n3A_516 : vector<1x128xi1>, vector<1x128xf32>
      %select_n3A_585 = arith.select %lt3A_583, %add3A_582, %select_n3A_517 : vector<1x128xi1>, vector<1x128xi32>
      %get3A_586 = arith.constant 1152 : index
      %get3A_587 = arith.constant 0 : index
      %get3A_588 = vector.load %arg5[%get3A_586, %get3A_587] : memref<2560x128xf32, #tpu.memory_space<vmem>>, vector<128x128xf32>
      %sub3A_589 = vector.broadcast %get3A_1 : vector<1x128xf32> to vector<128x128xf32>
      %sub3A_590 = arith.subf %get3A_588, %sub3A_589 : vector<128x128xf32>
      %abs3A_591 = math.absf %sub3A_590 : vector<128x128xf32>
      %transpose3A_592 = tpu.transpose %abs3A_591, [1, 0] : vector<128x128xf32> -> vector<128x128xf32>
      %reduce_sum3A_593 = arith.constant dense<0.000000e+00> : vector<128xf32>
      %reduce_sum3A_594 = vector.multi_reduction <add>, %transpose3A_592, %reduce_sum3A_593 [0] : vector<128x128xf32> to vector<128xf32>
      %broadcast_in_dim3A_595 = vector.shape_cast %reduce_sum3A_594 : vector<128xf32> to vector<1x128xf32>
      %add3A_596 = arith.constant 1152 : i32
      %add3A_597 = arith.addi %mul3A_432, %add3A_596 : i32
      %add3A_598 = vector.broadcast %add3A_597 : i32 to vector<1x128xi32>
      %add3A_599 = arith.addi %iota3A, %add3A_598 : vector<1x128xi32>
      %lt3A_600 = arith.cmpf olt, %broadcast_in_dim3A_595, %select_n3A_533 : vector<1x128xf32>
      %select_n3A_601 = arith.select %lt3A_600, %broadcast_in_dim3A_595, %select_n3A_533 : vector<1x128xi1>, vector<1x128xf32>
      %select_n3A_602 = arith.select %lt3A_600, %add3A_599, %select_n3A_534 : vector<1x128xi1>, vector<1x128xi32>
      %get3A_603 = arith.constant 1280 : index
      %get3A_604 = arith.constant 0 : index
      %get3A_605 = vector.load %arg5[%get3A_603, %get3A_604] : memref<2560x128xf32, #tpu.memory_space<vmem>>, vector<128x128xf32>
      %sub3A_606 = vector.broadcast %get3A_1 : vector<1x128xf32> to vector<128x128xf32>
      %sub3A_607 = arith.subf %get3A_605, %sub3A_606 : vector<128x128xf32>
      %abs3A_608 = math.absf %sub3A_607 : vector<128x128xf32>
      %transpose3A_609 = tpu.transpose %abs3A_608, [1, 0] : vector<128x128xf32> -> vector<128x128xf32>
      %reduce_sum3A_610 = arith.constant dense<0.000000e+00> : vector<128xf32>
      %reduce_sum3A_611 = vector.multi_reduction <add>, %transpose3A_609, %reduce_sum3A_610 [0] : vector<128x128xf32> to vector<128xf32>
      %broadcast_in_dim3A_612 = vector.shape_cast %reduce_sum3A_611 : vector<128xf32> to vector<1x128xf32>
      %add3A_613 = arith.constant 1280 : i32
      %add3A_614 = arith.addi %mul3A_432, %add3A_613 : i32
      %add3A_615 = vector.broadcast %add3A_614 : i32 to vector<1x128xi32>
      %add3A_616 = arith.addi %iota3A, %add3A_615 : vector<1x128xi32>
      %lt3A_617 = arith.cmpf olt, %broadcast_in_dim3A_612, %select_n3A_550 : vector<1x128xf32>
      %select_n3A_618 = arith.select %lt3A_617, %broadcast_in_dim3A_612, %select_n3A_550 : vector<1x128xi1>, vector<1x128xf32>
      %select_n3A_619 = arith.select %lt3A_617, %add3A_616, %select_n3A_551 : vector<1x128xi1>, vector<1x128xi32>
      %get3A_620 = arith.constant 1408 : index
      %get3A_621 = arith.constant 0 : index
      %get3A_622 = vector.load %arg5[%get3A_620, %get3A_621] : memref<2560x128xf32, #tpu.memory_space<vmem>>, vector<128x128xf32>
      %sub3A_623 = vector.broadcast %get3A_1 : vector<1x128xf32> to vector<128x128xf32>
      %sub3A_624 = arith.subf %get3A_622, %sub3A_623 : vector<128x128xf32>
      %abs3A_625 = math.absf %sub3A_624 : vector<128x128xf32>
      %transpose3A_626 = tpu.transpose %abs3A_625, [1, 0] : vector<128x128xf32> -> vector<128x128xf32>
      %reduce_sum3A_627 = arith.constant dense<0.000000e+00> : vector<128xf32>
      %reduce_sum3A_628 = vector.multi_reduction <add>, %transpose3A_626, %reduce_sum3A_627 [0] : vector<128x128xf32> to vector<128xf32>
      %broadcast_in_dim3A_629 = vector.shape_cast %reduce_sum3A_628 : vector<128xf32> to vector<1x128xf32>
      %add3A_630 = arith.constant 1408 : i32
      %add3A_631 = arith.addi %mul3A_432, %add3A_630 : i32
      %add3A_632 = vector.broadcast %add3A_631 : i32 to vector<1x128xi32>
      %add3A_633 = arith.addi %iota3A, %add3A_632 : vector<1x128xi32>
      %lt3A_634 = arith.cmpf olt, %broadcast_in_dim3A_629, %select_n3A_567 : vector<1x128xf32>
      %select_n3A_635 = arith.select %lt3A_634, %broadcast_in_dim3A_629, %select_n3A_567 : vector<1x128xi1>, vector<1x128xf32>
      %select_n3A_636 = arith.select %lt3A_634, %add3A_633, %select_n3A_568 : vector<1x128xi1>, vector<1x128xi32>
      %get3A_637 = arith.constant 1536 : index
      %get3A_638 = arith.constant 0 : index
      %get3A_639 = vector.load %arg5[%get3A_637, %get3A_638] : memref<2560x128xf32, #tpu.memory_space<vmem>>, vector<128x128xf32>
      %sub3A_640 = vector.broadcast %get3A_1 : vector<1x128xf32> to vector<128x128xf32>
      %sub3A_641 = arith.subf %get3A_639, %sub3A_640 : vector<128x128xf32>
      %abs3A_642 = math.absf %sub3A_641 : vector<128x128xf32>
      %transpose3A_643 = tpu.transpose %abs3A_642, [1, 0] : vector<128x128xf32> -> vector<128x128xf32>
      %reduce_sum3A_644 = arith.constant dense<0.000000e+00> : vector<128xf32>
      %reduce_sum3A_645 = vector.multi_reduction <add>, %transpose3A_643, %reduce_sum3A_644 [0] : vector<128x128xf32> to vector<128xf32>
      %broadcast_in_dim3A_646 = vector.shape_cast %reduce_sum3A_645 : vector<128xf32> to vector<1x128xf32>
      %add3A_647 = arith.constant 1536 : i32
      %add3A_648 = arith.addi %mul3A_432, %add3A_647 : i32
      %add3A_649 = vector.broadcast %add3A_648 : i32 to vector<1x128xi32>
      %add3A_650 = arith.addi %iota3A, %add3A_649 : vector<1x128xi32>
      %lt3A_651 = arith.cmpf olt, %broadcast_in_dim3A_646, %select_n3A_584 : vector<1x128xf32>
      %select_n3A_652 = arith.select %lt3A_651, %broadcast_in_dim3A_646, %select_n3A_584 : vector<1x128xi1>, vector<1x128xf32>
      %select_n3A_653 = arith.select %lt3A_651, %add3A_650, %select_n3A_585 : vector<1x128xi1>, vector<1x128xi32>
      %get3A_654 = arith.constant 1664 : index
      %get3A_655 = arith.constant 0 : index
      %get3A_656 = vector.load %arg5[%get3A_654, %get3A_655] : memref<2560x128xf32, #tpu.memory_space<vmem>>, vector<128x128xf32>
      %sub3A_657 = vector.broadcast %get3A_1 : vector<1x128xf32> to vector<128x128xf32>
      %sub3A_658 = arith.subf %get3A_656, %sub3A_657 : vector<128x128xf32>
      %abs3A_659 = math.absf %sub3A_658 : vector<128x128xf32>
      %transpose3A_660 = tpu.transpose %abs3A_659, [1, 0] : vector<128x128xf32> -> vector<128x128xf32>
      %reduce_sum3A_661 = arith.constant dense<0.000000e+00> : vector<128xf32>
      %reduce_sum3A_662 = vector.multi_reduction <add>, %transpose3A_660, %reduce_sum3A_661 [0] : vector<128x128xf32> to vector<128xf32>
      %broadcast_in_dim3A_663 = vector.shape_cast %reduce_sum3A_662 : vector<128xf32> to vector<1x128xf32>
      %add3A_664 = arith.constant 1664 : i32
      %add3A_665 = arith.addi %mul3A_432, %add3A_664 : i32
      %add3A_666 = vector.broadcast %add3A_665 : i32 to vector<1x128xi32>
      %add3A_667 = arith.addi %iota3A, %add3A_666 : vector<1x128xi32>
      %lt3A_668 = arith.cmpf olt, %broadcast_in_dim3A_663, %select_n3A_601 : vector<1x128xf32>
      %select_n3A_669 = arith.select %lt3A_668, %broadcast_in_dim3A_663, %select_n3A_601 : vector<1x128xi1>, vector<1x128xf32>
      %select_n3A_670 = arith.select %lt3A_668, %add3A_667, %select_n3A_602 : vector<1x128xi1>, vector<1x128xi32>
      %get3A_671 = arith.constant 1792 : index
      %get3A_672 = arith.constant 0 : index
      %get3A_673 = vector.load %arg5[%get3A_671, %get3A_672] : memref<2560x128xf32, #tpu.memory_space<vmem>>, vector<128x128xf32>
      %sub3A_674 = vector.broadcast %get3A_1 : vector<1x128xf32> to vector<128x128xf32>
      %sub3A_675 = arith.subf %get3A_673, %sub3A_674 : vector<128x128xf32>
      %abs3A_676 = math.absf %sub3A_675 : vector<128x128xf32>
      %transpose3A_677 = tpu.transpose %abs3A_676, [1, 0] : vector<128x128xf32> -> vector<128x128xf32>
      %reduce_sum3A_678 = arith.constant dense<0.000000e+00> : vector<128xf32>
      %reduce_sum3A_679 = vector.multi_reduction <add>, %transpose3A_677, %reduce_sum3A_678 [0] : vector<128x128xf32> to vector<128xf32>
      %broadcast_in_dim3A_680 = vector.shape_cast %reduce_sum3A_679 : vector<128xf32> to vector<1x128xf32>
      %add3A_681 = arith.constant 1792 : i32
      %add3A_682 = arith.addi %mul3A_432, %add3A_681 : i32
      %add3A_683 = vector.broadcast %add3A_682 : i32 to vector<1x128xi32>
      %add3A_684 = arith.addi %iota3A, %add3A_683 : vector<1x128xi32>
      %lt3A_685 = arith.cmpf olt, %broadcast_in_dim3A_680, %select_n3A_618 : vector<1x128xf32>
      %select_n3A_686 = arith.select %lt3A_685, %broadcast_in_dim3A_680, %select_n3A_618 : vector<1x128xi1>, vector<1x128xf32>
      %select_n3A_687 = arith.select %lt3A_685, %add3A_684, %select_n3A_619 : vector<1x128xi1>, vector<1x128xi32>
      %get3A_688 = arith.constant 1920 : index
      %get3A_689 = arith.constant 0 : index
      %get3A_690 = vector.load %arg5[%get3A_688, %get3A_689] : memref<2560x128xf32, #tpu.memory_space<vmem>>, vector<128x128xf32>
      %sub3A_691 = vector.broadcast %get3A_1 : vector<1x128xf32> to vector<128x128xf32>
      %sub3A_692 = arith.subf %get3A_690, %sub3A_691 : vector<128x128xf32>
      %abs3A_693 = math.absf %sub3A_692 : vector<128x128xf32>
      %transpose3A_694 = tpu.transpose %abs3A_693, [1, 0] : vector<128x128xf32> -> vector<128x128xf32>
      %reduce_sum3A_695 = arith.constant dense<0.000000e+00> : vector<128xf32>
      %reduce_sum3A_696 = vector.multi_reduction <add>, %transpose3A_694, %reduce_sum3A_695 [0] : vector<128x128xf32> to vector<128xf32>
      %broadcast_in_dim3A_697 = vector.shape_cast %reduce_sum3A_696 : vector<128xf32> to vector<1x128xf32>
      %add3A_698 = arith.constant 1920 : i32
      %add3A_699 = arith.addi %mul3A_432, %add3A_698 : i32
      %add3A_700 = vector.broadcast %add3A_699 : i32 to vector<1x128xi32>
      %add3A_701 = arith.addi %iota3A, %add3A_700 : vector<1x128xi32>
      %lt3A_702 = arith.cmpf olt, %broadcast_in_dim3A_697, %select_n3A_635 : vector<1x128xf32>
      %select_n3A_703 = arith.select %lt3A_702, %broadcast_in_dim3A_697, %select_n3A_635 : vector<1x128xi1>, vector<1x128xf32>
      %select_n3A_704 = arith.select %lt3A_702, %add3A_701, %select_n3A_636 : vector<1x128xi1>, vector<1x128xi32>
      %get3A_705 = arith.constant 2048 : index
      %get3A_706 = arith.constant 0 : index
      %get3A_707 = vector.load %arg5[%get3A_705, %get3A_706] : memref<2560x128xf32, #tpu.memory_space<vmem>>, vector<128x128xf32>
      %sub3A_708 = vector.broadcast %get3A_1 : vector<1x128xf32> to vector<128x128xf32>
      %sub3A_709 = arith.subf %get3A_707, %sub3A_708 : vector<128x128xf32>
      %abs3A_710 = math.absf %sub3A_709 : vector<128x128xf32>
      %transpose3A_711 = tpu.transpose %abs3A_710, [1, 0] : vector<128x128xf32> -> vector<128x128xf32>
      %reduce_sum3A_712 = arith.constant dense<0.000000e+00> : vector<128xf32>
      %reduce_sum3A_713 = vector.multi_reduction <add>, %transpose3A_711, %reduce_sum3A_712 [0] : vector<128x128xf32> to vector<128xf32>
      %broadcast_in_dim3A_714 = vector.shape_cast %reduce_sum3A_713 : vector<128xf32> to vector<1x128xf32>
      %add3A_715 = arith.constant 2048 : i32
      %add3A_716 = arith.addi %mul3A_432, %add3A_715 : i32
      %add3A_717 = vector.broadcast %add3A_716 : i32 to vector<1x128xi32>
      %add3A_718 = arith.addi %iota3A, %add3A_717 : vector<1x128xi32>
      %lt3A_719 = arith.cmpf olt, %broadcast_in_dim3A_714, %select_n3A_652 : vector<1x128xf32>
      %select_n3A_720 = arith.select %lt3A_719, %broadcast_in_dim3A_714, %select_n3A_652 : vector<1x128xi1>, vector<1x128xf32>
      %select_n3A_721 = arith.select %lt3A_719, %add3A_718, %select_n3A_653 : vector<1x128xi1>, vector<1x128xi32>
      %get3A_722 = arith.constant 2176 : index
      %get3A_723 = arith.constant 0 : index
      %get3A_724 = vector.load %arg5[%get3A_722, %get3A_723] : memref<2560x128xf32, #tpu.memory_space<vmem>>, vector<128x128xf32>
      %sub3A_725 = vector.broadcast %get3A_1 : vector<1x128xf32> to vector<128x128xf32>
      %sub3A_726 = arith.subf %get3A_724, %sub3A_725 : vector<128x128xf32>
      %abs3A_727 = math.absf %sub3A_726 : vector<128x128xf32>
      %transpose3A_728 = tpu.transpose %abs3A_727, [1, 0] : vector<128x128xf32> -> vector<128x128xf32>
      %reduce_sum3A_729 = arith.constant dense<0.000000e+00> : vector<128xf32>
      %reduce_sum3A_730 = vector.multi_reduction <add>, %transpose3A_728, %reduce_sum3A_729 [0] : vector<128x128xf32> to vector<128xf32>
      %broadcast_in_dim3A_731 = vector.shape_cast %reduce_sum3A_730 : vector<128xf32> to vector<1x128xf32>
      %add3A_732 = arith.constant 2176 : i32
      %add3A_733 = arith.addi %mul3A_432, %add3A_732 : i32
      %add3A_734 = vector.broadcast %add3A_733 : i32 to vector<1x128xi32>
      %add3A_735 = arith.addi %iota3A, %add3A_734 : vector<1x128xi32>
      %lt3A_736 = arith.cmpf olt, %broadcast_in_dim3A_731, %select_n3A_669 : vector<1x128xf32>
      %select_n3A_737 = arith.select %lt3A_736, %broadcast_in_dim3A_731, %select_n3A_669 : vector<1x128xi1>, vector<1x128xf32>
      %select_n3A_738 = arith.select %lt3A_736, %add3A_735, %select_n3A_670 : vector<1x128xi1>, vector<1x128xi32>
      %get3A_739 = arith.constant 2304 : index
      %get3A_740 = arith.constant 0 : index
      %get3A_741 = vector.load %arg5[%get3A_739, %get3A_740] : memref<2560x128xf32, #tpu.memory_space<vmem>>, vector<128x128xf32>
      %sub3A_742 = vector.broadcast %get3A_1 : vector<1x128xf32> to vector<128x128xf32>
      %sub3A_743 = arith.subf %get3A_741, %sub3A_742 : vector<128x128xf32>
      %abs3A_744 = math.absf %sub3A_743 : vector<128x128xf32>
      %transpose3A_745 = tpu.transpose %abs3A_744, [1, 0] : vector<128x128xf32> -> vector<128x128xf32>
      %reduce_sum3A_746 = arith.constant dense<0.000000e+00> : vector<128xf32>
      %reduce_sum3A_747 = vector.multi_reduction <add>, %transpose3A_745, %reduce_sum3A_746 [0] : vector<128x128xf32> to vector<128xf32>
      %broadcast_in_dim3A_748 = vector.shape_cast %reduce_sum3A_747 : vector<128xf32> to vector<1x128xf32>
      %add3A_749 = arith.constant 2304 : i32
      %add3A_750 = arith.addi %mul3A_432, %add3A_749 : i32
      %add3A_751 = vector.broadcast %add3A_750 : i32 to vector<1x128xi32>
      %add3A_752 = arith.addi %iota3A, %add3A_751 : vector<1x128xi32>
      %lt3A_753 = arith.cmpf olt, %broadcast_in_dim3A_748, %select_n3A_686 : vector<1x128xf32>
      %select_n3A_754 = arith.select %lt3A_753, %broadcast_in_dim3A_748, %select_n3A_686 : vector<1x128xi1>, vector<1x128xf32>
      %select_n3A_755 = arith.select %lt3A_753, %add3A_752, %select_n3A_687 : vector<1x128xi1>, vector<1x128xi32>
      %get3A_756 = arith.constant 2432 : index
      %get3A_757 = arith.constant 0 : index
      %get3A_758 = vector.load %arg5[%get3A_756, %get3A_757] : memref<2560x128xf32, #tpu.memory_space<vmem>>, vector<128x128xf32>
      %sub3A_759 = vector.broadcast %get3A_1 : vector<1x128xf32> to vector<128x128xf32>
      %sub3A_760 = arith.subf %get3A_758, %sub3A_759 : vector<128x128xf32>
      %abs3A_761 = math.absf %sub3A_760 : vector<128x128xf32>
      %transpose3A_762 = tpu.transpose %abs3A_761, [1, 0] : vector<128x128xf32> -> vector<128x128xf32>
      %reduce_sum3A_763 = arith.constant dense<0.000000e+00> : vector<128xf32>
      %reduce_sum3A_764 = vector.multi_reduction <add>, %transpose3A_762, %reduce_sum3A_763 [0] : vector<128x128xf32> to vector<128xf32>
      %broadcast_in_dim3A_765 = vector.shape_cast %reduce_sum3A_764 : vector<128xf32> to vector<1x128xf32>
      %add3A_766 = arith.constant 2432 : i32
      %add3A_767 = arith.addi %mul3A_432, %add3A_766 : i32
      %add3A_768 = vector.broadcast %add3A_767 : i32 to vector<1x128xi32>
      %add3A_769 = arith.addi %iota3A, %add3A_768 : vector<1x128xi32>
      %lt3A_770 = arith.cmpf olt, %broadcast_in_dim3A_765, %select_n3A_703 : vector<1x128xf32>
      %select_n3A_771 = arith.select %lt3A_770, %broadcast_in_dim3A_765, %select_n3A_703 : vector<1x128xi1>, vector<1x128xf32>
      %select_n3A_772 = arith.select %lt3A_770, %add3A_769, %select_n3A_704 : vector<1x128xi1>, vector<1x128xi32>
      %add3A_773 = arith.constant 5 : i32
      %add3A_774 = arith.addi %add3A_427, %add3A_773 : i32
      %lt3A_775 = arith.constant 25 : i32
      %lt3A_776 = arith.cmpi slt, %add3A_774, %lt3A_775 : i32
      %convert_element_type3A_777 = arith.extui %lt3A_776 : i1 to i32
      %cond3A_778 = arith.constant 0 : i32
      %cond3A_779 = arith.cmpi ne, %convert_element_type3A_777, %cond3A_778 : i32
      scf.if %cond3A_779 {
        %add3A_1848 = arith.constant 5 : i32
        %add3A_1849 = arith.addi %add3A_427, %add3A_1848 : i32
        %mul3A_1850 = arith.constant 2560 : i32
        %mul3A_1851 = arith.muli %add3A_1849, %mul3A_1850 : i32
        %dma_start3A_1852 = arith.constant 0 : i32
        %dma_start3A_1853 = tpu.memref_slice %arg0[%mul3A_1851, %dma_start3A_1852] : memref<100000x128xf32, #tpu.memory_space<any>> -> memref<2560x128xf32, #tpu.memory_space<any>>
        tpu.enqueue_dma source(%dma_start3A_1853 : memref<2560x128xf32, #tpu.memory_space<any>>) target(%arg5 : memref<2560x128xf32, #tpu.memory_space<vmem>>) target_semaphore(%arg10 : memref<!tpu.dma_semaphore, #tpu.memory_space<semaphore_mem>>)
      } else {
      }
      %mul3A_780 = arith.constant 5 : i32
      %mul3A_781 = arith.muli %scan3A_68, %mul3A_780 : i32
      %add3A_782 = arith.constant 2 : i32
      %add3A_783 = arith.addi %mul3A_781, %add3A_782 : i32
      %dma_wait3A_784 = arith.constant 0 : i32
      %dma_wait3A_785 = arith.constant 0 : i32
      %dma_wait3A_786 = tpu.memref_slice %arg0[%dma_wait3A_784, %dma_wait3A_785] : memref<100000x128xf32, #tpu.memory_space<any>> -> memref<2560x128xf32, #tpu.memory_space<any>>
      tpu.wait_dma2 semaphore(%arg11 : memref<!tpu.dma_semaphore, #tpu.memory_space<semaphore_mem>>) src(%dma_wait3A_786 : memref<2560x128xf32, #tpu.memory_space<any>>) dst(%arg6 : memref<2560x128xf32, #tpu.memory_space<vmem>>)
      %mul3A_787 = arith.constant 2560 : i32
      %mul3A_788 = arith.muli %add3A_783, %mul3A_787 : i32
      %get3A_789 = arith.constant 0 : index
      %get3A_790 = arith.constant 0 : index
      %get3A_791 = vector.load %arg6[%get3A_789, %get3A_790] : memref<2560x128xf32, #tpu.memory_space<vmem>>, vector<128x128xf32>
      %sub3A_792 = vector.broadcast %get3A_1 : vector<1x128xf32> to vector<128x128xf32>
      %sub3A_793 = arith.subf %get3A_791, %sub3A_792 : vector<128x128xf32>
      %abs3A_794 = math.absf %sub3A_793 : vector<128x128xf32>
      %transpose3A_795 = tpu.transpose %abs3A_794, [1, 0] : vector<128x128xf32> -> vector<128x128xf32>
      %reduce_sum3A_796 = arith.constant dense<0.000000e+00> : vector<128xf32>
      %reduce_sum3A_797 = vector.multi_reduction <add>, %transpose3A_795, %reduce_sum3A_796 [0] : vector<128x128xf32> to vector<128xf32>
      %broadcast_in_dim3A_798 = vector.shape_cast %reduce_sum3A_797 : vector<128xf32> to vector<1x128xf32>
      %add3A_799 = arith.constant 0 : i32
      %add3A_800 = arith.addi %mul3A_788, %add3A_799 : i32
      %add3A_801 = vector.broadcast %add3A_800 : i32 to vector<1x128xi32>
      %add3A_802 = arith.addi %iota3A, %add3A_801 : vector<1x128xi32>
      %lt3A_803 = arith.cmpf olt, %broadcast_in_dim3A_798, %select_n3A_720 : vector<1x128xf32>
      %select_n3A_804 = arith.select %lt3A_803, %broadcast_in_dim3A_798, %select_n3A_720 : vector<1x128xi1>, vector<1x128xf32>
      %select_n3A_805 = arith.select %lt3A_803, %add3A_802, %select_n3A_721 : vector<1x128xi1>, vector<1x128xi32>
      %get3A_806 = arith.constant 128 : index
      %get3A_807 = arith.constant 0 : index
      %get3A_808 = vector.load %arg6[%get3A_806, %get3A_807] : memref<2560x128xf32, #tpu.memory_space<vmem>>, vector<128x128xf32>
      %sub3A_809 = vector.broadcast %get3A_1 : vector<1x128xf32> to vector<128x128xf32>
      %sub3A_810 = arith.subf %get3A_808, %sub3A_809 : vector<128x128xf32>
      %abs3A_811 = math.absf %sub3A_810 : vector<128x128xf32>
      %transpose3A_812 = tpu.transpose %abs3A_811, [1, 0] : vector<128x128xf32> -> vector<128x128xf32>
      %reduce_sum3A_813 = arith.constant dense<0.000000e+00> : vector<128xf32>
      %reduce_sum3A_814 = vector.multi_reduction <add>, %transpose3A_812, %reduce_sum3A_813 [0] : vector<128x128xf32> to vector<128xf32>
      %broadcast_in_dim3A_815 = vector.shape_cast %reduce_sum3A_814 : vector<128xf32> to vector<1x128xf32>
      %add3A_816 = arith.constant 128 : i32
      %add3A_817 = arith.addi %mul3A_788, %add3A_816 : i32
      %add3A_818 = vector.broadcast %add3A_817 : i32 to vector<1x128xi32>
      %add3A_819 = arith.addi %iota3A, %add3A_818 : vector<1x128xi32>
      %lt3A_820 = arith.cmpf olt, %broadcast_in_dim3A_815, %select_n3A_737 : vector<1x128xf32>
      %select_n3A_821 = arith.select %lt3A_820, %broadcast_in_dim3A_815, %select_n3A_737 : vector<1x128xi1>, vector<1x128xf32>
      %select_n3A_822 = arith.select %lt3A_820, %add3A_819, %select_n3A_738 : vector<1x128xi1>, vector<1x128xi32>
      %get3A_823 = arith.constant 256 : index
      %get3A_824 = arith.constant 0 : index
      %get3A_825 = vector.load %arg6[%get3A_823, %get3A_824] : memref<2560x128xf32, #tpu.memory_space<vmem>>, vector<128x128xf32>
      %sub3A_826 = vector.broadcast %get3A_1 : vector<1x128xf32> to vector<128x128xf32>
      %sub3A_827 = arith.subf %get3A_825, %sub3A_826 : vector<128x128xf32>
      %abs3A_828 = math.absf %sub3A_827 : vector<128x128xf32>
      %transpose3A_829 = tpu.transpose %abs3A_828, [1, 0] : vector<128x128xf32> -> vector<128x128xf32>
      %reduce_sum3A_830 = arith.constant dense<0.000000e+00> : vector<128xf32>
      %reduce_sum3A_831 = vector.multi_reduction <add>, %transpose3A_829, %reduce_sum3A_830 [0] : vector<128x128xf32> to vector<128xf32>
      %broadcast_in_dim3A_832 = vector.shape_cast %reduce_sum3A_831 : vector<128xf32> to vector<1x128xf32>
      %add3A_833 = arith.constant 256 : i32
      %add3A_834 = arith.addi %mul3A_788, %add3A_833 : i32
      %add3A_835 = vector.broadcast %add3A_834 : i32 to vector<1x128xi32>
      %add3A_836 = arith.addi %iota3A, %add3A_835 : vector<1x128xi32>
      %lt3A_837 = arith.cmpf olt, %broadcast_in_dim3A_832, %select_n3A_754 : vector<1x128xf32>
      %select_n3A_838 = arith.select %lt3A_837, %broadcast_in_dim3A_832, %select_n3A_754 : vector<1x128xi1>, vector<1x128xf32>
      %select_n3A_839 = arith.select %lt3A_837, %add3A_836, %select_n3A_755 : vector<1x128xi1>, vector<1x128xi32>
      %get3A_840 = arith.constant 384 : index
      %get3A_841 = arith.constant 0 : index
      %get3A_842 = vector.load %arg6[%get3A_840, %get3A_841] : memref<2560x128xf32, #tpu.memory_space<vmem>>, vector<128x128xf32>
      %sub3A_843 = vector.broadcast %get3A_1 : vector<1x128xf32> to vector<128x128xf32>
      %sub3A_844 = arith.subf %get3A_842, %sub3A_843 : vector<128x128xf32>
      %abs3A_845 = math.absf %sub3A_844 : vector<128x128xf32>
      %transpose3A_846 = tpu.transpose %abs3A_845, [1, 0] : vector<128x128xf32> -> vector<128x128xf32>
      %reduce_sum3A_847 = arith.constant dense<0.000000e+00> : vector<128xf32>
      %reduce_sum3A_848 = vector.multi_reduction <add>, %transpose3A_846, %reduce_sum3A_847 [0] : vector<128x128xf32> to vector<128xf32>
      %broadcast_in_dim3A_849 = vector.shape_cast %reduce_sum3A_848 : vector<128xf32> to vector<1x128xf32>
      %add3A_850 = arith.constant 384 : i32
      %add3A_851 = arith.addi %mul3A_788, %add3A_850 : i32
      %add3A_852 = vector.broadcast %add3A_851 : i32 to vector<1x128xi32>
      %add3A_853 = arith.addi %iota3A, %add3A_852 : vector<1x128xi32>
      %lt3A_854 = arith.cmpf olt, %broadcast_in_dim3A_849, %select_n3A_771 : vector<1x128xf32>
      %select_n3A_855 = arith.select %lt3A_854, %broadcast_in_dim3A_849, %select_n3A_771 : vector<1x128xi1>, vector<1x128xf32>
      %select_n3A_856 = arith.select %lt3A_854, %add3A_853, %select_n3A_772 : vector<1x128xi1>, vector<1x128xi32>
      %get3A_857 = arith.constant 512 : index
      %get3A_858 = arith.constant 0 : index
      %get3A_859 = vector.load %arg6[%get3A_857, %get3A_858] : memref<2560x128xf32, #tpu.memory_space<vmem>>, vector<128x128xf32>
      %sub3A_860 = vector.broadcast %get3A_1 : vector<1x128xf32> to vector<128x128xf32>
      %sub3A_861 = arith.subf %get3A_859, %sub3A_860 : vector<128x128xf32>
      %abs3A_862 = math.absf %sub3A_861 : vector<128x128xf32>
      %transpose3A_863 = tpu.transpose %abs3A_862, [1, 0] : vector<128x128xf32> -> vector<128x128xf32>
      %reduce_sum3A_864 = arith.constant dense<0.000000e+00> : vector<128xf32>
      %reduce_sum3A_865 = vector.multi_reduction <add>, %transpose3A_863, %reduce_sum3A_864 [0] : vector<128x128xf32> to vector<128xf32>
      %broadcast_in_dim3A_866 = vector.shape_cast %reduce_sum3A_865 : vector<128xf32> to vector<1x128xf32>
      %add3A_867 = arith.constant 512 : i32
      %add3A_868 = arith.addi %mul3A_788, %add3A_867 : i32
      %add3A_869 = vector.broadcast %add3A_868 : i32 to vector<1x128xi32>
      %add3A_870 = arith.addi %iota3A, %add3A_869 : vector<1x128xi32>
      %lt3A_871 = arith.cmpf olt, %broadcast_in_dim3A_866, %select_n3A_804 : vector<1x128xf32>
      %select_n3A_872 = arith.select %lt3A_871, %broadcast_in_dim3A_866, %select_n3A_804 : vector<1x128xi1>, vector<1x128xf32>
      %select_n3A_873 = arith.select %lt3A_871, %add3A_870, %select_n3A_805 : vector<1x128xi1>, vector<1x128xi32>
      %get3A_874 = arith.constant 640 : index
      %get3A_875 = arith.constant 0 : index
      %get3A_876 = vector.load %arg6[%get3A_874, %get3A_875] : memref<2560x128xf32, #tpu.memory_space<vmem>>, vector<128x128xf32>
      %sub3A_877 = vector.broadcast %get3A_1 : vector<1x128xf32> to vector<128x128xf32>
      %sub3A_878 = arith.subf %get3A_876, %sub3A_877 : vector<128x128xf32>
      %abs3A_879 = math.absf %sub3A_878 : vector<128x128xf32>
      %transpose3A_880 = tpu.transpose %abs3A_879, [1, 0] : vector<128x128xf32> -> vector<128x128xf32>
      %reduce_sum3A_881 = arith.constant dense<0.000000e+00> : vector<128xf32>
      %reduce_sum3A_882 = vector.multi_reduction <add>, %transpose3A_880, %reduce_sum3A_881 [0] : vector<128x128xf32> to vector<128xf32>
      %broadcast_in_dim3A_883 = vector.shape_cast %reduce_sum3A_882 : vector<128xf32> to vector<1x128xf32>
      %add3A_884 = arith.constant 640 : i32
      %add3A_885 = arith.addi %mul3A_788, %add3A_884 : i32
      %add3A_886 = vector.broadcast %add3A_885 : i32 to vector<1x128xi32>
      %add3A_887 = arith.addi %iota3A, %add3A_886 : vector<1x128xi32>
      %lt3A_888 = arith.cmpf olt, %broadcast_in_dim3A_883, %select_n3A_821 : vector<1x128xf32>
      %select_n3A_889 = arith.select %lt3A_888, %broadcast_in_dim3A_883, %select_n3A_821 : vector<1x128xi1>, vector<1x128xf32>
      %select_n3A_890 = arith.select %lt3A_888, %add3A_887, %select_n3A_822 : vector<1x128xi1>, vector<1x128xi32>
      %get3A_891 = arith.constant 768 : index
      %get3A_892 = arith.constant 0 : index
      %get3A_893 = vector.load %arg6[%get3A_891, %get3A_892] : memref<2560x128xf32, #tpu.memory_space<vmem>>, vector<128x128xf32>
      %sub3A_894 = vector.broadcast %get3A_1 : vector<1x128xf32> to vector<128x128xf32>
      %sub3A_895 = arith.subf %get3A_893, %sub3A_894 : vector<128x128xf32>
      %abs3A_896 = math.absf %sub3A_895 : vector<128x128xf32>
      %transpose3A_897 = tpu.transpose %abs3A_896, [1, 0] : vector<128x128xf32> -> vector<128x128xf32>
      %reduce_sum3A_898 = arith.constant dense<0.000000e+00> : vector<128xf32>
      %reduce_sum3A_899 = vector.multi_reduction <add>, %transpose3A_897, %reduce_sum3A_898 [0] : vector<128x128xf32> to vector<128xf32>
      %broadcast_in_dim3A_900 = vector.shape_cast %reduce_sum3A_899 : vector<128xf32> to vector<1x128xf32>
      %add3A_901 = arith.constant 768 : i32
      %add3A_902 = arith.addi %mul3A_788, %add3A_901 : i32
      %add3A_903 = vector.broadcast %add3A_902 : i32 to vector<1x128xi32>
      %add3A_904 = arith.addi %iota3A, %add3A_903 : vector<1x128xi32>
      %lt3A_905 = arith.cmpf olt, %broadcast_in_dim3A_900, %select_n3A_838 : vector<1x128xf32>
      %select_n3A_906 = arith.select %lt3A_905, %broadcast_in_dim3A_900, %select_n3A_838 : vector<1x128xi1>, vector<1x128xf32>
      %select_n3A_907 = arith.select %lt3A_905, %add3A_904, %select_n3A_839 : vector<1x128xi1>, vector<1x128xi32>
      %get3A_908 = arith.constant 896 : index
      %get3A_909 = arith.constant 0 : index
      %get3A_910 = vector.load %arg6[%get3A_908, %get3A_909] : memref<2560x128xf32, #tpu.memory_space<vmem>>, vector<128x128xf32>
      %sub3A_911 = vector.broadcast %get3A_1 : vector<1x128xf32> to vector<128x128xf32>
      %sub3A_912 = arith.subf %get3A_910, %sub3A_911 : vector<128x128xf32>
      %abs3A_913 = math.absf %sub3A_912 : vector<128x128xf32>
      %transpose3A_914 = tpu.transpose %abs3A_913, [1, 0] : vector<128x128xf32> -> vector<128x128xf32>
      %reduce_sum3A_915 = arith.constant dense<0.000000e+00> : vector<128xf32>
      %reduce_sum3A_916 = vector.multi_reduction <add>, %transpose3A_914, %reduce_sum3A_915 [0] : vector<128x128xf32> to vector<128xf32>
      %broadcast_in_dim3A_917 = vector.shape_cast %reduce_sum3A_916 : vector<128xf32> to vector<1x128xf32>
      %add3A_918 = arith.constant 896 : i32
      %add3A_919 = arith.addi %mul3A_788, %add3A_918 : i32
      %add3A_920 = vector.broadcast %add3A_919 : i32 to vector<1x128xi32>
      %add3A_921 = arith.addi %iota3A, %add3A_920 : vector<1x128xi32>
      %lt3A_922 = arith.cmpf olt, %broadcast_in_dim3A_917, %select_n3A_855 : vector<1x128xf32>
      %select_n3A_923 = arith.select %lt3A_922, %broadcast_in_dim3A_917, %select_n3A_855 : vector<1x128xi1>, vector<1x128xf32>
      %select_n3A_924 = arith.select %lt3A_922, %add3A_921, %select_n3A_856 : vector<1x128xi1>, vector<1x128xi32>
      %get3A_925 = arith.constant 1024 : index
      %get3A_926 = arith.constant 0 : index
      %get3A_927 = vector.load %arg6[%get3A_925, %get3A_926] : memref<2560x128xf32, #tpu.memory_space<vmem>>, vector<128x128xf32>
      %sub3A_928 = vector.broadcast %get3A_1 : vector<1x128xf32> to vector<128x128xf32>
      %sub3A_929 = arith.subf %get3A_927, %sub3A_928 : vector<128x128xf32>
      %abs3A_930 = math.absf %sub3A_929 : vector<128x128xf32>
      %transpose3A_931 = tpu.transpose %abs3A_930, [1, 0] : vector<128x128xf32> -> vector<128x128xf32>
      %reduce_sum3A_932 = arith.constant dense<0.000000e+00> : vector<128xf32>
      %reduce_sum3A_933 = vector.multi_reduction <add>, %transpose3A_931, %reduce_sum3A_932 [0] : vector<128x128xf32> to vector<128xf32>
      %broadcast_in_dim3A_934 = vector.shape_cast %reduce_sum3A_933 : vector<128xf32> to vector<1x128xf32>
      %add3A_935 = arith.constant 1024 : i32
      %add3A_936 = arith.addi %mul3A_788, %add3A_935 : i32
      %add3A_937 = vector.broadcast %add3A_936 : i32 to vector<1x128xi32>
      %add3A_938 = arith.addi %iota3A, %add3A_937 : vector<1x128xi32>
      %lt3A_939 = arith.cmpf olt, %broadcast_in_dim3A_934, %select_n3A_872 : vector<1x128xf32>
      %select_n3A_940 = arith.select %lt3A_939, %broadcast_in_dim3A_934, %select_n3A_872 : vector<1x128xi1>, vector<1x128xf32>
      %select_n3A_941 = arith.select %lt3A_939, %add3A_938, %select_n3A_873 : vector<1x128xi1>, vector<1x128xi32>
      %get3A_942 = arith.constant 1152 : index
      %get3A_943 = arith.constant 0 : index
      %get3A_944 = vector.load %arg6[%get3A_942, %get3A_943] : memref<2560x128xf32, #tpu.memory_space<vmem>>, vector<128x128xf32>
      %sub3A_945 = vector.broadcast %get3A_1 : vector<1x128xf32> to vector<128x128xf32>
      %sub3A_946 = arith.subf %get3A_944, %sub3A_945 : vector<128x128xf32>
      %abs3A_947 = math.absf %sub3A_946 : vector<128x128xf32>
      %transpose3A_948 = tpu.transpose %abs3A_947, [1, 0] : vector<128x128xf32> -> vector<128x128xf32>
      %reduce_sum3A_949 = arith.constant dense<0.000000e+00> : vector<128xf32>
      %reduce_sum3A_950 = vector.multi_reduction <add>, %transpose3A_948, %reduce_sum3A_949 [0] : vector<128x128xf32> to vector<128xf32>
      %broadcast_in_dim3A_951 = vector.shape_cast %reduce_sum3A_950 : vector<128xf32> to vector<1x128xf32>
      %add3A_952 = arith.constant 1152 : i32
      %add3A_953 = arith.addi %mul3A_788, %add3A_952 : i32
      %add3A_954 = vector.broadcast %add3A_953 : i32 to vector<1x128xi32>
      %add3A_955 = arith.addi %iota3A, %add3A_954 : vector<1x128xi32>
      %lt3A_956 = arith.cmpf olt, %broadcast_in_dim3A_951, %select_n3A_889 : vector<1x128xf32>
      %select_n3A_957 = arith.select %lt3A_956, %broadcast_in_dim3A_951, %select_n3A_889 : vector<1x128xi1>, vector<1x128xf32>
      %select_n3A_958 = arith.select %lt3A_956, %add3A_955, %select_n3A_890 : vector<1x128xi1>, vector<1x128xi32>
      %get3A_959 = arith.constant 1280 : index
      %get3A_960 = arith.constant 0 : index
      %get3A_961 = vector.load %arg6[%get3A_959, %get3A_960] : memref<2560x128xf32, #tpu.memory_space<vmem>>, vector<128x128xf32>
      %sub3A_962 = vector.broadcast %get3A_1 : vector<1x128xf32> to vector<128x128xf32>
      %sub3A_963 = arith.subf %get3A_961, %sub3A_962 : vector<128x128xf32>
      %abs3A_964 = math.absf %sub3A_963 : vector<128x128xf32>
      %transpose3A_965 = tpu.transpose %abs3A_964, [1, 0] : vector<128x128xf32> -> vector<128x128xf32>
      %reduce_sum3A_966 = arith.constant dense<0.000000e+00> : vector<128xf32>
      %reduce_sum3A_967 = vector.multi_reduction <add>, %transpose3A_965, %reduce_sum3A_966 [0] : vector<128x128xf32> to vector<128xf32>
      %broadcast_in_dim3A_968 = vector.shape_cast %reduce_sum3A_967 : vector<128xf32> to vector<1x128xf32>
      %add3A_969 = arith.constant 1280 : i32
      %add3A_970 = arith.addi %mul3A_788, %add3A_969 : i32
      %add3A_971 = vector.broadcast %add3A_970 : i32 to vector<1x128xi32>
      %add3A_972 = arith.addi %iota3A, %add3A_971 : vector<1x128xi32>
      %lt3A_973 = arith.cmpf olt, %broadcast_in_dim3A_968, %select_n3A_906 : vector<1x128xf32>
      %select_n3A_974 = arith.select %lt3A_973, %broadcast_in_dim3A_968, %select_n3A_906 : vector<1x128xi1>, vector<1x128xf32>
      %select_n3A_975 = arith.select %lt3A_973, %add3A_972, %select_n3A_907 : vector<1x128xi1>, vector<1x128xi32>
      %get3A_976 = arith.constant 1408 : index
      %get3A_977 = arith.constant 0 : index
      %get3A_978 = vector.load %arg6[%get3A_976, %get3A_977] : memref<2560x128xf32, #tpu.memory_space<vmem>>, vector<128x128xf32>
      %sub3A_979 = vector.broadcast %get3A_1 : vector<1x128xf32> to vector<128x128xf32>
      %sub3A_980 = arith.subf %get3A_978, %sub3A_979 : vector<128x128xf32>
      %abs3A_981 = math.absf %sub3A_980 : vector<128x128xf32>
      %transpose3A_982 = tpu.transpose %abs3A_981, [1, 0] : vector<128x128xf32> -> vector<128x128xf32>
      %reduce_sum3A_983 = arith.constant dense<0.000000e+00> : vector<128xf32>
      %reduce_sum3A_984 = vector.multi_reduction <add>, %transpose3A_982, %reduce_sum3A_983 [0] : vector<128x128xf32> to vector<128xf32>
      %broadcast_in_dim3A_985 = vector.shape_cast %reduce_sum3A_984 : vector<128xf32> to vector<1x128xf32>
      %add3A_986 = arith.constant 1408 : i32
      %add3A_987 = arith.addi %mul3A_788, %add3A_986 : i32
      %add3A_988 = vector.broadcast %add3A_987 : i32 to vector<1x128xi32>
      %add3A_989 = arith.addi %iota3A, %add3A_988 : vector<1x128xi32>
      %lt3A_990 = arith.cmpf olt, %broadcast_in_dim3A_985, %select_n3A_923 : vector<1x128xf32>
      %select_n3A_991 = arith.select %lt3A_990, %broadcast_in_dim3A_985, %select_n3A_923 : vector<1x128xi1>, vector<1x128xf32>
      %select_n3A_992 = arith.select %lt3A_990, %add3A_989, %select_n3A_924 : vector<1x128xi1>, vector<1x128xi32>
      %get3A_993 = arith.constant 1536 : index
      %get3A_994 = arith.constant 0 : index
      %get3A_995 = vector.load %arg6[%get3A_993, %get3A_994] : memref<2560x128xf32, #tpu.memory_space<vmem>>, vector<128x128xf32>
      %sub3A_996 = vector.broadcast %get3A_1 : vector<1x128xf32> to vector<128x128xf32>
      %sub3A_997 = arith.subf %get3A_995, %sub3A_996 : vector<128x128xf32>
      %abs3A_998 = math.absf %sub3A_997 : vector<128x128xf32>
      %transpose3A_999 = tpu.transpose %abs3A_998, [1, 0] : vector<128x128xf32> -> vector<128x128xf32>
      %reduce_sum3A_1000 = arith.constant dense<0.000000e+00> : vector<128xf32>
      %reduce_sum3A_1001 = vector.multi_reduction <add>, %transpose3A_999, %reduce_sum3A_1000 [0] : vector<128x128xf32> to vector<128xf32>
      %broadcast_in_dim3A_1002 = vector.shape_cast %reduce_sum3A_1001 : vector<128xf32> to vector<1x128xf32>
      %add3A_1003 = arith.constant 1536 : i32
      %add3A_1004 = arith.addi %mul3A_788, %add3A_1003 : i32
      %add3A_1005 = vector.broadcast %add3A_1004 : i32 to vector<1x128xi32>
      %add3A_1006 = arith.addi %iota3A, %add3A_1005 : vector<1x128xi32>
      %lt3A_1007 = arith.cmpf olt, %broadcast_in_dim3A_1002, %select_n3A_940 : vector<1x128xf32>
      %select_n3A_1008 = arith.select %lt3A_1007, %broadcast_in_dim3A_1002, %select_n3A_940 : vector<1x128xi1>, vector<1x128xf32>
      %select_n3A_1009 = arith.select %lt3A_1007, %add3A_1006, %select_n3A_941 : vector<1x128xi1>, vector<1x128xi32>
      %get3A_1010 = arith.constant 1664 : index
      %get3A_1011 = arith.constant 0 : index
      %get3A_1012 = vector.load %arg6[%get3A_1010, %get3A_1011] : memref<2560x128xf32, #tpu.memory_space<vmem>>, vector<128x128xf32>
      %sub3A_1013 = vector.broadcast %get3A_1 : vector<1x128xf32> to vector<128x128xf32>
      %sub3A_1014 = arith.subf %get3A_1012, %sub3A_1013 : vector<128x128xf32>
      %abs3A_1015 = math.absf %sub3A_1014 : vector<128x128xf32>
      %transpose3A_1016 = tpu.transpose %abs3A_1015, [1, 0] : vector<128x128xf32> -> vector<128x128xf32>
      %reduce_sum3A_1017 = arith.constant dense<0.000000e+00> : vector<128xf32>
      %reduce_sum3A_1018 = vector.multi_reduction <add>, %transpose3A_1016, %reduce_sum3A_1017 [0] : vector<128x128xf32> to vector<128xf32>
      %broadcast_in_dim3A_1019 = vector.shape_cast %reduce_sum3A_1018 : vector<128xf32> to vector<1x128xf32>
      %add3A_1020 = arith.constant 1664 : i32
      %add3A_1021 = arith.addi %mul3A_788, %add3A_1020 : i32
      %add3A_1022 = vector.broadcast %add3A_1021 : i32 to vector<1x128xi32>
      %add3A_1023 = arith.addi %iota3A, %add3A_1022 : vector<1x128xi32>
      %lt3A_1024 = arith.cmpf olt, %broadcast_in_dim3A_1019, %select_n3A_957 : vector<1x128xf32>
      %select_n3A_1025 = arith.select %lt3A_1024, %broadcast_in_dim3A_1019, %select_n3A_957 : vector<1x128xi1>, vector<1x128xf32>
      %select_n3A_1026 = arith.select %lt3A_1024, %add3A_1023, %select_n3A_958 : vector<1x128xi1>, vector<1x128xi32>
      %get3A_1027 = arith.constant 1792 : index
      %get3A_1028 = arith.constant 0 : index
      %get3A_1029 = vector.load %arg6[%get3A_1027, %get3A_1028] : memref<2560x128xf32, #tpu.memory_space<vmem>>, vector<128x128xf32>
      %sub3A_1030 = vector.broadcast %get3A_1 : vector<1x128xf32> to vector<128x128xf32>
      %sub3A_1031 = arith.subf %get3A_1029, %sub3A_1030 : vector<128x128xf32>
      %abs3A_1032 = math.absf %sub3A_1031 : vector<128x128xf32>
      %transpose3A_1033 = tpu.transpose %abs3A_1032, [1, 0] : vector<128x128xf32> -> vector<128x128xf32>
      %reduce_sum3A_1034 = arith.constant dense<0.000000e+00> : vector<128xf32>
      %reduce_sum3A_1035 = vector.multi_reduction <add>, %transpose3A_1033, %reduce_sum3A_1034 [0] : vector<128x128xf32> to vector<128xf32>
      %broadcast_in_dim3A_1036 = vector.shape_cast %reduce_sum3A_1035 : vector<128xf32> to vector<1x128xf32>
      %add3A_1037 = arith.constant 1792 : i32
      %add3A_1038 = arith.addi %mul3A_788, %add3A_1037 : i32
      %add3A_1039 = vector.broadcast %add3A_1038 : i32 to vector<1x128xi32>
      %add3A_1040 = arith.addi %iota3A, %add3A_1039 : vector<1x128xi32>
      %lt3A_1041 = arith.cmpf olt, %broadcast_in_dim3A_1036, %select_n3A_974 : vector<1x128xf32>
      %select_n3A_1042 = arith.select %lt3A_1041, %broadcast_in_dim3A_1036, %select_n3A_974 : vector<1x128xi1>, vector<1x128xf32>
      %select_n3A_1043 = arith.select %lt3A_1041, %add3A_1040, %select_n3A_975 : vector<1x128xi1>, vector<1x128xi32>
      %get3A_1044 = arith.constant 1920 : index
      %get3A_1045 = arith.constant 0 : index
      %get3A_1046 = vector.load %arg6[%get3A_1044, %get3A_1045] : memref<2560x128xf32, #tpu.memory_space<vmem>>, vector<128x128xf32>
      %sub3A_1047 = vector.broadcast %get3A_1 : vector<1x128xf32> to vector<128x128xf32>
      %sub3A_1048 = arith.subf %get3A_1046, %sub3A_1047 : vector<128x128xf32>
      %abs3A_1049 = math.absf %sub3A_1048 : vector<128x128xf32>
      %transpose3A_1050 = tpu.transpose %abs3A_1049, [1, 0] : vector<128x128xf32> -> vector<128x128xf32>
      %reduce_sum3A_1051 = arith.constant dense<0.000000e+00> : vector<128xf32>
      %reduce_sum3A_1052 = vector.multi_reduction <add>, %transpose3A_1050, %reduce_sum3A_1051 [0] : vector<128x128xf32> to vector<128xf32>
      %broadcast_in_dim3A_1053 = vector.shape_cast %reduce_sum3A_1052 : vector<128xf32> to vector<1x128xf32>
      %add3A_1054 = arith.constant 1920 : i32
      %add3A_1055 = arith.addi %mul3A_788, %add3A_1054 : i32
      %add3A_1056 = vector.broadcast %add3A_1055 : i32 to vector<1x128xi32>
      %add3A_1057 = arith.addi %iota3A, %add3A_1056 : vector<1x128xi32>
      %lt3A_1058 = arith.cmpf olt, %broadcast_in_dim3A_1053, %select_n3A_991 : vector<1x128xf32>
      %select_n3A_1059 = arith.select %lt3A_1058, %broadcast_in_dim3A_1053, %select_n3A_991 : vector<1x128xi1>, vector<1x128xf32>
      %select_n3A_1060 = arith.select %lt3A_1058, %add3A_1057, %select_n3A_992 : vector<1x128xi1>, vector<1x128xi32>
      %get3A_1061 = arith.constant 2048 : index
      %get3A_1062 = arith.constant 0 : index
      %get3A_1063 = vector.load %arg6[%get3A_1061, %get3A_1062] : memref<2560x128xf32, #tpu.memory_space<vmem>>, vector<128x128xf32>
      %sub3A_1064 = vector.broadcast %get3A_1 : vector<1x128xf32> to vector<128x128xf32>
      %sub3A_1065 = arith.subf %get3A_1063, %sub3A_1064 : vector<128x128xf32>
      %abs3A_1066 = math.absf %sub3A_1065 : vector<128x128xf32>
      %transpose3A_1067 = tpu.transpose %abs3A_1066, [1, 0] : vector<128x128xf32> -> vector<128x128xf32>
      %reduce_sum3A_1068 = arith.constant dense<0.000000e+00> : vector<128xf32>
      %reduce_sum3A_1069 = vector.multi_reduction <add>, %transpose3A_1067, %reduce_sum3A_1068 [0] : vector<128x128xf32> to vector<128xf32>
      %broadcast_in_dim3A_1070 = vector.shape_cast %reduce_sum3A_1069 : vector<128xf32> to vector<1x128xf32>
      %add3A_1071 = arith.constant 2048 : i32
      %add3A_1072 = arith.addi %mul3A_788, %add3A_1071 : i32
      %add3A_1073 = vector.broadcast %add3A_1072 : i32 to vector<1x128xi32>
      %add3A_1074 = arith.addi %iota3A, %add3A_1073 : vector<1x128xi32>
      %lt3A_1075 = arith.cmpf olt, %broadcast_in_dim3A_1070, %select_n3A_1008 : vector<1x128xf32>
      %select_n3A_1076 = arith.select %lt3A_1075, %broadcast_in_dim3A_1070, %select_n3A_1008 : vector<1x128xi1>, vector<1x128xf32>
      %select_n3A_1077 = arith.select %lt3A_1075, %add3A_1074, %select_n3A_1009 : vector<1x128xi1>, vector<1x128xi32>
      %get3A_1078 = arith.constant 2176 : index
      %get3A_1079 = arith.constant 0 : index
      %get3A_1080 = vector.load %arg6[%get3A_1078, %get3A_1079] : memref<2560x128xf32, #tpu.memory_space<vmem>>, vector<128x128xf32>
      %sub3A_1081 = vector.broadcast %get3A_1 : vector<1x128xf32> to vector<128x128xf32>
      %sub3A_1082 = arith.subf %get3A_1080, %sub3A_1081 : vector<128x128xf32>
      %abs3A_1083 = math.absf %sub3A_1082 : vector<128x128xf32>
      %transpose3A_1084 = tpu.transpose %abs3A_1083, [1, 0] : vector<128x128xf32> -> vector<128x128xf32>
      %reduce_sum3A_1085 = arith.constant dense<0.000000e+00> : vector<128xf32>
      %reduce_sum3A_1086 = vector.multi_reduction <add>, %transpose3A_1084, %reduce_sum3A_1085 [0] : vector<128x128xf32> to vector<128xf32>
      %broadcast_in_dim3A_1087 = vector.shape_cast %reduce_sum3A_1086 : vector<128xf32> to vector<1x128xf32>
      %add3A_1088 = arith.constant 2176 : i32
      %add3A_1089 = arith.addi %mul3A_788, %add3A_1088 : i32
      %add3A_1090 = vector.broadcast %add3A_1089 : i32 to vector<1x128xi32>
      %add3A_1091 = arith.addi %iota3A, %add3A_1090 : vector<1x128xi32>
      %lt3A_1092 = arith.cmpf olt, %broadcast_in_dim3A_1087, %select_n3A_1025 : vector<1x128xf32>
      %select_n3A_1093 = arith.select %lt3A_1092, %broadcast_in_dim3A_1087, %select_n3A_1025 : vector<1x128xi1>, vector<1x128xf32>
      %select_n3A_1094 = arith.select %lt3A_1092, %add3A_1091, %select_n3A_1026 : vector<1x128xi1>, vector<1x128xi32>
      %get3A_1095 = arith.constant 2304 : index
      %get3A_1096 = arith.constant 0 : index
      %get3A_1097 = vector.load %arg6[%get3A_1095, %get3A_1096] : memref<2560x128xf32, #tpu.memory_space<vmem>>, vector<128x128xf32>
      %sub3A_1098 = vector.broadcast %get3A_1 : vector<1x128xf32> to vector<128x128xf32>
      %sub3A_1099 = arith.subf %get3A_1097, %sub3A_1098 : vector<128x128xf32>
      %abs3A_1100 = math.absf %sub3A_1099 : vector<128x128xf32>
      %transpose3A_1101 = tpu.transpose %abs3A_1100, [1, 0] : vector<128x128xf32> -> vector<128x128xf32>
      %reduce_sum3A_1102 = arith.constant dense<0.000000e+00> : vector<128xf32>
      %reduce_sum3A_1103 = vector.multi_reduction <add>, %transpose3A_1101, %reduce_sum3A_1102 [0] : vector<128x128xf32> to vector<128xf32>
      %broadcast_in_dim3A_1104 = vector.shape_cast %reduce_sum3A_1103 : vector<128xf32> to vector<1x128xf32>
      %add3A_1105 = arith.constant 2304 : i32
      %add3A_1106 = arith.addi %mul3A_788, %add3A_1105 : i32
      %add3A_1107 = vector.broadcast %add3A_1106 : i32 to vector<1x128xi32>
      %add3A_1108 = arith.addi %iota3A, %add3A_1107 : vector<1x128xi32>
      %lt3A_1109 = arith.cmpf olt, %broadcast_in_dim3A_1104, %select_n3A_1042 : vector<1x128xf32>
      %select_n3A_1110 = arith.select %lt3A_1109, %broadcast_in_dim3A_1104, %select_n3A_1042 : vector<1x128xi1>, vector<1x128xf32>
      %select_n3A_1111 = arith.select %lt3A_1109, %add3A_1108, %select_n3A_1043 : vector<1x128xi1>, vector<1x128xi32>
      %get3A_1112 = arith.constant 2432 : index
      %get3A_1113 = arith.constant 0 : index
      %get3A_1114 = vector.load %arg6[%get3A_1112, %get3A_1113] : memref<2560x128xf32, #tpu.memory_space<vmem>>, vector<128x128xf32>
      %sub3A_1115 = vector.broadcast %get3A_1 : vector<1x128xf32> to vector<128x128xf32>
      %sub3A_1116 = arith.subf %get3A_1114, %sub3A_1115 : vector<128x128xf32>
      %abs3A_1117 = math.absf %sub3A_1116 : vector<128x128xf32>
      %transpose3A_1118 = tpu.transpose %abs3A_1117, [1, 0] : vector<128x128xf32> -> vector<128x128xf32>
      %reduce_sum3A_1119 = arith.constant dense<0.000000e+00> : vector<128xf32>
      %reduce_sum3A_1120 = vector.multi_reduction <add>, %transpose3A_1118, %reduce_sum3A_1119 [0] : vector<128x128xf32> to vector<128xf32>
      %broadcast_in_dim3A_1121 = vector.shape_cast %reduce_sum3A_1120 : vector<128xf32> to vector<1x128xf32>
      %add3A_1122 = arith.constant 2432 : i32
      %add3A_1123 = arith.addi %mul3A_788, %add3A_1122 : i32
      %add3A_1124 = vector.broadcast %add3A_1123 : i32 to vector<1x128xi32>
      %add3A_1125 = arith.addi %iota3A, %add3A_1124 : vector<1x128xi32>
      %lt3A_1126 = arith.cmpf olt, %broadcast_in_dim3A_1121, %select_n3A_1059 : vector<1x128xf32>
      %select_n3A_1127 = arith.select %lt3A_1126, %broadcast_in_dim3A_1121, %select_n3A_1059 : vector<1x128xi1>, vector<1x128xf32>
      %select_n3A_1128 = arith.select %lt3A_1126, %add3A_1125, %select_n3A_1060 : vector<1x128xi1>, vector<1x128xi32>
      %add3A_1129 = arith.constant 5 : i32
      %add3A_1130 = arith.addi %add3A_783, %add3A_1129 : i32
      %lt3A_1131 = arith.constant 25 : i32
      %lt3A_1132 = arith.cmpi slt, %add3A_1130, %lt3A_1131 : i32
      %convert_element_type3A_1133 = arith.extui %lt3A_1132 : i1 to i32
      %cond3A_1134 = arith.constant 0 : i32
      %cond3A_1135 = arith.cmpi ne, %convert_element_type3A_1133, %cond3A_1134 : i32
      scf.if %cond3A_1135 {
        %add3A_1848 = arith.constant 5 : i32
        %add3A_1849 = arith.addi %add3A_783, %add3A_1848 : i32
        %mul3A_1850 = arith.constant 2560 : i32
        %mul3A_1851 = arith.muli %add3A_1849, %mul3A_1850 : i32
        %dma_start3A_1852 = arith.constant 0 : i32
        %dma_start3A_1853 = tpu.memref_slice %arg0[%mul3A_1851, %dma_start3A_1852] : memref<100000x128xf32, #tpu.memory_space<any>> -> memref<2560x128xf32, #tpu.memory_space<any>>
        tpu.enqueue_dma source(%dma_start3A_1853 : memref<2560x128xf32, #tpu.memory_space<any>>) target(%arg6 : memref<2560x128xf32, #tpu.memory_space<vmem>>) target_semaphore(%arg11 : memref<!tpu.dma_semaphore, #tpu.memory_space<semaphore_mem>>)
      } else {
      }
      %mul3A_1136 = arith.constant 5 : i32
      %mul3A_1137 = arith.muli %scan3A_68, %mul3A_1136 : i32
      %add3A_1138 = arith.constant 3 : i32
      %add3A_1139 = arith.addi %mul3A_1137, %add3A_1138 : i32
      %dma_wait3A_1140 = arith.constant 0 : i32
      %dma_wait3A_1141 = arith.constant 0 : i32
      %dma_wait3A_1142 = tpu.memref_slice %arg0[%dma_wait3A_1140, %dma_wait3A_1141] : memref<100000x128xf32, #tpu.memory_space<any>> -> memref<2560x128xf32, #tpu.memory_space<any>>
      tpu.wait_dma2 semaphore(%arg12 : memref<!tpu.dma_semaphore, #tpu.memory_space<semaphore_mem>>) src(%dma_wait3A_1142 : memref<2560x128xf32, #tpu.memory_space<any>>) dst(%arg7 : memref<2560x128xf32, #tpu.memory_space<vmem>>)
      %mul3A_1143 = arith.constant 2560 : i32
      %mul3A_1144 = arith.muli %add3A_1139, %mul3A_1143 : i32
      %get3A_1145 = arith.constant 0 : index
      %get3A_1146 = arith.constant 0 : index
      %get3A_1147 = vector.load %arg7[%get3A_1145, %get3A_1146] : memref<2560x128xf32, #tpu.memory_space<vmem>>, vector<128x128xf32>
      %sub3A_1148 = vector.broadcast %get3A_1 : vector<1x128xf32> to vector<128x128xf32>
      %sub3A_1149 = arith.subf %get3A_1147, %sub3A_1148 : vector<128x128xf32>
      %abs3A_1150 = math.absf %sub3A_1149 : vector<128x128xf32>
      %transpose3A_1151 = tpu.transpose %abs3A_1150, [1, 0] : vector<128x128xf32> -> vector<128x128xf32>
      %reduce_sum3A_1152 = arith.constant dense<0.000000e+00> : vector<128xf32>
      %reduce_sum3A_1153 = vector.multi_reduction <add>, %transpose3A_1151, %reduce_sum3A_1152 [0] : vector<128x128xf32> to vector<128xf32>
      %broadcast_in_dim3A_1154 = vector.shape_cast %reduce_sum3A_1153 : vector<128xf32> to vector<1x128xf32>
      %add3A_1155 = arith.constant 0 : i32
      %add3A_1156 = arith.addi %mul3A_1144, %add3A_1155 : i32
      %add3A_1157 = vector.broadcast %add3A_1156 : i32 to vector<1x128xi32>
      %add3A_1158 = arith.addi %iota3A, %add3A_1157 : vector<1x128xi32>
      %lt3A_1159 = arith.cmpf olt, %broadcast_in_dim3A_1154, %select_n3A_1076 : vector<1x128xf32>
      %select_n3A_1160 = arith.select %lt3A_1159, %broadcast_in_dim3A_1154, %select_n3A_1076 : vector<1x128xi1>, vector<1x128xf32>
      %select_n3A_1161 = arith.select %lt3A_1159, %add3A_1158, %select_n3A_1077 : vector<1x128xi1>, vector<1x128xi32>
      %get3A_1162 = arith.constant 128 : index
      %get3A_1163 = arith.constant 0 : index
      %get3A_1164 = vector.load %arg7[%get3A_1162, %get3A_1163] : memref<2560x128xf32, #tpu.memory_space<vmem>>, vector<128x128xf32>
      %sub3A_1165 = vector.broadcast %get3A_1 : vector<1x128xf32> to vector<128x128xf32>
      %sub3A_1166 = arith.subf %get3A_1164, %sub3A_1165 : vector<128x128xf32>
      %abs3A_1167 = math.absf %sub3A_1166 : vector<128x128xf32>
      %transpose3A_1168 = tpu.transpose %abs3A_1167, [1, 0] : vector<128x128xf32> -> vector<128x128xf32>
      %reduce_sum3A_1169 = arith.constant dense<0.000000e+00> : vector<128xf32>
      %reduce_sum3A_1170 = vector.multi_reduction <add>, %transpose3A_1168, %reduce_sum3A_1169 [0] : vector<128x128xf32> to vector<128xf32>
      %broadcast_in_dim3A_1171 = vector.shape_cast %reduce_sum3A_1170 : vector<128xf32> to vector<1x128xf32>
      %add3A_1172 = arith.constant 128 : i32
      %add3A_1173 = arith.addi %mul3A_1144, %add3A_1172 : i32
      %add3A_1174 = vector.broadcast %add3A_1173 : i32 to vector<1x128xi32>
      %add3A_1175 = arith.addi %iota3A, %add3A_1174 : vector<1x128xi32>
      %lt3A_1176 = arith.cmpf olt, %broadcast_in_dim3A_1171, %select_n3A_1093 : vector<1x128xf32>
      %select_n3A_1177 = arith.select %lt3A_1176, %broadcast_in_dim3A_1171, %select_n3A_1093 : vector<1x128xi1>, vector<1x128xf32>
      %select_n3A_1178 = arith.select %lt3A_1176, %add3A_1175, %select_n3A_1094 : vector<1x128xi1>, vector<1x128xi32>
      %get3A_1179 = arith.constant 256 : index
      %get3A_1180 = arith.constant 0 : index
      %get3A_1181 = vector.load %arg7[%get3A_1179, %get3A_1180] : memref<2560x128xf32, #tpu.memory_space<vmem>>, vector<128x128xf32>
      %sub3A_1182 = vector.broadcast %get3A_1 : vector<1x128xf32> to vector<128x128xf32>
      %sub3A_1183 = arith.subf %get3A_1181, %sub3A_1182 : vector<128x128xf32>
      %abs3A_1184 = math.absf %sub3A_1183 : vector<128x128xf32>
      %transpose3A_1185 = tpu.transpose %abs3A_1184, [1, 0] : vector<128x128xf32> -> vector<128x128xf32>
      %reduce_sum3A_1186 = arith.constant dense<0.000000e+00> : vector<128xf32>
      %reduce_sum3A_1187 = vector.multi_reduction <add>, %transpose3A_1185, %reduce_sum3A_1186 [0] : vector<128x128xf32> to vector<128xf32>
      %broadcast_in_dim3A_1188 = vector.shape_cast %reduce_sum3A_1187 : vector<128xf32> to vector<1x128xf32>
      %add3A_1189 = arith.constant 256 : i32
      %add3A_1190 = arith.addi %mul3A_1144, %add3A_1189 : i32
      %add3A_1191 = vector.broadcast %add3A_1190 : i32 to vector<1x128xi32>
      %add3A_1192 = arith.addi %iota3A, %add3A_1191 : vector<1x128xi32>
      %lt3A_1193 = arith.cmpf olt, %broadcast_in_dim3A_1188, %select_n3A_1110 : vector<1x128xf32>
      %select_n3A_1194 = arith.select %lt3A_1193, %broadcast_in_dim3A_1188, %select_n3A_1110 : vector<1x128xi1>, vector<1x128xf32>
      %select_n3A_1195 = arith.select %lt3A_1193, %add3A_1192, %select_n3A_1111 : vector<1x128xi1>, vector<1x128xi32>
      %get3A_1196 = arith.constant 384 : index
      %get3A_1197 = arith.constant 0 : index
      %get3A_1198 = vector.load %arg7[%get3A_1196, %get3A_1197] : memref<2560x128xf32, #tpu.memory_space<vmem>>, vector<128x128xf32>
      %sub3A_1199 = vector.broadcast %get3A_1 : vector<1x128xf32> to vector<128x128xf32>
      %sub3A_1200 = arith.subf %get3A_1198, %sub3A_1199 : vector<128x128xf32>
      %abs3A_1201 = math.absf %sub3A_1200 : vector<128x128xf32>
      %transpose3A_1202 = tpu.transpose %abs3A_1201, [1, 0] : vector<128x128xf32> -> vector<128x128xf32>
      %reduce_sum3A_1203 = arith.constant dense<0.000000e+00> : vector<128xf32>
      %reduce_sum3A_1204 = vector.multi_reduction <add>, %transpose3A_1202, %reduce_sum3A_1203 [0] : vector<128x128xf32> to vector<128xf32>
      %broadcast_in_dim3A_1205 = vector.shape_cast %reduce_sum3A_1204 : vector<128xf32> to vector<1x128xf32>
      %add3A_1206 = arith.constant 384 : i32
      %add3A_1207 = arith.addi %mul3A_1144, %add3A_1206 : i32
      %add3A_1208 = vector.broadcast %add3A_1207 : i32 to vector<1x128xi32>
      %add3A_1209 = arith.addi %iota3A, %add3A_1208 : vector<1x128xi32>
      %lt3A_1210 = arith.cmpf olt, %broadcast_in_dim3A_1205, %select_n3A_1127 : vector<1x128xf32>
      %select_n3A_1211 = arith.select %lt3A_1210, %broadcast_in_dim3A_1205, %select_n3A_1127 : vector<1x128xi1>, vector<1x128xf32>
      %select_n3A_1212 = arith.select %lt3A_1210, %add3A_1209, %select_n3A_1128 : vector<1x128xi1>, vector<1x128xi32>
      %get3A_1213 = arith.constant 512 : index
      %get3A_1214 = arith.constant 0 : index
      %get3A_1215 = vector.load %arg7[%get3A_1213, %get3A_1214] : memref<2560x128xf32, #tpu.memory_space<vmem>>, vector<128x128xf32>
      %sub3A_1216 = vector.broadcast %get3A_1 : vector<1x128xf32> to vector<128x128xf32>
      %sub3A_1217 = arith.subf %get3A_1215, %sub3A_1216 : vector<128x128xf32>
      %abs3A_1218 = math.absf %sub3A_1217 : vector<128x128xf32>
      %transpose3A_1219 = tpu.transpose %abs3A_1218, [1, 0] : vector<128x128xf32> -> vector<128x128xf32>
      %reduce_sum3A_1220 = arith.constant dense<0.000000e+00> : vector<128xf32>
      %reduce_sum3A_1221 = vector.multi_reduction <add>, %transpose3A_1219, %reduce_sum3A_1220 [0] : vector<128x128xf32> to vector<128xf32>
      %broadcast_in_dim3A_1222 = vector.shape_cast %reduce_sum3A_1221 : vector<128xf32> to vector<1x128xf32>
      %add3A_1223 = arith.constant 512 : i32
      %add3A_1224 = arith.addi %mul3A_1144, %add3A_1223 : i32
      %add3A_1225 = vector.broadcast %add3A_1224 : i32 to vector<1x128xi32>
      %add3A_1226 = arith.addi %iota3A, %add3A_1225 : vector<1x128xi32>
      %lt3A_1227 = arith.cmpf olt, %broadcast_in_dim3A_1222, %select_n3A_1160 : vector<1x128xf32>
      %select_n3A_1228 = arith.select %lt3A_1227, %broadcast_in_dim3A_1222, %select_n3A_1160 : vector<1x128xi1>, vector<1x128xf32>
      %select_n3A_1229 = arith.select %lt3A_1227, %add3A_1226, %select_n3A_1161 : vector<1x128xi1>, vector<1x128xi32>
      %get3A_1230 = arith.constant 640 : index
      %get3A_1231 = arith.constant 0 : index
      %get3A_1232 = vector.load %arg7[%get3A_1230, %get3A_1231] : memref<2560x128xf32, #tpu.memory_space<vmem>>, vector<128x128xf32>
      %sub3A_1233 = vector.broadcast %get3A_1 : vector<1x128xf32> to vector<128x128xf32>
      %sub3A_1234 = arith.subf %get3A_1232, %sub3A_1233 : vector<128x128xf32>
      %abs3A_1235 = math.absf %sub3A_1234 : vector<128x128xf32>
      %transpose3A_1236 = tpu.transpose %abs3A_1235, [1, 0] : vector<128x128xf32> -> vector<128x128xf32>
      %reduce_sum3A_1237 = arith.constant dense<0.000000e+00> : vector<128xf32>
      %reduce_sum3A_1238 = vector.multi_reduction <add>, %transpose3A_1236, %reduce_sum3A_1237 [0] : vector<128x128xf32> to vector<128xf32>
      %broadcast_in_dim3A_1239 = vector.shape_cast %reduce_sum3A_1238 : vector<128xf32> to vector<1x128xf32>
      %add3A_1240 = arith.constant 640 : i32
      %add3A_1241 = arith.addi %mul3A_1144, %add3A_1240 : i32
      %add3A_1242 = vector.broadcast %add3A_1241 : i32 to vector<1x128xi32>
      %add3A_1243 = arith.addi %iota3A, %add3A_1242 : vector<1x128xi32>
      %lt3A_1244 = arith.cmpf olt, %broadcast_in_dim3A_1239, %select_n3A_1177 : vector<1x128xf32>
      %select_n3A_1245 = arith.select %lt3A_1244, %broadcast_in_dim3A_1239, %select_n3A_1177 : vector<1x128xi1>, vector<1x128xf32>
      %select_n3A_1246 = arith.select %lt3A_1244, %add3A_1243, %select_n3A_1178 : vector<1x128xi1>, vector<1x128xi32>
      %get3A_1247 = arith.constant 768 : index
      %get3A_1248 = arith.constant 0 : index
      %get3A_1249 = vector.load %arg7[%get3A_1247, %get3A_1248] : memref<2560x128xf32, #tpu.memory_space<vmem>>, vector<128x128xf32>
      %sub3A_1250 = vector.broadcast %get3A_1 : vector<1x128xf32> to vector<128x128xf32>
      %sub3A_1251 = arith.subf %get3A_1249, %sub3A_1250 : vector<128x128xf32>
      %abs3A_1252 = math.absf %sub3A_1251 : vector<128x128xf32>
      %transpose3A_1253 = tpu.transpose %abs3A_1252, [1, 0] : vector<128x128xf32> -> vector<128x128xf32>
      %reduce_sum3A_1254 = arith.constant dense<0.000000e+00> : vector<128xf32>
      %reduce_sum3A_1255 = vector.multi_reduction <add>, %transpose3A_1253, %reduce_sum3A_1254 [0] : vector<128x128xf32> to vector<128xf32>
      %broadcast_in_dim3A_1256 = vector.shape_cast %reduce_sum3A_1255 : vector<128xf32> to vector<1x128xf32>
      %add3A_1257 = arith.constant 768 : i32
      %add3A_1258 = arith.addi %mul3A_1144, %add3A_1257 : i32
      %add3A_1259 = vector.broadcast %add3A_1258 : i32 to vector<1x128xi32>
      %add3A_1260 = arith.addi %iota3A, %add3A_1259 : vector<1x128xi32>
      %lt3A_1261 = arith.cmpf olt, %broadcast_in_dim3A_1256, %select_n3A_1194 : vector<1x128xf32>
      %select_n3A_1262 = arith.select %lt3A_1261, %broadcast_in_dim3A_1256, %select_n3A_1194 : vector<1x128xi1>, vector<1x128xf32>
      %select_n3A_1263 = arith.select %lt3A_1261, %add3A_1260, %select_n3A_1195 : vector<1x128xi1>, vector<1x128xi32>
      %get3A_1264 = arith.constant 896 : index
      %get3A_1265 = arith.constant 0 : index
      %get3A_1266 = vector.load %arg7[%get3A_1264, %get3A_1265] : memref<2560x128xf32, #tpu.memory_space<vmem>>, vector<128x128xf32>
      %sub3A_1267 = vector.broadcast %get3A_1 : vector<1x128xf32> to vector<128x128xf32>
      %sub3A_1268 = arith.subf %get3A_1266, %sub3A_1267 : vector<128x128xf32>
      %abs3A_1269 = math.absf %sub3A_1268 : vector<128x128xf32>
      %transpose3A_1270 = tpu.transpose %abs3A_1269, [1, 0] : vector<128x128xf32> -> vector<128x128xf32>
      %reduce_sum3A_1271 = arith.constant dense<0.000000e+00> : vector<128xf32>
      %reduce_sum3A_1272 = vector.multi_reduction <add>, %transpose3A_1270, %reduce_sum3A_1271 [0] : vector<128x128xf32> to vector<128xf32>
      %broadcast_in_dim3A_1273 = vector.shape_cast %reduce_sum3A_1272 : vector<128xf32> to vector<1x128xf32>
      %add3A_1274 = arith.constant 896 : i32
      %add3A_1275 = arith.addi %mul3A_1144, %add3A_1274 : i32
      %add3A_1276 = vector.broadcast %add3A_1275 : i32 to vector<1x128xi32>
      %add3A_1277 = arith.addi %iota3A, %add3A_1276 : vector<1x128xi32>
      %lt3A_1278 = arith.cmpf olt, %broadcast_in_dim3A_1273, %select_n3A_1211 : vector<1x128xf32>
      %select_n3A_1279 = arith.select %lt3A_1278, %broadcast_in_dim3A_1273, %select_n3A_1211 : vector<1x128xi1>, vector<1x128xf32>
      %select_n3A_1280 = arith.select %lt3A_1278, %add3A_1277, %select_n3A_1212 : vector<1x128xi1>, vector<1x128xi32>
      %get3A_1281 = arith.constant 1024 : index
      %get3A_1282 = arith.constant 0 : index
      %get3A_1283 = vector.load %arg7[%get3A_1281, %get3A_1282] : memref<2560x128xf32, #tpu.memory_space<vmem>>, vector<128x128xf32>
      %sub3A_1284 = vector.broadcast %get3A_1 : vector<1x128xf32> to vector<128x128xf32>
      %sub3A_1285 = arith.subf %get3A_1283, %sub3A_1284 : vector<128x128xf32>
      %abs3A_1286 = math.absf %sub3A_1285 : vector<128x128xf32>
      %transpose3A_1287 = tpu.transpose %abs3A_1286, [1, 0] : vector<128x128xf32> -> vector<128x128xf32>
      %reduce_sum3A_1288 = arith.constant dense<0.000000e+00> : vector<128xf32>
      %reduce_sum3A_1289 = vector.multi_reduction <add>, %transpose3A_1287, %reduce_sum3A_1288 [0] : vector<128x128xf32> to vector<128xf32>
      %broadcast_in_dim3A_1290 = vector.shape_cast %reduce_sum3A_1289 : vector<128xf32> to vector<1x128xf32>
      %add3A_1291 = arith.constant 1024 : i32
      %add3A_1292 = arith.addi %mul3A_1144, %add3A_1291 : i32
      %add3A_1293 = vector.broadcast %add3A_1292 : i32 to vector<1x128xi32>
      %add3A_1294 = arith.addi %iota3A, %add3A_1293 : vector<1x128xi32>
      %lt3A_1295 = arith.cmpf olt, %broadcast_in_dim3A_1290, %select_n3A_1228 : vector<1x128xf32>
      %select_n3A_1296 = arith.select %lt3A_1295, %broadcast_in_dim3A_1290, %select_n3A_1228 : vector<1x128xi1>, vector<1x128xf32>
      %select_n3A_1297 = arith.select %lt3A_1295, %add3A_1294, %select_n3A_1229 : vector<1x128xi1>, vector<1x128xi32>
      %get3A_1298 = arith.constant 1152 : index
      %get3A_1299 = arith.constant 0 : index
      %get3A_1300 = vector.load %arg7[%get3A_1298, %get3A_1299] : memref<2560x128xf32, #tpu.memory_space<vmem>>, vector<128x128xf32>
      %sub3A_1301 = vector.broadcast %get3A_1 : vector<1x128xf32> to vector<128x128xf32>
      %sub3A_1302 = arith.subf %get3A_1300, %sub3A_1301 : vector<128x128xf32>
      %abs3A_1303 = math.absf %sub3A_1302 : vector<128x128xf32>
      %transpose3A_1304 = tpu.transpose %abs3A_1303, [1, 0] : vector<128x128xf32> -> vector<128x128xf32>
      %reduce_sum3A_1305 = arith.constant dense<0.000000e+00> : vector<128xf32>
      %reduce_sum3A_1306 = vector.multi_reduction <add>, %transpose3A_1304, %reduce_sum3A_1305 [0] : vector<128x128xf32> to vector<128xf32>
      %broadcast_in_dim3A_1307 = vector.shape_cast %reduce_sum3A_1306 : vector<128xf32> to vector<1x128xf32>
      %add3A_1308 = arith.constant 1152 : i32
      %add3A_1309 = arith.addi %mul3A_1144, %add3A_1308 : i32
      %add3A_1310 = vector.broadcast %add3A_1309 : i32 to vector<1x128xi32>
      %add3A_1311 = arith.addi %iota3A, %add3A_1310 : vector<1x128xi32>
      %lt3A_1312 = arith.cmpf olt, %broadcast_in_dim3A_1307, %select_n3A_1245 : vector<1x128xf32>
      %select_n3A_1313 = arith.select %lt3A_1312, %broadcast_in_dim3A_1307, %select_n3A_1245 : vector<1x128xi1>, vector<1x128xf32>
      %select_n3A_1314 = arith.select %lt3A_1312, %add3A_1311, %select_n3A_1246 : vector<1x128xi1>, vector<1x128xi32>
      %get3A_1315 = arith.constant 1280 : index
      %get3A_1316 = arith.constant 0 : index
      %get3A_1317 = vector.load %arg7[%get3A_1315, %get3A_1316] : memref<2560x128xf32, #tpu.memory_space<vmem>>, vector<128x128xf32>
      %sub3A_1318 = vector.broadcast %get3A_1 : vector<1x128xf32> to vector<128x128xf32>
      %sub3A_1319 = arith.subf %get3A_1317, %sub3A_1318 : vector<128x128xf32>
      %abs3A_1320 = math.absf %sub3A_1319 : vector<128x128xf32>
      %transpose3A_1321 = tpu.transpose %abs3A_1320, [1, 0] : vector<128x128xf32> -> vector<128x128xf32>
      %reduce_sum3A_1322 = arith.constant dense<0.000000e+00> : vector<128xf32>
      %reduce_sum3A_1323 = vector.multi_reduction <add>, %transpose3A_1321, %reduce_sum3A_1322 [0] : vector<128x128xf32> to vector<128xf32>
      %broadcast_in_dim3A_1324 = vector.shape_cast %reduce_sum3A_1323 : vector<128xf32> to vector<1x128xf32>
      %add3A_1325 = arith.constant 1280 : i32
      %add3A_1326 = arith.addi %mul3A_1144, %add3A_1325 : i32
      %add3A_1327 = vector.broadcast %add3A_1326 : i32 to vector<1x128xi32>
      %add3A_1328 = arith.addi %iota3A, %add3A_1327 : vector<1x128xi32>
      %lt3A_1329 = arith.cmpf olt, %broadcast_in_dim3A_1324, %select_n3A_1262 : vector<1x128xf32>
      %select_n3A_1330 = arith.select %lt3A_1329, %broadcast_in_dim3A_1324, %select_n3A_1262 : vector<1x128xi1>, vector<1x128xf32>
      %select_n3A_1331 = arith.select %lt3A_1329, %add3A_1328, %select_n3A_1263 : vector<1x128xi1>, vector<1x128xi32>
      %get3A_1332 = arith.constant 1408 : index
      %get3A_1333 = arith.constant 0 : index
      %get3A_1334 = vector.load %arg7[%get3A_1332, %get3A_1333] : memref<2560x128xf32, #tpu.memory_space<vmem>>, vector<128x128xf32>
      %sub3A_1335 = vector.broadcast %get3A_1 : vector<1x128xf32> to vector<128x128xf32>
      %sub3A_1336 = arith.subf %get3A_1334, %sub3A_1335 : vector<128x128xf32>
      %abs3A_1337 = math.absf %sub3A_1336 : vector<128x128xf32>
      %transpose3A_1338 = tpu.transpose %abs3A_1337, [1, 0] : vector<128x128xf32> -> vector<128x128xf32>
      %reduce_sum3A_1339 = arith.constant dense<0.000000e+00> : vector<128xf32>
      %reduce_sum3A_1340 = vector.multi_reduction <add>, %transpose3A_1338, %reduce_sum3A_1339 [0] : vector<128x128xf32> to vector<128xf32>
      %broadcast_in_dim3A_1341 = vector.shape_cast %reduce_sum3A_1340 : vector<128xf32> to vector<1x128xf32>
      %add3A_1342 = arith.constant 1408 : i32
      %add3A_1343 = arith.addi %mul3A_1144, %add3A_1342 : i32
      %add3A_1344 = vector.broadcast %add3A_1343 : i32 to vector<1x128xi32>
      %add3A_1345 = arith.addi %iota3A, %add3A_1344 : vector<1x128xi32>
      %lt3A_1346 = arith.cmpf olt, %broadcast_in_dim3A_1341, %select_n3A_1279 : vector<1x128xf32>
      %select_n3A_1347 = arith.select %lt3A_1346, %broadcast_in_dim3A_1341, %select_n3A_1279 : vector<1x128xi1>, vector<1x128xf32>
      %select_n3A_1348 = arith.select %lt3A_1346, %add3A_1345, %select_n3A_1280 : vector<1x128xi1>, vector<1x128xi32>
      %get3A_1349 = arith.constant 1536 : index
      %get3A_1350 = arith.constant 0 : index
      %get3A_1351 = vector.load %arg7[%get3A_1349, %get3A_1350] : memref<2560x128xf32, #tpu.memory_space<vmem>>, vector<128x128xf32>
      %sub3A_1352 = vector.broadcast %get3A_1 : vector<1x128xf32> to vector<128x128xf32>
      %sub3A_1353 = arith.subf %get3A_1351, %sub3A_1352 : vector<128x128xf32>
      %abs3A_1354 = math.absf %sub3A_1353 : vector<128x128xf32>
      %transpose3A_1355 = tpu.transpose %abs3A_1354, [1, 0] : vector<128x128xf32> -> vector<128x128xf32>
      %reduce_sum3A_1356 = arith.constant dense<0.000000e+00> : vector<128xf32>
      %reduce_sum3A_1357 = vector.multi_reduction <add>, %transpose3A_1355, %reduce_sum3A_1356 [0] : vector<128x128xf32> to vector<128xf32>
      %broadcast_in_dim3A_1358 = vector.shape_cast %reduce_sum3A_1357 : vector<128xf32> to vector<1x128xf32>
      %add3A_1359 = arith.constant 1536 : i32
      %add3A_1360 = arith.addi %mul3A_1144, %add3A_1359 : i32
      %add3A_1361 = vector.broadcast %add3A_1360 : i32 to vector<1x128xi32>
      %add3A_1362 = arith.addi %iota3A, %add3A_1361 : vector<1x128xi32>
      %lt3A_1363 = arith.cmpf olt, %broadcast_in_dim3A_1358, %select_n3A_1296 : vector<1x128xf32>
      %select_n3A_1364 = arith.select %lt3A_1363, %broadcast_in_dim3A_1358, %select_n3A_1296 : vector<1x128xi1>, vector<1x128xf32>
      %select_n3A_1365 = arith.select %lt3A_1363, %add3A_1362, %select_n3A_1297 : vector<1x128xi1>, vector<1x128xi32>
      %get3A_1366 = arith.constant 1664 : index
      %get3A_1367 = arith.constant 0 : index
      %get3A_1368 = vector.load %arg7[%get3A_1366, %get3A_1367] : memref<2560x128xf32, #tpu.memory_space<vmem>>, vector<128x128xf32>
      %sub3A_1369 = vector.broadcast %get3A_1 : vector<1x128xf32> to vector<128x128xf32>
      %sub3A_1370 = arith.subf %get3A_1368, %sub3A_1369 : vector<128x128xf32>
      %abs3A_1371 = math.absf %sub3A_1370 : vector<128x128xf32>
      %transpose3A_1372 = tpu.transpose %abs3A_1371, [1, 0] : vector<128x128xf32> -> vector<128x128xf32>
      %reduce_sum3A_1373 = arith.constant dense<0.000000e+00> : vector<128xf32>
      %reduce_sum3A_1374 = vector.multi_reduction <add>, %transpose3A_1372, %reduce_sum3A_1373 [0] : vector<128x128xf32> to vector<128xf32>
      %broadcast_in_dim3A_1375 = vector.shape_cast %reduce_sum3A_1374 : vector<128xf32> to vector<1x128xf32>
      %add3A_1376 = arith.constant 1664 : i32
      %add3A_1377 = arith.addi %mul3A_1144, %add3A_1376 : i32
      %add3A_1378 = vector.broadcast %add3A_1377 : i32 to vector<1x128xi32>
      %add3A_1379 = arith.addi %iota3A, %add3A_1378 : vector<1x128xi32>
      %lt3A_1380 = arith.cmpf olt, %broadcast_in_dim3A_1375, %select_n3A_1313 : vector<1x128xf32>
      %select_n3A_1381 = arith.select %lt3A_1380, %broadcast_in_dim3A_1375, %select_n3A_1313 : vector<1x128xi1>, vector<1x128xf32>
      %select_n3A_1382 = arith.select %lt3A_1380, %add3A_1379, %select_n3A_1314 : vector<1x128xi1>, vector<1x128xi32>
      %get3A_1383 = arith.constant 1792 : index
      %get3A_1384 = arith.constant 0 : index
      %get3A_1385 = vector.load %arg7[%get3A_1383, %get3A_1384] : memref<2560x128xf32, #tpu.memory_space<vmem>>, vector<128x128xf32>
      %sub3A_1386 = vector.broadcast %get3A_1 : vector<1x128xf32> to vector<128x128xf32>
      %sub3A_1387 = arith.subf %get3A_1385, %sub3A_1386 : vector<128x128xf32>
      %abs3A_1388 = math.absf %sub3A_1387 : vector<128x128xf32>
      %transpose3A_1389 = tpu.transpose %abs3A_1388, [1, 0] : vector<128x128xf32> -> vector<128x128xf32>
      %reduce_sum3A_1390 = arith.constant dense<0.000000e+00> : vector<128xf32>
      %reduce_sum3A_1391 = vector.multi_reduction <add>, %transpose3A_1389, %reduce_sum3A_1390 [0] : vector<128x128xf32> to vector<128xf32>
      %broadcast_in_dim3A_1392 = vector.shape_cast %reduce_sum3A_1391 : vector<128xf32> to vector<1x128xf32>
      %add3A_1393 = arith.constant 1792 : i32
      %add3A_1394 = arith.addi %mul3A_1144, %add3A_1393 : i32
      %add3A_1395 = vector.broadcast %add3A_1394 : i32 to vector<1x128xi32>
      %add3A_1396 = arith.addi %iota3A, %add3A_1395 : vector<1x128xi32>
      %lt3A_1397 = arith.cmpf olt, %broadcast_in_dim3A_1392, %select_n3A_1330 : vector<1x128xf32>
      %select_n3A_1398 = arith.select %lt3A_1397, %broadcast_in_dim3A_1392, %select_n3A_1330 : vector<1x128xi1>, vector<1x128xf32>
      %select_n3A_1399 = arith.select %lt3A_1397, %add3A_1396, %select_n3A_1331 : vector<1x128xi1>, vector<1x128xi32>
      %get3A_1400 = arith.constant 1920 : index
      %get3A_1401 = arith.constant 0 : index
      %get3A_1402 = vector.load %arg7[%get3A_1400, %get3A_1401] : memref<2560x128xf32, #tpu.memory_space<vmem>>, vector<128x128xf32>
      %sub3A_1403 = vector.broadcast %get3A_1 : vector<1x128xf32> to vector<128x128xf32>
      %sub3A_1404 = arith.subf %get3A_1402, %sub3A_1403 : vector<128x128xf32>
      %abs3A_1405 = math.absf %sub3A_1404 : vector<128x128xf32>
      %transpose3A_1406 = tpu.transpose %abs3A_1405, [1, 0] : vector<128x128xf32> -> vector<128x128xf32>
      %reduce_sum3A_1407 = arith.constant dense<0.000000e+00> : vector<128xf32>
      %reduce_sum3A_1408 = vector.multi_reduction <add>, %transpose3A_1406, %reduce_sum3A_1407 [0] : vector<128x128xf32> to vector<128xf32>
      %broadcast_in_dim3A_1409 = vector.shape_cast %reduce_sum3A_1408 : vector<128xf32> to vector<1x128xf32>
      %add3A_1410 = arith.constant 1920 : i32
      %add3A_1411 = arith.addi %mul3A_1144, %add3A_1410 : i32
      %add3A_1412 = vector.broadcast %add3A_1411 : i32 to vector<1x128xi32>
      %add3A_1413 = arith.addi %iota3A, %add3A_1412 : vector<1x128xi32>
      %lt3A_1414 = arith.cmpf olt, %broadcast_in_dim3A_1409, %select_n3A_1347 : vector<1x128xf32>
      %select_n3A_1415 = arith.select %lt3A_1414, %broadcast_in_dim3A_1409, %select_n3A_1347 : vector<1x128xi1>, vector<1x128xf32>
      %select_n3A_1416 = arith.select %lt3A_1414, %add3A_1413, %select_n3A_1348 : vector<1x128xi1>, vector<1x128xi32>
      %get3A_1417 = arith.constant 2048 : index
      %get3A_1418 = arith.constant 0 : index
      %get3A_1419 = vector.load %arg7[%get3A_1417, %get3A_1418] : memref<2560x128xf32, #tpu.memory_space<vmem>>, vector<128x128xf32>
      %sub3A_1420 = vector.broadcast %get3A_1 : vector<1x128xf32> to vector<128x128xf32>
      %sub3A_1421 = arith.subf %get3A_1419, %sub3A_1420 : vector<128x128xf32>
      %abs3A_1422 = math.absf %sub3A_1421 : vector<128x128xf32>
      %transpose3A_1423 = tpu.transpose %abs3A_1422, [1, 0] : vector<128x128xf32> -> vector<128x128xf32>
      %reduce_sum3A_1424 = arith.constant dense<0.000000e+00> : vector<128xf32>
      %reduce_sum3A_1425 = vector.multi_reduction <add>, %transpose3A_1423, %reduce_sum3A_1424 [0] : vector<128x128xf32> to vector<128xf32>
      %broadcast_in_dim3A_1426 = vector.shape_cast %reduce_sum3A_1425 : vector<128xf32> to vector<1x128xf32>
      %add3A_1427 = arith.constant 2048 : i32
      %add3A_1428 = arith.addi %mul3A_1144, %add3A_1427 : i32
      %add3A_1429 = vector.broadcast %add3A_1428 : i32 to vector<1x128xi32>
      %add3A_1430 = arith.addi %iota3A, %add3A_1429 : vector<1x128xi32>
      %lt3A_1431 = arith.cmpf olt, %broadcast_in_dim3A_1426, %select_n3A_1364 : vector<1x128xf32>
      %select_n3A_1432 = arith.select %lt3A_1431, %broadcast_in_dim3A_1426, %select_n3A_1364 : vector<1x128xi1>, vector<1x128xf32>
      %select_n3A_1433 = arith.select %lt3A_1431, %add3A_1430, %select_n3A_1365 : vector<1x128xi1>, vector<1x128xi32>
      %get3A_1434 = arith.constant 2176 : index
      %get3A_1435 = arith.constant 0 : index
      %get3A_1436 = vector.load %arg7[%get3A_1434, %get3A_1435] : memref<2560x128xf32, #tpu.memory_space<vmem>>, vector<128x128xf32>
      %sub3A_1437 = vector.broadcast %get3A_1 : vector<1x128xf32> to vector<128x128xf32>
      %sub3A_1438 = arith.subf %get3A_1436, %sub3A_1437 : vector<128x128xf32>
      %abs3A_1439 = math.absf %sub3A_1438 : vector<128x128xf32>
      %transpose3A_1440 = tpu.transpose %abs3A_1439, [1, 0] : vector<128x128xf32> -> vector<128x128xf32>
      %reduce_sum3A_1441 = arith.constant dense<0.000000e+00> : vector<128xf32>
      %reduce_sum3A_1442 = vector.multi_reduction <add>, %transpose3A_1440, %reduce_sum3A_1441 [0] : vector<128x128xf32> to vector<128xf32>
      %broadcast_in_dim3A_1443 = vector.shape_cast %reduce_sum3A_1442 : vector<128xf32> to vector<1x128xf32>
      %add3A_1444 = arith.constant 2176 : i32
      %add3A_1445 = arith.addi %mul3A_1144, %add3A_1444 : i32
      %add3A_1446 = vector.broadcast %add3A_1445 : i32 to vector<1x128xi32>
      %add3A_1447 = arith.addi %iota3A, %add3A_1446 : vector<1x128xi32>
      %lt3A_1448 = arith.cmpf olt, %broadcast_in_dim3A_1443, %select_n3A_1381 : vector<1x128xf32>
      %select_n3A_1449 = arith.select %lt3A_1448, %broadcast_in_dim3A_1443, %select_n3A_1381 : vector<1x128xi1>, vector<1x128xf32>
      %select_n3A_1450 = arith.select %lt3A_1448, %add3A_1447, %select_n3A_1382 : vector<1x128xi1>, vector<1x128xi32>
      %get3A_1451 = arith.constant 2304 : index
      %get3A_1452 = arith.constant 0 : index
      %get3A_1453 = vector.load %arg7[%get3A_1451, %get3A_1452] : memref<2560x128xf32, #tpu.memory_space<vmem>>, vector<128x128xf32>
      %sub3A_1454 = vector.broadcast %get3A_1 : vector<1x128xf32> to vector<128x128xf32>
      %sub3A_1455 = arith.subf %get3A_1453, %sub3A_1454 : vector<128x128xf32>
      %abs3A_1456 = math.absf %sub3A_1455 : vector<128x128xf32>
      %transpose3A_1457 = tpu.transpose %abs3A_1456, [1, 0] : vector<128x128xf32> -> vector<128x128xf32>
      %reduce_sum3A_1458 = arith.constant dense<0.000000e+00> : vector<128xf32>
      %reduce_sum3A_1459 = vector.multi_reduction <add>, %transpose3A_1457, %reduce_sum3A_1458 [0] : vector<128x128xf32> to vector<128xf32>
      %broadcast_in_dim3A_1460 = vector.shape_cast %reduce_sum3A_1459 : vector<128xf32> to vector<1x128xf32>
      %add3A_1461 = arith.constant 2304 : i32
      %add3A_1462 = arith.addi %mul3A_1144, %add3A_1461 : i32
      %add3A_1463 = vector.broadcast %add3A_1462 : i32 to vector<1x128xi32>
      %add3A_1464 = arith.addi %iota3A, %add3A_1463 : vector<1x128xi32>
      %lt3A_1465 = arith.cmpf olt, %broadcast_in_dim3A_1460, %select_n3A_1398 : vector<1x128xf32>
      %select_n3A_1466 = arith.select %lt3A_1465, %broadcast_in_dim3A_1460, %select_n3A_1398 : vector<1x128xi1>, vector<1x128xf32>
      %select_n3A_1467 = arith.select %lt3A_1465, %add3A_1464, %select_n3A_1399 : vector<1x128xi1>, vector<1x128xi32>
      %get3A_1468 = arith.constant 2432 : index
      %get3A_1469 = arith.constant 0 : index
      %get3A_1470 = vector.load %arg7[%get3A_1468, %get3A_1469] : memref<2560x128xf32, #tpu.memory_space<vmem>>, vector<128x128xf32>
      %sub3A_1471 = vector.broadcast %get3A_1 : vector<1x128xf32> to vector<128x128xf32>
      %sub3A_1472 = arith.subf %get3A_1470, %sub3A_1471 : vector<128x128xf32>
      %abs3A_1473 = math.absf %sub3A_1472 : vector<128x128xf32>
      %transpose3A_1474 = tpu.transpose %abs3A_1473, [1, 0] : vector<128x128xf32> -> vector<128x128xf32>
      %reduce_sum3A_1475 = arith.constant dense<0.000000e+00> : vector<128xf32>
      %reduce_sum3A_1476 = vector.multi_reduction <add>, %transpose3A_1474, %reduce_sum3A_1475 [0] : vector<128x128xf32> to vector<128xf32>
      %broadcast_in_dim3A_1477 = vector.shape_cast %reduce_sum3A_1476 : vector<128xf32> to vector<1x128xf32>
      %add3A_1478 = arith.constant 2432 : i32
      %add3A_1479 = arith.addi %mul3A_1144, %add3A_1478 : i32
      %add3A_1480 = vector.broadcast %add3A_1479 : i32 to vector<1x128xi32>
      %add3A_1481 = arith.addi %iota3A, %add3A_1480 : vector<1x128xi32>
      %lt3A_1482 = arith.cmpf olt, %broadcast_in_dim3A_1477, %select_n3A_1415 : vector<1x128xf32>
      %select_n3A_1483 = arith.select %lt3A_1482, %broadcast_in_dim3A_1477, %select_n3A_1415 : vector<1x128xi1>, vector<1x128xf32>
      %select_n3A_1484 = arith.select %lt3A_1482, %add3A_1481, %select_n3A_1416 : vector<1x128xi1>, vector<1x128xi32>
      %add3A_1485 = arith.constant 5 : i32
      %add3A_1486 = arith.addi %add3A_1139, %add3A_1485 : i32
      %lt3A_1487 = arith.constant 25 : i32
      %lt3A_1488 = arith.cmpi slt, %add3A_1486, %lt3A_1487 : i32
      %convert_element_type3A_1489 = arith.extui %lt3A_1488 : i1 to i32
      %cond3A_1490 = arith.constant 0 : i32
      %cond3A_1491 = arith.cmpi ne, %convert_element_type3A_1489, %cond3A_1490 : i32
      scf.if %cond3A_1491 {
        %add3A_1848 = arith.constant 5 : i32
        %add3A_1849 = arith.addi %add3A_1139, %add3A_1848 : i32
        %mul3A_1850 = arith.constant 2560 : i32
        %mul3A_1851 = arith.muli %add3A_1849, %mul3A_1850 : i32
        %dma_start3A_1852 = arith.constant 0 : i32
        %dma_start3A_1853 = tpu.memref_slice %arg0[%mul3A_1851, %dma_start3A_1852] : memref<100000x128xf32, #tpu.memory_space<any>> -> memref<2560x128xf32, #tpu.memory_space<any>>
        tpu.enqueue_dma source(%dma_start3A_1853 : memref<2560x128xf32, #tpu.memory_space<any>>) target(%arg7 : memref<2560x128xf32, #tpu.memory_space<vmem>>) target_semaphore(%arg12 : memref<!tpu.dma_semaphore, #tpu.memory_space<semaphore_mem>>)
      } else {
      }
      %mul3A_1492 = arith.constant 5 : i32
      %mul3A_1493 = arith.muli %scan3A_68, %mul3A_1492 : i32
      %add3A_1494 = arith.constant 4 : i32
      %add3A_1495 = arith.addi %mul3A_1493, %add3A_1494 : i32
      %dma_wait3A_1496 = arith.constant 0 : i32
      %dma_wait3A_1497 = arith.constant 0 : i32
      %dma_wait3A_1498 = tpu.memref_slice %arg0[%dma_wait3A_1496, %dma_wait3A_1497] : memref<100000x128xf32, #tpu.memory_space<any>> -> memref<2560x128xf32, #tpu.memory_space<any>>
      tpu.wait_dma2 semaphore(%arg13 : memref<!tpu.dma_semaphore, #tpu.memory_space<semaphore_mem>>) src(%dma_wait3A_1498 : memref<2560x128xf32, #tpu.memory_space<any>>) dst(%arg8 : memref<2560x128xf32, #tpu.memory_space<vmem>>)
      %mul3A_1499 = arith.constant 2560 : i32
      %mul3A_1500 = arith.muli %add3A_1495, %mul3A_1499 : i32
      %get3A_1501 = arith.constant 0 : index
      %get3A_1502 = arith.constant 0 : index
      %get3A_1503 = vector.load %arg8[%get3A_1501, %get3A_1502] : memref<2560x128xf32, #tpu.memory_space<vmem>>, vector<128x128xf32>
      %sub3A_1504 = vector.broadcast %get3A_1 : vector<1x128xf32> to vector<128x128xf32>
      %sub3A_1505 = arith.subf %get3A_1503, %sub3A_1504 : vector<128x128xf32>
      %abs3A_1506 = math.absf %sub3A_1505 : vector<128x128xf32>
      %transpose3A_1507 = tpu.transpose %abs3A_1506, [1, 0] : vector<128x128xf32> -> vector<128x128xf32>
      %reduce_sum3A_1508 = arith.constant dense<0.000000e+00> : vector<128xf32>
      %reduce_sum3A_1509 = vector.multi_reduction <add>, %transpose3A_1507, %reduce_sum3A_1508 [0] : vector<128x128xf32> to vector<128xf32>
      %broadcast_in_dim3A_1510 = vector.shape_cast %reduce_sum3A_1509 : vector<128xf32> to vector<1x128xf32>
      %add3A_1511 = arith.constant 0 : i32
      %add3A_1512 = arith.addi %mul3A_1500, %add3A_1511 : i32
      %add3A_1513 = vector.broadcast %add3A_1512 : i32 to vector<1x128xi32>
      %add3A_1514 = arith.addi %iota3A, %add3A_1513 : vector<1x128xi32>
      %lt3A_1515 = arith.cmpf olt, %broadcast_in_dim3A_1510, %select_n3A_1432 : vector<1x128xf32>
      %select_n3A_1516 = arith.select %lt3A_1515, %broadcast_in_dim3A_1510, %select_n3A_1432 : vector<1x128xi1>, vector<1x128xf32>
      %select_n3A_1517 = arith.select %lt3A_1515, %add3A_1514, %select_n3A_1433 : vector<1x128xi1>, vector<1x128xi32>
      %get3A_1518 = arith.constant 128 : index
      %get3A_1519 = arith.constant 0 : index
      %get3A_1520 = vector.load %arg8[%get3A_1518, %get3A_1519] : memref<2560x128xf32, #tpu.memory_space<vmem>>, vector<128x128xf32>
      %sub3A_1521 = vector.broadcast %get3A_1 : vector<1x128xf32> to vector<128x128xf32>
      %sub3A_1522 = arith.subf %get3A_1520, %sub3A_1521 : vector<128x128xf32>
      %abs3A_1523 = math.absf %sub3A_1522 : vector<128x128xf32>
      %transpose3A_1524 = tpu.transpose %abs3A_1523, [1, 0] : vector<128x128xf32> -> vector<128x128xf32>
      %reduce_sum3A_1525 = arith.constant dense<0.000000e+00> : vector<128xf32>
      %reduce_sum3A_1526 = vector.multi_reduction <add>, %transpose3A_1524, %reduce_sum3A_1525 [0] : vector<128x128xf32> to vector<128xf32>
      %broadcast_in_dim3A_1527 = vector.shape_cast %reduce_sum3A_1526 : vector<128xf32> to vector<1x128xf32>
      %add3A_1528 = arith.constant 128 : i32
      %add3A_1529 = arith.addi %mul3A_1500, %add3A_1528 : i32
      %add3A_1530 = vector.broadcast %add3A_1529 : i32 to vector<1x128xi32>
      %add3A_1531 = arith.addi %iota3A, %add3A_1530 : vector<1x128xi32>
      %lt3A_1532 = arith.cmpf olt, %broadcast_in_dim3A_1527, %select_n3A_1449 : vector<1x128xf32>
      %select_n3A_1533 = arith.select %lt3A_1532, %broadcast_in_dim3A_1527, %select_n3A_1449 : vector<1x128xi1>, vector<1x128xf32>
      %select_n3A_1534 = arith.select %lt3A_1532, %add3A_1531, %select_n3A_1450 : vector<1x128xi1>, vector<1x128xi32>
      %get3A_1535 = arith.constant 256 : index
      %get3A_1536 = arith.constant 0 : index
      %get3A_1537 = vector.load %arg8[%get3A_1535, %get3A_1536] : memref<2560x128xf32, #tpu.memory_space<vmem>>, vector<128x128xf32>
      %sub3A_1538 = vector.broadcast %get3A_1 : vector<1x128xf32> to vector<128x128xf32>
      %sub3A_1539 = arith.subf %get3A_1537, %sub3A_1538 : vector<128x128xf32>
      %abs3A_1540 = math.absf %sub3A_1539 : vector<128x128xf32>
      %transpose3A_1541 = tpu.transpose %abs3A_1540, [1, 0] : vector<128x128xf32> -> vector<128x128xf32>
      %reduce_sum3A_1542 = arith.constant dense<0.000000e+00> : vector<128xf32>
      %reduce_sum3A_1543 = vector.multi_reduction <add>, %transpose3A_1541, %reduce_sum3A_1542 [0] : vector<128x128xf32> to vector<128xf32>
      %broadcast_in_dim3A_1544 = vector.shape_cast %reduce_sum3A_1543 : vector<128xf32> to vector<1x128xf32>
      %add3A_1545 = arith.constant 256 : i32
      %add3A_1546 = arith.addi %mul3A_1500, %add3A_1545 : i32
      %add3A_1547 = vector.broadcast %add3A_1546 : i32 to vector<1x128xi32>
      %add3A_1548 = arith.addi %iota3A, %add3A_1547 : vector<1x128xi32>
      %lt3A_1549 = arith.cmpf olt, %broadcast_in_dim3A_1544, %select_n3A_1466 : vector<1x128xf32>
      %select_n3A_1550 = arith.select %lt3A_1549, %broadcast_in_dim3A_1544, %select_n3A_1466 : vector<1x128xi1>, vector<1x128xf32>
      %select_n3A_1551 = arith.select %lt3A_1549, %add3A_1548, %select_n3A_1467 : vector<1x128xi1>, vector<1x128xi32>
      %get3A_1552 = arith.constant 384 : index
      %get3A_1553 = arith.constant 0 : index
      %get3A_1554 = vector.load %arg8[%get3A_1552, %get3A_1553] : memref<2560x128xf32, #tpu.memory_space<vmem>>, vector<128x128xf32>
      %sub3A_1555 = vector.broadcast %get3A_1 : vector<1x128xf32> to vector<128x128xf32>
      %sub3A_1556 = arith.subf %get3A_1554, %sub3A_1555 : vector<128x128xf32>
      %abs3A_1557 = math.absf %sub3A_1556 : vector<128x128xf32>
      %transpose3A_1558 = tpu.transpose %abs3A_1557, [1, 0] : vector<128x128xf32> -> vector<128x128xf32>
      %reduce_sum3A_1559 = arith.constant dense<0.000000e+00> : vector<128xf32>
      %reduce_sum3A_1560 = vector.multi_reduction <add>, %transpose3A_1558, %reduce_sum3A_1559 [0] : vector<128x128xf32> to vector<128xf32>
      %broadcast_in_dim3A_1561 = vector.shape_cast %reduce_sum3A_1560 : vector<128xf32> to vector<1x128xf32>
      %add3A_1562 = arith.constant 384 : i32
      %add3A_1563 = arith.addi %mul3A_1500, %add3A_1562 : i32
      %add3A_1564 = vector.broadcast %add3A_1563 : i32 to vector<1x128xi32>
      %add3A_1565 = arith.addi %iota3A, %add3A_1564 : vector<1x128xi32>
      %lt3A_1566 = arith.cmpf olt, %broadcast_in_dim3A_1561, %select_n3A_1483 : vector<1x128xf32>
      %select_n3A_1567 = arith.select %lt3A_1566, %broadcast_in_dim3A_1561, %select_n3A_1483 : vector<1x128xi1>, vector<1x128xf32>
      %select_n3A_1568 = arith.select %lt3A_1566, %add3A_1565, %select_n3A_1484 : vector<1x128xi1>, vector<1x128xi32>
      %get3A_1569 = arith.constant 512 : index
      %get3A_1570 = arith.constant 0 : index
      %get3A_1571 = vector.load %arg8[%get3A_1569, %get3A_1570] : memref<2560x128xf32, #tpu.memory_space<vmem>>, vector<128x128xf32>
      %sub3A_1572 = vector.broadcast %get3A_1 : vector<1x128xf32> to vector<128x128xf32>
      %sub3A_1573 = arith.subf %get3A_1571, %sub3A_1572 : vector<128x128xf32>
      %abs3A_1574 = math.absf %sub3A_1573 : vector<128x128xf32>
      %transpose3A_1575 = tpu.transpose %abs3A_1574, [1, 0] : vector<128x128xf32> -> vector<128x128xf32>
      %reduce_sum3A_1576 = arith.constant dense<0.000000e+00> : vector<128xf32>
      %reduce_sum3A_1577 = vector.multi_reduction <add>, %transpose3A_1575, %reduce_sum3A_1576 [0] : vector<128x128xf32> to vector<128xf32>
      %broadcast_in_dim3A_1578 = vector.shape_cast %reduce_sum3A_1577 : vector<128xf32> to vector<1x128xf32>
      %add3A_1579 = arith.constant 512 : i32
      %add3A_1580 = arith.addi %mul3A_1500, %add3A_1579 : i32
      %add3A_1581 = vector.broadcast %add3A_1580 : i32 to vector<1x128xi32>
      %add3A_1582 = arith.addi %iota3A, %add3A_1581 : vector<1x128xi32>
      %lt3A_1583 = arith.cmpf olt, %broadcast_in_dim3A_1578, %select_n3A_1516 : vector<1x128xf32>
      %select_n3A_1584 = arith.select %lt3A_1583, %broadcast_in_dim3A_1578, %select_n3A_1516 : vector<1x128xi1>, vector<1x128xf32>
      %select_n3A_1585 = arith.select %lt3A_1583, %add3A_1582, %select_n3A_1517 : vector<1x128xi1>, vector<1x128xi32>
      %get3A_1586 = arith.constant 640 : index
      %get3A_1587 = arith.constant 0 : index
      %get3A_1588 = vector.load %arg8[%get3A_1586, %get3A_1587] : memref<2560x128xf32, #tpu.memory_space<vmem>>, vector<128x128xf32>
      %sub3A_1589 = vector.broadcast %get3A_1 : vector<1x128xf32> to vector<128x128xf32>
      %sub3A_1590 = arith.subf %get3A_1588, %sub3A_1589 : vector<128x128xf32>
      %abs3A_1591 = math.absf %sub3A_1590 : vector<128x128xf32>
      %transpose3A_1592 = tpu.transpose %abs3A_1591, [1, 0] : vector<128x128xf32> -> vector<128x128xf32>
      %reduce_sum3A_1593 = arith.constant dense<0.000000e+00> : vector<128xf32>
      %reduce_sum3A_1594 = vector.multi_reduction <add>, %transpose3A_1592, %reduce_sum3A_1593 [0] : vector<128x128xf32> to vector<128xf32>
      %broadcast_in_dim3A_1595 = vector.shape_cast %reduce_sum3A_1594 : vector<128xf32> to vector<1x128xf32>
      %add3A_1596 = arith.constant 640 : i32
      %add3A_1597 = arith.addi %mul3A_1500, %add3A_1596 : i32
      %add3A_1598 = vector.broadcast %add3A_1597 : i32 to vector<1x128xi32>
      %add3A_1599 = arith.addi %iota3A, %add3A_1598 : vector<1x128xi32>
      %lt3A_1600 = arith.cmpf olt, %broadcast_in_dim3A_1595, %select_n3A_1533 : vector<1x128xf32>
      %select_n3A_1601 = arith.select %lt3A_1600, %broadcast_in_dim3A_1595, %select_n3A_1533 : vector<1x128xi1>, vector<1x128xf32>
      %select_n3A_1602 = arith.select %lt3A_1600, %add3A_1599, %select_n3A_1534 : vector<1x128xi1>, vector<1x128xi32>
      %get3A_1603 = arith.constant 768 : index
      %get3A_1604 = arith.constant 0 : index
      %get3A_1605 = vector.load %arg8[%get3A_1603, %get3A_1604] : memref<2560x128xf32, #tpu.memory_space<vmem>>, vector<128x128xf32>
      %sub3A_1606 = vector.broadcast %get3A_1 : vector<1x128xf32> to vector<128x128xf32>
      %sub3A_1607 = arith.subf %get3A_1605, %sub3A_1606 : vector<128x128xf32>
      %abs3A_1608 = math.absf %sub3A_1607 : vector<128x128xf32>
      %transpose3A_1609 = tpu.transpose %abs3A_1608, [1, 0] : vector<128x128xf32> -> vector<128x128xf32>
      %reduce_sum3A_1610 = arith.constant dense<0.000000e+00> : vector<128xf32>
      %reduce_sum3A_1611 = vector.multi_reduction <add>, %transpose3A_1609, %reduce_sum3A_1610 [0] : vector<128x128xf32> to vector<128xf32>
      %broadcast_in_dim3A_1612 = vector.shape_cast %reduce_sum3A_1611 : vector<128xf32> to vector<1x128xf32>
      %add3A_1613 = arith.constant 768 : i32
      %add3A_1614 = arith.addi %mul3A_1500, %add3A_1613 : i32
      %add3A_1615 = vector.broadcast %add3A_1614 : i32 to vector<1x128xi32>
      %add3A_1616 = arith.addi %iota3A, %add3A_1615 : vector<1x128xi32>
      %lt3A_1617 = arith.cmpf olt, %broadcast_in_dim3A_1612, %select_n3A_1550 : vector<1x128xf32>
      %select_n3A_1618 = arith.select %lt3A_1617, %broadcast_in_dim3A_1612, %select_n3A_1550 : vector<1x128xi1>, vector<1x128xf32>
      %select_n3A_1619 = arith.select %lt3A_1617, %add3A_1616, %select_n3A_1551 : vector<1x128xi1>, vector<1x128xi32>
      %get3A_1620 = arith.constant 896 : index
      %get3A_1621 = arith.constant 0 : index
      %get3A_1622 = vector.load %arg8[%get3A_1620, %get3A_1621] : memref<2560x128xf32, #tpu.memory_space<vmem>>, vector<128x128xf32>
      %sub3A_1623 = vector.broadcast %get3A_1 : vector<1x128xf32> to vector<128x128xf32>
      %sub3A_1624 = arith.subf %get3A_1622, %sub3A_1623 : vector<128x128xf32>
      %abs3A_1625 = math.absf %sub3A_1624 : vector<128x128xf32>
      %transpose3A_1626 = tpu.transpose %abs3A_1625, [1, 0] : vector<128x128xf32> -> vector<128x128xf32>
      %reduce_sum3A_1627 = arith.constant dense<0.000000e+00> : vector<128xf32>
      %reduce_sum3A_1628 = vector.multi_reduction <add>, %transpose3A_1626, %reduce_sum3A_1627 [0] : vector<128x128xf32> to vector<128xf32>
      %broadcast_in_dim3A_1629 = vector.shape_cast %reduce_sum3A_1628 : vector<128xf32> to vector<1x128xf32>
      %add3A_1630 = arith.constant 896 : i32
      %add3A_1631 = arith.addi %mul3A_1500, %add3A_1630 : i32
      %add3A_1632 = vector.broadcast %add3A_1631 : i32 to vector<1x128xi32>
      %add3A_1633 = arith.addi %iota3A, %add3A_1632 : vector<1x128xi32>
      %lt3A_1634 = arith.cmpf olt, %broadcast_in_dim3A_1629, %select_n3A_1567 : vector<1x128xf32>
      %select_n3A_1635 = arith.select %lt3A_1634, %broadcast_in_dim3A_1629, %select_n3A_1567 : vector<1x128xi1>, vector<1x128xf32>
      %select_n3A_1636 = arith.select %lt3A_1634, %add3A_1633, %select_n3A_1568 : vector<1x128xi1>, vector<1x128xi32>
      %get3A_1637 = arith.constant 1024 : index
      %get3A_1638 = arith.constant 0 : index
      %get3A_1639 = vector.load %arg8[%get3A_1637, %get3A_1638] : memref<2560x128xf32, #tpu.memory_space<vmem>>, vector<128x128xf32>
      %sub3A_1640 = vector.broadcast %get3A_1 : vector<1x128xf32> to vector<128x128xf32>
      %sub3A_1641 = arith.subf %get3A_1639, %sub3A_1640 : vector<128x128xf32>
      %abs3A_1642 = math.absf %sub3A_1641 : vector<128x128xf32>
      %transpose3A_1643 = tpu.transpose %abs3A_1642, [1, 0] : vector<128x128xf32> -> vector<128x128xf32>
      %reduce_sum3A_1644 = arith.constant dense<0.000000e+00> : vector<128xf32>
      %reduce_sum3A_1645 = vector.multi_reduction <add>, %transpose3A_1643, %reduce_sum3A_1644 [0] : vector<128x128xf32> to vector<128xf32>
      %broadcast_in_dim3A_1646 = vector.shape_cast %reduce_sum3A_1645 : vector<128xf32> to vector<1x128xf32>
      %add3A_1647 = arith.constant 1024 : i32
      %add3A_1648 = arith.addi %mul3A_1500, %add3A_1647 : i32
      %add3A_1649 = vector.broadcast %add3A_1648 : i32 to vector<1x128xi32>
      %add3A_1650 = arith.addi %iota3A, %add3A_1649 : vector<1x128xi32>
      %lt3A_1651 = arith.cmpf olt, %broadcast_in_dim3A_1646, %select_n3A_1584 : vector<1x128xf32>
      %select_n3A_1652 = arith.select %lt3A_1651, %broadcast_in_dim3A_1646, %select_n3A_1584 : vector<1x128xi1>, vector<1x128xf32>
      %select_n3A_1653 = arith.select %lt3A_1651, %add3A_1650, %select_n3A_1585 : vector<1x128xi1>, vector<1x128xi32>
      %get3A_1654 = arith.constant 1152 : index
      %get3A_1655 = arith.constant 0 : index
      %get3A_1656 = vector.load %arg8[%get3A_1654, %get3A_1655] : memref<2560x128xf32, #tpu.memory_space<vmem>>, vector<128x128xf32>
      %sub3A_1657 = vector.broadcast %get3A_1 : vector<1x128xf32> to vector<128x128xf32>
      %sub3A_1658 = arith.subf %get3A_1656, %sub3A_1657 : vector<128x128xf32>
      %abs3A_1659 = math.absf %sub3A_1658 : vector<128x128xf32>
      %transpose3A_1660 = tpu.transpose %abs3A_1659, [1, 0] : vector<128x128xf32> -> vector<128x128xf32>
      %reduce_sum3A_1661 = arith.constant dense<0.000000e+00> : vector<128xf32>
      %reduce_sum3A_1662 = vector.multi_reduction <add>, %transpose3A_1660, %reduce_sum3A_1661 [0] : vector<128x128xf32> to vector<128xf32>
      %broadcast_in_dim3A_1663 = vector.shape_cast %reduce_sum3A_1662 : vector<128xf32> to vector<1x128xf32>
      %add3A_1664 = arith.constant 1152 : i32
      %add3A_1665 = arith.addi %mul3A_1500, %add3A_1664 : i32
      %add3A_1666 = vector.broadcast %add3A_1665 : i32 to vector<1x128xi32>
      %add3A_1667 = arith.addi %iota3A, %add3A_1666 : vector<1x128xi32>
      %lt3A_1668 = arith.cmpf olt, %broadcast_in_dim3A_1663, %select_n3A_1601 : vector<1x128xf32>
      %select_n3A_1669 = arith.select %lt3A_1668, %broadcast_in_dim3A_1663, %select_n3A_1601 : vector<1x128xi1>, vector<1x128xf32>
      %select_n3A_1670 = arith.select %lt3A_1668, %add3A_1667, %select_n3A_1602 : vector<1x128xi1>, vector<1x128xi32>
      %get3A_1671 = arith.constant 1280 : index
      %get3A_1672 = arith.constant 0 : index
      %get3A_1673 = vector.load %arg8[%get3A_1671, %get3A_1672] : memref<2560x128xf32, #tpu.memory_space<vmem>>, vector<128x128xf32>
      %sub3A_1674 = vector.broadcast %get3A_1 : vector<1x128xf32> to vector<128x128xf32>
      %sub3A_1675 = arith.subf %get3A_1673, %sub3A_1674 : vector<128x128xf32>
      %abs3A_1676 = math.absf %sub3A_1675 : vector<128x128xf32>
      %transpose3A_1677 = tpu.transpose %abs3A_1676, [1, 0] : vector<128x128xf32> -> vector<128x128xf32>
      %reduce_sum3A_1678 = arith.constant dense<0.000000e+00> : vector<128xf32>
      %reduce_sum3A_1679 = vector.multi_reduction <add>, %transpose3A_1677, %reduce_sum3A_1678 [0] : vector<128x128xf32> to vector<128xf32>
      %broadcast_in_dim3A_1680 = vector.shape_cast %reduce_sum3A_1679 : vector<128xf32> to vector<1x128xf32>
      %add3A_1681 = arith.constant 1280 : i32
      %add3A_1682 = arith.addi %mul3A_1500, %add3A_1681 : i32
      %add3A_1683 = vector.broadcast %add3A_1682 : i32 to vector<1x128xi32>
      %add3A_1684 = arith.addi %iota3A, %add3A_1683 : vector<1x128xi32>
      %lt3A_1685 = arith.cmpf olt, %broadcast_in_dim3A_1680, %select_n3A_1618 : vector<1x128xf32>
      %select_n3A_1686 = arith.select %lt3A_1685, %broadcast_in_dim3A_1680, %select_n3A_1618 : vector<1x128xi1>, vector<1x128xf32>
      %select_n3A_1687 = arith.select %lt3A_1685, %add3A_1684, %select_n3A_1619 : vector<1x128xi1>, vector<1x128xi32>
      %get3A_1688 = arith.constant 1408 : index
      %get3A_1689 = arith.constant 0 : index
      %get3A_1690 = vector.load %arg8[%get3A_1688, %get3A_1689] : memref<2560x128xf32, #tpu.memory_space<vmem>>, vector<128x128xf32>
      %sub3A_1691 = vector.broadcast %get3A_1 : vector<1x128xf32> to vector<128x128xf32>
      %sub3A_1692 = arith.subf %get3A_1690, %sub3A_1691 : vector<128x128xf32>
      %abs3A_1693 = math.absf %sub3A_1692 : vector<128x128xf32>
      %transpose3A_1694 = tpu.transpose %abs3A_1693, [1, 0] : vector<128x128xf32> -> vector<128x128xf32>
      %reduce_sum3A_1695 = arith.constant dense<0.000000e+00> : vector<128xf32>
      %reduce_sum3A_1696 = vector.multi_reduction <add>, %transpose3A_1694, %reduce_sum3A_1695 [0] : vector<128x128xf32> to vector<128xf32>
      %broadcast_in_dim3A_1697 = vector.shape_cast %reduce_sum3A_1696 : vector<128xf32> to vector<1x128xf32>
      %add3A_1698 = arith.constant 1408 : i32
      %add3A_1699 = arith.addi %mul3A_1500, %add3A_1698 : i32
      %add3A_1700 = vector.broadcast %add3A_1699 : i32 to vector<1x128xi32>
      %add3A_1701 = arith.addi %iota3A, %add3A_1700 : vector<1x128xi32>
      %lt3A_1702 = arith.cmpf olt, %broadcast_in_dim3A_1697, %select_n3A_1635 : vector<1x128xf32>
      %select_n3A_1703 = arith.select %lt3A_1702, %broadcast_in_dim3A_1697, %select_n3A_1635 : vector<1x128xi1>, vector<1x128xf32>
      %select_n3A_1704 = arith.select %lt3A_1702, %add3A_1701, %select_n3A_1636 : vector<1x128xi1>, vector<1x128xi32>
      %get3A_1705 = arith.constant 1536 : index
      %get3A_1706 = arith.constant 0 : index
      %get3A_1707 = vector.load %arg8[%get3A_1705, %get3A_1706] : memref<2560x128xf32, #tpu.memory_space<vmem>>, vector<128x128xf32>
      %sub3A_1708 = vector.broadcast %get3A_1 : vector<1x128xf32> to vector<128x128xf32>
      %sub3A_1709 = arith.subf %get3A_1707, %sub3A_1708 : vector<128x128xf32>
      %abs3A_1710 = math.absf %sub3A_1709 : vector<128x128xf32>
      %transpose3A_1711 = tpu.transpose %abs3A_1710, [1, 0] : vector<128x128xf32> -> vector<128x128xf32>
      %reduce_sum3A_1712 = arith.constant dense<0.000000e+00> : vector<128xf32>
      %reduce_sum3A_1713 = vector.multi_reduction <add>, %transpose3A_1711, %reduce_sum3A_1712 [0] : vector<128x128xf32> to vector<128xf32>
      %broadcast_in_dim3A_1714 = vector.shape_cast %reduce_sum3A_1713 : vector<128xf32> to vector<1x128xf32>
      %add3A_1715 = arith.constant 1536 : i32
      %add3A_1716 = arith.addi %mul3A_1500, %add3A_1715 : i32
      %add3A_1717 = vector.broadcast %add3A_1716 : i32 to vector<1x128xi32>
      %add3A_1718 = arith.addi %iota3A, %add3A_1717 : vector<1x128xi32>
      %lt3A_1719 = arith.cmpf olt, %broadcast_in_dim3A_1714, %select_n3A_1652 : vector<1x128xf32>
      %select_n3A_1720 = arith.select %lt3A_1719, %broadcast_in_dim3A_1714, %select_n3A_1652 : vector<1x128xi1>, vector<1x128xf32>
      %select_n3A_1721 = arith.select %lt3A_1719, %add3A_1718, %select_n3A_1653 : vector<1x128xi1>, vector<1x128xi32>
      %get3A_1722 = arith.constant 1664 : index
      %get3A_1723 = arith.constant 0 : index
      %get3A_1724 = vector.load %arg8[%get3A_1722, %get3A_1723] : memref<2560x128xf32, #tpu.memory_space<vmem>>, vector<128x128xf32>
      %sub3A_1725 = vector.broadcast %get3A_1 : vector<1x128xf32> to vector<128x128xf32>
      %sub3A_1726 = arith.subf %get3A_1724, %sub3A_1725 : vector<128x128xf32>
      %abs3A_1727 = math.absf %sub3A_1726 : vector<128x128xf32>
      %transpose3A_1728 = tpu.transpose %abs3A_1727, [1, 0] : vector<128x128xf32> -> vector<128x128xf32>
      %reduce_sum3A_1729 = arith.constant dense<0.000000e+00> : vector<128xf32>
      %reduce_sum3A_1730 = vector.multi_reduction <add>, %transpose3A_1728, %reduce_sum3A_1729 [0] : vector<128x128xf32> to vector<128xf32>
      %broadcast_in_dim3A_1731 = vector.shape_cast %reduce_sum3A_1730 : vector<128xf32> to vector<1x128xf32>
      %add3A_1732 = arith.constant 1664 : i32
      %add3A_1733 = arith.addi %mul3A_1500, %add3A_1732 : i32
      %add3A_1734 = vector.broadcast %add3A_1733 : i32 to vector<1x128xi32>
      %add3A_1735 = arith.addi %iota3A, %add3A_1734 : vector<1x128xi32>
      %lt3A_1736 = arith.cmpf olt, %broadcast_in_dim3A_1731, %select_n3A_1669 : vector<1x128xf32>
      %select_n3A_1737 = arith.select %lt3A_1736, %broadcast_in_dim3A_1731, %select_n3A_1669 : vector<1x128xi1>, vector<1x128xf32>
      %select_n3A_1738 = arith.select %lt3A_1736, %add3A_1735, %select_n3A_1670 : vector<1x128xi1>, vector<1x128xi32>
      %get3A_1739 = arith.constant 1792 : index
      %get3A_1740 = arith.constant 0 : index
      %get3A_1741 = vector.load %arg8[%get3A_1739, %get3A_1740] : memref<2560x128xf32, #tpu.memory_space<vmem>>, vector<128x128xf32>
      %sub3A_1742 = vector.broadcast %get3A_1 : vector<1x128xf32> to vector<128x128xf32>
      %sub3A_1743 = arith.subf %get3A_1741, %sub3A_1742 : vector<128x128xf32>
      %abs3A_1744 = math.absf %sub3A_1743 : vector<128x128xf32>
      %transpose3A_1745 = tpu.transpose %abs3A_1744, [1, 0] : vector<128x128xf32> -> vector<128x128xf32>
      %reduce_sum3A_1746 = arith.constant dense<0.000000e+00> : vector<128xf32>
      %reduce_sum3A_1747 = vector.multi_reduction <add>, %transpose3A_1745, %reduce_sum3A_1746 [0] : vector<128x128xf32> to vector<128xf32>
      %broadcast_in_dim3A_1748 = vector.shape_cast %reduce_sum3A_1747 : vector<128xf32> to vector<1x128xf32>
      %add3A_1749 = arith.constant 1792 : i32
      %add3A_1750 = arith.addi %mul3A_1500, %add3A_1749 : i32
      %add3A_1751 = vector.broadcast %add3A_1750 : i32 to vector<1x128xi32>
      %add3A_1752 = arith.addi %iota3A, %add3A_1751 : vector<1x128xi32>
      %lt3A_1753 = arith.cmpf olt, %broadcast_in_dim3A_1748, %select_n3A_1686 : vector<1x128xf32>
      %select_n3A_1754 = arith.select %lt3A_1753, %broadcast_in_dim3A_1748, %select_n3A_1686 : vector<1x128xi1>, vector<1x128xf32>
      %select_n3A_1755 = arith.select %lt3A_1753, %add3A_1752, %select_n3A_1687 : vector<1x128xi1>, vector<1x128xi32>
      %get3A_1756 = arith.constant 1920 : index
      %get3A_1757 = arith.constant 0 : index
      %get3A_1758 = vector.load %arg8[%get3A_1756, %get3A_1757] : memref<2560x128xf32, #tpu.memory_space<vmem>>, vector<128x128xf32>
      %sub3A_1759 = vector.broadcast %get3A_1 : vector<1x128xf32> to vector<128x128xf32>
      %sub3A_1760 = arith.subf %get3A_1758, %sub3A_1759 : vector<128x128xf32>
      %abs3A_1761 = math.absf %sub3A_1760 : vector<128x128xf32>
      %transpose3A_1762 = tpu.transpose %abs3A_1761, [1, 0] : vector<128x128xf32> -> vector<128x128xf32>
      %reduce_sum3A_1763 = arith.constant dense<0.000000e+00> : vector<128xf32>
      %reduce_sum3A_1764 = vector.multi_reduction <add>, %transpose3A_1762, %reduce_sum3A_1763 [0] : vector<128x128xf32> to vector<128xf32>
      %broadcast_in_dim3A_1765 = vector.shape_cast %reduce_sum3A_1764 : vector<128xf32> to vector<1x128xf32>
      %add3A_1766 = arith.constant 1920 : i32
      %add3A_1767 = arith.addi %mul3A_1500, %add3A_1766 : i32
      %add3A_1768 = vector.broadcast %add3A_1767 : i32 to vector<1x128xi32>
      %add3A_1769 = arith.addi %iota3A, %add3A_1768 : vector<1x128xi32>
      %lt3A_1770 = arith.cmpf olt, %broadcast_in_dim3A_1765, %select_n3A_1703 : vector<1x128xf32>
      %select_n3A_1771 = arith.select %lt3A_1770, %broadcast_in_dim3A_1765, %select_n3A_1703 : vector<1x128xi1>, vector<1x128xf32>
      %select_n3A_1772 = arith.select %lt3A_1770, %add3A_1769, %select_n3A_1704 : vector<1x128xi1>, vector<1x128xi32>
      %get3A_1773 = arith.constant 2048 : index
      %get3A_1774 = arith.constant 0 : index
      %get3A_1775 = vector.load %arg8[%get3A_1773, %get3A_1774] : memref<2560x128xf32, #tpu.memory_space<vmem>>, vector<128x128xf32>
      %sub3A_1776 = vector.broadcast %get3A_1 : vector<1x128xf32> to vector<128x128xf32>
      %sub3A_1777 = arith.subf %get3A_1775, %sub3A_1776 : vector<128x128xf32>
      %abs3A_1778 = math.absf %sub3A_1777 : vector<128x128xf32>
      %transpose3A_1779 = tpu.transpose %abs3A_1778, [1, 0] : vector<128x128xf32> -> vector<128x128xf32>
      %reduce_sum3A_1780 = arith.constant dense<0.000000e+00> : vector<128xf32>
      %reduce_sum3A_1781 = vector.multi_reduction <add>, %transpose3A_1779, %reduce_sum3A_1780 [0] : vector<128x128xf32> to vector<128xf32>
      %broadcast_in_dim3A_1782 = vector.shape_cast %reduce_sum3A_1781 : vector<128xf32> to vector<1x128xf32>
      %add3A_1783 = arith.constant 2048 : i32
      %add3A_1784 = arith.addi %mul3A_1500, %add3A_1783 : i32
      %add3A_1785 = vector.broadcast %add3A_1784 : i32 to vector<1x128xi32>
      %add3A_1786 = arith.addi %iota3A, %add3A_1785 : vector<1x128xi32>
      %lt3A_1787 = arith.cmpf olt, %broadcast_in_dim3A_1782, %select_n3A_1720 : vector<1x128xf32>
      %select_n3A_1788 = arith.select %lt3A_1787, %broadcast_in_dim3A_1782, %select_n3A_1720 : vector<1x128xi1>, vector<1x128xf32>
      %select_n3A_1789 = arith.select %lt3A_1787, %add3A_1786, %select_n3A_1721 : vector<1x128xi1>, vector<1x128xi32>
      %get3A_1790 = arith.constant 2176 : index
      %get3A_1791 = arith.constant 0 : index
      %get3A_1792 = vector.load %arg8[%get3A_1790, %get3A_1791] : memref<2560x128xf32, #tpu.memory_space<vmem>>, vector<128x128xf32>
      %sub3A_1793 = vector.broadcast %get3A_1 : vector<1x128xf32> to vector<128x128xf32>
      %sub3A_1794 = arith.subf %get3A_1792, %sub3A_1793 : vector<128x128xf32>
      %abs3A_1795 = math.absf %sub3A_1794 : vector<128x128xf32>
      %transpose3A_1796 = tpu.transpose %abs3A_1795, [1, 0] : vector<128x128xf32> -> vector<128x128xf32>
      %reduce_sum3A_1797 = arith.constant dense<0.000000e+00> : vector<128xf32>
      %reduce_sum3A_1798 = vector.multi_reduction <add>, %transpose3A_1796, %reduce_sum3A_1797 [0] : vector<128x128xf32> to vector<128xf32>
      %broadcast_in_dim3A_1799 = vector.shape_cast %reduce_sum3A_1798 : vector<128xf32> to vector<1x128xf32>
      %add3A_1800 = arith.constant 2176 : i32
      %add3A_1801 = arith.addi %mul3A_1500, %add3A_1800 : i32
      %add3A_1802 = vector.broadcast %add3A_1801 : i32 to vector<1x128xi32>
      %add3A_1803 = arith.addi %iota3A, %add3A_1802 : vector<1x128xi32>
      %lt3A_1804 = arith.cmpf olt, %broadcast_in_dim3A_1799, %select_n3A_1737 : vector<1x128xf32>
      %select_n3A_1805 = arith.select %lt3A_1804, %broadcast_in_dim3A_1799, %select_n3A_1737 : vector<1x128xi1>, vector<1x128xf32>
      %select_n3A_1806 = arith.select %lt3A_1804, %add3A_1803, %select_n3A_1738 : vector<1x128xi1>, vector<1x128xi32>
      %get3A_1807 = arith.constant 2304 : index
      %get3A_1808 = arith.constant 0 : index
      %get3A_1809 = vector.load %arg8[%get3A_1807, %get3A_1808] : memref<2560x128xf32, #tpu.memory_space<vmem>>, vector<128x128xf32>
      %sub3A_1810 = vector.broadcast %get3A_1 : vector<1x128xf32> to vector<128x128xf32>
      %sub3A_1811 = arith.subf %get3A_1809, %sub3A_1810 : vector<128x128xf32>
      %abs3A_1812 = math.absf %sub3A_1811 : vector<128x128xf32>
      %transpose3A_1813 = tpu.transpose %abs3A_1812, [1, 0] : vector<128x128xf32> -> vector<128x128xf32>
      %reduce_sum3A_1814 = arith.constant dense<0.000000e+00> : vector<128xf32>
      %reduce_sum3A_1815 = vector.multi_reduction <add>, %transpose3A_1813, %reduce_sum3A_1814 [0] : vector<128x128xf32> to vector<128xf32>
      %broadcast_in_dim3A_1816 = vector.shape_cast %reduce_sum3A_1815 : vector<128xf32> to vector<1x128xf32>
      %add3A_1817 = arith.constant 2304 : i32
      %add3A_1818 = arith.addi %mul3A_1500, %add3A_1817 : i32
      %add3A_1819 = vector.broadcast %add3A_1818 : i32 to vector<1x128xi32>
      %add3A_1820 = arith.addi %iota3A, %add3A_1819 : vector<1x128xi32>
      %lt3A_1821 = arith.cmpf olt, %broadcast_in_dim3A_1816, %select_n3A_1754 : vector<1x128xf32>
      %select_n3A_1822 = arith.select %lt3A_1821, %broadcast_in_dim3A_1816, %select_n3A_1754 : vector<1x128xi1>, vector<1x128xf32>
      %select_n3A_1823 = arith.select %lt3A_1821, %add3A_1820, %select_n3A_1755 : vector<1x128xi1>, vector<1x128xi32>
      %get3A_1824 = arith.constant 2432 : index
      %get3A_1825 = arith.constant 0 : index
      %get3A_1826 = vector.load %arg8[%get3A_1824, %get3A_1825] : memref<2560x128xf32, #tpu.memory_space<vmem>>, vector<128x128xf32>
      %sub3A_1827 = vector.broadcast %get3A_1 : vector<1x128xf32> to vector<128x128xf32>
      %sub3A_1828 = arith.subf %get3A_1826, %sub3A_1827 : vector<128x128xf32>
      %abs3A_1829 = math.absf %sub3A_1828 : vector<128x128xf32>
      %transpose3A_1830 = tpu.transpose %abs3A_1829, [1, 0] : vector<128x128xf32> -> vector<128x128xf32>
      %reduce_sum3A_1831 = arith.constant dense<0.000000e+00> : vector<128xf32>
      %reduce_sum3A_1832 = vector.multi_reduction <add>, %transpose3A_1830, %reduce_sum3A_1831 [0] : vector<128x128xf32> to vector<128xf32>
      %broadcast_in_dim3A_1833 = vector.shape_cast %reduce_sum3A_1832 : vector<128xf32> to vector<1x128xf32>
      %add3A_1834 = arith.constant 2432 : i32
      %add3A_1835 = arith.addi %mul3A_1500, %add3A_1834 : i32
      %add3A_1836 = vector.broadcast %add3A_1835 : i32 to vector<1x128xi32>
      %add3A_1837 = arith.addi %iota3A, %add3A_1836 : vector<1x128xi32>
      %lt3A_1838 = arith.cmpf olt, %broadcast_in_dim3A_1833, %select_n3A_1771 : vector<1x128xf32>
      %select_n3A_1839 = arith.select %lt3A_1838, %broadcast_in_dim3A_1833, %select_n3A_1771 : vector<1x128xi1>, vector<1x128xf32>
      %select_n3A_1840 = arith.select %lt3A_1838, %add3A_1837, %select_n3A_1772 : vector<1x128xi1>, vector<1x128xi32>
      %add3A_1841 = arith.constant 5 : i32
      %add3A_1842 = arith.addi %add3A_1495, %add3A_1841 : i32
      %lt3A_1843 = arith.constant 25 : i32
      %lt3A_1844 = arith.cmpi slt, %add3A_1842, %lt3A_1843 : i32
      %convert_element_type3A_1845 = arith.extui %lt3A_1844 : i1 to i32
      %cond3A_1846 = arith.constant 0 : i32
      %cond3A_1847 = arith.cmpi ne, %convert_element_type3A_1845, %cond3A_1846 : i32
      scf.if %cond3A_1847 {
        %add3A_1848 = arith.constant 5 : i32
        %add3A_1849 = arith.addi %add3A_1495, %add3A_1848 : i32
        %mul3A_1850 = arith.constant 2560 : i32
        %mul3A_1851 = arith.muli %add3A_1849, %mul3A_1850 : i32
        %dma_start3A_1852 = arith.constant 0 : i32
        %dma_start3A_1853 = tpu.memref_slice %arg0[%mul3A_1851, %dma_start3A_1852] : memref<100000x128xf32, #tpu.memory_space<any>> -> memref<2560x128xf32, #tpu.memory_space<any>>
        tpu.enqueue_dma source(%dma_start3A_1853 : memref<2560x128xf32, #tpu.memory_space<any>>) target(%arg8 : memref<2560x128xf32, #tpu.memory_space<vmem>>) target_semaphore(%arg13 : memref<!tpu.dma_semaphore, #tpu.memory_space<semaphore_mem>>)
      } else {
      }
      scf.yield %select_n3A_1788, %select_n3A_1805, %select_n3A_1822, %select_n3A_1839, %select_n3A_1789, %select_n3A_1806, %select_n3A_1823, %select_n3A_1840 : vector<1x128xf32>, vector<1x128xf32>, vector<1x128xf32>, vector<1x128xf32>, vector<1x128xi32>, vector<1x128xi32>, vector<1x128xi32>, vector<1x128xi32>
    }
    %scan3A_35 = arith.constant 5 : i32
    %lt3A = arith.cmpf olt, %scan3A_34#1, %scan3A_34#0 : vector<1x128xf32>
    %eq3A = arith.cmpf oeq, %scan3A_34#1, %scan3A_34#0 : vector<1x128xf32>
    %lt3A_36 = arith.cmpi slt, %scan3A_34#5, %scan3A_34#4 : vector<1x128xi32>
    %and3A = arith.andi %eq3A, %lt3A_36 : vector<1x128xi1>
    %or3A = arith.ori %lt3A, %and3A : vector<1x128xi1>
    %select_n3A = arith.select %or3A, %scan3A_34#1, %scan3A_34#0 : vector<1x128xi1>, vector<1x128xf32>
    %select_n3A_37 = arith.select %or3A, %scan3A_34#5, %scan3A_34#4 : vector<1x128xi1>, vector<1x128xi32>
    %lt3A_38 = arith.cmpf olt, %scan3A_34#2, %select_n3A : vector<1x128xf32>
    %eq3A_39 = arith.cmpf oeq, %scan3A_34#2, %select_n3A : vector<1x128xf32>
    %lt3A_40 = arith.cmpi slt, %scan3A_34#6, %select_n3A_37 : vector<1x128xi32>
    %and3A_41 = arith.andi %eq3A_39, %lt3A_40 : vector<1x128xi1>
    %or3A_42 = arith.ori %lt3A_38, %and3A_41 : vector<1x128xi1>
    %select_n3A_43 = arith.select %or3A_42, %scan3A_34#2, %select_n3A : vector<1x128xi1>, vector<1x128xf32>
    %select_n3A_44 = arith.select %or3A_42, %scan3A_34#6, %select_n3A_37 : vector<1x128xi1>, vector<1x128xi32>
    %lt3A_45 = arith.cmpf olt, %scan3A_34#3, %select_n3A_43 : vector<1x128xf32>
    %eq3A_46 = arith.cmpf oeq, %scan3A_34#3, %select_n3A_43 : vector<1x128xf32>
    %lt3A_47 = arith.cmpi slt, %scan3A_34#7, %select_n3A_44 : vector<1x128xi32>
    %and3A_48 = arith.andi %eq3A_46, %lt3A_47 : vector<1x128xi1>
    %or3A_49 = arith.ori %lt3A_45, %and3A_48 : vector<1x128xi1>
    %select_n3A_50 = arith.select %or3A_49, %scan3A_34#3, %select_n3A_43 : vector<1x128xi1>, vector<1x128xf32>
    %select_n3A_51 = arith.select %or3A_49, %scan3A_34#7, %select_n3A_44 : vector<1x128xi1>, vector<1x128xi32>
    %reduce_min3A = vector.shape_cast %select_n3A_50 : vector<1x128xf32> to vector<1x1x128xf32>
    %reduce_min3A_52 = arith.constant dense<0x7F800000> : vector<1xf32>
    %reduce_min3A_53 = vector.multi_reduction <minimumf>, %reduce_min3A, %reduce_min3A_52 [1, 2] : vector<1x1x128xf32> to vector<1xf32>
    %reduce_min3A_54 = vector.shape_cast %reduce_min3A_53 : vector<1xf32> to vector<1x1x1xf32>
    %reduce_min3A_55 = vector.extract %reduce_min3A_54[0, 0, 0] : f32 from vector<1x1x1xf32>
    %eq3A_56 = vector.broadcast %reduce_min3A_55 : f32 to vector<1x128xf32>
    %eq3A_57 = arith.cmpf oeq, %select_n3A_50, %eq3A_56 : vector<1x128xf32>
    %jit3A = arith.constant 1073741824 : i32
    %broadcast_in_dim3A_58 = vector.broadcast %jit3A : i32 to vector<1x128xi32>
    %select_n3A_59 = arith.select %eq3A_57, %select_n3A_51, %broadcast_in_dim3A_58 : vector<1x128xi1>, vector<1x128xi32>
    %reduce_min3A_60 = vector.shape_cast %select_n3A_59 : vector<1x128xi32> to vector<1x1x128xi32>
    %reduce_min3A_61 = arith.constant dense<2147483647> : vector<1xi32>
    %reduce_min3A_62 = vector.multi_reduction <minsi>, %reduce_min3A_60, %reduce_min3A_61 [1, 2] : vector<1x1x128xi32> to vector<1xi32>
    %reduce_min3A_63 = vector.shape_cast %reduce_min3A_62 : vector<1xi32> to vector<1x1x1xi32>
    %reduce_min3A_64 = vector.extract %reduce_min3A_63[0, 0, 0] : i32 from vector<1x1x1xi32>
    %swap3A = arith.constant 0 : index
    %swap3A_65 = memref.load %arg2[%swap3A] : memref<1xf32, #tpu.memory_space<smem>>
    memref.store %reduce_min3A_55, %arg2[%swap3A] : memref<1xf32, #tpu.memory_space<smem>>
    %swap3A_66 = arith.constant 0 : index
    %swap3A_67 = memref.load %arg3[%swap3A_66] : memref<1xi32, #tpu.memory_space<smem>>
    memref.store %reduce_min3A_64, %arg3[%swap3A_66] : memref<1xi32, #tpu.memory_space<smem>>
    return
  }
}

module attributes {stable_mosaic.version = 14 : i64} {
  func.func @body(%arg0: memref<32x16xf32, #tpu.memory_space<vmem>>, %arg1: memref<32x16xi32, #tpu.memory_space<vmem>>, %arg2: memref<1xf32, #tpu.memory_space<smem>>, %arg3: memref<1xi32, #tpu.memory_space<smem>>, %arg4: memref<1xi32, #tpu.memory_space<smem>>) attributes {dimension_semantics = [], scalar_prefetch = 0 : i64, scratch_operands = 0 : i64, tpu.core_type = #tpu.core_type<tc>} {
    %get3A = arith.constant 0 : index
    %get3A_0 = arith.constant 0 : index
    %get3A_1 = vector.load %arg0[%get3A, %get3A_0] : memref<32x16xf32, #tpu.memory_space<vmem>>, vector<32x16xf32>
    %get3A_2 = arith.constant 0 : index
    %get3A_3 = arith.constant 0 : index
    %get3A_4 = vector.load %arg1[%get3A_2, %get3A_3] : memref<32x16xi32, #tpu.memory_space<vmem>>, vector<32x16xi32>
    %reduce_min3A = vector.shape_cast %get3A_1 : vector<32x16xf32> to vector<1x32x16xf32>
    %reduce_min3A_5 = arith.constant dense<0x7F800000> : vector<1xf32>
    %reduce_min3A_6 = vector.multi_reduction <minimumf>, %reduce_min3A, %reduce_min3A_5 [1, 2] : vector<1x32x16xf32> to vector<1xf32>
    %reduce_min3A_7 = vector.shape_cast %reduce_min3A_6 : vector<1xf32> to vector<1x1x1xf32>
    %reduce_min3A_8 = vector.extract %reduce_min3A_7[0, 0, 0] : f32 from vector<1x1x1xf32>
    %eq3A = vector.broadcast %reduce_min3A_8 : f32 to vector<32x16xf32>
    %eq3A_9 = arith.cmpf oeq, %get3A_1, %eq3A : vector<32x16xf32>
    %jit3A = arith.constant 1073741824 : i32
    %broadcast_in_dim3A = vector.broadcast %jit3A : i32 to vector<32x16xi32>
    %select_n3A = arith.select %eq3A_9, %get3A_4, %broadcast_in_dim3A : vector<32x16xi1>, vector<32x16xi32>
    %reduce_min3A_10 = vector.shape_cast %select_n3A : vector<32x16xi32> to vector<1x32x16xi32>
    %reduce_min3A_11 = arith.constant dense<2147483647> : vector<1xi32>
    %reduce_min3A_12 = vector.multi_reduction <minsi>, %reduce_min3A_10, %reduce_min3A_11 [1, 2] : vector<1x32x16xi32> to vector<1xi32>
    %reduce_min3A_13 = vector.shape_cast %reduce_min3A_12 : vector<1xi32> to vector<1x1x1xi32>
    %reduce_min3A_14 = vector.extract %reduce_min3A_13[0, 0, 0] : i32 from vector<1x1x1xi32>
    %get3A_15 = arith.constant 0 : index
    %get3A_16 = memref.load %arg2[%get3A_15] : memref<1xf32, #tpu.memory_space<smem>>
    %get3A_17 = arith.constant 0 : index
    %get3A_18 = memref.load %arg3[%get3A_17] : memref<1xi32, #tpu.memory_space<smem>>
    %lt3A = arith.cmpf olt, %get3A_16, %reduce_min3A_8 : f32
    %eq3A_19 = arith.cmpf oeq, %get3A_16, %reduce_min3A_8 : f32
    %lt3A_20 = arith.cmpi slt, %get3A_18, %reduce_min3A_14 : i32
    %and3A = arith.andi %eq3A_19, %lt3A_20 : i1
    %or3A = arith.ori %lt3A, %and3A : i1
    %select_n3A_21 = arith.select %or3A, %get3A_18, %reduce_min3A_14 : i32
    %swap3A = arith.constant 0 : index
    %swap3A_22 = memref.load %arg4[%swap3A] : memref<1xi32, #tpu.memory_space<smem>>
    memref.store %select_n3A_21, %arg4[%swap3A] : memref<1xi32, #tpu.memory_space<smem>>
    return
  }
}

</mosaic_0001>

<sc_bundles>
// kernel: kernel.5.cloned.1.call-start
scs
__scs_entry_jumppad:
0x0: {  	(pc) =	sbr.rel $0x88, $3  }
0x1: {  	(tag) =	ssettag $0x0;
	lr =	simm.s32 $0x1  }
0x2: {  	[smem:$0x3F9F] =	sst lr;
	_ =	strace $0xD0000000  }
0x3: {  	_ = 	snop  }
0x4: {  	_ = 	snop  }
0x5: {  	_ = 	snop  }
0x6: {  	_ = 	snop  }
0x7: {  	_ = 	snop  }
__scs_overlays_trampoline_lowered:
0x8: {  	[smem:$0x3FAE] =	sst s0  }
0x9: {  	[smem:$0x3FAF] =	sst s1  }
0xa: {  	[smem:$0x3FB0] =	sst s2  }
0xb: {  	[smem:$0x3FB1] =	sst s3  }
0xc: {  	[smem:$0x3FB2] =	sst s4  }
0xd: {  	[smem:$0x3FB3] =	sst s5  }
0xe: {  	[smem:$0x3FB4] =	sst s6  }
0xf: {  	[smem:$0x3FB5] =	sst s7  }
0x10: {  	[smem:$0x3FB6] =	sst s8  }
0x11: {  	[smem:$0x3FB7] =	sst s9;
	s0 =	simm.s32 @!p0 $0x0  }
0x12: {  	s1 =	sld [smem:$0x3F9D];
	s0 =	simm.s32 @p0 $0x1  }
0x13: {  	[smem:$0x3FB8] =	sst s0;
	s0 =	simm.s32 @!p1 $0x0  }
0x14: {  	s2 =	sld [smem:$0x3F9C];
	s0 =	simm.s32 @p1 $0x1  }
0x15: {  	[smem:$0x3FB9] =	sst s0;
	s0 =	simm.s32 @!p2 $0x0  }
0x16: {  	s3 =	sld [smem:$0x3FDB];
	s0 =	simm.s32 @p2 $0x1  }
0x17: {  	s4 =	simm.s32 $0x1BF5;
	[smem:$0x3FBB] =	sst s0  }
0x18: {  	s0 =	sld [smem:$0x3F9E];
	_ =	swait.ge [sflag:s4], $0x0  }
0x19: {  	s7 =	sld [smem:$0x3F9F]  }
0x1a: {  	s8 =	sadd.s32 $0xFFFFE003, lr  }
0x1b: {  	s9 =	sadd.s32 $0xFFFFFEF7, lr;
	s5 =	simm.s32 $0xFFFFFFFF;
	p2 =	slt.u32 s8, $0xFFFFF086  }
0x1c: {  	p1 =	slt.u32 s9, $0xF7A;
	s5 =	simm.s32 @!p2 $0x0  }
0x1d: {  	s5 =	simm.s32 @p1 $0x1;
	p0 =	seq.s32 s7, s2  }
0x1e: {  	s7 =	smul.u32 @!p0 $0xF7A, s2;
	p2 =	seq.s32 @!p0 s5, $0x0  }
0x1f: {  	s9 =	smul.u32 $0xF7A, s1;
	s8 =	simm.s32 @!p0 $0x1BF5;
	p2 =	por !p2, p0  }
0x20: {  	[sflag:s8] =	ssyncset.s32 @!p0 $0xFFFFF086;
	s6 =	sadd.s32 @!p0 s3, s7;
	s7 =	simm.s32 @!p0 $0x108  }
0x21: {  	s3 =	sadd.s32 s3, s9;
	s6 =	sadd.s32 @!p0 $0x88, s6;
	s7 =	simm.s32 @p2 $0x1082  }
0x22: {  	[simem:s7], [sflag:s8] =	dma.local @!p0 [hbm:s6], $0xF7A  }
0x23: {  	s9 =	sor.u32 $0xD0000000, s2;
	s6 =	simm.s32 $0x108;
	_ =	swait.ge @!p0 [sflag:s8], $0x0  }
0x24: {  	s3 =	sadd.s32 $0x88, s3;
	s6 =	simm.s32 @!p1 $0x1082;
	[sflag:s4] =	ssyncset.s32 $0xFFFFF086  }
0x25: {  	[simem:s6], [sflag:s4] =	dma.local [hbm:s3], $0xF7A  }
0x26: {  	[smem:$0x3F9F] =	sst s1;
	(tag) =	ssettag s2;
	_ =	strace s9  }
0x27: {  	s1 =	sld [smem:$0x3FAF]  }
0x28: {  	s2 =	sld [smem:$0x3FB0]  }
0x29: {  	s4 =	sld [smem:$0x3FB2]  }
0x2a: {  	p0 =	seq.s32 s5, $0x0;
	s5 =	sld [smem:$0x3FB3]  }
0x2b: {  	s6 =	sld [smem:$0x3FB4]  }
0x2c: {  	s7 =	sld [smem:$0x3FB5]  }
0x2d: {  	s3 =	simm.s32 $0x108;
	s8 =	sld [smem:$0x3FB6]  }
0x2e: {  	s3 =	simm.s32 @!p0 $0x1082;
	s9 =	sld [smem:$0x3FB7]  }
0x2f: {  	lr =	sadd.s32 s0, s3;
	s0 =	sld [smem:$0x3FAE]  }
0x30: {  	s3 =	sld [smem:$0x3FB1]  }
0x31: {  	[smem:$0x3FBA] =	sst s10  }
0x32: {  	s10 =	sld [smem:$0x3FB8];
	_ =	sdelay $0x3  }
0x33: {  	p0 =	seq.s32 s10, $0x1;
	s10 =	sld [smem:$0x3FBA];
	_ =	sdelay $0x3  }
0x34: {  	[smem:$0x3FBA] =	sst s10  }
0x35: {  	s10 =	sld [smem:$0x3FB9];
	_ =	sdelay $0x3  }
0x36: {  	p1 =	seq.s32 s10, $0x1;
	s10 =	sld [smem:$0x3FBA];
	_ =	sdelay $0x3  }
0x37: {  	[smem:$0x3FBA] =	sst s10  }
0x38: {  	s10 =	sld [smem:$0x3FBB]  }
0x39: {  	_ = 	snop;
	(pc) =	sbr.ind lr, $3  }
0x3a: {  	_ = 	snop  }
0x3b: {  	_ = 	snop  }
0x3c: {  	p2 =	seq.s32 s10, $0x1;
	s10 =	sld [smem:$0x3FBA]  }
0x3d: {  	_ =	shalt  }
0x3e: {  	_ =	shalt  }
0x3f: {  	_ =	shalt  }
0x40: {  	_ =	shalt  }
0x41: {  	_ =	shalt  }
0x42: {  	_ =	shalt  }
0x43: {  	_ =	shalt  }
0x44: {  	_ =	shalt  }
0x45: {  	_ =	shalt  }
0x46: {  	_ =	shalt  }
0x47: {  	_ =	shalt  }
0x48: {  	_ =	shalt  }
0x49: {  	_ =	shalt  }
0x4a: {  	_ =	shalt  }
0x4b: {  	_ =	shalt  }
0x4c: {  	_ =	shalt  }
0x4d: {  	_ =	shalt  }
0x4e: {  	_ =	shalt  }
0x4f: {  	_ =	shalt  }
0x50: {  	_ =	shalt  }
0x51: {  	_ =	shalt  }
0x52: {  	_ =	shalt  }
0x53: {  	_ =	shalt  }
0x54: {  	_ =	shalt  }
0x55: {  	_ =	shalt  }
0x56: {  	_ =	shalt  }
0x57: {  	_ =	shalt  }
0x58: {  	_ =	shalt  }
0x59: {  	_ =	shalt  }
0x5a: {  	_ =	shalt  }
0x5b: {  	_ =	shalt  }
0x5c: {  	_ =	shalt  }
0x5d: {  	_ =	shalt  }
0x5e: {  	_ =	shalt  }
0x5f: {  	_ =	shalt  }
0x60: {  	_ =	shalt  }
0x61: {  	_ =	shalt  }
0x62: {  	_ =	shalt  }
0x63: {  	_ =	shalt  }
0x64: {  	_ =	shalt  }
0x65: {  	_ =	shalt  }
0x66: {  	_ =	shalt  }
0x67: {  	_ =	shalt  }
0x68: {  	_ =	shalt  }
0x69: {  	_ =	shalt  }
0x6a: {  	_ =	shalt  }
0x6b: {  	_ =	shalt  }
0x6c: {  	_ =	shalt  }
0x6d: {  	_ =	shalt  }
0x6e: {  	_ =	shalt  }
0x6f: {  	_ =	shalt  }
0x70: {  	_ =	shalt  }
0x71: {  	_ =	shalt  }
0x72: {  	_ =	shalt  }
0x73: {  	_ =	shalt  }
0x74: {  	_ =	shalt  }
0x75: {  	_ =	shalt  }
0x76: {  	_ =	shalt  }
0x77: {  	_ =	shalt  }
0x78: {  	_ =	shalt  }
0x79: {  	_ =	shalt  }
0x7a: {  	_ =	shalt  }
0x7b: {  	_ =	shalt  }
0x7c: {  	_ =	shalt  }
0x7d: {  	_ =	shalt  }
0x7e: {  	_ =	shalt  }
0x7f: {  	_ =	shalt  }
0x80: {  	_ =	shalt  }
0x81: {  	_ =	shalt  }
0x82: {  	_ =	shalt  }
0x83: {  	_ =	shalt  }
0x84: {  	_ =	shalt  }
0x85: {  	_ =	shalt  }
0x86: {  	_ =	shalt  }
0x87: {  	_ =	shalt  }
.Lfunc_end0:
.L_simem_size_0:
called_computation_lowered:
.L_overlay_start_0:
0x88: {  	s2 =	sld [smem:$0x3FD9]  }
0x89: {  	s3 =	sld [smem:$0x3FFE];
	_ =	sdelay $0x1  }
0x8a: {  	s1 =	srdreg.scid  }
0x8b: {  	s0 =	sand.u32 $0x1, s1  }
0x8c: {  	s17 =	sshll.u32 s0, $0xA;
	s2 =	sadd.s32 s3, s2  }
0x8d: {  	s2 =	sadd.s32 s2, s17  }
0x8e: {  	[smem:$0x3FC6] =	sst s2  }
0x8f: {  	_ = 	snop  }
0x90: {  	s2 =	sld [smem:$0x3FC9]  }
0x91: {  	s18 =	sld [smem:$0x3FC8];
	(tm) =	ssettm $0x1  }
0x92: {  	s4 =	sld [smem:$0x3FFB];
	_ =	sdelay $0x3  }
0x93: {  	_ =	strace s4  }
0x94: {  	s4 =	sld [smem:$0x3FFC];
	_ =	sdelay $0x3  }
0x95: {  	_ =	strace s4  }
0x96: {  	s4 =	sld [smem:$0x3FFD];
	_ =	sdelay $0x3  }
0x97: {  	_ =	strace s4  }
0x98: {  	_ =	strace $0x8FFFFFFF  }
0x99: {  	s19 =	sld [smem:$0x3FDB];
	_ =	sdelay $0x1  }
0x9a: {  	s5 =	simm.s32 $_scs_section_size  }
0x9b: {  	s6 =	simm.s32 $_size__tile_overlayer_lowered;
	s7 =	simm.s32 $_tile_overlayer_lowered  }
0x9c: {  	s22 =	simm.s32 $0x1BFF;
	s21 =	sshll.u32 s7, $0x1;
	s4 =	sadd.s32 s5, s19  }
0x9d: {  	s8 =	simm.s32 $0x0;
	s20 =	sshll.u32 s6, $0x1;
	s6 =	sadd.s32 s21, s4  }
0x9e: {  	[timem:s8], [sflag:s22] =	dma.local [hbm:s6], s20  }
0x9f: {  	_ =	swait.ge [sflag:s22], s20  }
0xa0: {  	s5 =	ssub.s32 $0x0, s20;
	[sflag:s22] =	ssyncset.done $0x0  }
0xa1: {  	[sflag:s22] =	ssyncadd.s32 s5;
	_ =	sdelay $0x1  }
0xa2: {  	s23 =	simm.s32 $0x1B8B  }
0xa3: {  	_ =	swait.ge [sflag:s23], $0x1  }
0xa4: {  	[sflag:s23] =	ssyncset.done $0x0  }
0xa5: {  	s25 =	simm.s32 $0x1B8E;
	s24 =	sld [smem:$0x3FFE];
	[sflag:s23] =	ssyncadd.s32 $0xFFFFFFFF  }
0xa6: {  	s26 =	simm.s32 $execute0_lowered;
	[smem:$0x3FD2] =	sst s25  }
0xa7: {  	s6 =	sshll.u32 s26, $0x1;
	_ =	strace $0x80000046;
	[dreg:$0x1] =	wrdreg $0xFFFFFFFF  }
0xa8: {  	s28 =	simm.s32 $_size_execute0_lowered;
	s4 =	sadd.s32 s4, s6;
	[dreg:$0x0] =	wrdreg $0x0  }
0xa9: {  	s6 =	sshll.u32 s28, $0x1;
	[dreg:$0x2] =	wrdreg s4  }
0xaa: {  	[dreg:$0x3] =	wrdreg s6  }
0xab: {  	[dreg:$0x4] =	wrdreg $0xC0  }
0xac: {  	_ =	task [dreg:s8], $0x5FFFF  }
0xad: {  	[dreg:$0x1] =	wrdreg $0xFFFFFFFF  }
0xae: {  	[dreg:$0x0] =	wrdreg $0x60  }
0xaf: {  	[dreg:$0x2] =	wrdreg s2  }
0xb0: {  	[dreg:$0x3] =	wrdreg s18  }
0xb1: {  	[dreg:$0x4] =	wrdreg s24  }
0xb2: {  	[dreg:$0x5] =	wrdreg $0x9  }
0xb3: {  	_ =	task.clear_ibuf [dreg:s8], $0x6FFFF;
	_ =	strace $0x90000046  }
0xb4: {  	s29 =	simm.s32 $0x9;
	_ =	strace $0x80000048  }
0xb5: {  	_ =	swait.ge [sflag:s29], $0x1  }
0xb6: {  	[sflag:s29] =	ssyncadd.s32 $0xFFFFFFFF  }
0xb7: {  	_ =	strace $0x90000048  }
0xb8: {  	_ =	sfence  }
0xb9: {  	s30 =	sld [smem:$0x0];
	_ =	sdelay $0x2  }
0xba: {  	s31 =	sshll.u32 s1, $0xD;
	s1 =	sshrl.u32 s1, $0x2  }
0xbb: {  	s3 =	sand.u32 $0x4000, s31;
	s1 =	sadd.s32 s1, s30  }
0xbc: {  	s0 =	sor.u32 s3, s0;
	s1 =	sshll.u32 s1, $0x11  }
0xbd: {  	s0 =	sor.u32 s1, s0  }
0xbe: {  	s0 =	sadd.s32 $0x8F2B, s0  }
0xbf: {  	[sflag:s0] =	ssyncadd.remote.s32 $0x1  }
0xc0: {  	_ =	sfence.sel $0xFFFF  }
0xc1: {  	[dreg:$0x0] =	wrdreg $0xFFFFFFFF;
	(pc) =	sbr.abs _section_cstart, $3  }
0xc2: {  	[dreg:$0x1] =	wrdreg $0xFFFFFFFF  }
0xc3: {  	_ =	task.clear_ibuf [dreg:s8], $0x2FFFF;
	_ =	strace $0x9FFFFFFF  }
0xc4: {  	(tm) =	ssettm $0x7FFFFFFF  }
0xc5: {  	_ =	shalt  }
tec
execute0_lowered:
.L_overlay_start_1:
0x0: {  	(tag) =	ssettag $0x1  }
0x1: {  	s1 =	rddreg [dreg:$0x0];
	s0 =	srdreg.scid  }
0x2: {  	s9 =	stileid.u32;
	s3 =	rddreg [dreg:$0x2]  }
0x3: {  	s4 =	simm.s32 $0x0;
	s28 =	simm.s32 $0x3;
	s29 =	simm.s32 $0x4  }
0x4: {  	s30 =	simm.s32 $0x5;
	s0 =	sand.u32 $0x1, s0;
	s2 =	sshll.u32 s9, $0x1  }
0x5: {  	[smem:$0x7FF] =	sst s4;
	s25 =	smul.u32 $0x8CA, s9;
	s2 =	sor.u32 s0, s2  }
0x6: {  	_ =	strace $0x80000047;
	s20 =	ssub.s32 $0x2, s0;
	s0 =	smul.u32 $0x465, s0  }
0x7: {  	s5 =	smul.u32 $0x465, s2;
	s6 =	sshll.u32 s2, $0x4;
	s7 =	sshrl.u32 s20, $0x1  }
0x8: {  	s2 =	smul.u32 $0x23280, s2;
	s3 =	sadd.s32 s6, s3;
	s6 =	ssub.s32 s20, s7  }
0x9: {  	s0 =	sadd.s32 s0, s25;
	s25 =	simm.s32 $0x1;
	s8 =	sshll.u32 s5, $0x4  }
0xa: {  	s2 =	sshrl.u32 s2, $0x3;
	s10 =	sadd.s32 $0xFB77, s5;
	s11 =	sadd.s32 $0xFBC2, s5  }
0xb: {  	s12 =	sadd.s32 $0xFC0D, s5;
	s26 =	sadd.s32 $0x1000, s3;
	[dreg:$0xc] =	wrdreg s0  }
0xc: {  	s13 =	sadd.s32 $0xFC58, s5;
	s3 =	sadd.s32 $0x1200, s3;
	[dreg:$0x9] =	wrdreg s26  }
0xd: {  	s31 =	smax.u32 s6, $0x1;
	s21 =	sadd.s32 s1, s8;
	[dreg:$0xa] =	wrdreg s3  }
0xe: {  	s2 =	sadd.s32 s1, s2;
	[dreg:$0xb] =	wrdreg s31;
	s7 =	sadd.s32 $0xFA000, s21  }
.Ltmp0:
0xf: {  	s22 =	sadd.s32 $0xFA4B0, s2;
	[dreg:$0x4] =	wrdreg s7;
	(pc) =	sbr.rel .LBB2_1-.Ltmp0, $4  }
0x10: {  	s14 =	sadd.s32 $0xFCA3, s5;
	s23 =	sadd.s32 $0xFA960, s2;
	[dreg:$0x5] =	wrdreg s22  }
0x11: {  	s3 =	simm.s32 $0x6;
	s24 =	sadd.s32 $0xFAE10, s2;
	[dreg:$0x6] =	wrdreg s23  }
0x12: {  	s26 =	simm.s32 $0x2;
	s2 =	sadd.s32 $0xFB2C0, s2;
	[dreg:$0x7] =	wrdreg s24  }
0x13: {  	[dreg:$0x8] =	wrdreg s2;
	s24 =	simm.s32 $0x9600;
	s2 =	simm.s32 $0x0  }
.LBB2_14:
0x14: {  	v0 =	vmov s3  }
0x15: {  	v63 =	vmov s19;
	[tilespmem:$0xBC00] =	vst v0  }
0x16: {  	s0 =	rddreg [dreg:$0x9];
	s2 =	simm.s32 $0xBC00;
	s3 =	simm.s32 $0x6;
	[tilespmem:$0xBC80] =	vst v63  }
0x17: {  	[hbm4b:s0+s4] =	stream.linear.scatter [tilespmem:s2], [sflag:$0x6], $0x80, $0x38;
	[tilespmem:$0xBD00] =	vst v63  }
0x18: {  	_ =	swait.ge [sflag:s3], $0x80  }
0x19: {  	[sflag:s3] =	ssyncset.done $0x0  }
0x1a: {  	s22 =	simm.s32 $0xBC80;
	s21 =	rddreg [dreg:$0xa];
	[sflag:s3] =	ssyncadd.s32 $0xFFFFFF80  }
0x1b: {  	[hbm4b:s21+s4] =	stream.linear.scatter [tilespmem:s22], [sflag:$0x6], $0x80, $0x38;
	[tilespmem:$0xBD00] =	vst v63  }
0x1c: {  	_ =	swait.ge [sflag:s3], $0x80  }
0x1d: {  	s23 =	rddreg [dreg:$0xd]  }
0x1e: {  	s31 =	rddreg [dreg:$0xb];
	s2 =	sadd.s32 $0x1, s23  }
0x1f: {  	p0 =	sne.s32 s2, s31  }
.Ltmp1:
0x20: {  	_ = 	snop;
	(pc) =	sbr.rel @!p0 .LBB2_15-.Ltmp1, $3  }
0x21: {  	_ =	sdelay $0x1  }
0x22: {  	[sflag:s3] =	ssyncset.done $0x0  }
0x23: {  	[sflag:s3] =	ssyncadd.s32 $0xFFFFFF80  }
.LBB2_1:
0x24: {  	[dreg:$0xd] =	wrdreg s2  }
0x25: {  	s0 =	rddreg [dreg:$0x1];
	s16 =	simm.s32 $0xBB80  }
0x26: {  	[tilespmem:s16], [sflag:$0x6] =	stream.linear.gather [hbm4b:s0+s4], $0x80, $0x38;
	[tilespmem:$0xBD00] =	vst v63  }
0x27: {  	_ =	swait.ge [sflag:s3], $0x80  }
0x28: {  	[sflag:s3] =	ssyncset.done $0x0  }
0x29: {  	[sflag:s3] =	ssyncadd.s32 $0xFFFFFF80  }
0x2a: {  	v0 =	vld [tilespmem:$0xBB80]  }
0x2b: {  	v1 =	vld [tilespmem:$0xBB90]  }
0x2c: {  	v2 =	vld [tilespmem:$0xBBA0]  }
0x2d: {  	v3 =	vld [tilespmem:$0xBBB0]  }
0x2e: {  	v4 =	vld [tilespmem:$0xBBC0]  }
0x2f: {  	s17 =	rddreg [dreg:$0x4];
	v5 =	vld [tilespmem:$0xBBD0]  }
0x30: {  	s18 =	rddreg [dreg:$0x5];
	v6 =	vld [tilespmem:$0xBBE0]  }
0x31: {  	v7 =	vld [tilespmem:$0xBBF0];
	[tilespmem:s4], [sflag:$0x1] =	stream.linear.gather [hbm4b:s17+s4], $0x2580, $0x38  }
0x32: {  	s19 =	simm.s32 $0x2580;
	s20 =	rddreg [dreg:$0x6]  }
0x33: {  	[tilespmem:s19], [sflag:$0x2] =	stream.linear.gather [hbm4b:s18+s4], $0x2580, $0x38;
	[tilespmem:$0xBD00] =	vst v63  }
0x34: {  	s21 =	simm.s32 $0x4B00;
	s22 =	rddreg [dreg:$0x7]  }
0x35: {  	[tilespmem:s21], [sflag:$0x3] =	stream.linear.gather [hbm4b:s20+s4], $0x2580, $0x38;
	[tilespmem:$0xBD00] =	vst v63  }
0x36: {  	s23 =	simm.s32 $0x7080;
	s31 =	rddreg [dreg:$0x8];
	s3 =	simm.f32 $+Inf  }
0x37: {  	[tilespmem:s23], [sflag:$0x4] =	stream.linear.gather [hbm4b:s22+s4], $0x2580, $0x38;
	[tilespmem:$0xBD00] =	vst v63  }
0x38: {  	s18 =	rddreg [dreg:$0xc];
	s19 =	simm.s32 $0x0;
	s22 =	simm.s32 $0x0  }
0x39: {  	[tilespmem:s24], [sflag:$0x5] =	stream.linear.gather [hbm4b:s31+s4], $0x2580, $0x38;
	[tilespmem:$0xBD00] =	vst v63  }
.LBB2_2:
0x3a: {  	_ =	swait.ge [sflag:s25], $0x2580  }
0x3b: {  	[sflag:s25] =	ssyncset.done $0x0  }
0x3c: {  	s0 =	simm.s32 $0x140;
	[sflag:s25] =	ssyncadd.s32 $0xFFFFDA80  }
0x3d: {  	v8 =	vld [tilespmem:s0+$0xB0]  }
0x3e: {  	v9 =	vld [tilespmem:s0+$0xA0]  }
0x3f: {  	v10 =	vld [tilespmem:s0+$0x90]  }
0x40: {  	v11 =	vld [tilespmem:s0+$0x80]  }
0x41: {  	v12 =	vld [tilespmem:s0+$0x30]  }
0x42: {  	v13 =	vld [tilespmem:s0+$0x20]  }
0x43: {  	v14 =	vld [tilespmem:s0+$0x10]  }
0x44: {  	v15 =	vld [tilespmem:s0+$0x0]  }
0x45: {  	v16 =	vld [tilespmem:s0+$0xFFFFFFF0]  }
0x46: {  	v17 =	vld [tilespmem:s0+$0xFFFFFFB0]  }
0x47: {  	v18 =	vld [tilespmem:s0+$0xFFFFFFA0]  }
0x48: {  	v19 =	vld [tilespmem:s0+$0xFFFFFF90]  }
0x49: {  	v20 =	vld [tilespmem:s0+$0xFFFFFF80]  }
0x4a: {  	v22 =	vld [tilespmem:s0+$0xFFFFFEC0]  }
0x4b: {  	v23 =	vld [tilespmem:s0+$0xFFFFFF30];
	v8 =	vsub.f32 v8, v7  }
0x4c: {  	v24 =	vld [tilespmem:s0+$0xFFFFFF20];
	v10 =	vsub.f32 v10, v5;
	v11 =	vsub.f32 v11, v4  }
0x4d: {  	v25 =	vld [tilespmem:s0+$0xFFFFFF10];
	v9 =	vsub.f32 v9, v6;
	v12 =	vsub.f32 v12, v7  }
0x4e: {  	v26 =	vld [tilespmem:s0+$0xFFFFFF00];
	v13 =	vsub.f32 v13, v6;
	v14 =	vsub.f32 v14, v5  }
0x4f: {  	v28 =	vld [tilespmem:s0+$0xFFFFFF40];
	v15 =	vsub.f32 v15, v4;
	v16 =	vsub.f32 v16, v3  }
0x50: {  	v29 =	vld [tilespmem:s0+$0x50];
	v17 =	vsub.f32 v17, v7;
	v18 =	vsub.f32 v18, v6  }
0x51: {  	v19 =	vsub.f32 v19, v5;
	v20 =	vsub.f32 v20, v4  }
0x52: {  	v22 =	vsub.f32 v22, v0;
	v23 =	vsub.f32 v23, v7  }
0x53: {  	v21 =	vld [tilespmem:s0+$0xFFFFFF70];
	v24 =	vsub.f32 v24, v6;
	v25 =	vsub.f32 v25, v5  }
0x54: {  	v26 =	vsub.f32 v26, v4;
	v28 =	vsub.f32 v28, v0  }
0x55: {  	v29 =	vsub.f32 v29, v1;
	v10 =	vand.u32 $0x7FFFFFFF, v10;
	v11 =	vand.u32 $0x7FFFFFFF, v11  }
0x56: {  	v12 =	vand.u32 $0x7FFFFFFF, v12;
	v13 =	vand.u32 $0x7FFFFFFF, v13;
	v14 =	vand.u32 $0x7FFFFFFF, v14  }
0x57: {  	v27 =	vld [tilespmem:s0+$0xFFFFFEF0];
	v15 =	vand.u32 $0x7FFFFFFF, v15;
	v17 =	vand.u32 $0x7FFFFFFF, v17;
	v18 =	vand.u32 $0x7FFFFFFF, v18  }
0x58: {  	v20 =	vand.u32 $0x7FFFFFFF, v20;
	v12 =	vadd.f32 v12, v13;
	v13 =	vsub.f32 v21, v3;
	v21 =	vld [tilespmem:s0+$0xFFFFFEE0]  }
0x59: {  	v19 =	vand.u32 $0x7FFFFFFF, v19;
	v16 =	vand.u32 $0x7FFFFFFF, v16;
	v17 =	vadd.f32 v17, v18;
	v18 =	vld [tilespmem:s0+$0xFFFFFED0]  }
0x5a: {  	v23 =	vand.u32 $0x7FFFFFFF, v23;
	v9 =	vand.u32 $0x7FFFFFFF, v9;
	v14 =	vadd.f32 v14, v15;
	v15 =	vld [tilespmem:s0+$0xFFFFFF60]  }
0x5b: {  	v8 =	vand.u32 $0x7FFFFFFF, v8;
	v19 =	vadd.f32 v19, v20;
	v20 =	vld [tilespmem:s0+$0xFFFFFF50];
	v10 =	vadd.f32 v10, v11  }
0x5c: {  	v24 =	vand.u32 $0x7FFFFFFF, v24;
	v11 =	vsub.f32 v27, v3;
	v27 =	vld [tilespmem:s0+$0xFFFFFFE0];
	v8 =	vadd.f32 v8, v9  }
0x5d: {  	v25 =	vand.u32 $0x7FFFFFFF, v25;
	v23 =	vadd.f32 v23, v24;
	v9 =	vld [tilespmem:s0+$0x110];
	v17 =	vadd.f32 v17, v19  }
0x5e: {  	v19 =	vand.u32 $0x7FFFFFFF, v26;
	v26 =	vld [tilespmem:s0+$0xFFFFFFD0];
	v12 =	vadd.f32 v12, v14;
	v8 =	vadd.f32 v8, v10  }
0x5f: {  	v22 =	vand.u32 $0x7FFFFFFF, v22;
	v24 =	vld [tilespmem:s0+$0xFFFFFFC0];
	v19 =	vadd.f32 v25, v19;
	v21 =	vsub.f32 v21, v2  }
0x60: {  	v11 =	vand.u32 $0x7FFFFFFF, v11;
	v25 =	vld [tilespmem:s0+$0x60];
	v20 =	vsub.f32 v20, v1;
	v15 =	vsub.f32 v15, v2  }
0x61: {  	v30 =	vld [tilespmem:s0+$0x40];
	v13 =	vand.u32 $0x7FFFFFFF, v13;
	v18 =	vsub.f32 v18, v1;
	v27 =	vsub.f32 v27, v2  }
0x62: {  	v31 =	vld [tilespmem:s0+$0x100];
	v19 =	vadd.f32 v23, v19;
	v23 =	vand.u32 $0x7FFFFFFF, v28;
	v9 =	vsub.f32 v9, v5  }
0x63: {  	s5 =	simm.s32 $0x3C0;
	v28 =	vld [tilespmem:s0+$0x70];
	v21 =	vand.u32 $0x7FFFFFFF, v21;
	v20 =	vand.u32 $0x7FFFFFFF, v20;
	v26 =	vsub.f32 v26, v1  }
0x64: {  	v10 =	vld [tilespmem:s5+$0xB0];
	v27 =	vand.u32 $0x7FFFFFFF, v27;
	v11 =	vadd.f32 v11, v21;
	v20 =	vadd.f32 v20, v23  }
0x65: {  	v18 =	vand.u32 $0x7FFFFFFF, v18;
	v21 =	vld [tilespmem:s0+$0x120];
	v23 =	vsub.f32 v24, v0;
	v25 =	vsub.f32 v25, v2  }
0x66: {  	v15 =	vand.u32 $0x7FFFFFFF, v15;
	v24 =	vld [tilespmem:s0+$0x130];
	v16 =	vadd.f32 v16, v27;
	v14 =	vadd.f32 v18, v22  }
0x67: {  	v27 =	vsub.f32 v30, v0;
	v13 =	vadd.f32 v13, v15;
	v15 =	vld [tilespmem:s0+$0xE0]  }
0x68: {  	v30 =	vld [tilespmem:s0+$0xF0];
	v26 =	vand.u32 $0x7FFFFFFF, v26;
	v28 =	vsub.f32 v28, v3;
	v11 =	vadd.f32 v11, v14  }
0x69: {  	v18 =	vld [tilespmem:s0+$0xD0];
	v23 =	vand.u32 $0x7FFFFFFF, v23;
	v22 =	vand.u32 $0x7FFFFFFF, v25;
	v13 =	vadd.f32 v13, v20  }
0x6a: {  	v25 =	vld [tilespmem:s0+$0xC0];
	v20 =	vand.u32 $0x7FFFFFFF, v29;
	v14 =	vadd.f32 v26, v23;
	v11 =	vadd.f32 v19, v11  }
0x6b: {  	v29 =	vld [tilespmem:s5+$0x20];
	v28 =	vand.u32 $0x7FFFFFFF, v28;
	v13 =	vadd.f32 v17, v13;
	v21 =	vsub.f32 v21, v6  }
0x6c: {  	v26 =	vld [tilespmem:s5+$0xA0];
	v24 =	vsub.f32 v24, v7;
	v22 =	vadd.f32 v28, v22  }
0x6d: {  	v23 =	vand.u32 $0x7FFFFFFF, v27;
	v15 =	vsub.f32 v15, v2;
	v27 =	vsub.f32 v30, v3;
	v28 =	vld [tilespmem:s5+$0x80]  }
0x6e: {  	v30 =	vsub.f32 v10, v7;
	v10 =	vadd.f32 v20, v23;
	v20 =	vld [tilespmem:s5+$0x10]  }
0x6f: {  	v18 =	vsub.f32 v18, v1;
	v14 =	vadd.f32 v16, v14;
	(xrf2) =	vadd.scan.msk.f32 $0xffff, v11;
	v11 =	vld [tilespmem:s5+$0x30]  }
0x70: {  	v19 =	vand.u32 $0x7FFFFFFF, v21;
	v21 =	vld [tilespmem:s5+$0x90];
	v25 =	vsub.f32 v25, v0;
	v24 =	vand.u32 $0x7FFFFFFF, v24  }
0x71: {  	v10 =	vadd.f32 v22, v10;
	v17 =	vand.u32 $0x7FFFFFFF, v27;
	v27 =	vld [tilespmem:s5+$0xFFFFFFA0];
	v12 =	vadd.f32 v12, v14  }
0x72: {  	v9 =	vand.u32 $0x7FFFFFFF, v9;
	(xrf2) =	vadd.scan.msk.f32 $0xffff, v13;
	v13 =	vld [tilespmem:s5+$0xFFFFFF80];
	v19 =	vadd.f32 v24, v19;
	v24 =	vsub.f32 v31, v4  }
0x73: {  	v14 =	vld [tilespmem:s5+$0xFFFFFF70];
	v23 =	vsub.f32 v26, v6;
	v22 =	vand.u32 $0x7FFFFFFF, v25;
	v8 =	vadd.f32 v8, v10  }
0x74: {  	v25 =	vld [tilespmem:s5+$0xFFFFFFB0];
	v16 =	vand.u32 $0x7FFFFFFF, v24;
	v26 =	vsub.f32 v28, v4;
	v28 =	vsub.f32 v29, v6  }
0x75: {  	v24 =	vld [tilespmem:s5+$0x0];
	v20 =	vsub.f32 v20, v5;
	v9 =	vadd.f32 v9, v16  }
0x76: {  	v29 =	vld [tilespmem:s5+$0xFFFFFFE0];
	v16 =	vand.u32 $0x7FFFFFFF, v18;
	v11 =	vsub.f32 v11, v7;
	v21 =	vsub.f32 v21, v5  }
0x77: {  	v18 =	vld [tilespmem:s5+$0xFFFFFFF0];
	v16 =	vadd.f32 v16, v22;
	v22 =	vsub.f32 v27, v6  }
0x78: {  	v13 =	vsub.f32 v13, v4;
	v14 =	vsub.f32 v14, v3  }
0x79: {  	v19 =	vadd.f32 v19, v9;
	v9 =	vand.u32 $0x7FFFFFFF, v15;
	v11 =	vand.u32 $0x7FFFFFFF, v11  }
0x7a: {  	v15 =	vld [tilespmem:s5+$0xFFFFFF90];
	v10 =	vand.u32 $0x7FFFFFFF, v21;
	v9 =	vadd.f32 v17, v9;
	v25 =	vsub.f32 v25, v7  }
0x7b: {  	v17 =	vand.u32 $0x7FFFFFFF, v28;
	v28 =	vld [tilespmem:s5+$0xFFFFFEC0];
	v21 =	vsub.f32 v24, v4;
	v29 =	vsub.f32 v29, v2  }
0x7c: {  	v18 =	vsub.f32 v18, v3;
	v24, _, _ =	vpop (xrf2);
	(xrf2) =	vadd.scan.msk.f32 $0xffff, v12;
	v12 =	vand.u32 $0x7FFFFFFF, v20;
	v20 =	vld [tilespmem:s5+$0xFFFFFF30];
	v16 =	vadd.f32 v9, v16  }
0x7d: {  	v27 =	vld [tilespmem:s5+$0xFFFFFF10];
	v25 =	vand.u32 $0x7FFFFFFF, v25;
	v9 =	vadd.f32 v11, v17;
	v11 =	vand.u32 $0x7FFFFFFF, v22  }
0x7e: {  	(v2sf) =	vpush v24, $0xF;
	v24 =	vld [tilespmem:s5+$0xFFFFFF20];
	v22 =	vadd.f32 v25, v11  }
0x7f: {  	v21 =	vand.u32 $0x7FFFFFFF, v21;
	(xrf2) =	vadd.scan.msk.f32 $0xffff, v8;
	v8 =	vld [tilespmem:s5+$0xFFFFFF00];
	v15 =	vsub.f32 v15, v5;
	v16 =	vadd.f32 v19, v16  }
0x80: {  	v13 =	vand.u32 $0x7FFFFFFF, v13;
	v19 =	vld [tilespmem:s5+$0xFFFFFEF0];
	v12 =	vadd.f32 v12, v21;
	v17 =	vsub.f32 v28, v0  }
0x81: {  	v25 =	vld [tilespmem:s5+$0xFFFFFEE0];
	v11 =	vand.u32 $0x7FFFFFFF, v15;
	v15 =	vand.u32 $0x7FFFFFFF, v26;
	v20 =	vsub.f32 v20, v7  }
0x82: {  	v28 =	vld [tilespmem:s5+$0xFFFFFF40];
	(xrf2) =	vadd.scan.msk.f32 $0xffff, v16;
	v21, _, _ =	vpop (xrf2);
	v13 =	vadd.f32 v11, v13;
	v11 =	vand.u32 $0x7FFFFFFF, v18;
	v18 =	vsub.f32 v27, v5  }
0x83: {  	(v2sf) =	vpush v21, $0xF;
	v27 =	vld [tilespmem:s5+$0xFFFFFF50];
	v10 =	vadd.f32 v10, v15  }
0x84: {  	v16 =	vsub.f32 v24, v6;
	v24 =	vld [tilespmem:s5+$0xFFFFFF60];
	v21 =	vsub.f32 v8, v4  }
0x85: {  	v26 =	vld [tilespmem:s5+$0xFFFFFED0];
	v19 =	vsub.f32 v19, v3;
	v8 =	vadd.f32 v22, v13  }
0x86: {  	v18 =	vand.u32 $0x7FFFFFFF, v18;
	v15 =	vand.u32 $0x7FFFFFFF, v16;
	v16 =	vand.u32 $0x7FFFFFFF, v21;
	v13, _, _ =	vpop (xrf2)  }
0x87: {  	v20 =	vand.u32 $0x7FFFFFFF, v20;
	v18 =	vadd.f32 v18, v16;
	(v2sf) =	vpush v13, $0xF  }
0x88: {  	v31 =	vld [tilespmem:s5+$0xFFFFFFC0];
	v15 =	vadd.f32 v20, v15;
	v16 =	vand.u32 $0x7FFFFFFF, v17;
	v17 =	vsub.f32 v25, v2  }
0x89: {  	v20 =	vld [tilespmem:s5+$0xFFFFFFD0];
	v25 =	vsub.f32 v27, v1;
	v13 =	vand.u32 $0x7FFFFFFF, v23;
	v21 =	vsub.f32 v24, v2  }
0x8a: {  	v23 =	vand.u32 $0x7FFFFFFF, v19;
	v22, _, _ =	vpop (xrf2);
	v19 =	vsub.f32 v26, v1;
	v24 =	vld [tilespmem:s5+$0x60];
	v26 =	vsub.f32 v28, v0  }
0x8b: {  	v27 =	vand.u32 $0x7FFFFFFF, v17;
	v17 =	vld [tilespmem:s5+$0x50];
	v15 =	vadd.f32 v15, v18;
	(v2sf) =	vpush v22, $0xF  }
0x8c: {  	v28 =	vand.u32 $0x7FFFFFFF, v25;
	v22 =	vand.u32 $0x7FFFFFFF, v14;
	v25 =	vld [tilespmem:s5+$0x40];
	v18 =	vadd.f32 v23, v27;
	v14, _, _ =	vpop (xrf2)  }
0x8d: {  	v27 =	vand.u32 $0x7FFFFFFF, v30;
	v32 =	vand.u32 $0x7FFFFFFF, v26;
	v26 =	vld [tilespmem:s5+$0x70];
	(v2sf) =	vpush v14, $0xF  }
0x8e: {  	s23 =	smul.u32 $0x177, s22;
	s2 =	simm.s32 $0x0;
	v23 =	vld [tilespmem:s5+$0x130];
	v13 =	vadd.f32 v27, v13;
	s7 =	spop (v2sf)  }
0x8f: {  	s31 =	simm.s32 $0x5;
	s6 =	simm.s32 $0xA;
	v29 =	vand.u32 $0x7FFFFFFF, v29;
	v27 =	vld [tilespmem:s5+$0x120];
	v14 =	vadd.f32 v28, v32;
	v28 =	vsub.f32 v31, v0;
	p1 =	slt.f32 s7, s3  }
.LBB2_3:
0x90: {  	p0 =	sne.s32 s6, $0x46;
	v21 =	vand.u32 $0x7FFFFFFF, v21;
	v20 =	vsub.f32 v20, v1;
	v24 =	vsub.f32 v24, v2;
	v30 =	vld [tilespmem:s5+$0x110];
	s0 =	smov.u32 s6;
	s6 =	sadd.s32 $0x5, s6  }
0x91: {  	v11 =	vadd.f32 v11, v29;
	v28 =	vand.u32 $0x7FFFFFFF, v28;
	v25 =	vsub.f32 v25, v0;
	v29 =	vld [tilespmem:s5+$0x100]  }
0x92: {  	v19 =	vand.u32 $0x7FFFFFFF, v19;
	v24 =	vand.u32 $0x7FFFFFFF, v24;
	v26 =	vsub.f32 v26, v3;
	v31 =	vld [tilespmem:s5+$0xF0]  }
0x93: {  	v9 =	vadd.f32 v9, v12;
	s3 =	smov.u32 @p1 s7;
	v21 =	vadd.f32 v22, v21;
	v12 =	vand.u32 $0x7FFFFFFF, v25;
	v22 =	vld [tilespmem:s5+$0xE0];
	s7 =	spop (v2sf)  }
0x94: {  	v16 =	vadd.f32 v19, v16;
	v19 =	vand.u32 $0x7FFFFFFF, v26;
	v25 =	vld [tilespmem:s5+$0xD0];
	v26 =	vsub.f32 v27, v6;
	p2 =	slt.f32 s7, s3  }
0x95: {  	v23 =	vsub.f32 v23, v7;
	v27 =	vld [tilespmem:s5+$0xC0];
	v30 =	vsub.f32 v30, v5  }
0x96: {  	v17 =	vsub.f32 v17, v1;
	v20 =	vand.u32 $0x7FFFFFFF, v20;
	v19 =	vadd.f32 v19, v24;
	s3 =	smov.u32 @p2 s7;
	s7 =	spop (v2sf)  }
0x97: {  	v10 =	vadd.f32 v13, v10;
	v16 =	vadd.f32 v18, v16;
	s5 =	sadd.s32 $0x280, s5;
	v18 =	vand.u32 $0x7FFFFFFF, v30;
	p3 =	slt.f32 s7, s3  }
0x98: {  	v20 =	vadd.f32 v20, v28;
	v24 =	vand.u32 $0x7FFFFFFF, v26;
	v13 =	vld [tilespmem:s5+$0xB0];
	v22 =	vsub.f32 v22, v2  }
0x99: {  	v15 =	vadd.f32 v15, v16;
	v16 =	vand.u32 $0x7FFFFFFF, v17;
	v26 =	vld [tilespmem:s5+$0xA0];
	v17 =	vsub.f32 v25, v1  }
0x9a: {  	s8 =	sadd.s32 s2, s18;
	v23 =	vand.u32 $0x7FFFFFFF, v23;
	v28 =	vsub.f32 v31, v3;
	s3 =	smov.u32 @p3 s7;
	v25 =	vld [tilespmem:s5+$0x90];
	v27 =	vsub.f32 v27, v0;
	s7 =	spop (v2sf)  }
0x9b: {  	s2 =	smov.u32 s31;
	s9 =	sadd.s32 $0xFA00, s8;
	v14 =	vadd.f32 v21, v14;
	v21 =	vadd.f32 v23, v24;
	v30 =	vld [tilespmem:s5+$0x80];
	v17 =	vand.u32 $0x7FFFFFFF, v17;
	(xrf2) =	vadd.scan.msk.f32 $0xffff, v15;
	p4 =	slt.f32 s7, s3  }
0x9c: {  	s19 =	smov.u32 @p1 s9;
	s9 =	sadd.s32 $0xFA01, s8;
	v24 =	vand.u32 $0x7FFFFFFF, v28;
	v15 =	vld [tilespmem:s5+$0x30];
	v23 =	vand.u32 $0x7FFFFFFF, v27;
	v27 =	vsub.f32 v29, v4;
	s15 =	spop (v2sf)  }
0x9d: {  	v12 =	vadd.f32 v16, v12;
	s19 =	smov.u32 @p2 s9;
	s9 =	sadd.s32 $0xFA02, s8;
	v16 =	vand.u32 $0x7FFFFFFF, v22;
	v28 =	vld [tilespmem:s5+$0x20];
	v13 =	vsub.f32 v13, v7;
	s3 =	smov.u32 @p4 s7  }
0x9e: {  	v11 =	vadd.f32 v11, v20;
	s19 =	smov.u32 @p3 s9;
	s7 =	sadd.s32 $0xFA03, s8;
	v22 =	vld [tilespmem:s5+$0x10];
	v26 =	vsub.f32 v26, v6;
	v20 =	vand.u32 $0x7FFFFFFF, v27;
	p1 =	slt.f32 s15, s3  }
0x9f: {  	s31 =	smov.u32 s0;
	s19 =	smov.u32 @p4 s7;
	s7 =	sadd.s32 $0xFA04, s8;
	v27 =	vld [tilespmem:s5+$0x0];
	v25 =	vsub.f32 v25, v5;
	v18 =	vadd.f32 v18, v20  }
0xa0: {  	v12 =	vadd.f32 v19, v12;
	v20 =	vld [tilespmem:s5+$0xFFFFFFF0];
	v29 =	vsub.f32 v30, v4;
	s3 =	smov.u32 @p1 s15;
	s19 =	smov.u32 @p1 s7  }
0xa1: {  	v8 =	vadd.f32 v8, v14;
	v19 =	vld [tilespmem:s5+$0xFFFFFFB0];
	v15 =	vsub.f32 v15, v7;
	v25 =	vand.u32 $0x7FFFFFFF, v25  }
0xa2: {  	v18 =	vadd.f32 v21, v18;
	v14 =	vld [tilespmem:s5+$0xFFFFFFA0];
	v28 =	vsub.f32 v28, v6;
	v29 =	vand.u32 $0x7FFFFFFF, v29  }
0xa3: {  	v10 =	vadd.f32 v10, v12;
	v21 =	vld [tilespmem:s5+$0xFFFFFF90];
	v30 =	vsub.f32 v22, v5;
	v15 =	vand.u32 $0x7FFFFFFF, v15;
	(xrf2) =	vadd.scan.msk.f32 $0xffff, v8  }
0xa4: {  	v9 =	vadd.f32 v9, v11;
	v8 =	vld [tilespmem:s5+$0xFFFFFF80];
	v12 =	vsub.f32 v27, v4;
	v27 =	vand.u32 $0x7FFFFFFF, v28  }
0xa5: {  	v16 =	vadd.f32 v24, v16;
	v28 =	vld [tilespmem:s5+$0xFFFFFF70];
	v11 =	vsub.f32 v20, v3;
	v20 =	vand.u32 $0x7FFFFFFF, v30;
	v22, _, _ =	vpop (xrf2)  }
0xa6: {  	v17 =	vadd.f32 v17, v23;
	v24 =	vld [tilespmem:s5+$0xFFFFFEC0];
	v19 =	vsub.f32 v19, v7;
	v12 =	vand.u32 $0x7FFFFFFF, v12;
	(xrf2) =	vadd.scan.msk.f32 $0xffff, v9  }
0xa7: {  	v23 =	vld [tilespmem:s5+$0xFFFFFF30];
	v14 =	vsub.f32 v14, v6;
	v11 =	vand.u32 $0x7FFFFFFF, v11;
	(v2sf) =	vpush v22, $0xF  }
0xa8: {  	v16 =	vadd.f32 v16, v17;
	v22 =	vld [tilespmem:s5+$0xFFFFFF20];
	v21 =	vsub.f32 v21, v5  }
0xa9: {  	v9 =	vadd.f32 v15, v27;
	v19 =	vand.u32 $0x7FFFFFFF, v19;
	v17 =	vld [tilespmem:s5+$0xFFFFFF10];
	v8 =	vsub.f32 v8, v4;
	(xrf2) =	vadd.scan.msk.f32 $0xffff, v10  }
0xaa: {  	v16 =	vadd.f32 v18, v16;
	v14 =	vand.u32 $0x7FFFFFFF, v14;
	v10 =	vld [tilespmem:s5+$0xFFFFFF00];
	v15 =	vsub.f32 v28, v3  }
0xab: {  	v14 =	vadd.f32 v19, v14;
	v18 =	vsub.f32 v24, v0;
	v24 =	vld [tilespmem:s5+$0xFFFFFEF0];
	v8 =	vand.u32 $0x7FFFFFFF, v8  }
0xac: {  	v12 =	vadd.f32 v20, v12;
	v21 =	vand.u32 $0x7FFFFFFF, v21;
	v19 =	vld [tilespmem:s5+$0xFFFFFEE0];
	v23 =	vsub.f32 v23, v7;
	(xrf2) =	vadd.scan.msk.f32 $0xffff, v16  }
0xad: {  	v30 =	vand.u32 $0x7FFFFFFF, v26;
	v8 =	vadd.f32 v21, v8;
	v27 =	vld [tilespmem:s5+$0xFFFFFED0];
	v16 =	vsub.f32 v22, v6;
	v20, _, _ =	vpop (xrf2)  }
0xae: {  	v17 =	vsub.f32 v17, v5;
	v21 =	vand.u32 $0x7FFFFFFF, v23;
	v22 =	vld [tilespmem:s5+$0xFFFFFF60];
	(v2sf) =	vpush v20, $0xF  }
0xaf: {  	v20 =	vsub.f32 v10, v4;
	v23 =	vand.u32 $0x7FFFFFFF, v16;
	v26 =	vld [tilespmem:s5+$0xFFFFFF50];
	v10 =	vadd.f32 v25, v29  }
0xb0: {  	v8 =	vadd.f32 v14, v8;
	v24 =	vsub.f32 v24, v3;
	v25 =	vld [tilespmem:s5+$0xFFFFFF40];
	v14, _, _ =	vpop (xrf2)  }
0xb1: {  	v17 =	vand.u32 $0x7FFFFFFF, v17;
	v20 =	vand.u32 $0x7FFFFFFF, v20;
	v28 =	vld [tilespmem:s5+$0xFFFFFFE0];
	(v2sf) =	vpush v14, $0xF  }
0xb2: {  	v16 =	vand.u32 $0x7FFFFFFF, v18;
	v18 =	vadd.f32 v21, v23;
	v14 =	vadd.f32 v17, v20;
	v20 =	vld [tilespmem:s5+$0xFFFFFFD0]  }
0xb3: {  	v17 =	vsub.f32 v19, v2;
	v23 =	vand.u32 $0x7FFFFFFF, v24;
	v21 =	vsub.f32 v22, v2;
	v29 =	vld [tilespmem:s5+$0xFFFFFFC0];
	v22, _, _ =	vpop (xrf2)  }
0xb4: {  	v19 =	vsub.f32 v27, v1;
	v26 =	vsub.f32 v26, v1;
	v24 =	vld [tilespmem:s5+$0x60]  }
.Ltmp2:
0xb5: {  	v27 =	vand.u32 $0x7FFFFFFF, v17;
	v31 =	vsub.f32 v25, v0;
	v17 =	vld [tilespmem:s5+$0x50];
	(v2sf) =	vpush v22, $0xF;
	(pc) =	sbr.rel @p0 .LBB2_3-.Ltmp2, $4  }
0xb6: {  	v22 =	vand.u32 $0x7FFFFFFF, v15;
	v32 =	vand.u32 $0x7FFFFFFF, v26;
	v33 =	vsub.f32 v28, v2;
	v25 =	vld [tilespmem:s5+$0x40];
	s7 =	spop (v2sf);
	v28, _, _ =	vpop (xrf2)  }
0xb7: {  	v15 =	vadd.f32 v18, v14;
	v14 =	vand.u32 $0x7FFFFFFF, v31;
	v26 =	vld [tilespmem:s5+$0x70];
	p1 =	slt.f32 s7, s3;
	(v2sf) =	vpush v28, $0xF  }
0xb8: {  	v13 =	vand.u32 $0x7FFFFFFF, v13;
	v18 =	vadd.f32 v23, v27;
	v14 =	vadd.f32 v32, v14;
	v23 =	vld [tilespmem:s5+$0x130]  }
0xb9: {  	v13 =	vadd.f32 v13, v30;
	v28 =	vsub.f32 v29, v0;
	v29 =	vand.u32 $0x7FFFFFFF, v33;
	v27 =	vld [tilespmem:s5+$0x120]  }
0xba: {  	v20 =	vsub.f32 v20, v1;
	v24 =	vsub.f32 v24, v2  }
0xbb: {  	v21 =	vand.u32 $0x7FFFFFFF, v21;
	v11 =	vadd.f32 v11, v29;
	v9 =	vadd.f32 v9, v12  }
0xbc: {  	v19 =	vand.u32 $0x7FFFFFFF, v19;
	v17 =	vsub.f32 v17, v1;
	v25 =	vsub.f32 v25, v0  }
0xbd: {  	v30 =	vld [tilespmem:s5+$0x110];
	v21 =	vadd.f32 v22, v21;
	v12 =	vadd.f32 v19, v16  }
0xbe: {  	v29 =	vld [tilespmem:s5+$0x100];
	v28 =	vand.u32 $0x7FFFFFFF, v28;
	v10 =	vadd.f32 v13, v10;
	v26 =	vsub.f32 v26, v3  }
0xbf: {  	v22 =	vld [tilespmem:s5+$0xE0];
	v24 =	vand.u32 $0x7FFFFFFF, v24;
	v20 =	vand.u32 $0x7FFFFFFF, v20;
	v23 =	vsub.f32 v23, v7  }
0xc0: {  	v16 =	vld [tilespmem:s5+$0xD0];
	v19 =	vand.u32 $0x7FFFFFFF, v25;
	v12 =	vadd.f32 v18, v12;
	v18 =	vadd.f32 v20, v28  }
0xc1: {  	v31 =	vld [tilespmem:s5+$0xF0];
	v14 =	vadd.f32 v21, v14;
	v25 =	vsub.f32 v27, v6;
	v26 =	vand.u32 $0x7FFFFFFF, v26  }
0xc2: {  	v30 =	vsub.f32 v30, v5;
	v24 =	vadd.f32 v26, v24  }
0xc3: {  	v27 =	vld [tilespmem:s5+$0xC0];
	v12 =	vadd.f32 v15, v12;
	v26 =	vsub.f32 v29, v4  }
0xc4: {  	v15 =	vand.u32 $0x7FFFFFFF, v17;
	v11 =	vadd.f32 v11, v18;
	v8 =	vadd.f32 v8, v14  }
0xc5: {  	v23 =	vand.u32 $0x7FFFFFFF, v23;
	v20 =	vsub.f32 v22, v2;
	v16 =	vsub.f32 v16, v1  }
0xc6: {  	v22 =	vand.u32 $0x7FFFFFFF, v25;
	v25 =	vsub.f32 v31, v3;
	v15 =	vadd.f32 v15, v19  }
0xc7: {  	v13 =	vand.u32 $0x7FFFFFFF, v30;
	v21 =	vadd.f32 v23, v22;
	v9 =	vadd.f32 v9, v11  }
0xc8: {  	v19 =	vand.u32 $0x7FFFFFFF, v26;
	v15 =	vadd.f32 v24, v15;
	v17 =	vsub.f32 v27, v0  }
0xc9: {  	(xrf2) =	vadd.scan.msk.f32 $0xffff, v12;
	v16 =	vand.u32 $0x7FFFFFFF, v16;
	v22 =	vand.u32 $0x7FFFFFFF, v25;
	v13 =	vadd.f32 v13, v19  }
0xca: {  	v18 =	vand.u32 $0x7FFFFFFF, v20;
	(xrf2) =	vadd.scan.msk.f32 $0xffff, v8;
	v10 =	vadd.f32 v10, v15;
	v17 =	vand.u32 $0x7FFFFFFF, v17  }
0xcb: {  	v14 =	vadd.f32 v22, v18;
	(xrf2) =	vadd.scan.msk.f32 $0xffff, v9;
	v16 =	vadd.f32 v16, v17  }
0xcc: {  	(xrf2) =	vadd.scan.msk.f32 $0xffff, v10  }
0xcd: {  	v12 =	vadd.f32 v21, v13;
	v8 =	vadd.f32 v14, v16;
	_ =	sdelay $0x1  }
0xce: {  	v8 =	vadd.f32 v12, v8;
	_ =	sdelay $0x1  }
0xcf: {  	(xrf2) =	vadd.scan.msk.f32 $0xffff, v8;
	_ =	sdelay $0x1  }
0xd0: {  	v8, _, _ =	vpop (xrf2)  }
0xd1: {  	(v2sf) =	vpush v8, $0xF;
	v8, _, _ =	vpop (xrf2)  }
0xd2: {  	(v2sf) =	vpush v8, $0xF;
	v8, _, _ =	vpop (xrf2)  }
0xd3: {  	(v2sf) =	vpush v8, $0xF;
	v8, _, _ =	vpop (xrf2)  }
0xd4: {  	(v2sf) =	vpush v8, $0xF;
	_ =	sdelay $0x3  }
0xd5: {  	v8, _, _ =	vpop (xrf2)  }
0xd6: {  	(v2sf) =	vpush v8, $0xF;
	_ =	sdelay $0x2  }
0xd7: {  	s0 =	spop (v2sf)  }
0xd8: {  	s20 =	spop (v2sf)  }
0xd9: {  	s21 =	spop (v2sf)  }
0xda: {  	s17 =	spop (v2sf)  }
0xdb: {  	s16 =	spop (v2sf)  }
0xdc: {  	p0 =	seq.s32 s22, $0x2;
	s15 =	spop (v2sf)  }
0xdd: {  	s5 =	sadd.s32 @!p0 s23, s10;
	s9 =	spop (v2sf)  }
0xde: {  	s8 =	spop (v2sf);
	[smem:$0x7FC] =	sst s2;
	s2 =	simm.s32 @!p0 $0x0  }
0xdf: {  	s5 =	sshll.u32 @!p0 s5, $0x4;
	s2 =	simm.s32 @p0 $0x1  }
0xe0: {  	s5 =	sand.u32 @!p0 $0x1FFFFFF0, s5;
	[smem:$0x7FD] =	sst s2  }
0xe1: {  	s6 =	simm.s32 @!p0 $0x0;
	s5 =	sadd.s32 @!p0 s1, s5;
	s2 =	sld [smem:$0x7FC]  }
0xe2: {  	[tilespmem:s6], [sflag:$0x1] =	stream.linear.gather @!p0 [hbm4b:s5+s6], $0x2580, $0x38;
	[tilespmem:$0xBD00] =	vst v63  }
0xe3: {  	s6 =	spop (v2sf)  }
0xe4: {  	_ =	swait.ge [sflag:s26], $0x2580  }
0xe5: {  	[sflag:s26] =	ssyncset.done $0x0  }
0xe6: {  	s5 =	simm.s32 $0x26C0;
	[sflag:s26] =	ssyncadd.s32 $0xFFFFDA80  }
0xe7: {  	v8 =	vld [tilespmem:s5+$0xB0]  }
0xe8: {  	v9 =	vld [tilespmem:s5+$0xA0]  }
0xe9: {  	v10 =	vld [tilespmem:s5+$0x90]  }
0xea: {  	v11 =	vld [tilespmem:s5+$0x80]  }
0xeb: {  	v12 =	vld [tilespmem:s5+$0x30]  }
0xec: {  	v13 =	vld [tilespmem:s5+$0x20]  }
0xed: {  	v14 =	vld [tilespmem:s5+$0x10]  }
0xee: {  	v15 =	vld [tilespmem:s5+$0x0]  }
0xef: {  	v16 =	vld [tilespmem:s5+$0xFFFFFFF0]  }
0xf0: {  	v17 =	vld [tilespmem:s5+$0xFFFFFFB0]  }
0xf1: {  	v18 =	vld [tilespmem:s5+$0xFFFFFFA0]  }
0xf2: {  	v19 =	vld [tilespmem:s5+$0xFFFFFF90]  }
0xf3: {  	v20 =	vld [tilespmem:s5+$0xFFFFFF80]  }
0xf4: {  	v22 =	vld [tilespmem:s5+$0xFFFFFEC0]  }
0xf5: {  	v23 =	vld [tilespmem:s5+$0xFFFFFF30]  }
0xf6: {  	v24 =	vld [tilespmem:s5+$0xFFFFFF20];
	v8 =	vsub.f32 v8, v7;
	v10 =	vsub.f32 v10, v5  }
0xf7: {  	v25 =	vld [tilespmem:s5+$0xFFFFFF10];
	v11 =	vsub.f32 v11, v4;
	v9 =	vsub.f32 v9, v6  }
0xf8: {  	v26 =	vld [tilespmem:s5+$0xFFFFFF00];
	v12 =	vsub.f32 v12, v7;
	v13 =	vsub.f32 v13, v6  }
0xf9: {  	v28 =	vld [tilespmem:s5+$0xFFFFFF40];
	v14 =	vsub.f32 v14, v5;
	v15 =	vsub.f32 v15, v4  }
0xfa: {  	v29 =	vld [tilespmem:s5+$0x50];
	v16 =	vsub.f32 v16, v3;
	v17 =	vsub.f32 v17, v7  }
0xfb: {  	v18 =	vsub.f32 v18, v6;
	v19 =	vsub.f32 v19, v5  }
0xfc: {  	v20 =	vsub.f32 v20, v4;
	v22 =	vsub.f32 v22, v0  }
0xfd: {  	v23 =	vsub.f32 v23, v7;
	v24 =	vsub.f32 v24, v6  }
0xfe: {  	v21 =	vld [tilespmem:s5+$0xFFFFFF70];
	v25 =	vsub.f32 v25, v5;
	v26 =	vsub.f32 v26, v4  }
0xff: {  	v28 =	vsub.f32 v28, v0;
	v29 =	vsub.f32 v29, v1;
	v10 =	vand.u32 $0x7FFFFFFF, v10  }
0x100: {  	v11 =	vand.u32 $0x7FFFFFFF, v11;
	v12 =	vand.u32 $0x7FFFFFFF, v12;
	v13 =	vand.u32 $0x7FFFFFFF, v13  }
0x101: {  	v27 =	vld [tilespmem:s5+$0xFFFFFEF0];
	v14 =	vand.u32 $0x7FFFFFFF, v14;
	v15 =	vand.u32 $0x7FFFFFFF, v15;
	v17 =	vand.u32 $0x7FFFFFFF, v17  }
0x102: {  	v30 =	vld [tilespmem:s5+$0x40];
	v18 =	vand.u32 $0x7FFFFFFF, v18;
	v20 =	vand.u32 $0x7FFFFFFF, v20;
	v19 =	vand.u32 $0x7FFFFFFF, v19  }
0x103: {  	v16 =	vand.u32 $0x7FFFFFFF, v16;
	v12 =	vadd.f32 v12, v13;
	v13 =	vsub.f32 v21, v3;
	v21 =	vld [tilespmem:s5+$0xFFFFFEE0]  }
0x104: {  	v23 =	vand.u32 $0x7FFFFFFF, v23;
	v24 =	vand.u32 $0x7FFFFFFF, v24;
	v17 =	vadd.f32 v17, v18;
	v18 =	vld [tilespmem:s5+$0xFFFFFED0]  }
0x105: {  	v9 =	vand.u32 $0x7FFFFFFF, v9;
	v14 =	vadd.f32 v14, v15;
	v19 =	vadd.f32 v19, v20;
	v20 =	vld [tilespmem:s5+$0xFFFFFF50]  }
0x106: {  	v8 =	vand.u32 $0x7FFFFFFF, v8;
	v15 =	vld [tilespmem:s5+$0xFFFFFF60];
	v10 =	vadd.f32 v10, v11;
	v11 =	vsub.f32 v27, v3  }
0x107: {  	v25 =	vand.u32 $0x7FFFFFFF, v25;
	v27 =	vld [tilespmem:s5+$0xFFFFFFE0];
	v23 =	vadd.f32 v23, v24;
	v8 =	vadd.f32 v8, v9  }
0x108: {  	v17 =	vadd.f32 v17, v19;
	v19 =	vand.u32 $0x7FFFFFFF, v26;
	v26 =	vld [tilespmem:s5+$0xFFFFFFD0];
	v12 =	vadd.f32 v12, v14  }
0x109: {  	v22 =	vand.u32 $0x7FFFFFFF, v22;
	v24 =	vld [tilespmem:s5+$0xFFFFFFC0];
	v8 =	vadd.f32 v8, v10;
	v19 =	vadd.f32 v25, v19  }
0x10a: {  	v11 =	vand.u32 $0x7FFFFFFF, v11;
	v25 =	vld [tilespmem:s5+$0x60];
	v21 =	vsub.f32 v21, v2;
	v20 =	vsub.f32 v20, v1  }
0x10b: {  	v31 =	vld [tilespmem:s5+$0x100];
	v13 =	vand.u32 $0x7FFFFFFF, v13;
	v15 =	vsub.f32 v15, v2;
	v18 =	vsub.f32 v18, v1  }
0x10c: {  	v9 =	vld [tilespmem:s5+$0x110];
	v27 =	vsub.f32 v27, v2;
	v19 =	vadd.f32 v23, v19;
	v23 =	vand.u32 $0x7FFFFFFF, v28  }
0x10d: {  	v28 =	vld [tilespmem:s5+$0x70];
	v21 =	vand.u32 $0x7FFFFFFF, v21;
	v20 =	vand.u32 $0x7FFFFFFF, v20;
	v26 =	vsub.f32 v26, v1  }
0x10e: {  	v27 =	vand.u32 $0x7FFFFFFF, v27;
	v11 =	vadd.f32 v11, v21;
	v20 =	vadd.f32 v20, v23;
	v21 =	vld [tilespmem:s5+$0x120]  }
0x10f: {  	v15 =	vand.u32 $0x7FFFFFFF, v15;
	v23 =	vsub.f32 v24, v0;
	v24 =	vld [tilespmem:s5+$0x130];
	v25 =	vsub.f32 v25, v2  }
0x110: {  	v18 =	vand.u32 $0x7FFFFFFF, v18;
	v16 =	vadd.f32 v16, v27;
	v13 =	vadd.f32 v13, v15;
	v15 =	vld [tilespmem:s5+$0xE0]  }
0x111: {  	v27 =	vsub.f32 v30, v0;
	v14 =	vadd.f32 v18, v22;
	v18 =	vld [tilespmem:s5+$0xD0]  }
0x112: {  	v30 =	vld [tilespmem:s5+$0xF0];
	v26 =	vand.u32 $0x7FFFFFFF, v26;
	v28 =	vsub.f32 v28, v3;
	v23 =	vand.u32 $0x7FFFFFFF, v23  }
0x113: {  	v22 =	vand.u32 $0x7FFFFFFF, v25;
	v25 =	vld [tilespmem:s5+$0xC0];
	v11 =	vadd.f32 v11, v14;
	s5 =	simm.s32 $0x2940;
	v20 =	vadd.f32 v13, v20  }
0x114: {  	v9 =	vsub.f32 v9, v5;
	v10 =	vld [tilespmem:s5+$0xB0];
	v14 =	vadd.f32 v26, v23  }
0x115: {  	v26 =	vld [tilespmem:s5+$0xA0];
	v28 =	vand.u32 $0x7FFFFFFF, v28;
	v11 =	vadd.f32 v19, v11;
	v17 =	vadd.f32 v17, v20  }
0x116: {  	v21 =	vsub.f32 v21, v6;
	v22 =	vadd.f32 v28, v22;
	v28 =	vld [tilespmem:s5+$0x80]  }
0x117: {  	v23 =	vand.u32 $0x7FFFFFFF, v27;
	v24 =	vsub.f32 v24, v7;
	v27 =	vsub.f32 v30, v3;
	v30 =	vld [tilespmem:s5+$0x20]  }
0x118: {  	v15 =	vsub.f32 v15, v2;
	v14 =	vadd.f32 v16, v14;
	(xrf2) =	vadd.scan.msk.f32 $0xffff, v11;
	v11 =	vld [tilespmem:s5+$0x30]  }
0x119: {  	v18 =	vsub.f32 v18, v1;
	v19 =	vand.u32 $0x7FFFFFFF, v21;
	v21 =	vld [tilespmem:s5+$0x90];
	v25 =	vsub.f32 v25, v0  }
0x11a: {  	v24 =	vand.u32 $0x7FFFFFFF, v24;
	v20 =	vand.u32 $0x7FFFFFFF, v27;
	v27 =	vld [tilespmem:s5+$0xFFFFFFA0];
	v12 =	vadd.f32 v12, v14  }
0x11b: {  	s3 =	smov.u32 @p1 s7;
	v29 =	vand.u32 $0x7FFFFFFF, v29;
	(xrf2) =	vadd.scan.msk.f32 $0xffff, v17;
	v17 =	vld [tilespmem:s5+$0xFFFFFF80];
	v19 =	vadd.f32 v24, v19;
	v24 =	vsub.f32 v31, v4  }
0x11c: {  	p2 =	slt.f32 s0, s3;
	v9 =	vand.u32 $0x7FFFFFFF, v9;
	v13 =	vsub.f32 v10, v7;
	v10 =	vadd.f32 v29, v23;
	v23 =	vld [tilespmem:s5+$0x10]  }
0x11d: {  	v26 =	vsub.f32 v26, v6;
	v16 =	vand.u32 $0x7FFFFFFF, v24;
	v24 =	vld [tilespmem:s5+$0x0];
	v28 =	vsub.f32 v28, v4  }
0x11e: {  	s3 =	smov.u32 @p2 s0;
	v10 =	vadd.f32 v22, v10;
	v22 =	vand.u32 $0x7FFFFFFF, v25;
	v25 =	vld [tilespmem:s5+$0xFFFFFFB0];
	v29 =	vsub.f32 v30, v6  }
0x11f: {  	p3 =	slt.f32 s20, s3;
	v30 =	vld [tilespmem:s5+$0xFFFFFFE0];
	v9 =	vadd.f32 v9, v16;
	v11 =	vsub.f32 v11, v7  }
0x120: {  	v16 =	vand.u32 $0x7FFFFFFF, v18;
	v18 =	vld [tilespmem:s5+$0xFFFFFFF0];
	v21 =	vsub.f32 v21, v5;
	v8 =	vadd.f32 v8, v10  }
0x121: {  	s3 =	smov.u32 @p3 s20;
	v16 =	vadd.f32 v16, v22;
	v17 =	vsub.f32 v17, v4  }
0x122: {  	p4 =	slt.f32 s21, s3;
	v19 =	vadd.f32 v19, v9;
	v9 =	vand.u32 $0x7FFFFFFF, v15;
	v15 =	vld [tilespmem:s5+$0xFFFFFF90];
	v23 =	vsub.f32 v23, v5  }
0x123: {  	v14 =	vld [tilespmem:s5+$0xFFFFFF70];
	v10 =	vand.u32 $0x7FFFFFFF, v21;
	v9 =	vadd.f32 v20, v9;
	v21 =	vsub.f32 v24, v4  }
0x124: {  	s3 =	smov.u32 @p4 s21;
	v22 =	vld [tilespmem:s5+$0xFFFFFF30];
	v20 =	vand.u32 $0x7FFFFFFF, v29;
	v25 =	vsub.f32 v25, v7;
	v30 =	vsub.f32 v30, v2;
	v24, _, _ =	vpop (xrf2);
	(xrf2) =	vadd.scan.msk.f32 $0xffff, v12  }
0x125: {  	p5 =	slt.f32 s17, s3;
	v29 =	vld [tilespmem:s5+$0xFFFFFEC0];
	v18 =	vsub.f32 v18, v3;
	v12 =	vand.u32 $0x7FFFFFFF, v23;
	v23 =	vsub.f32 v27, v6  }
0x126: {  	v11 =	vand.u32 $0x7FFFFFFF, v11;
	v16 =	vadd.f32 v9, v16;
	(v2sf) =	vpush v24, $0xF  }
0x127: {  	s3 =	smov.u32 @p5 s17;
	v17 =	vand.u32 $0x7FFFFFFF, v17;
	v27 =	vld [tilespmem:s5+$0xFFFFFF10];
	v9 =	vadd.f32 v11, v20;
	v15 =	vsub.f32 v15, v5  }
0x128: {  	p6 =	slt.f32 s16, s3;
	v20 =	vsub.f32 v14, v3;
	v21 =	vand.u32 $0x7FFFFFFF, v21;
	v24 =	vld [tilespmem:s5+$0xFFFFFF20];
	(xrf2) =	vadd.scan.msk.f32 $0xffff, v8;
	v14 =	vadd.f32 v19, v16  }
0x129: {  	v25 =	vand.u32 $0x7FFFFFFF, v25;
	v8 =	vld [tilespmem:s5+$0xFFFFFF00];
	v22 =	vsub.f32 v22, v7;
	v15 =	vand.u32 $0x7FFFFFFF, v15  }
0x12a: {  	s3 =	smov.u32 @p6 s16;
	v11 =	vand.u32 $0x7FFFFFFF, v23;
	v19 =	vld [tilespmem:s5+$0xFFFFFEF0];
	v16 =	vsub.f32 v29, v0;
	(xrf2) =	vadd.scan.msk.f32 $0xffff, v14;
	v15 =	vadd.f32 v15, v17  }
0x12b: {  	p0 =	slt.f32 s15, s3;
	v23 =	vadd.f32 v25, v11;
	v25 =	vld [tilespmem:s5+$0xFFFFFEE0];
	v11 =	vadd.f32 v12, v21;
	v12 =	vand.u32 $0x7FFFFFFF, v18;
	v17, _, _ =	vpop (xrf2)  }
0x12c: {  	s20 =	sadd.s32 s2, s18;
	v14 =	vand.u32 $0x7FFFFFFF, v28;
	v18 =	vsub.f32 v27, v5;
	v27 =	vld [tilespmem:s5+$0xFFFFFF50];
	(v2sf) =	vpush v17, $0xF  }
0x12d: {  	s21 =	sadd.s32 s31, s18;
	s3 =	smov.u32 @p0 s15;
	s2 =	sadd.s32 $0xFA00, s20;
	v31 =	vand.u32 $0x7FFFFFFF, v26;
	v10 =	vadd.f32 v10, v14;
	v21 =	vsub.f32 v24, v6;
	v24 =	vld [tilespmem:s5+$0xFFFFFF60]  }
0x12e: {  	s19 =	smov.u32 @p1 s2;
	s2 =	sadd.s32 $0xFA01, s20;
	p1 =	slt.f32 s9, s3;
	v28 =	vld [tilespmem:s5+$0xFFFFFED0];
	v17 =	vand.u32 $0x7FFFFFFF, v22;
	v22 =	vsub.f32 v8, v4;
	v8 =	vadd.f32 v23, v15;
	v15, _, _ =	vpop (xrf2)  }
0x12f: {  	s31 =	simm.s32 $0x5;
	s19 =	smov.u32 @p2 s2;
	s2 =	sadd.s32 $0xFA02, s20;
	v29 =	vld [tilespmem:s5+$0xFFFFFF40];
	v19 =	vsub.f32 v19, v3;
	v14 =	vand.u32 $0x7FFFFFFF, v21;
	(v2sf) =	vpush v15, $0xF  }
0x130: {  	s19 =	smov.u32 @p3 s2;
	s2 =	sadd.s32 $0xFA03, s20;
	s3 =	smov.u32 @p1 s9;
	v32 =	vld [tilespmem:s5+$0xFFFFFFC0];
	v18 =	vand.u32 $0x7FFFFFFF, v18;
	v21 =	vand.u32 $0x7FFFFFFF, v22;
	v26 =	vadd.f32 v17, v14  }
0x131: {  	s0 =	sadd.s32 $0xFA04, s20;
	s19 =	smov.u32 @p4 s2;
	p2 =	slt.f32 s8, s3;
	v23 =	vld [tilespmem:s5+$0x60];
	v14 =	vand.u32 $0x7FFFFFFF, v16;
	v16 =	vsub.f32 v25, v2;
	v25 =	vsub.f32 v27, v1  }
0x132: {  	s2 =	simm.s32 $0x0;
	s19 =	smov.u32 @p5 s0;
	s0 =	sadd.s32 $0xFA00, s21;
	v13 =	vand.u32 $0x7FFFFFFF, v13;
	v17 =	vld [tilespmem:s5+$0x50];
	v15 =	vadd.f32 v18, v21;
	v21 =	vsub.f32 v24, v2;
	v22, _, _ =	vpop (xrf2)  }
0x133: {  	s19 =	smov.u32 @p6 s0;
	s0 =	sadd.s32 $0xFA01, s21;
	s3 =	smov.u32 @p2 s8;
	v18 =	vld [tilespmem:s5+$0xFFFFFFD0];
	v24 =	vand.u32 $0x7FFFFFFF, v19;
	v19 =	vsub.f32 v28, v1;
	(v2sf) =	vpush v22, $0xF  }
0x134: {  	s19 =	smov.u32 @p0 s0;
	s0 =	sadd.s32 $0xFA02, s21;
	p0 =	slt.f32 s6, s3;
	v28 =	vsub.f32 v29, v0;
	v29 =	vand.u32 $0x7FFFFFFF, v25;
	v22 =	vand.u32 $0x7FFFFFFF, v20;
	v25 =	vld [tilespmem:s5+$0x40];
	v20, _, _ =	vpop (xrf2)  }
0x135: {  	s19 =	smov.u32 @p1 s0;
	s0 =	sadd.s32 $0xFA03, s21;
	v27 =	vand.u32 $0x7FFFFFFF, v16;
	v16 =	vadd.f32 v26, v15;
	v26 =	vld [tilespmem:s5+$0x70];
	s7 =	spop (v2sf);
	(v2sf) =	vpush v20, $0xF  }
0x136: {  	s19 =	smov.u32 @p2 s0;
	s0 =	sadd.s32 $0xFA04, s21;
	s3 =	smov.u32 @p0 s6;
	v13 =	vadd.f32 v13, v31;
	v15 =	vand.u32 $0x7FFFFFFF, v28;
	v20 =	vadd.f32 v24, v27;
	v24 =	vld [tilespmem:s5+$0x130]  }
0x137: {  	s6 =	simm.s32 $0xA;
	s19 =	smov.u32 @p0 s0;
	v28 =	vsub.f32 v32, v0;
	v15 =	vadd.f32 v29, v15;
	v29 =	vand.u32 $0x7FFFFFFF, v30;
	v27 =	vld [tilespmem:s5+$0x120];
	p1 =	slt.f32 s7, s3  }
.LBB2_5:
0x138: {  	p2 =	sne.s32 s6, $0x46;
	v21 =	vand.u32 $0x7FFFFFFF, v21;
	v18 =	vsub.f32 v18, v1;
	v23 =	vsub.f32 v23, v2;
	v30 =	vld [tilespmem:s5+$0x110];
	s0 =	smov.u32 s6;
	s6 =	sadd.s32 $0x5, s6  }
0x139: {  	v12 =	vadd.f32 v12, v29;
	v28 =	vand.u32 $0x7FFFFFFF, v28;
	v25 =	vsub.f32 v25, v0;
	v29 =	vld [tilespmem:s5+$0x100]  }
0x13a: {  	v19 =	vand.u32 $0x7FFFFFFF, v19;
	v23 =	vand.u32 $0x7FFFFFFF, v23;
	v26 =	vsub.f32 v26, v3;
	v31 =	vld [tilespmem:s5+$0xF0]  }
0x13b: {  	v9 =	vadd.f32 v9, v11;
	s3 =	smov.u32 @p1 s7;
	v21 =	vadd.f32 v22, v21;
	v11 =	vand.u32 $0x7FFFFFFF, v25;
	v22 =	vld [tilespmem:s5+$0xE0];
	s7 =	spop (v2sf)  }
0x13c: {  	v14 =	vadd.f32 v19, v14;
	v19 =	vand.u32 $0x7FFFFFFF, v26;
	v25 =	vld [tilespmem:s5+$0xD0];
	v26 =	vsub.f32 v27, v6;
	p3 =	slt.f32 s7, s3  }
0x13d: {  	v24 =	vsub.f32 v24, v7;
	v27 =	vld [tilespmem:s5+$0xC0];
	v30 =	vsub.f32 v30, v5  }
0x13e: {  	v17 =	vsub.f32 v17, v1;
	v18 =	vand.u32 $0x7FFFFFFF, v18;
	v19 =	vadd.f32 v19, v23;
	s3 =	smov.u32 @p3 s7;
	s7 =	spop (v2sf)  }
0x13f: {  	v10 =	vadd.f32 v13, v10;
	v14 =	vadd.f32 v20, v14;
	s5 =	sadd.s32 $0x280, s5;
	v20 =	vand.u32 $0x7FFFFFFF, v30;
	p0 =	slt.f32 s7, s3  }
0x140: {  	v18 =	vadd.f32 v18, v28;
	v23 =	vand.u32 $0x7FFFFFFF, v26;
	v13 =	vld [tilespmem:s5+$0xB0];
	v22 =	vsub.f32 v22, v2  }
0x141: {  	v14 =	vadd.f32 v16, v14;
	v16 =	vand.u32 $0x7FFFFFFF, v17;
	v26 =	vld [tilespmem:s5+$0xA0];
	v17 =	vsub.f32 v25, v1  }
0x142: {  	s8 =	sadd.s32 s2, s18;
	v24 =	vand.u32 $0x7FFFFFFF, v24;
	v28 =	vsub.f32 v31, v3;
	s3 =	smov.u32 @p0 s7;
	v25 =	vld [tilespmem:s5+$0x90];
	v27 =	vsub.f32 v27, v0;
	s7 =	spop (v2sf)  }
0x143: {  	s2 =	smov.u32 s31;
	s9 =	sadd.s32 $0xFA4B, s8;
	v15 =	vadd.f32 v21, v15;
	v21 =	vadd.f32 v24, v23;
	v30 =	vld [tilespmem:s5+$0x80];
	v17 =	vand.u32 $0x7FFFFFFF, v17;
	(xrf2) =	vadd.scan.msk.f32 $0xffff, v14;
	p4 =	slt.f32 s7, s3  }
0x144: {  	s19 =	smov.u32 @p1 s9;
	s9 =	sadd.s32 $0xFA4C, s8;
	v24 =	vand.u32 $0x7FFFFFFF, v28;
	v14 =	vld [tilespmem:s5+$0x30];
	v23 =	vand.u32 $0x7FFFFFFF, v27;
	v27 =	vsub.f32 v29, v4;
	s15 =	spop (v2sf)  }
0x145: {  	v11 =	vadd.f32 v16, v11;
	s19 =	smov.u32 @p3 s9;
	s9 =	sadd.s32 $0xFA4D, s8;
	v16 =	vand.u32 $0x7FFFFFFF, v22;
	v28 =	vld [tilespmem:s5+$0x20];
	v13 =	vsub.f32 v13, v7;
	s3 =	smov.u32 @p4 s7  }
0x146: {  	v12 =	vadd.f32 v12, v18;
	s19 =	smov.u32 @p0 s9;
	s7 =	sadd.s32 $0xFA4E, s8;
	v22 =	vld [tilespmem:s5+$0x10];
	v26 =	vsub.f32 v26, v6;
	v18 =	vand.u32 $0x7FFFFFFF, v27;
	p0 =	slt.f32 s15, s3  }
0x147: {  	s31 =	smov.u32 s0;
	s19 =	smov.u32 @p4 s7;
	s7 =	sadd.s32 $0xFA4F, s8;
	v27 =	vld [tilespmem:s5+$0x0];
	v25 =	vsub.f32 v25, v5;
	v18 =	vadd.f32 v20, v18  }
0x148: {  	v11 =	vadd.f32 v19, v11;
	v20 =	vld [tilespmem:s5+$0xFFFFFFF0];
	v29 =	vsub.f32 v30, v4;
	s3 =	smov.u32 @p0 s15;
	s19 =	smov.u32 @p0 s7  }
0x149: {  	v8 =	vadd.f32 v8, v15;
	v19 =	vld [tilespmem:s5+$0xFFFFFFB0];
	v14 =	vsub.f32 v14, v7;
	v25 =	vand.u32 $0x7FFFFFFF, v25  }
0x14a: {  	v18 =	vadd.f32 v21, v18;
	v15 =	vld [tilespmem:s5+$0xFFFFFFA0];
	v28 =	vsub.f32 v28, v6;
	v29 =	vand.u32 $0x7FFFFFFF, v29  }
0x14b: {  	v10 =	vadd.f32 v10, v11;
	v21 =	vld [tilespmem:s5+$0xFFFFFF90];
	v30 =	vsub.f32 v22, v5;
	v14 =	vand.u32 $0x7FFFFFFF, v14;
	(xrf2) =	vadd.scan.msk.f32 $0xffff, v8  }
0x14c: {  	v9 =	vadd.f32 v9, v12;
	v8 =	vld [tilespmem:s5+$0xFFFFFF80];
	v11 =	vsub.f32 v27, v4;
	v27 =	vand.u32 $0x7FFFFFFF, v28  }
0x14d: {  	v16 =	vadd.f32 v24, v16;
	v28 =	vld [tilespmem:s5+$0xFFFFFF70];
	v12 =	vsub.f32 v20, v3;
	v20 =	vand.u32 $0x7FFFFFFF, v30;
	v22, _, _ =	vpop (xrf2)  }
0x14e: {  	v17 =	vadd.f32 v17, v23;
	v24 =	vld [tilespmem:s5+$0xFFFFFEC0];
	v19 =	vsub.f32 v19, v7;
	v11 =	vand.u32 $0x7FFFFFFF, v11;
	(xrf2) =	vadd.scan.msk.f32 $0xffff, v9  }
0x14f: {  	v23 =	vld [tilespmem:s5+$0xFFFFFF30];
	v15 =	vsub.f32 v15, v6;
	v12 =	vand.u32 $0x7FFFFFFF, v12;
	(v2sf) =	vpush v22, $0xF  }
0x150: {  	v16 =	vadd.f32 v16, v17;
	v22 =	vld [tilespmem:s5+$0xFFFFFF20];
	v21 =	vsub.f32 v21, v5  }
0x151: {  	v9 =	vadd.f32 v14, v27;
	v19 =	vand.u32 $0x7FFFFFFF, v19;
	v17 =	vld [tilespmem:s5+$0xFFFFFF10];
	v8 =	vsub.f32 v8, v4;
	(xrf2) =	vadd.scan.msk.f32 $0xffff, v10  }
0x152: {  	v14 =	vand.u32 $0x7FFFFFFF, v15;
	v15 =	vadd.f32 v18, v16;
	v10 =	vld [tilespmem:s5+$0xFFFFFF00];
	v27 =	vsub.f32 v28, v3  }
0x153: {  	v14 =	vadd.f32 v19, v14;
	v16 =	vsub.f32 v24, v0;
	v18 =	vld [tilespmem:s5+$0xFFFFFEF0];
	v8 =	vand.u32 $0x7FFFFFFF, v8  }
0x154: {  	v11 =	vadd.f32 v20, v11;
	v24 =	vand.u32 $0x7FFFFFFF, v21;
	v19 =	vld [tilespmem:s5+$0xFFFFFEE0];
	v23 =	vsub.f32 v23, v7;
	(xrf2) =	vadd.scan.msk.f32 $0xffff, v15  }
0x155: {  	v30 =	vand.u32 $0x7FFFFFFF, v26;
	v8 =	vadd.f32 v24, v8;
	v15 =	vld [tilespmem:s5+$0xFFFFFED0];
	v20 =	vsub.f32 v22, v6;
	v21, _, _ =	vpop (xrf2)  }
0x156: {  	v17 =	vsub.f32 v17, v5;
	v22 =	vand.u32 $0x7FFFFFFF, v23;
	v23 =	vld [tilespmem:s5+$0xFFFFFF60];
	(v2sf) =	vpush v21, $0xF  }
0x157: {  	v21 =	vsub.f32 v10, v4;
	v20 =	vand.u32 $0x7FFFFFFF, v20;
	v24 =	vld [tilespmem:s5+$0xFFFFFF50];
	v10 =	vadd.f32 v25, v29  }
0x158: {  	v8 =	vadd.f32 v14, v8;
	v25 =	vsub.f32 v18, v3;
	v26 =	vld [tilespmem:s5+$0xFFFFFF40];
	v14, _, _ =	vpop (xrf2)  }
0x159: {  	v17 =	vand.u32 $0x7FFFFFFF, v17;
	v18 =	vand.u32 $0x7FFFFFFF, v21;
	v28 =	vld [tilespmem:s5+$0xFFFFFFE0];
	(v2sf) =	vpush v14, $0xF  }
0x15a: {  	v20 =	vadd.f32 v22, v20;
	v14 =	vand.u32 $0x7FFFFFFF, v16;
	v16 =	vadd.f32 v17, v18;
	v18 =	vld [tilespmem:s5+$0xFFFFFFD0]  }
0x15b: {  	v17 =	vsub.f32 v19, v2;
	v29 =	vand.u32 $0x7FFFFFFF, v25;
	v21 =	vsub.f32 v23, v2;
	v31 =	vld [tilespmem:s5+$0xFFFFFFC0];
	v22, _, _ =	vpop (xrf2)  }
0x15c: {  	v19 =	vsub.f32 v15, v1;
	v15 =	vsub.f32 v24, v1;
	v23 =	vld [tilespmem:s5+$0x60]  }
.Ltmp3:
0x15d: {  	v24 =	vand.u32 $0x7FFFFFFF, v17;
	v26 =	vsub.f32 v26, v0;
	v17 =	vld [tilespmem:s5+$0x50];
	(v2sf) =	vpush v22, $0xF;
	(pc) =	sbr.rel @p2 .LBB2_5-.Ltmp3, $4  }
0x15e: {  	v22 =	vand.u32 $0x7FFFFFFF, v27;
	v15 =	vand.u32 $0x7FFFFFFF, v15;
	v27 =	vsub.f32 v28, v2;
	v25 =	vld [tilespmem:s5+$0x40];
	s7 =	spop (v2sf);
	v28, _, _ =	vpop (xrf2)  }
0x15f: {  	v16 =	vadd.f32 v20, v16;
	v32 =	vand.u32 $0x7FFFFFFF, v26;
	v26 =	vld [tilespmem:s5+$0x70];
	p1 =	slt.f32 s7, s3;
	(v2sf) =	vpush v28, $0xF  }
0x160: {  	v13 =	vand.u32 $0x7FFFFFFF, v13;
	v20 =	vadd.f32 v29, v24;
	v15 =	vadd.f32 v15, v32;
	v24 =	vld [tilespmem:s5+$0x130]  }
0x161: {  	v13 =	vadd.f32 v13, v30;
	v28 =	vsub.f32 v31, v0;
	v29 =	vand.u32 $0x7FFFFFFF, v27;
	v27 =	vld [tilespmem:s5+$0x120]  }
0x162: {  	v18 =	vsub.f32 v18, v1  }
0x163: {  	v23 =	vsub.f32 v23, v2;
	v12 =	vadd.f32 v12, v29  }
0x164: {  	v21 =	vand.u32 $0x7FFFFFFF, v21;
	v9 =	vadd.f32 v9, v11;
	v17 =	vsub.f32 v17, v1  }
0x165: {  	v30 =	vld [tilespmem:s5+$0x110];
	v19 =	vand.u32 $0x7FFFFFFF, v19;
	v25 =	vsub.f32 v25, v0;
	v21 =	vadd.f32 v22, v21  }
0x166: {  	v31 =	vld [tilespmem:s5+$0xE0];
	v28 =	vand.u32 $0x7FFFFFFF, v28;
	v14 =	vadd.f32 v19, v14;
	v26 =	vsub.f32 v26, v3  }
0x167: {  	v11 =	vld [tilespmem:s5+$0xD0];
	v23 =	vand.u32 $0x7FFFFFFF, v23;
	v18 =	vand.u32 $0x7FFFFFFF, v18;
	v24 =	vsub.f32 v24, v7  }
0x168: {  	v29 =	vld [tilespmem:s5+$0x100];
	v22 =	vand.u32 $0x7FFFFFFF, v25;
	v14 =	vadd.f32 v20, v14;
	v18 =	vadd.f32 v18, v28  }
0x169: {  	v25 =	vld [tilespmem:s5+$0xC0];
	v15 =	vadd.f32 v21, v15;
	v19 =	vsub.f32 v27, v6;
	v26 =	vand.u32 $0x7FFFFFFF, v26  }
0x16a: {  	v27 =	vld [tilespmem:s5+$0xF0];
	v30 =	vsub.f32 v30, v5;
	v20 =	vadd.f32 v26, v23  }
0x16b: {  	v26 =	vsub.f32 v31, v2;
	v14 =	vadd.f32 v16, v14;
	v16 =	vand.u32 $0x7FFFFFFF, v17  }
0x16c: {  	v11 =	vsub.f32 v11, v1;
	v24 =	vand.u32 $0x7FFFFFFF, v24;
	v12 =	vadd.f32 v12, v18  }
0x16d: {  	v8 =	vadd.f32 v8, v15;
	v19 =	vand.u32 $0x7FFFFFFF, v19;
	v16 =	vadd.f32 v16, v22  }
0x16e: {  	v23 =	vand.u32 $0x7FFFFFFF, v30;
	v19 =	vadd.f32 v24, v19;
	v17 =	vsub.f32 v25, v0  }
0x16f: {  	v11 =	vand.u32 $0x7FFFFFFF, v11;
	v25 =	vsub.f32 v27, v3;
	v27 =	vsub.f32 v29, v4  }
0x170: {  	v22 =	vand.u32 $0x7FFFFFFF, v26;
	v9 =	vadd.f32 v9, v12;
	v17 =	vand.u32 $0x7FFFFFFF, v17  }
0x171: {  	v18 =	vand.u32 $0x7FFFFFFF, v27;
	v21 =	vand.u32 $0x7FFFFFFF, v25;
	v11 =	vadd.f32 v11, v17  }
0x172: {  	(xrf2) =	vadd.scan.msk.f32 $0xffff, v14;
	v18 =	vadd.f32 v23, v18;
	v12 =	vadd.f32 v21, v22  }
0x173: {  	v10 =	vadd.f32 v13, v10;
	v13 =	vadd.f32 v20, v16;
	(xrf2) =	vadd.scan.msk.f32 $0xffff, v8  }
0x174: {  	(xrf2) =	vadd.scan.msk.f32 $0xffff, v9;
	v8 =	vadd.f32 v19, v18;
	v9 =	vadd.f32 v12, v11  }
0x175: {  	v10 =	vadd.f32 v10, v13  }
0x176: {  	v8 =	vadd.f32 v8, v9  }
0x177: {  	(xrf2) =	vadd.scan.msk.f32 $0xffff, v10  }
0x178: {  	(xrf2) =	vadd.scan.msk.f32 $0xffff, v8;
	_ =	sdelay $0x5  }
0x179: {  	v8, _, _ =	vpop (xrf2)  }
0x17a: {  	(v2sf) =	vpush v8, $0xF;
	v8, _, _ =	vpop (xrf2)  }
0x17b: {  	(v2sf) =	vpush v8, $0xF;
	v8, _, _ =	vpop (xrf2)  }
0x17c: {  	(v2sf) =	vpush v8, $0xF;
	v8, _, _ =	vpop (xrf2)  }
0x17d: {  	(v2sf) =	vpush v8, $0xF;
	v8, _, _ =	vpop (xrf2)  }
0x17e: {  	s15 =	sld [smem:$0x7FD];
	(v2sf) =	vpush v8, $0xF;
	_ =	sdelay $0x2  }
0x17f: {  	p0 =	seq.s32 s15, $0x1  }
0x180: {  	s5 =	sadd.s32 @!p0 s23, s11  }
0x181: {  	s5 =	sshll.u32 @!p0 s5, $0x4  }
0x182: {  	s0 =	spop (v2sf);
	s6 =	simm.s32 @!p0 $0x0;
	s5 =	sand.u32 @!p0 $0x1FFFFFF0, s5  }
0x183: {  	s8 =	simm.s32 @!p0 $0x2580;
	s20 =	spop (v2sf);
	s5 =	sadd.s32 @!p0 s1, s5  }
0x184: {  	[tilespmem:s8], [sflag:$0x2] =	stream.linear.gather @!p0 [hbm4b:s5+s6], $0x2580, $0x38;
	[tilespmem:$0xBD00] =	vst v63  }
0x185: {  	s21 =	spop (v2sf)  }
0x186: {  	s17 =	spop (v2sf)  }
0x187: {  	s16 =	spop (v2sf)  }
0x188: {  	s15 =	spop (v2sf)  }
0x189: {  	s9 =	spop (v2sf)  }
0x18a: {  	s8 =	spop (v2sf)  }
0x18b: {  	s6 =	spop (v2sf)  }
0x18c: {  	_ =	swait.ge [sflag:s28], $0x2580  }
0x18d: {  	[sflag:s28] =	ssyncset.done $0x0  }
0x18e: {  	s5 =	simm.s32 $0x4C40;
	[sflag:s28] =	ssyncadd.s32 $0xFFFFDA80  }
0x18f: {  	v8 =	vld [tilespmem:s5+$0xB0]  }
0x190: {  	v9 =	vld [tilespmem:s5+$0xA0]  }
0x191: {  	v10 =	vld [tilespmem:s5+$0x90]  }
0x192: {  	v11 =	vld [tilespmem:s5+$0x80]  }
0x193: {  	v12 =	vld [tilespmem:s5+$0x30]  }
0x194: {  	v13 =	vld [tilespmem:s5+$0x20]  }
0x195: {  	v14 =	vld [tilespmem:s5+$0x10]  }
0x196: {  	v15 =	vld [tilespmem:s5+$0x0]  }
0x197: {  	v16 =	vld [tilespmem:s5+$0xFFFFFFF0]  }
0x198: {  	v17 =	vld [tilespmem:s5+$0xFFFFFFB0]  }
0x199: {  	v18 =	vld [tilespmem:s5+$0xFFFFFFA0]  }
0x19a: {  	v19 =	vld [tilespmem:s5+$0xFFFFFF90]  }
0x19b: {  	v20 =	vld [tilespmem:s5+$0xFFFFFF80]  }
0x19c: {  	v22 =	vld [tilespmem:s5+$0xFFFFFEC0]  }
0x19d: {  	v23 =	vld [tilespmem:s5+$0xFFFFFF30]  }
0x19e: {  	v24 =	vld [tilespmem:s5+$0xFFFFFF20];
	v8 =	vsub.f32 v8, v7;
	v10 =	vsub.f32 v10, v5  }
0x19f: {  	v25 =	vld [tilespmem:s5+$0xFFFFFF10];
	v11 =	vsub.f32 v11, v4;
	v9 =	vsub.f32 v9, v6  }
0x1a0: {  	v26 =	vld [tilespmem:s5+$0xFFFFFF00];
	v12 =	vsub.f32 v12, v7;
	v13 =	vsub.f32 v13, v6  }
0x1a1: {  	v28 =	vld [tilespmem:s5+$0xFFFFFF40];
	v14 =	vsub.f32 v14, v5;
	v15 =	vsub.f32 v15, v4  }
0x1a2: {  	v29 =	vld [tilespmem:s5+$0x50];
	v16 =	vsub.f32 v16, v3;
	v17 =	vsub.f32 v17, v7  }
0x1a3: {  	v18 =	vsub.f32 v18, v6;
	v19 =	vsub.f32 v19, v5  }
0x1a4: {  	v20 =	vsub.f32 v20, v4;
	v22 =	vsub.f32 v22, v0  }
0x1a5: {  	v23 =	vsub.f32 v23, v7;
	v24 =	vsub.f32 v24, v6  }
0x1a6: {  	v21 =	vld [tilespmem:s5+$0xFFFFFF70];
	v25 =	vsub.f32 v25, v5;
	v26 =	vsub.f32 v26, v4  }
0x1a7: {  	v28 =	vsub.f32 v28, v0;
	v29 =	vsub.f32 v29, v1;
	v10 =	vand.u32 $0x7FFFFFFF, v10  }
0x1a8: {  	v11 =	vand.u32 $0x7FFFFFFF, v11;
	v12 =	vand.u32 $0x7FFFFFFF, v12;
	v13 =	vand.u32 $0x7FFFFFFF, v13  }
0x1a9: {  	v27 =	vld [tilespmem:s5+$0xFFFFFEF0];
	v14 =	vand.u32 $0x7FFFFFFF, v14;
	v15 =	vand.u32 $0x7FFFFFFF, v15;
	v17 =	vand.u32 $0x7FFFFFFF, v17  }
0x1aa: {  	v30 =	vld [tilespmem:s5+$0x40];
	v18 =	vand.u32 $0x7FFFFFFF, v18;
	v20 =	vand.u32 $0x7FFFFFFF, v20;
	v19 =	vand.u32 $0x7FFFFFFF, v19  }
0x1ab: {  	v16 =	vand.u32 $0x7FFFFFFF, v16;
	v12 =	vadd.f32 v12, v13;
	v13 =	vsub.f32 v21, v3;
	v21 =	vld [tilespmem:s5+$0xFFFFFEE0]  }
0x1ac: {  	v23 =	vand.u32 $0x7FFFFFFF, v23;
	v24 =	vand.u32 $0x7FFFFFFF, v24;
	v17 =	vadd.f32 v17, v18;
	v18 =	vld [tilespmem:s5+$0xFFFFFED0]  }
0x1ad: {  	v9 =	vand.u32 $0x7FFFFFFF, v9;
	v14 =	vadd.f32 v14, v15;
	v19 =	vadd.f32 v19, v20;
	v20 =	vld [tilespmem:s5+$0xFFFFFF50]  }
0x1ae: {  	v8 =	vand.u32 $0x7FFFFFFF, v8;
	v15 =	vld [tilespmem:s5+$0xFFFFFF60];
	v10 =	vadd.f32 v10, v11;
	v11 =	vsub.f32 v27, v3  }
0x1af: {  	v25 =	vand.u32 $0x7FFFFFFF, v25;
	v27 =	vld [tilespmem:s5+$0xFFFFFFE0];
	v23 =	vadd.f32 v23, v24;
	v8 =	vadd.f32 v8, v9  }
0x1b0: {  	v17 =	vadd.f32 v17, v19;
	v19 =	vand.u32 $0x7FFFFFFF, v26;
	v26 =	vld [tilespmem:s5+$0xFFFFFFD0];
	v12 =	vadd.f32 v12, v14  }
0x1b1: {  	v22 =	vand.u32 $0x7FFFFFFF, v22;
	v24 =	vld [tilespmem:s5+$0xFFFFFFC0];
	v8 =	vadd.f32 v8, v10;
	v19 =	vadd.f32 v25, v19  }
0x1b2: {  	v11 =	vand.u32 $0x7FFFFFFF, v11;
	v25 =	vld [tilespmem:s5+$0x60];
	v21 =	vsub.f32 v21, v2;
	v20 =	vsub.f32 v20, v1  }
0x1b3: {  	v31 =	vld [tilespmem:s5+$0x100];
	v13 =	vand.u32 $0x7FFFFFFF, v13;
	v15 =	vsub.f32 v15, v2;
	v18 =	vsub.f32 v18, v1  }
0x1b4: {  	v9 =	vld [tilespmem:s5+$0x110];
	v27 =	vsub.f32 v27, v2;
	v19 =	vadd.f32 v23, v19;
	v23 =	vand.u32 $0x7FFFFFFF, v28  }
0x1b5: {  	v28 =	vld [tilespmem:s5+$0x70];
	v21 =	vand.u32 $0x7FFFFFFF, v21;
	v20 =	vand.u32 $0x7FFFFFFF, v20;
	v26 =	vsub.f32 v26, v1  }
0x1b6: {  	v27 =	vand.u32 $0x7FFFFFFF, v27;
	v11 =	vadd.f32 v11, v21;
	v20 =	vadd.f32 v20, v23;
	v21 =	vld [tilespmem:s5+$0x120]  }
0x1b7: {  	v15 =	vand.u32 $0x7FFFFFFF, v15;
	v23 =	vsub.f32 v24, v0;
	v24 =	vld [tilespmem:s5+$0x130];
	v25 =	vsub.f32 v25, v2  }
0x1b8: {  	v18 =	vand.u32 $0x7FFFFFFF, v18;
	v16 =	vadd.f32 v16, v27;
	v13 =	vadd.f32 v13, v15;
	v15 =	vld [tilespmem:s5+$0xE0]  }
0x1b9: {  	v27 =	vsub.f32 v30, v0;
	v14 =	vadd.f32 v18, v22;
	v18 =	vld [tilespmem:s5+$0xD0]  }
0x1ba: {  	v30 =	vld [tilespmem:s5+$0xF0];
	v26 =	vand.u32 $0x7FFFFFFF, v26;
	v28 =	vsub.f32 v28, v3;
	v23 =	vand.u32 $0x7FFFFFFF, v23  }
0x1bb: {  	v22 =	vand.u32 $0x7FFFFFFF, v25;
	v25 =	vld [tilespmem:s5+$0xC0];
	v11 =	vadd.f32 v11, v14;
	s5 =	simm.s32 $0x4EC0;
	v20 =	vadd.f32 v13, v20  }
0x1bc: {  	v9 =	vsub.f32 v9, v5;
	v10 =	vld [tilespmem:s5+$0xB0];
	v14 =	vadd.f32 v26, v23  }
0x1bd: {  	v26 =	vld [tilespmem:s5+$0xA0];
	v28 =	vand.u32 $0x7FFFFFFF, v28;
	v11 =	vadd.f32 v19, v11;
	v17 =	vadd.f32 v17, v20  }
0x1be: {  	v21 =	vsub.f32 v21, v6;
	v22 =	vadd.f32 v28, v22;
	v28 =	vld [tilespmem:s5+$0x80]  }
0x1bf: {  	v23 =	vand.u32 $0x7FFFFFFF, v27;
	v24 =	vsub.f32 v24, v7;
	v27 =	vsub.f32 v30, v3;
	v30 =	vld [tilespmem:s5+$0x20]  }
0x1c0: {  	v15 =	vsub.f32 v15, v2;
	v14 =	vadd.f32 v16, v14;
	(xrf2) =	vadd.scan.msk.f32 $0xffff, v11;
	v11 =	vld [tilespmem:s5+$0x30]  }
0x1c1: {  	v18 =	vsub.f32 v18, v1;
	v19 =	vand.u32 $0x7FFFFFFF, v21;
	v21 =	vld [tilespmem:s5+$0x90];
	v25 =	vsub.f32 v25, v0  }
0x1c2: {  	v24 =	vand.u32 $0x7FFFFFFF, v24;
	v20 =	vand.u32 $0x7FFFFFFF, v27;
	v27 =	vld [tilespmem:s5+$0xFFFFFFA0];
	v12 =	vadd.f32 v12, v14  }
0x1c3: {  	s3 =	smov.u32 @p1 s7;
	v29 =	vand.u32 $0x7FFFFFFF, v29;
	(xrf2) =	vadd.scan.msk.f32 $0xffff, v17;
	v17 =	vld [tilespmem:s5+$0xFFFFFF80];
	v19 =	vadd.f32 v24, v19;
	v24 =	vsub.f32 v31, v4  }
0x1c4: {  	p2 =	slt.f32 s0, s3;
	v9 =	vand.u32 $0x7FFFFFFF, v9;
	v13 =	vsub.f32 v10, v7;
	v10 =	vadd.f32 v29, v23;
	v23 =	vld [tilespmem:s5+$0x10]  }
0x1c5: {  	v26 =	vsub.f32 v26, v6;
	v16 =	vand.u32 $0x7FFFFFFF, v24;
	v24 =	vld [tilespmem:s5+$0x0];
	v28 =	vsub.f32 v28, v4  }
0x1c6: {  	s3 =	smov.u32 @p2 s0;
	v10 =	vadd.f32 v22, v10;
	v22 =	vand.u32 $0x7FFFFFFF, v25;
	v25 =	vld [tilespmem:s5+$0xFFFFFFB0];
	v29 =	vsub.f32 v30, v6  }
0x1c7: {  	p3 =	slt.f32 s20, s3;
	v30 =	vld [tilespmem:s5+$0xFFFFFFE0];
	v9 =	vadd.f32 v9, v16;
	v11 =	vsub.f32 v11, v7  }
0x1c8: {  	v16 =	vand.u32 $0x7FFFFFFF, v18;
	v18 =	vld [tilespmem:s5+$0xFFFFFFF0];
	v21 =	vsub.f32 v21, v5;
	v8 =	vadd.f32 v8, v10  }
0x1c9: {  	s3 =	smov.u32 @p3 s20;
	v16 =	vadd.f32 v16, v22;
	v17 =	vsub.f32 v17, v4  }
0x1ca: {  	p4 =	slt.f32 s21, s3;
	v19 =	vadd.f32 v19, v9;
	v9 =	vand.u32 $0x7FFFFFFF, v15;
	v15 =	vld [tilespmem:s5+$0xFFFFFF90];
	v23 =	vsub.f32 v23, v5  }
0x1cb: {  	v14 =	vld [tilespmem:s5+$0xFFFFFF70];
	v10 =	vand.u32 $0x7FFFFFFF, v21;
	v9 =	vadd.f32 v20, v9;
	v21 =	vsub.f32 v24, v4  }
0x1cc: {  	s3 =	smov.u32 @p4 s21;
	v22 =	vld [tilespmem:s5+$0xFFFFFF30];
	v20 =	vand.u32 $0x7FFFFFFF, v29;
	v25 =	vsub.f32 v25, v7;
	v30 =	vsub.f32 v30, v2;
	v24, _, _ =	vpop (xrf2);
	(xrf2) =	vadd.scan.msk.f32 $0xffff, v12  }
0x1cd: {  	p5 =	slt.f32 s17, s3;
	v29 =	vld [tilespmem:s5+$0xFFFFFEC0];
	v18 =	vsub.f32 v18, v3;
	v12 =	vand.u32 $0x7FFFFFFF, v23;
	v23 =	vsub.f32 v27, v6  }
0x1ce: {  	v11 =	vand.u32 $0x7FFFFFFF, v11;
	v16 =	vadd.f32 v9, v16;
	(v2sf) =	vpush v24, $0xF  }
0x1cf: {  	s3 =	smov.u32 @p5 s17;
	v17 =	vand.u32 $0x7FFFFFFF, v17;
	v27 =	vld [tilespmem:s5+$0xFFFFFF10];
	v9 =	vadd.f32 v11, v20;
	v15 =	vsub.f32 v15, v5  }
0x1d0: {  	p6 =	slt.f32 s16, s3;
	v20 =	vsub.f32 v14, v3;
	v21 =	vand.u32 $0x7FFFFFFF, v21;
	v24 =	vld [tilespmem:s5+$0xFFFFFF20];
	(xrf2) =	vadd.scan.msk.f32 $0xffff, v8;
	v14 =	vadd.f32 v19, v16  }
0x1d1: {  	v25 =	vand.u32 $0x7FFFFFFF, v25;
	v8 =	vld [tilespmem:s5+$0xFFFFFF00];
	v22 =	vsub.f32 v22, v7;
	v15 =	vand.u32 $0x7FFFFFFF, v15  }
0x1d2: {  	s3 =	smov.u32 @p6 s16;
	v11 =	vand.u32 $0x7FFFFFFF, v23;
	v19 =	vld [tilespmem:s5+$0xFFFFFEF0];
	v16 =	vsub.f32 v29, v0;
	(xrf2) =	vadd.scan.msk.f32 $0xffff, v14;
	v15 =	vadd.f32 v15, v17  }
0x1d3: {  	s20 =	sadd.s32 s2, s18;
	p0 =	slt.f32 s15, s3;
	v23 =	vadd.f32 v25, v11;
	v25 =	vld [tilespmem:s5+$0xFFFFFEE0];
	v11 =	vadd.f32 v12, v21;
	v12 =	vand.u32 $0x7FFFFFFF, v18;
	v17, _, _ =	vpop (xrf2)  }
0x1d4: {  	s2 =	sadd.s32 $0xFA4B, s20;
	v14 =	vand.u32 $0x7FFFFFFF, v28;
	v18 =	vsub.f32 v27, v5;
	v27 =	vld [tilespmem:s5+$0xFFFFFF50];
	(v2sf) =	vpush v17, $0xF  }
0x1d5: {  	s19 =	smov.u32 @p1 s2;
	s2 =	sadd.s32 $0xFA4C, s20;
	s3 =	smov.u32 @p0 s15;
	v31 =	vand.u32 $0x7FFFFFFF, v26;
	v10 =	vadd.f32 v10, v14;
	v21 =	vsub.f32 v24, v6;
	v24 =	vld [tilespmem:s5+$0xFFFFFF60]  }
0x1d6: {  	s19 =	smov.u32 @p2 s2;
	s2 =	sadd.s32 $0xFA4D, s20;
	p1 =	slt.f32 s9, s3;
	v28 =	vld [tilespmem:s5+$0xFFFFFED0];
	v17 =	vand.u32 $0x7FFFFFFF, v22;
	v22 =	vsub.f32 v8, v4;
	v8 =	vadd.f32 v23, v15;
	v15, _, _ =	vpop (xrf2)  }
0x1d7: {  	s0 =	sadd.s32 $0xFA4F, s20;
	s19 =	smov.u32 @p3 s2;
	v29 =	vld [tilespmem:s5+$0xFFFFFF40];
	v19 =	vsub.f32 v19, v3;
	v14 =	vand.u32 $0x7FFFFFFF, v21;
	(v2sf) =	vpush v15, $0xF  }
0x1d8: {  	s2 =	sadd.s32 $0xFA4E, s20;
	s21 =	sadd.s32 s31, s18;
	s3 =	smov.u32 @p1 s9;
	v32 =	vld [tilespmem:s5+$0xFFFFFFC0];
	v18 =	vand.u32 $0x7FFFFFFF, v18;
	v21 =	vand.u32 $0x7FFFFFFF, v22;
	v26 =	vadd.f32 v17, v14  }
0x1d9: {  	s31 =	simm.s32 $0x5;
	s19 =	smov.u32 @p4 s2;
	p2 =	slt.f32 s8, s3;
	v23 =	vld [tilespmem:s5+$0x60];
	v14 =	vand.u32 $0x7FFFFFFF, v16;
	v16 =	vsub.f32 v25, v2;
	v25 =	vsub.f32 v27, v1  }
0x1da: {  	s2 =	simm.s32 $0x0;
	s19 =	smov.u32 @p5 s0;
	s0 =	sadd.s32 $0xFA4B, s21;
	v13 =	vand.u32 $0x7FFFFFFF, v13;
	v17 =	vld [tilespmem:s5+$0x50];
	v15 =	vadd.f32 v18, v21;
	v21 =	vsub.f32 v24, v2;
	v22, _, _ =	vpop (xrf2)  }
0x1db: {  	s19 =	smov.u32 @p6 s0;
	s0 =	sadd.s32 $0xFA4C, s21;
	s3 =	smov.u32 @p2 s8;
	v18 =	vld [tilespmem:s5+$0xFFFFFFD0];
	v24 =	vand.u32 $0x7FFFFFFF, v19;
	v19 =	vsub.f32 v28, v1;
	(v2sf) =	vpush v22, $0xF  }
0x1dc: {  	s19 =	smov.u32 @p0 s0;
	s0 =	sadd.s32 $0xFA4D, s21;
	p0 =	slt.f32 s6, s3;
	v28 =	vsub.f32 v29, v0;
	v29 =	vand.u32 $0x7FFFFFFF, v25;
	v22 =	vand.u32 $0x7FFFFFFF, v20;
	v25 =	vld [tilespmem:s5+$0x40];
	v20, _, _ =	vpop (xrf2)  }
0x1dd: {  	s19 =	smov.u32 @p1 s0;
	s0 =	sadd.s32 $0xFA4E, s21;
	v27 =	vand.u32 $0x7FFFFFFF, v16;
	v16 =	vadd.f32 v26, v15;
	v26 =	vld [tilespmem:s5+$0x70];
	s7 =	spop (v2sf);
	(v2sf) =	vpush v20, $0xF  }
0x1de: {  	s19 =	smov.u32 @p2 s0;
	s0 =	sadd.s32 $0xFA4F, s21;
	s3 =	smov.u32 @p0 s6;
	v13 =	vadd.f32 v13, v31;
	v15 =	vand.u32 $0x7FFFFFFF, v28;
	v20 =	vadd.f32 v24, v27;
	v24 =	vld [tilespmem:s5+$0x130]  }
0x1df: {  	s19 =	smov.u32 @p0 s0;
	s6 =	simm.s32 $0xA;
	v28 =	vsub.f32 v32, v0;
	v15 =	vadd.f32 v29, v15;
	v29 =	vand.u32 $0x7FFFFFFF, v30;
	v27 =	vld [tilespmem:s5+$0x120];
	p1 =	slt.f32 s7, s3  }
.LBB2_7:
0x1e0: {  	p2 =	sne.s32 s6, $0x46;
	v21 =	vand.u32 $0x7FFFFFFF, v21;
	v18 =	vsub.f32 v18, v1;
	v23 =	vsub.f32 v23, v2;
	v30 =	vld [tilespmem:s5+$0x110];
	s0 =	smov.u32 s6;
	s6 =	sadd.s32 $0x5, s6  }
0x1e1: {  	v12 =	vadd.f32 v12, v29;
	v28 =	vand.u32 $0x7FFFFFFF, v28;
	v25 =	vsub.f32 v25, v0;
	v29 =	vld [tilespmem:s5+$0x100]  }
0x1e2: {  	v19 =	vand.u32 $0x7FFFFFFF, v19;
	v23 =	vand.u32 $0x7FFFFFFF, v23;
	v26 =	vsub.f32 v26, v3;
	v31 =	vld [tilespmem:s5+$0xF0]  }
0x1e3: {  	v9 =	vadd.f32 v9, v11;
	s3 =	smov.u32 @p1 s7;
	v21 =	vadd.f32 v22, v21;
	v11 =	vand.u32 $0x7FFFFFFF, v25;
	v22 =	vld [tilespmem:s5+$0xE0];
	s7 =	spop (v2sf)  }
0x1e4: {  	v14 =	vadd.f32 v19, v14;
	v19 =	vand.u32 $0x7FFFFFFF, v26;
	v25 =	vld [tilespmem:s5+$0xD0];
	v26 =	vsub.f32 v27, v6;
	p3 =	slt.f32 s7, s3  }
0x1e5: {  	v24 =	vsub.f32 v24, v7;
	v27 =	vld [tilespmem:s5+$0xC0];
	v30 =	vsub.f32 v30, v5  }
0x1e6: {  	v17 =	vsub.f32 v17, v1;
	v18 =	vand.u32 $0x7FFFFFFF, v18;
	v19 =	vadd.f32 v19, v23;
	s3 =	smov.u32 @p3 s7;
	s7 =	spop (v2sf)  }
0x1e7: {  	v10 =	vadd.f32 v13, v10;
	v14 =	vadd.f32 v20, v14;
	s5 =	sadd.s32 $0x280, s5;
	v20 =	vand.u32 $0x7FFFFFFF, v30;
	p0 =	slt.f32 s7, s3  }
0x1e8: {  	v18 =	vadd.f32 v18, v28;
	v23 =	vand.u32 $0x7FFFFFFF, v26;
	v13 =	vld [tilespmem:s5+$0xB0];
	v22 =	vsub.f32 v22, v2  }
0x1e9: {  	v14 =	vadd.f32 v16, v14;
	v16 =	vand.u32 $0x7FFFFFFF, v17;
	v26 =	vld [tilespmem:s5+$0xA0];
	v17 =	vsub.f32 v25, v1  }
0x1ea: {  	s8 =	sadd.s32 s2, s18;
	v24 =	vand.u32 $0x7FFFFFFF, v24;
	v28 =	vsub.f32 v31, v3;
	s3 =	smov.u32 @p0 s7;
	v25 =	vld [tilespmem:s5+$0x90];
	v27 =	vsub.f32 v27, v0;
	s7 =	spop (v2sf)  }
0x1eb: {  	s2 =	smov.u32 s31;
	s9 =	sadd.s32 $0xFA96, s8;
	v15 =	vadd.f32 v21, v15;
	v21 =	vadd.f32 v24, v23;
	v30 =	vld [tilespmem:s5+$0x80];
	v17 =	vand.u32 $0x7FFFFFFF, v17;
	(xrf2) =	vadd.scan.msk.f32 $0xffff, v14;
	p4 =	slt.f32 s7, s3  }
0x1ec: {  	s19 =	smov.u32 @p1 s9;
	s9 =	sadd.s32 $0xFA97, s8;
	v24 =	vand.u32 $0x7FFFFFFF, v28;
	v14 =	vld [tilespmem:s5+$0x30];
	v23 =	vand.u32 $0x7FFFFFFF, v27;
	v27 =	vsub.f32 v29, v4;
	s15 =	spop (v2sf)  }
0x1ed: {  	v11 =	vadd.f32 v16, v11;
	s19 =	smov.u32 @p3 s9;
	s9 =	sadd.s32 $0xFA98, s8;
	v16 =	vand.u32 $0x7FFFFFFF, v22;
	v28 =	vld [tilespmem:s5+$0x20];
	v13 =	vsub.f32 v13, v7;
	s3 =	smov.u32 @p4 s7  }
0x1ee: {  	v12 =	vadd.f32 v12, v18;
	s19 =	smov.u32 @p0 s9;
	s7 =	sadd.s32 $0xFA99, s8;
	v22 =	vld [tilespmem:s5+$0x10];
	v26 =	vsub.f32 v26, v6;
	v18 =	vand.u32 $0x7FFFFFFF, v27;
	p0 =	slt.f32 s15, s3  }
0x1ef: {  	s31 =	smov.u32 s0;
	s19 =	smov.u32 @p4 s7;
	s7 =	sadd.s32 $0xFA9A, s8;
	v27 =	vld [tilespmem:s5+$0x0];
	v25 =	vsub.f32 v25, v5;
	v18 =	vadd.f32 v20, v18  }
0x1f0: {  	v11 =	vadd.f32 v19, v11;
	v20 =	vld [tilespmem:s5+$0xFFFFFFF0];
	v29 =	vsub.f32 v30, v4;
	s3 =	smov.u32 @p0 s15;
	s19 =	smov.u32 @p0 s7  }
0x1f1: {  	v8 =	vadd.f32 v8, v15;
	v19 =	vld [tilespmem:s5+$0xFFFFFFB0];
	v14 =	vsub.f32 v14, v7;
	v25 =	vand.u32 $0x7FFFFFFF, v25  }
0x1f2: {  	v18 =	vadd.f32 v21, v18;
	v15 =	vld [tilespmem:s5+$0xFFFFFFA0];
	v28 =	vsub.f32 v28, v6;
	v29 =	vand.u32 $0x7FFFFFFF, v29  }
0x1f3: {  	v10 =	vadd.f32 v10, v11;
	v21 =	vld [tilespmem:s5+$0xFFFFFF90];
	v30 =	vsub.f32 v22, v5;
	v14 =	vand.u32 $0x7FFFFFFF, v14;
	(xrf2) =	vadd.scan.msk.f32 $0xffff, v8  }
0x1f4: {  	v9 =	vadd.f32 v9, v12;
	v8 =	vld [tilespmem:s5+$0xFFFFFF80];
	v11 =	vsub.f32 v27, v4;
	v27 =	vand.u32 $0x7FFFFFFF, v28  }
0x1f5: {  	v16 =	vadd.f32 v24, v16;
	v28 =	vld [tilespmem:s5+$0xFFFFFF70];
	v12 =	vsub.f32 v20, v3;
	v20 =	vand.u32 $0x7FFFFFFF, v30;
	v22, _, _ =	vpop (xrf2)  }
0x1f6: {  	v17 =	vadd.f32 v17, v23;
	v24 =	vld [tilespmem:s5+$0xFFFFFEC0];
	v19 =	vsub.f32 v19, v7;
	v11 =	vand.u32 $0x7FFFFFFF, v11;
	(xrf2) =	vadd.scan.msk.f32 $0xffff, v9  }
0x1f7: {  	v23 =	vld [tilespmem:s5+$0xFFFFFF30];
	v15 =	vsub.f32 v15, v6;
	v12 =	vand.u32 $0x7FFFFFFF, v12;
	(v2sf) =	vpush v22, $0xF  }
0x1f8: {  	v16 =	vadd.f32 v16, v17;
	v22 =	vld [tilespmem:s5+$0xFFFFFF20];
	v21 =	vsub.f32 v21, v5  }
0x1f9: {  	v9 =	vadd.f32 v14, v27;
	v19 =	vand.u32 $0x7FFFFFFF, v19;
	v17 =	vld [tilespmem:s5+$0xFFFFFF10];
	v8 =	vsub.f32 v8, v4;
	(xrf2) =	vadd.scan.msk.f32 $0xffff, v10  }
0x1fa: {  	v14 =	vand.u32 $0x7FFFFFFF, v15;
	v15 =	vadd.f32 v18, v16;
	v10 =	vld [tilespmem:s5+$0xFFFFFF00];
	v27 =	vsub.f32 v28, v3  }
0x1fb: {  	v14 =	vadd.f32 v19, v14;
	v16 =	vsub.f32 v24, v0;
	v18 =	vld [tilespmem:s5+$0xFFFFFEF0];
	v8 =	vand.u32 $0x7FFFFFFF, v8  }
0x1fc: {  	v11 =	vadd.f32 v20, v11;
	v24 =	vand.u32 $0x7FFFFFFF, v21;
	v19 =	vld [tilespmem:s5+$0xFFFFFEE0];
	v23 =	vsub.f32 v23, v7;
	(xrf2) =	vadd.scan.msk.f32 $0xffff, v15  }
0x1fd: {  	v30 =	vand.u32 $0x7FFFFFFF, v26;
	v8 =	vadd.f32 v24, v8;
	v15 =	vld [tilespmem:s5+$0xFFFFFED0];
	v20 =	vsub.f32 v22, v6;
	v21, _, _ =	vpop (xrf2)  }
0x1fe: {  	v17 =	vsub.f32 v17, v5;
	v22 =	vand.u32 $0x7FFFFFFF, v23;
	v23 =	vld [tilespmem:s5+$0xFFFFFF60];
	(v2sf) =	vpush v21, $0xF  }
0x1ff: {  	v21 =	vsub.f32 v10, v4;
	v20 =	vand.u32 $0x7FFFFFFF, v20;
	v24 =	vld [tilespmem:s5+$0xFFFFFF50];
	v10 =	vadd.f32 v25, v29  }
0x200: {  	v8 =	vadd.f32 v14, v8;
	v25 =	vsub.f32 v18, v3;
	v26 =	vld [tilespmem:s5+$0xFFFFFF40];
	v14, _, _ =	vpop (xrf2)  }
0x201: {  	v17 =	vand.u32 $0x7FFFFFFF, v17;
	v18 =	vand.u32 $0x7FFFFFFF, v21;
	v28 =	vld [tilespmem:s5+$0xFFFFFFE0];
	(v2sf) =	vpush v14, $0xF  }
0x202: {  	v20 =	vadd.f32 v22, v20;
	v14 =	vand.u32 $0x7FFFFFFF, v16;
	v16 =	vadd.f32 v17, v18;
	v18 =	vld [tilespmem:s5+$0xFFFFFFD0]  }
0x203: {  	v17 =	vsub.f32 v19, v2;
	v29 =	vand.u32 $0x7FFFFFFF, v25;
	v21 =	vsub.f32 v23, v2;
	v31 =	vld [tilespmem:s5+$0xFFFFFFC0];
	v22, _, _ =	vpop (xrf2)  }
0x204: {  	v19 =	vsub.f32 v15, v1;
	v15 =	vsub.f32 v24, v1;
	v23 =	vld [tilespmem:s5+$0x60]  }
.Ltmp4:
0x205: {  	v24 =	vand.u32 $0x7FFFFFFF, v17;
	v26 =	vsub.f32 v26, v0;
	v17 =	vld [tilespmem:s5+$0x50];
	(v2sf) =	vpush v22, $0xF;
	(pc) =	sbr.rel @p2 .LBB2_7-.Ltmp4, $4  }
0x206: {  	v22 =	vand.u32 $0x7FFFFFFF, v27;
	v15 =	vand.u32 $0x7FFFFFFF, v15;
	v27 =	vsub.f32 v28, v2;
	v25 =	vld [tilespmem:s5+$0x40];
	s7 =	spop (v2sf);
	v28, _, _ =	vpop (xrf2)  }
0x207: {  	v16 =	vadd.f32 v20, v16;
	v32 =	vand.u32 $0x7FFFFFFF, v26;
	v26 =	vld [tilespmem:s5+$0x70];
	p1 =	slt.f32 s7, s3;
	(v2sf) =	vpush v28, $0xF  }
0x208: {  	v13 =	vand.u32 $0x7FFFFFFF, v13;
	v20 =	vadd.f32 v29, v24;
	v15 =	vadd.f32 v15, v32;
	v24 =	vld [tilespmem:s5+$0x130]  }
0x209: {  	v13 =	vadd.f32 v13, v30;
	v28 =	vsub.f32 v31, v0;
	v29 =	vand.u32 $0x7FFFFFFF, v27;
	v27 =	vld [tilespmem:s5+$0x120]  }
0x20a: {  	v18 =	vsub.f32 v18, v1  }
0x20b: {  	v23 =	vsub.f32 v23, v2;
	v12 =	vadd.f32 v12, v29  }
0x20c: {  	v21 =	vand.u32 $0x7FFFFFFF, v21;
	v9 =	vadd.f32 v9, v11;
	v17 =	vsub.f32 v17, v1  }
0x20d: {  	v30 =	vld [tilespmem:s5+$0x110];
	v19 =	vand.u32 $0x7FFFFFFF, v19;
	v25 =	vsub.f32 v25, v0;
	v21 =	vadd.f32 v22, v21  }
0x20e: {  	v31 =	vld [tilespmem:s5+$0xE0];
	v28 =	vand.u32 $0x7FFFFFFF, v28;
	v14 =	vadd.f32 v19, v14;
	v26 =	vsub.f32 v26, v3  }
0x20f: {  	v11 =	vld [tilespmem:s5+$0xD0];
	v23 =	vand.u32 $0x7FFFFFFF, v23;
	v18 =	vand.u32 $0x7FFFFFFF, v18;
	v24 =	vsub.f32 v24, v7  }
0x210: {  	v29 =	vld [tilespmem:s5+$0x100];
	v22 =	vand.u32 $0x7FFFFFFF, v25;
	v14 =	vadd.f32 v20, v14;
	v18 =	vadd.f32 v18, v28  }
0x211: {  	v25 =	vld [tilespmem:s5+$0xC0];
	v15 =	vadd.f32 v21, v15;
	v19 =	vsub.f32 v27, v6;
	v26 =	vand.u32 $0x7FFFFFFF, v26  }
0x212: {  	v27 =	vld [tilespmem:s5+$0xF0];
	v30 =	vsub.f32 v30, v5;
	v20 =	vadd.f32 v26, v23  }
0x213: {  	v26 =	vsub.f32 v31, v2;
	v14 =	vadd.f32 v16, v14;
	v16 =	vand.u32 $0x7FFFFFFF, v17  }
0x214: {  	v11 =	vsub.f32 v11, v1;
	v24 =	vand.u32 $0x7FFFFFFF, v24;
	v12 =	vadd.f32 v12, v18  }
0x215: {  	v8 =	vadd.f32 v8, v15;
	v19 =	vand.u32 $0x7FFFFFFF, v19;
	v16 =	vadd.f32 v16, v22  }
0x216: {  	v23 =	vand.u32 $0x7FFFFFFF, v30;
	v19 =	vadd.f32 v24, v19;
	v17 =	vsub.f32 v25, v0  }
0x217: {  	v11 =	vand.u32 $0x7FFFFFFF, v11;
	v25 =	vsub.f32 v27, v3;
	v27 =	vsub.f32 v29, v4  }
0x218: {  	v22 =	vand.u32 $0x7FFFFFFF, v26;
	v9 =	vadd.f32 v9, v12;
	v17 =	vand.u32 $0x7FFFFFFF, v17  }
0x219: {  	v18 =	vand.u32 $0x7FFFFFFF, v27;
	v21 =	vand.u32 $0x7FFFFFFF, v25;
	v11 =	vadd.f32 v11, v17  }
0x21a: {  	(xrf2) =	vadd.scan.msk.f32 $0xffff, v14;
	v18 =	vadd.f32 v23, v18;
	v12 =	vadd.f32 v21, v22  }
0x21b: {  	v10 =	vadd.f32 v13, v10;
	v13 =	vadd.f32 v20, v16;
	(xrf2) =	vadd.scan.msk.f32 $0xffff, v8  }
0x21c: {  	(xrf2) =	vadd.scan.msk.f32 $0xffff, v9;
	v8 =	vadd.f32 v19, v18;
	v9 =	vadd.f32 v12, v11  }
0x21d: {  	v10 =	vadd.f32 v10, v13  }
0x21e: {  	v8 =	vadd.f32 v8, v9  }
0x21f: {  	(xrf2) =	vadd.scan.msk.f32 $0xffff, v10  }
0x220: {  	(xrf2) =	vadd.scan.msk.f32 $0xffff, v8;
	_ =	sdelay $0x5  }
0x221: {  	v8, _, _ =	vpop (xrf2)  }
0x222: {  	(v2sf) =	vpush v8, $0xF;
	v8, _, _ =	vpop (xrf2)  }
0x223: {  	(v2sf) =	vpush v8, $0xF;
	v8, _, _ =	vpop (xrf2)  }
0x224: {  	(v2sf) =	vpush v8, $0xF;
	v8, _, _ =	vpop (xrf2)  }
0x225: {  	(v2sf) =	vpush v8, $0xF;
	v8, _, _ =	vpop (xrf2)  }
0x226: {  	s15 =	sld [smem:$0x7FD];
	(v2sf) =	vpush v8, $0xF;
	_ =	sdelay $0x2  }
0x227: {  	p0 =	seq.s32 s15, $0x1  }
0x228: {  	s5 =	sadd.s32 @!p0 s23, s12  }
0x229: {  	s5 =	sshll.u32 @!p0 s5, $0x4  }
0x22a: {  	s0 =	spop (v2sf);
	s6 =	simm.s32 @!p0 $0x0;
	s5 =	sand.u32 @!p0 $0x1FFFFFF0, s5  }
0x22b: {  	s8 =	simm.s32 @!p0 $0x4B00;
	s20 =	spop (v2sf);
	s5 =	sadd.s32 @!p0 s1, s5  }
0x22c: {  	[tilespmem:s8], [sflag:$0x3] =	stream.linear.gather @!p0 [hbm4b:s5+s6], $0x2580, $0x38;
	[tilespmem:$0xBD00] =	vst v63  }
0x22d: {  	s21 =	spop (v2sf)  }
0x22e: {  	s17 =	spop (v2sf)  }
0x22f: {  	s16 =	spop (v2sf)  }
0x230: {  	s15 =	spop (v2sf)  }
0x231: {  	s9 =	spop (v2sf)  }
0x232: {  	s8 =	spop (v2sf)  }
0x233: {  	s6 =	spop (v2sf)  }
0x234: {  	_ =	swait.ge [sflag:s29], $0x2580  }
0x235: {  	[sflag:s29] =	ssyncset.done $0x0  }
0x236: {  	s5 =	simm.s32 $0x71C0;
	[sflag:s29] =	ssyncadd.s32 $0xFFFFDA80  }
0x237: {  	v8 =	vld [tilespmem:s5+$0xB0]  }
0x238: {  	v9 =	vld [tilespmem:s5+$0xA0]  }
0x239: {  	v10 =	vld [tilespmem:s5+$0x90]  }
0x23a: {  	v11 =	vld [tilespmem:s5+$0x80]  }
0x23b: {  	v12 =	vld [tilespmem:s5+$0x30]  }
0x23c: {  	v13 =	vld [tilespmem:s5+$0x20]  }
0x23d: {  	v14 =	vld [tilespmem:s5+$0x10]  }
0x23e: {  	v15 =	vld [tilespmem:s5+$0x0]  }
0x23f: {  	v16 =	vld [tilespmem:s5+$0xFFFFFFF0]  }
0x240: {  	v17 =	vld [tilespmem:s5+$0xFFFFFFB0]  }
0x241: {  	v18 =	vld [tilespmem:s5+$0xFFFFFFA0]  }
0x242: {  	v19 =	vld [tilespmem:s5+$0xFFFFFF90]  }
0x243: {  	v20 =	vld [tilespmem:s5+$0xFFFFFF80]  }
0x244: {  	v22 =	vld [tilespmem:s5+$0xFFFFFEC0]  }
0x245: {  	v23 =	vld [tilespmem:s5+$0xFFFFFF30]  }
0x246: {  	v24 =	vld [tilespmem:s5+$0xFFFFFF20];
	v8 =	vsub.f32 v8, v7;
	v10 =	vsub.f32 v10, v5  }
0x247: {  	v25 =	vld [tilespmem:s5+$0xFFFFFF10];
	v11 =	vsub.f32 v11, v4;
	v9 =	vsub.f32 v9, v6  }
0x248: {  	v26 =	vld [tilespmem:s5+$0xFFFFFF00];
	v12 =	vsub.f32 v12, v7;
	v13 =	vsub.f32 v13, v6  }
0x249: {  	v28 =	vld [tilespmem:s5+$0xFFFFFF40];
	v14 =	vsub.f32 v14, v5;
	v15 =	vsub.f32 v15, v4  }
0x24a: {  	v29 =	vld [tilespmem:s5+$0x50];
	v16 =	vsub.f32 v16, v3;
	v17 =	vsub.f32 v17, v7  }
0x24b: {  	v18 =	vsub.f32 v18, v6;
	v19 =	vsub.f32 v19, v5  }
0x24c: {  	v20 =	vsub.f32 v20, v4;
	v22 =	vsub.f32 v22, v0  }
0x24d: {  	v23 =	vsub.f32 v23, v7;
	v24 =	vsub.f32 v24, v6  }
0x24e: {  	v21 =	vld [tilespmem:s5+$0xFFFFFF70];
	v25 =	vsub.f32 v25, v5;
	v26 =	vsub.f32 v26, v4  }
0x24f: {  	v28 =	vsub.f32 v28, v0;
	v29 =	vsub.f32 v29, v1;
	v10 =	vand.u32 $0x7FFFFFFF, v10  }
0x250: {  	v11 =	vand.u32 $0x7FFFFFFF, v11;
	v12 =	vand.u32 $0x7FFFFFFF, v12;
	v13 =	vand.u32 $0x7FFFFFFF, v13  }
0x251: {  	v27 =	vld [tilespmem:s5+$0xFFFFFEF0];
	v14 =	vand.u32 $0x7FFFFFFF, v14;
	v15 =	vand.u32 $0x7FFFFFFF, v15;
	v17 =	vand.u32 $0x7FFFFFFF, v17  }
0x252: {  	v30 =	vld [tilespmem:s5+$0x40];
	v18 =	vand.u32 $0x7FFFFFFF, v18;
	v20 =	vand.u32 $0x7FFFFFFF, v20;
	v19 =	vand.u32 $0x7FFFFFFF, v19  }
0x253: {  	v16 =	vand.u32 $0x7FFFFFFF, v16;
	v12 =	vadd.f32 v12, v13;
	v13 =	vsub.f32 v21, v3;
	v21 =	vld [tilespmem:s5+$0xFFFFFEE0]  }
0x254: {  	v23 =	vand.u32 $0x7FFFFFFF, v23;
	v24 =	vand.u32 $0x7FFFFFFF, v24;
	v17 =	vadd.f32 v17, v18;
	v18 =	vld [tilespmem:s5+$0xFFFFFED0]  }
0x255: {  	v9 =	vand.u32 $0x7FFFFFFF, v9;
	v14 =	vadd.f32 v14, v15;
	v19 =	vadd.f32 v19, v20;
	v20 =	vld [tilespmem:s5+$0xFFFFFF50]  }
0x256: {  	v8 =	vand.u32 $0x7FFFFFFF, v8;
	v15 =	vld [tilespmem:s5+$0xFFFFFF60];
	v10 =	vadd.f32 v10, v11;
	v11 =	vsub.f32 v27, v3  }
0x257: {  	v25 =	vand.u32 $0x7FFFFFFF, v25;
	v27 =	vld [tilespmem:s5+$0xFFFFFFE0];
	v23 =	vadd.f32 v23, v24;
	v8 =	vadd.f32 v8, v9  }
0x258: {  	v17 =	vadd.f32 v17, v19;
	v19 =	vand.u32 $0x7FFFFFFF, v26;
	v26 =	vld [tilespmem:s5+$0xFFFFFFD0];
	v12 =	vadd.f32 v12, v14  }
0x259: {  	v22 =	vand.u32 $0x7FFFFFFF, v22;
	v24 =	vld [tilespmem:s5+$0xFFFFFFC0];
	v8 =	vadd.f32 v8, v10;
	v19 =	vadd.f32 v25, v19  }
0x25a: {  	v11 =	vand.u32 $0x7FFFFFFF, v11;
	v25 =	vld [tilespmem:s5+$0x60];
	v21 =	vsub.f32 v21, v2;
	v20 =	vsub.f32 v20, v1  }
0x25b: {  	v31 =	vld [tilespmem:s5+$0x100];
	v13 =	vand.u32 $0x7FFFFFFF, v13;
	v15 =	vsub.f32 v15, v2;
	v18 =	vsub.f32 v18, v1  }
0x25c: {  	v9 =	vld [tilespmem:s5+$0x110];
	v27 =	vsub.f32 v27, v2;
	v19 =	vadd.f32 v23, v19;
	v23 =	vand.u32 $0x7FFFFFFF, v28  }
0x25d: {  	v28 =	vld [tilespmem:s5+$0x70];
	v21 =	vand.u32 $0x7FFFFFFF, v21;
	v20 =	vand.u32 $0x7FFFFFFF, v20;
	v26 =	vsub.f32 v26, v1  }
0x25e: {  	v27 =	vand.u32 $0x7FFFFFFF, v27;
	v11 =	vadd.f32 v11, v21;
	v20 =	vadd.f32 v20, v23;
	v21 =	vld [tilespmem:s5+$0x120]  }
0x25f: {  	v15 =	vand.u32 $0x7FFFFFFF, v15;
	v23 =	vsub.f32 v24, v0;
	v24 =	vld [tilespmem:s5+$0x130];
	v25 =	vsub.f32 v25, v2  }
0x260: {  	v18 =	vand.u32 $0x7FFFFFFF, v18;
	v16 =	vadd.f32 v16, v27;
	v13 =	vadd.f32 v13, v15;
	v15 =	vld [tilespmem:s5+$0xE0]  }
0x261: {  	v27 =	vsub.f32 v30, v0;
	v14 =	vadd.f32 v18, v22;
	v18 =	vld [tilespmem:s5+$0xD0]  }
0x262: {  	v30 =	vld [tilespmem:s5+$0xF0];
	v26 =	vand.u32 $0x7FFFFFFF, v26;
	v28 =	vsub.f32 v28, v3;
	v23 =	vand.u32 $0x7FFFFFFF, v23  }
0x263: {  	v22 =	vand.u32 $0x7FFFFFFF, v25;
	v25 =	vld [tilespmem:s5+$0xC0];
	v11 =	vadd.f32 v11, v14;
	s5 =	simm.s32 $0x7440;
	v20 =	vadd.f32 v13, v20  }
0x264: {  	v9 =	vsub.f32 v9, v5;
	v10 =	vld [tilespmem:s5+$0xB0];
	v14 =	vadd.f32 v26, v23  }
0x265: {  	v26 =	vld [tilespmem:s5+$0xA0];
	v28 =	vand.u32 $0x7FFFFFFF, v28;
	v11 =	vadd.f32 v19, v11;
	v17 =	vadd.f32 v17, v20  }
0x266: {  	v21 =	vsub.f32 v21, v6;
	v22 =	vadd.f32 v28, v22;
	v28 =	vld [tilespmem:s5+$0x80]  }
0x267: {  	v23 =	vand.u32 $0x7FFFFFFF, v27;
	v24 =	vsub.f32 v24, v7;
	v27 =	vsub.f32 v30, v3;
	v30 =	vld [tilespmem:s5+$0x20]  }
0x268: {  	v15 =	vsub.f32 v15, v2;
	v14 =	vadd.f32 v16, v14;
	(xrf2) =	vadd.scan.msk.f32 $0xffff, v11;
	v11 =	vld [tilespmem:s5+$0x30]  }
0x269: {  	v18 =	vsub.f32 v18, v1;
	v19 =	vand.u32 $0x7FFFFFFF, v21;
	v21 =	vld [tilespmem:s5+$0x90];
	v25 =	vsub.f32 v25, v0  }
0x26a: {  	v24 =	vand.u32 $0x7FFFFFFF, v24;
	v20 =	vand.u32 $0x7FFFFFFF, v27;
	v27 =	vld [tilespmem:s5+$0xFFFFFFA0];
	v12 =	vadd.f32 v12, v14  }
0x26b: {  	s3 =	smov.u32 @p1 s7;
	v29 =	vand.u32 $0x7FFFFFFF, v29;
	(xrf2) =	vadd.scan.msk.f32 $0xffff, v17;
	v17 =	vld [tilespmem:s5+$0xFFFFFF80];
	v19 =	vadd.f32 v24, v19;
	v24 =	vsub.f32 v31, v4  }
0x26c: {  	p2 =	slt.f32 s0, s3;
	v9 =	vand.u32 $0x7FFFFFFF, v9;
	v13 =	vsub.f32 v10, v7;
	v10 =	vadd.f32 v29, v23;
	v23 =	vld [tilespmem:s5+$0x10]  }
0x26d: {  	v26 =	vsub.f32 v26, v6;
	v16 =	vand.u32 $0x7FFFFFFF, v24;
	v24 =	vld [tilespmem:s5+$0x0];
	v28 =	vsub.f32 v28, v4  }
0x26e: {  	s3 =	smov.u32 @p2 s0;
	v10 =	vadd.f32 v22, v10;
	v22 =	vand.u32 $0x7FFFFFFF, v25;
	v25 =	vld [tilespmem:s5+$0xFFFFFFB0];
	v29 =	vsub.f32 v30, v6  }
0x26f: {  	p3 =	slt.f32 s20, s3;
	v30 =	vld [tilespmem:s5+$0xFFFFFFE0];
	v9 =	vadd.f32 v9, v16;
	v11 =	vsub.f32 v11, v7  }
0x270: {  	v16 =	vand.u32 $0x7FFFFFFF, v18;
	v18 =	vld [tilespmem:s5+$0xFFFFFFF0];
	v21 =	vsub.f32 v21, v5;
	v8 =	vadd.f32 v8, v10  }
0x271: {  	s3 =	smov.u32 @p3 s20;
	v16 =	vadd.f32 v16, v22;
	v17 =	vsub.f32 v17, v4  }
0x272: {  	p4 =	slt.f32 s21, s3;
	v19 =	vadd.f32 v19, v9;
	v9 =	vand.u32 $0x7FFFFFFF, v15;
	v15 =	vld [tilespmem:s5+$0xFFFFFF90];
	v23 =	vsub.f32 v23, v5  }
0x273: {  	v14 =	vld [tilespmem:s5+$0xFFFFFF70];
	v10 =	vand.u32 $0x7FFFFFFF, v21;
	v9 =	vadd.f32 v20, v9;
	v21 =	vsub.f32 v24, v4  }
0x274: {  	s3 =	smov.u32 @p4 s21;
	v22 =	vld [tilespmem:s5+$0xFFFFFF30];
	v20 =	vand.u32 $0x7FFFFFFF, v29;
	v25 =	vsub.f32 v25, v7;
	v30 =	vsub.f32 v30, v2;
	v24, _, _ =	vpop (xrf2);
	(xrf2) =	vadd.scan.msk.f32 $0xffff, v12  }
0x275: {  	p5 =	slt.f32 s17, s3;
	v29 =	vld [tilespmem:s5+$0xFFFFFEC0];
	v18 =	vsub.f32 v18, v3;
	v12 =	vand.u32 $0x7FFFFFFF, v23;
	v23 =	vsub.f32 v27, v6  }
0x276: {  	v11 =	vand.u32 $0x7FFFFFFF, v11;
	v16 =	vadd.f32 v9, v16;
	(v2sf) =	vpush v24, $0xF  }
0x277: {  	s3 =	smov.u32 @p5 s17;
	v17 =	vand.u32 $0x7FFFFFFF, v17;
	v27 =	vld [tilespmem:s5+$0xFFFFFF10];
	v9 =	vadd.f32 v11, v20;
	v15 =	vsub.f32 v15, v5  }
0x278: {  	p6 =	slt.f32 s16, s3;
	v20 =	vsub.f32 v14, v3;
	v21 =	vand.u32 $0x7FFFFFFF, v21;
	v24 =	vld [tilespmem:s5+$0xFFFFFF20];
	(xrf2) =	vadd.scan.msk.f32 $0xffff, v8;
	v14 =	vadd.f32 v19, v16  }
0x279: {  	v25 =	vand.u32 $0x7FFFFFFF, v25;
	v8 =	vld [tilespmem:s5+$0xFFFFFF00];
	v22 =	vsub.f32 v22, v7;
	v15 =	vand.u32 $0x7FFFFFFF, v15  }
0x27a: {  	s3 =	smov.u32 @p6 s16;
	v11 =	vand.u32 $0x7FFFFFFF, v23;
	v19 =	vld [tilespmem:s5+$0xFFFFFEF0];
	v16 =	vsub.f32 v29, v0;
	(xrf2) =	vadd.scan.msk.f32 $0xffff, v14;
	v15 =	vadd.f32 v15, v17  }
0x27b: {  	s20 =	sadd.s32 s2, s18;
	p0 =	slt.f32 s15, s3;
	v23 =	vadd.f32 v25, v11;
	v25 =	vld [tilespmem:s5+$0xFFFFFEE0];
	v11 =	vadd.f32 v12, v21;
	v12 =	vand.u32 $0x7FFFFFFF, v18;
	v17, _, _ =	vpop (xrf2)  }
0x27c: {  	s2 =	sadd.s32 $0xFA96, s20;
	v14 =	vand.u32 $0x7FFFFFFF, v28;
	v18 =	vsub.f32 v27, v5;
	v27 =	vld [tilespmem:s5+$0xFFFFFF50];
	(v2sf) =	vpush v17, $0xF  }
0x27d: {  	s19 =	smov.u32 @p1 s2;
	s2 =	sadd.s32 $0xFA97, s20;
	s3 =	smov.u32 @p0 s15;
	v31 =	vand.u32 $0x7FFFFFFF, v26;
	v10 =	vadd.f32 v10, v14;
	v21 =	vsub.f32 v24, v6;
	v24 =	vld [tilespmem:s5+$0xFFFFFF60]  }
0x27e: {  	s19 =	smov.u32 @p2 s2;
	s2 =	sadd.s32 $0xFA98, s20;
	p1 =	slt.f32 s9, s3;
	v28 =	vld [tilespmem:s5+$0xFFFFFED0];
	v17 =	vand.u32 $0x7FFFFFFF, v22;
	v22 =	vsub.f32 v8, v4;
	v8 =	vadd.f32 v23, v15;
	v15, _, _ =	vpop (xrf2)  }
0x27f: {  	s0 =	sadd.s32 $0xFA9A, s20;
	s19 =	smov.u32 @p3 s2;
	v29 =	vld [tilespmem:s5+$0xFFFFFF40];
	v19 =	vsub.f32 v19, v3;
	v14 =	vand.u32 $0x7FFFFFFF, v21;
	(v2sf) =	vpush v15, $0xF  }
0x280: {  	s2 =	sadd.s32 $0xFA99, s20;
	s21 =	sadd.s32 s31, s18;
	s3 =	smov.u32 @p1 s9;
	v32 =	vld [tilespmem:s5+$0xFFFFFFC0];
	v18 =	vand.u32 $0x7FFFFFFF, v18;
	v21 =	vand.u32 $0x7FFFFFFF, v22;
	v26 =	vadd.f32 v17, v14  }
0x281: {  	s31 =	simm.s32 $0x5;
	s19 =	smov.u32 @p4 s2;
	p2 =	slt.f32 s8, s3;
	v23 =	vld [tilespmem:s5+$0x60];
	v14 =	vand.u32 $0x7FFFFFFF, v16;
	v16 =	vsub.f32 v25, v2;
	v25 =	vsub.f32 v27, v1  }
0x282: {  	s2 =	simm.s32 $0x0;
	s19 =	smov.u32 @p5 s0;
	s0 =	sadd.s32 $0xFA96, s21;
	v13 =	vand.u32 $0x7FFFFFFF, v13;
	v17 =	vld [tilespmem:s5+$0x50];
	v15 =	vadd.f32 v18, v21;
	v21 =	vsub.f32 v24, v2;
	v22, _, _ =	vpop (xrf2)  }
0x283: {  	s19 =	smov.u32 @p6 s0;
	s0 =	sadd.s32 $0xFA97, s21;
	s3 =	smov.u32 @p2 s8;
	v18 =	vld [tilespmem:s5+$0xFFFFFFD0];
	v24 =	vand.u32 $0x7FFFFFFF, v19;
	v19 =	vsub.f32 v28, v1;
	(v2sf) =	vpush v22, $0xF  }
0x284: {  	s19 =	smov.u32 @p0 s0;
	s0 =	sadd.s32 $0xFA98, s21;
	p0 =	slt.f32 s6, s3;
	v28 =	vsub.f32 v29, v0;
	v29 =	vand.u32 $0x7FFFFFFF, v25;
	v22 =	vand.u32 $0x7FFFFFFF, v20;
	v25 =	vld [tilespmem:s5+$0x40];
	v20, _, _ =	vpop (xrf2)  }
0x285: {  	s19 =	smov.u32 @p1 s0;
	s0 =	sadd.s32 $0xFA99, s21;
	v27 =	vand.u32 $0x7FFFFFFF, v16;
	v16 =	vadd.f32 v26, v15;
	v26 =	vld [tilespmem:s5+$0x70];
	s7 =	spop (v2sf);
	(v2sf) =	vpush v20, $0xF  }
0x286: {  	s19 =	smov.u32 @p2 s0;
	s0 =	sadd.s32 $0xFA9A, s21;
	s3 =	smov.u32 @p0 s6;
	v13 =	vadd.f32 v13, v31;
	v15 =	vand.u32 $0x7FFFFFFF, v28;
	v20 =	vadd.f32 v24, v27;
	v24 =	vld [tilespmem:s5+$0x130]  }
0x287: {  	s19 =	smov.u32 @p0 s0;
	s6 =	simm.s32 $0xA;
	v28 =	vsub.f32 v32, v0;
	v15 =	vadd.f32 v29, v15;
	v29 =	vand.u32 $0x7FFFFFFF, v30;
	v27 =	vld [tilespmem:s5+$0x120];
	p1 =	slt.f32 s7, s3  }
.LBB2_9:
0x288: {  	p2 =	sne.s32 s6, $0x46;
	v21 =	vand.u32 $0x7FFFFFFF, v21;
	v18 =	vsub.f32 v18, v1;
	v23 =	vsub.f32 v23, v2;
	v30 =	vld [tilespmem:s5+$0x110];
	s0 =	smov.u32 s6;
	s6 =	sadd.s32 $0x5, s6  }
0x289: {  	v12 =	vadd.f32 v12, v29;
	v28 =	vand.u32 $0x7FFFFFFF, v28;
	v25 =	vsub.f32 v25, v0;
	v29 =	vld [tilespmem:s5+$0x100]  }
0x28a: {  	v19 =	vand.u32 $0x7FFFFFFF, v19;
	v23 =	vand.u32 $0x7FFFFFFF, v23;
	v26 =	vsub.f32 v26, v3;
	v31 =	vld [tilespmem:s5+$0xF0]  }
0x28b: {  	v9 =	vadd.f32 v9, v11;
	s3 =	smov.u32 @p1 s7;
	v21 =	vadd.f32 v22, v21;
	v11 =	vand.u32 $0x7FFFFFFF, v25;
	v22 =	vld [tilespmem:s5+$0xE0];
	s7 =	spop (v2sf)  }
0x28c: {  	v14 =	vadd.f32 v19, v14;
	v19 =	vand.u32 $0x7FFFFFFF, v26;
	v25 =	vld [tilespmem:s5+$0xD0];
	v26 =	vsub.f32 v27, v6;
	p3 =	slt.f32 s7, s3  }
0x28d: {  	v24 =	vsub.f32 v24, v7;
	v27 =	vld [tilespmem:s5+$0xC0];
	v30 =	vsub.f32 v30, v5  }
0x28e: {  	v17 =	vsub.f32 v17, v1;
	v18 =	vand.u32 $0x7FFFFFFF, v18;
	v19 =	vadd.f32 v19, v23;
	s3 =	smov.u32 @p3 s7;
	s7 =	spop (v2sf)  }
0x28f: {  	v10 =	vadd.f32 v13, v10;
	v14 =	vadd.f32 v20, v14;
	s5 =	sadd.s32 $0x280, s5;
	v20 =	vand.u32 $0x7FFFFFFF, v30;
	p0 =	slt.f32 s7, s3  }
0x290: {  	v18 =	vadd.f32 v18, v28;
	v23 =	vand.u32 $0x7FFFFFFF, v26;
	v13 =	vld [tilespmem:s5+$0xB0];
	v22 =	vsub.f32 v22, v2  }
0x291: {  	v14 =	vadd.f32 v16, v14;
	v16 =	vand.u32 $0x7FFFFFFF, v17;
	v26 =	vld [tilespmem:s5+$0xA0];
	v17 =	vsub.f32 v25, v1  }
0x292: {  	s8 =	sadd.s32 s2, s18;
	v24 =	vand.u32 $0x7FFFFFFF, v24;
	v28 =	vsub.f32 v31, v3;
	s3 =	smov.u32 @p0 s7;
	v25 =	vld [tilespmem:s5+$0x90];
	v27 =	vsub.f32 v27, v0;
	s7 =	spop (v2sf)  }
0x293: {  	s2 =	smov.u32 s31;
	s9 =	sadd.s32 $0xFAE1, s8;
	v15 =	vadd.f32 v21, v15;
	v21 =	vadd.f32 v24, v23;
	v30 =	vld [tilespmem:s5+$0x80];
	v17 =	vand.u32 $0x7FFFFFFF, v17;
	(xrf2) =	vadd.scan.msk.f32 $0xffff, v14;
	p4 =	slt.f32 s7, s3  }
0x294: {  	s19 =	smov.u32 @p1 s9;
	s9 =	sadd.s32 $0xFAE2, s8;
	v24 =	vand.u32 $0x7FFFFFFF, v28;
	v14 =	vld [tilespmem:s5+$0x30];
	v23 =	vand.u32 $0x7FFFFFFF, v27;
	v27 =	vsub.f32 v29, v4;
	s15 =	spop (v2sf)  }
0x295: {  	v11 =	vadd.f32 v16, v11;
	s19 =	smov.u32 @p3 s9;
	s9 =	sadd.s32 $0xFAE3, s8;
	v16 =	vand.u32 $0x7FFFFFFF, v22;
	v28 =	vld [tilespmem:s5+$0x20];
	v13 =	vsub.f32 v13, v7;
	s3 =	smov.u32 @p4 s7  }
0x296: {  	v12 =	vadd.f32 v12, v18;
	s19 =	smov.u32 @p0 s9;
	s7 =	sadd.s32 $0xFAE4, s8;
	v22 =	vld [tilespmem:s5+$0x10];
	v26 =	vsub.f32 v26, v6;
	v18 =	vand.u32 $0x7FFFFFFF, v27;
	p0 =	slt.f32 s15, s3  }
0x297: {  	s31 =	smov.u32 s0;
	s19 =	smov.u32 @p4 s7;
	s7 =	sadd.s32 $0xFAE5, s8;
	v27 =	vld [tilespmem:s5+$0x0];
	v25 =	vsub.f32 v25, v5;
	v18 =	vadd.f32 v20, v18  }
0x298: {  	v11 =	vadd.f32 v19, v11;
	v20 =	vld [tilespmem:s5+$0xFFFFFFF0];
	v29 =	vsub.f32 v30, v4;
	s3 =	smov.u32 @p0 s15;
	s19 =	smov.u32 @p0 s7  }
0x299: {  	v8 =	vadd.f32 v8, v15;
	v19 =	vld [tilespmem:s5+$0xFFFFFFB0];
	v14 =	vsub.f32 v14, v7;
	v25 =	vand.u32 $0x7FFFFFFF, v25  }
0x29a: {  	v18 =	vadd.f32 v21, v18;
	v15 =	vld [tilespmem:s5+$0xFFFFFFA0];
	v28 =	vsub.f32 v28, v6;
	v29 =	vand.u32 $0x7FFFFFFF, v29  }
0x29b: {  	v10 =	vadd.f32 v10, v11;
	v21 =	vld [tilespmem:s5+$0xFFFFFF90];
	v30 =	vsub.f32 v22, v5;
	v14 =	vand.u32 $0x7FFFFFFF, v14;
	(xrf2) =	vadd.scan.msk.f32 $0xffff, v8  }
0x29c: {  	v9 =	vadd.f32 v9, v12;
	v8 =	vld [tilespmem:s5+$0xFFFFFF80];
	v11 =	vsub.f32 v27, v4;
	v27 =	vand.u32 $0x7FFFFFFF, v28  }
0x29d: {  	v16 =	vadd.f32 v24, v16;
	v28 =	vld [tilespmem:s5+$0xFFFFFF70];
	v12 =	vsub.f32 v20, v3;
	v20 =	vand.u32 $0x7FFFFFFF, v30;
	v22, _, _ =	vpop (xrf2)  }
0x29e: {  	v17 =	vadd.f32 v17, v23;
	v24 =	vld [tilespmem:s5+$0xFFFFFEC0];
	v19 =	vsub.f32 v19, v7;
	v11 =	vand.u32 $0x7FFFFFFF, v11;
	(xrf2) =	vadd.scan.msk.f32 $0xffff, v9  }
0x29f: {  	v23 =	vld [tilespmem:s5+$0xFFFFFF30];
	v15 =	vsub.f32 v15, v6;
	v12 =	vand.u32 $0x7FFFFFFF, v12;
	(v2sf) =	vpush v22, $0xF  }
0x2a0: {  	v16 =	vadd.f32 v16, v17;
	v22 =	vld [tilespmem:s5+$0xFFFFFF20];
	v21 =	vsub.f32 v21, v5  }
0x2a1: {  	v9 =	vadd.f32 v14, v27;
	v19 =	vand.u32 $0x7FFFFFFF, v19;
	v17 =	vld [tilespmem:s5+$0xFFFFFF10];
	v8 =	vsub.f32 v8, v4;
	(xrf2) =	vadd.scan.msk.f32 $0xffff, v10  }
0x2a2: {  	v14 =	vand.u32 $0x7FFFFFFF, v15;
	v15 =	vadd.f32 v18, v16;
	v10 =	vld [tilespmem:s5+$0xFFFFFF00];
	v27 =	vsub.f32 v28, v3  }
0x2a3: {  	v14 =	vadd.f32 v19, v14;
	v16 =	vsub.f32 v24, v0;
	v18 =	vld [tilespmem:s5+$0xFFFFFEF0];
	v8 =	vand.u32 $0x7FFFFFFF, v8  }
0x2a4: {  	v11 =	vadd.f32 v20, v11;
	v24 =	vand.u32 $0x7FFFFFFF, v21;
	v19 =	vld [tilespmem:s5+$0xFFFFFEE0];
	v23 =	vsub.f32 v23, v7;
	(xrf2) =	vadd.scan.msk.f32 $0xffff, v15  }
0x2a5: {  	v30 =	vand.u32 $0x7FFFFFFF, v26;
	v8 =	vadd.f32 v24, v8;
	v15 =	vld [tilespmem:s5+$0xFFFFFED0];
	v20 =	vsub.f32 v22, v6;
	v21, _, _ =	vpop (xrf2)  }
0x2a6: {  	v17 =	vsub.f32 v17, v5;
	v22 =	vand.u32 $0x7FFFFFFF, v23;
	v23 =	vld [tilespmem:s5+$0xFFFFFF60];
	(v2sf) =	vpush v21, $0xF  }
0x2a7: {  	v21 =	vsub.f32 v10, v4;
	v20 =	vand.u32 $0x7FFFFFFF, v20;
	v24 =	vld [tilespmem:s5+$0xFFFFFF50];
	v10 =	vadd.f32 v25, v29  }
0x2a8: {  	v8 =	vadd.f32 v14, v8;
	v25 =	vsub.f32 v18, v3;
	v26 =	vld [tilespmem:s5+$0xFFFFFF40];
	v14, _, _ =	vpop (xrf2)  }
0x2a9: {  	v17 =	vand.u32 $0x7FFFFFFF, v17;
	v18 =	vand.u32 $0x7FFFFFFF, v21;
	v28 =	vld [tilespmem:s5+$0xFFFFFFE0];
	(v2sf) =	vpush v14, $0xF  }
0x2aa: {  	v20 =	vadd.f32 v22, v20;
	v14 =	vand.u32 $0x7FFFFFFF, v16;
	v16 =	vadd.f32 v17, v18;
	v18 =	vld [tilespmem:s5+$0xFFFFFFD0]  }
0x2ab: {  	v17 =	vsub.f32 v19, v2;
	v29 =	vand.u32 $0x7FFFFFFF, v25;
	v21 =	vsub.f32 v23, v2;
	v31 =	vld [tilespmem:s5+$0xFFFFFFC0];
	v22, _, _ =	vpop (xrf2)  }
0x2ac: {  	v19 =	vsub.f32 v15, v1;
	v15 =	vsub.f32 v24, v1;
	v23 =	vld [tilespmem:s5+$0x60]  }
.Ltmp5:
0x2ad: {  	v24 =	vand.u32 $0x7FFFFFFF, v17;
	v26 =	vsub.f32 v26, v0;
	v17 =	vld [tilespmem:s5+$0x50];
	(v2sf) =	vpush v22, $0xF;
	(pc) =	sbr.rel @p2 .LBB2_9-.Ltmp5, $4  }
0x2ae: {  	v22 =	vand.u32 $0x7FFFFFFF, v27;
	v15 =	vand.u32 $0x7FFFFFFF, v15;
	v27 =	vsub.f32 v28, v2;
	v25 =	vld [tilespmem:s5+$0x40];
	s7 =	spop (v2sf);
	v28, _, _ =	vpop (xrf2)  }
0x2af: {  	v16 =	vadd.f32 v20, v16;
	v32 =	vand.u32 $0x7FFFFFFF, v26;
	v26 =	vld [tilespmem:s5+$0x70];
	p1 =	slt.f32 s7, s3;
	(v2sf) =	vpush v28, $0xF  }
0x2b0: {  	v13 =	vand.u32 $0x7FFFFFFF, v13;
	v20 =	vadd.f32 v29, v24;
	v15 =	vadd.f32 v15, v32;
	v24 =	vld [tilespmem:s5+$0x130]  }
0x2b1: {  	v13 =	vadd.f32 v13, v30;
	v28 =	vsub.f32 v31, v0;
	v29 =	vand.u32 $0x7FFFFFFF, v27;
	v27 =	vld [tilespmem:s5+$0x120]  }
0x2b2: {  	v18 =	vsub.f32 v18, v1  }
0x2b3: {  	v23 =	vsub.f32 v23, v2;
	v12 =	vadd.f32 v12, v29  }
0x2b4: {  	v21 =	vand.u32 $0x7FFFFFFF, v21;
	v9 =	vadd.f32 v9, v11;
	v17 =	vsub.f32 v17, v1  }
0x2b5: {  	v30 =	vld [tilespmem:s5+$0x110];
	v19 =	vand.u32 $0x7FFFFFFF, v19;
	v25 =	vsub.f32 v25, v0;
	v21 =	vadd.f32 v22, v21  }
0x2b6: {  	v31 =	vld [tilespmem:s5+$0xE0];
	v28 =	vand.u32 $0x7FFFFFFF, v28;
	v14 =	vadd.f32 v19, v14;
	v26 =	vsub.f32 v26, v3  }
0x2b7: {  	v11 =	vld [tilespmem:s5+$0xD0];
	v23 =	vand.u32 $0x7FFFFFFF, v23;
	v18 =	vand.u32 $0x7FFFFFFF, v18;
	v24 =	vsub.f32 v24, v7  }
0x2b8: {  	v29 =	vld [tilespmem:s5+$0x100];
	v22 =	vand.u32 $0x7FFFFFFF, v25;
	v14 =	vadd.f32 v20, v14;
	v18 =	vadd.f32 v18, v28  }
0x2b9: {  	v25 =	vld [tilespmem:s5+$0xC0];
	v15 =	vadd.f32 v21, v15;
	v19 =	vsub.f32 v27, v6;
	v26 =	vand.u32 $0x7FFFFFFF, v26  }
0x2ba: {  	v27 =	vld [tilespmem:s5+$0xF0];
	v30 =	vsub.f32 v30, v5;
	v20 =	vadd.f32 v26, v23  }
0x2bb: {  	v26 =	vsub.f32 v31, v2;
	v14 =	vadd.f32 v16, v14;
	v16 =	vand.u32 $0x7FFFFFFF, v17  }
0x2bc: {  	v11 =	vsub.f32 v11, v1;
	v24 =	vand.u32 $0x7FFFFFFF, v24;
	v12 =	vadd.f32 v12, v18  }
0x2bd: {  	v8 =	vadd.f32 v8, v15;
	v19 =	vand.u32 $0x7FFFFFFF, v19;
	v16 =	vadd.f32 v16, v22  }
0x2be: {  	v23 =	vand.u32 $0x7FFFFFFF, v30;
	v19 =	vadd.f32 v24, v19;
	v17 =	vsub.f32 v25, v0  }
0x2bf: {  	v11 =	vand.u32 $0x7FFFFFFF, v11;
	v25 =	vsub.f32 v27, v3;
	v27 =	vsub.f32 v29, v4  }
0x2c0: {  	v22 =	vand.u32 $0x7FFFFFFF, v26;
	v9 =	vadd.f32 v9, v12;
	v17 =	vand.u32 $0x7FFFFFFF, v17  }
0x2c1: {  	v18 =	vand.u32 $0x7FFFFFFF, v27;
	v21 =	vand.u32 $0x7FFFFFFF, v25;
	v11 =	vadd.f32 v11, v17  }
0x2c2: {  	(xrf2) =	vadd.scan.msk.f32 $0xffff, v14;
	v18 =	vadd.f32 v23, v18;
	v12 =	vadd.f32 v21, v22  }
0x2c3: {  	v10 =	vadd.f32 v13, v10;
	v13 =	vadd.f32 v20, v16;
	(xrf2) =	vadd.scan.msk.f32 $0xffff, v8  }
0x2c4: {  	(xrf2) =	vadd.scan.msk.f32 $0xffff, v9;
	v8 =	vadd.f32 v19, v18;
	v9 =	vadd.f32 v12, v11  }
0x2c5: {  	v10 =	vadd.f32 v10, v13  }
0x2c6: {  	v8 =	vadd.f32 v8, v9  }
0x2c7: {  	(xrf2) =	vadd.scan.msk.f32 $0xffff, v10  }
0x2c8: {  	(xrf2) =	vadd.scan.msk.f32 $0xffff, v8;
	_ =	sdelay $0x5  }
0x2c9: {  	v8, _, _ =	vpop (xrf2)  }
0x2ca: {  	(v2sf) =	vpush v8, $0xF;
	v8, _, _ =	vpop (xrf2)  }
0x2cb: {  	(v2sf) =	vpush v8, $0xF;
	v8, _, _ =	vpop (xrf2)  }
0x2cc: {  	(v2sf) =	vpush v8, $0xF;
	v8, _, _ =	vpop (xrf2)  }
0x2cd: {  	(v2sf) =	vpush v8, $0xF;
	v8, _, _ =	vpop (xrf2)  }
0x2ce: {  	s15 =	sld [smem:$0x7FD];
	(v2sf) =	vpush v8, $0xF;
	_ =	sdelay $0x2  }
0x2cf: {  	p0 =	seq.s32 s15, $0x1  }
0x2d0: {  	s5 =	sadd.s32 @!p0 s23, s13  }
0x2d1: {  	s5 =	sshll.u32 @!p0 s5, $0x4  }
0x2d2: {  	s0 =	spop (v2sf);
	s6 =	simm.s32 @!p0 $0x0;
	s5 =	sand.u32 @!p0 $0x1FFFFFF0, s5  }
0x2d3: {  	s8 =	simm.s32 @!p0 $0x7080;
	s20 =	spop (v2sf);
	s5 =	sadd.s32 @!p0 s1, s5  }
0x2d4: {  	[tilespmem:s8], [sflag:$0x4] =	stream.linear.gather @!p0 [hbm4b:s5+s6], $0x2580, $0x38;
	[tilespmem:$0xBD00] =	vst v63  }
0x2d5: {  	s21 =	spop (v2sf)  }
0x2d6: {  	s17 =	spop (v2sf)  }
0x2d7: {  	s16 =	spop (v2sf)  }
0x2d8: {  	s15 =	spop (v2sf)  }
0x2d9: {  	s9 =	spop (v2sf)  }
0x2da: {  	s8 =	spop (v2sf)  }
0x2db: {  	s6 =	spop (v2sf)  }
0x2dc: {  	_ =	swait.ge [sflag:s30], $0x2580  }
0x2dd: {  	[sflag:s30] =	ssyncset.done $0x0  }
0x2de: {  	s5 =	simm.s32 $0x9740;
	[sflag:s30] =	ssyncadd.s32 $0xFFFFDA80  }
0x2df: {  	v8 =	vld [tilespmem:s5+$0xB0]  }
0x2e0: {  	v9 =	vld [tilespmem:s5+$0xA0]  }
0x2e1: {  	v10 =	vld [tilespmem:s5+$0x90]  }
0x2e2: {  	v11 =	vld [tilespmem:s5+$0x80]  }
0x2e3: {  	v12 =	vld [tilespmem:s5+$0x30]  }
0x2e4: {  	v13 =	vld [tilespmem:s5+$0x20]  }
0x2e5: {  	v14 =	vld [tilespmem:s5+$0x10]  }
0x2e6: {  	v15 =	vld [tilespmem:s5+$0x0]  }
0x2e7: {  	v16 =	vld [tilespmem:s5+$0xFFFFFFF0]  }
0x2e8: {  	v17 =	vld [tilespmem:s5+$0xFFFFFFB0]  }
0x2e9: {  	v18 =	vld [tilespmem:s5+$0xFFFFFFA0]  }
0x2ea: {  	v19 =	vld [tilespmem:s5+$0xFFFFFF90]  }
0x2eb: {  	v20 =	vld [tilespmem:s5+$0xFFFFFF80]  }
0x2ec: {  	v22 =	vld [tilespmem:s5+$0xFFFFFEC0]  }
0x2ed: {  	v23 =	vld [tilespmem:s5+$0xFFFFFF30]  }
0x2ee: {  	v24 =	vld [tilespmem:s5+$0xFFFFFF20];
	v8 =	vsub.f32 v8, v7;
	v10 =	vsub.f32 v10, v5  }
0x2ef: {  	v25 =	vld [tilespmem:s5+$0xFFFFFF10];
	v11 =	vsub.f32 v11, v4;
	v9 =	vsub.f32 v9, v6  }
0x2f0: {  	v26 =	vld [tilespmem:s5+$0xFFFFFF00];
	v12 =	vsub.f32 v12, v7;
	v13 =	vsub.f32 v13, v6  }
0x2f1: {  	v28 =	vld [tilespmem:s5+$0xFFFFFF40];
	v14 =	vsub.f32 v14, v5;
	v15 =	vsub.f32 v15, v4  }
0x2f2: {  	v29 =	vld [tilespmem:s5+$0x50];
	v16 =	vsub.f32 v16, v3;
	v17 =	vsub.f32 v17, v7  }
0x2f3: {  	v18 =	vsub.f32 v18, v6;
	v19 =	vsub.f32 v19, v5  }
0x2f4: {  	v20 =	vsub.f32 v20, v4;
	v22 =	vsub.f32 v22, v0  }
0x2f5: {  	v23 =	vsub.f32 v23, v7;
	v24 =	vsub.f32 v24, v6  }
0x2f6: {  	v21 =	vld [tilespmem:s5+$0xFFFFFF70];
	v25 =	vsub.f32 v25, v5;
	v26 =	vsub.f32 v26, v4  }
0x2f7: {  	v28 =	vsub.f32 v28, v0;
	v29 =	vsub.f32 v29, v1;
	v10 =	vand.u32 $0x7FFFFFFF, v10  }
0x2f8: {  	v11 =	vand.u32 $0x7FFFFFFF, v11;
	v12 =	vand.u32 $0x7FFFFFFF, v12;
	v13 =	vand.u32 $0x7FFFFFFF, v13  }
0x2f9: {  	v27 =	vld [tilespmem:s5+$0xFFFFFEF0];
	v14 =	vand.u32 $0x7FFFFFFF, v14;
	v15 =	vand.u32 $0x7FFFFFFF, v15;
	v17 =	vand.u32 $0x7FFFFFFF, v17  }
0x2fa: {  	v30 =	vld [tilespmem:s5+$0x40];
	v18 =	vand.u32 $0x7FFFFFFF, v18;
	v20 =	vand.u32 $0x7FFFFFFF, v20;
	v19 =	vand.u32 $0x7FFFFFFF, v19  }
0x2fb: {  	v16 =	vand.u32 $0x7FFFFFFF, v16;
	v12 =	vadd.f32 v12, v13;
	v13 =	vsub.f32 v21, v3;
	v21 =	vld [tilespmem:s5+$0xFFFFFEE0]  }
0x2fc: {  	v23 =	vand.u32 $0x7FFFFFFF, v23;
	v24 =	vand.u32 $0x7FFFFFFF, v24;
	v17 =	vadd.f32 v17, v18;
	v18 =	vld [tilespmem:s5+$0xFFFFFED0]  }
0x2fd: {  	v9 =	vand.u32 $0x7FFFFFFF, v9;
	v14 =	vadd.f32 v14, v15;
	v19 =	vadd.f32 v19, v20;
	v20 =	vld [tilespmem:s5+$0xFFFFFF50]  }
0x2fe: {  	v8 =	vand.u32 $0x7FFFFFFF, v8;
	v15 =	vld [tilespmem:s5+$0xFFFFFF60];
	v10 =	vadd.f32 v10, v11;
	v11 =	vsub.f32 v27, v3  }
0x2ff: {  	v25 =	vand.u32 $0x7FFFFFFF, v25;
	v27 =	vld [tilespmem:s5+$0xFFFFFFE0];
	v23 =	vadd.f32 v23, v24;
	v8 =	vadd.f32 v8, v9  }
0x300: {  	v17 =	vadd.f32 v17, v19;
	v19 =	vand.u32 $0x7FFFFFFF, v26;
	v26 =	vld [tilespmem:s5+$0xFFFFFFD0];
	v12 =	vadd.f32 v12, v14  }
0x301: {  	v22 =	vand.u32 $0x7FFFFFFF, v22;
	v24 =	vld [tilespmem:s5+$0xFFFFFFC0];
	v8 =	vadd.f32 v8, v10;
	v19 =	vadd.f32 v25, v19  }
0x302: {  	v11 =	vand.u32 $0x7FFFFFFF, v11;
	v25 =	vld [tilespmem:s5+$0x60];
	v21 =	vsub.f32 v21, v2;
	v20 =	vsub.f32 v20, v1  }
0x303: {  	v31 =	vld [tilespmem:s5+$0x100];
	v13 =	vand.u32 $0x7FFFFFFF, v13;
	v15 =	vsub.f32 v15, v2;
	v18 =	vsub.f32 v18, v1  }
0x304: {  	v9 =	vld [tilespmem:s5+$0x110];
	v27 =	vsub.f32 v27, v2;
	v19 =	vadd.f32 v23, v19;
	v23 =	vand.u32 $0x7FFFFFFF, v28  }
0x305: {  	v28 =	vld [tilespmem:s5+$0x70];
	v21 =	vand.u32 $0x7FFFFFFF, v21;
	v20 =	vand.u32 $0x7FFFFFFF, v20;
	v26 =	vsub.f32 v26, v1  }
0x306: {  	v27 =	vand.u32 $0x7FFFFFFF, v27;
	v11 =	vadd.f32 v11, v21;
	v20 =	vadd.f32 v20, v23;
	v21 =	vld [tilespmem:s5+$0x120]  }
0x307: {  	v15 =	vand.u32 $0x7FFFFFFF, v15;
	v23 =	vsub.f32 v24, v0;
	v24 =	vld [tilespmem:s5+$0x130];
	v25 =	vsub.f32 v25, v2  }
0x308: {  	v18 =	vand.u32 $0x7FFFFFFF, v18;
	v16 =	vadd.f32 v16, v27;
	v13 =	vadd.f32 v13, v15;
	v15 =	vld [tilespmem:s5+$0xE0]  }
0x309: {  	v27 =	vsub.f32 v30, v0;
	v14 =	vadd.f32 v18, v22;
	v18 =	vld [tilespmem:s5+$0xD0]  }
0x30a: {  	v30 =	vld [tilespmem:s5+$0xF0];
	v26 =	vand.u32 $0x7FFFFFFF, v26;
	v28 =	vsub.f32 v28, v3;
	v23 =	vand.u32 $0x7FFFFFFF, v23  }
0x30b: {  	v22 =	vand.u32 $0x7FFFFFFF, v25;
	v25 =	vld [tilespmem:s5+$0xC0];
	v11 =	vadd.f32 v11, v14;
	s5 =	simm.s32 $0x99C0;
	v20 =	vadd.f32 v13, v20  }
0x30c: {  	v9 =	vsub.f32 v9, v5;
	v10 =	vld [tilespmem:s5+$0xB0];
	v14 =	vadd.f32 v26, v23  }
0x30d: {  	v26 =	vld [tilespmem:s5+$0xA0];
	v28 =	vand.u32 $0x7FFFFFFF, v28;
	v11 =	vadd.f32 v19, v11;
	v17 =	vadd.f32 v17, v20  }
0x30e: {  	v21 =	vsub.f32 v21, v6;
	v22 =	vadd.f32 v28, v22;
	v28 =	vld [tilespmem:s5+$0x80]  }
0x30f: {  	v23 =	vand.u32 $0x7FFFFFFF, v27;
	v24 =	vsub.f32 v24, v7;
	v27 =	vsub.f32 v30, v3;
	v30 =	vld [tilespmem:s5+$0x20]  }
0x310: {  	v15 =	vsub.f32 v15, v2;
	v14 =	vadd.f32 v16, v14;
	(xrf2) =	vadd.scan.msk.f32 $0xffff, v11;
	v11 =	vld [tilespmem:s5+$0x30]  }
0x311: {  	v18 =	vsub.f32 v18, v1;
	v19 =	vand.u32 $0x7FFFFFFF, v21;
	v21 =	vld [tilespmem:s5+$0x90];
	v25 =	vsub.f32 v25, v0  }
0x312: {  	v24 =	vand.u32 $0x7FFFFFFF, v24;
	v20 =	vand.u32 $0x7FFFFFFF, v27;
	v27 =	vld [tilespmem:s5+$0xFFFFFFA0];
	v12 =	vadd.f32 v12, v14  }
0x313: {  	s3 =	smov.u32 @p1 s7;
	v29 =	vand.u32 $0x7FFFFFFF, v29;
	(xrf2) =	vadd.scan.msk.f32 $0xffff, v17;
	v17 =	vld [tilespmem:s5+$0xFFFFFF80];
	v19 =	vadd.f32 v24, v19;
	v24 =	vsub.f32 v31, v4  }
0x314: {  	p2 =	slt.f32 s0, s3;
	v9 =	vand.u32 $0x7FFFFFFF, v9;
	v13 =	vsub.f32 v10, v7;
	v10 =	vadd.f32 v29, v23;
	v23 =	vld [tilespmem:s5+$0x10]  }
0x315: {  	v26 =	vsub.f32 v26, v6;
	v16 =	vand.u32 $0x7FFFFFFF, v24;
	v24 =	vld [tilespmem:s5+$0x0];
	v28 =	vsub.f32 v28, v4  }
0x316: {  	s3 =	smov.u32 @p2 s0;
	v10 =	vadd.f32 v22, v10;
	v22 =	vand.u32 $0x7FFFFFFF, v25;
	v25 =	vld [tilespmem:s5+$0xFFFFFFB0];
	v29 =	vsub.f32 v30, v6  }
0x317: {  	p3 =	slt.f32 s20, s3;
	v30 =	vld [tilespmem:s5+$0xFFFFFFE0];
	v9 =	vadd.f32 v9, v16;
	v11 =	vsub.f32 v11, v7  }
0x318: {  	v16 =	vand.u32 $0x7FFFFFFF, v18;
	v18 =	vld [tilespmem:s5+$0xFFFFFFF0];
	v21 =	vsub.f32 v21, v5;
	v8 =	vadd.f32 v8, v10  }
0x319: {  	s3 =	smov.u32 @p3 s20;
	v16 =	vadd.f32 v16, v22;
	v17 =	vsub.f32 v17, v4  }
0x31a: {  	p4 =	slt.f32 s21, s3;
	v19 =	vadd.f32 v19, v9;
	v9 =	vand.u32 $0x7FFFFFFF, v15;
	v15 =	vld [tilespmem:s5+$0xFFFFFF90];
	v23 =	vsub.f32 v23, v5  }
0x31b: {  	v14 =	vld [tilespmem:s5+$0xFFFFFF70];
	v10 =	vand.u32 $0x7FFFFFFF, v21;
	v9 =	vadd.f32 v20, v9;
	v21 =	vsub.f32 v24, v4  }
0x31c: {  	s3 =	smov.u32 @p4 s21;
	v22 =	vld [tilespmem:s5+$0xFFFFFF30];
	v20 =	vand.u32 $0x7FFFFFFF, v29;
	v25 =	vsub.f32 v25, v7;
	v30 =	vsub.f32 v30, v2;
	v24, _, _ =	vpop (xrf2);
	(xrf2) =	vadd.scan.msk.f32 $0xffff, v12  }
0x31d: {  	p5 =	slt.f32 s17, s3;
	v29 =	vld [tilespmem:s5+$0xFFFFFEC0];
	v18 =	vsub.f32 v18, v3;
	v12 =	vand.u32 $0x7FFFFFFF, v23;
	v23 =	vsub.f32 v27, v6  }
0x31e: {  	v11 =	vand.u32 $0x7FFFFFFF, v11;
	v16 =	vadd.f32 v9, v16;
	(v2sf) =	vpush v24, $0xF  }
0x31f: {  	s3 =	smov.u32 @p5 s17;
	v17 =	vand.u32 $0x7FFFFFFF, v17;
	v27 =	vld [tilespmem:s5+$0xFFFFFF10];
	v9 =	vadd.f32 v11, v20;
	v15 =	vsub.f32 v15, v5  }
0x320: {  	p6 =	slt.f32 s16, s3;
	v20 =	vsub.f32 v14, v3;
	v21 =	vand.u32 $0x7FFFFFFF, v21;
	v24 =	vld [tilespmem:s5+$0xFFFFFF20];
	(xrf2) =	vadd.scan.msk.f32 $0xffff, v8;
	v14 =	vadd.f32 v19, v16  }
0x321: {  	v25 =	vand.u32 $0x7FFFFFFF, v25;
	v8 =	vld [tilespmem:s5+$0xFFFFFF00];
	v22 =	vsub.f32 v22, v7;
	v15 =	vand.u32 $0x7FFFFFFF, v15  }
0x322: {  	s3 =	smov.u32 @p6 s16;
	v11 =	vand.u32 $0x7FFFFFFF, v23;
	v19 =	vld [tilespmem:s5+$0xFFFFFEF0];
	v16 =	vsub.f32 v29, v0;
	(xrf2) =	vadd.scan.msk.f32 $0xffff, v14;
	v15 =	vadd.f32 v15, v17  }
0x323: {  	s20 =	sadd.s32 s2, s18;
	p0 =	slt.f32 s15, s3;
	v23 =	vadd.f32 v25, v11;
	v25 =	vld [tilespmem:s5+$0xFFFFFEE0];
	v11 =	vadd.f32 v12, v21;
	v12 =	vand.u32 $0x7FFFFFFF, v18;
	v17, _, _ =	vpop (xrf2)  }
0x324: {  	s2 =	sadd.s32 $0xFAE1, s20;
	v14 =	vand.u32 $0x7FFFFFFF, v28;
	v18 =	vsub.f32 v27, v5;
	v27 =	vld [tilespmem:s5+$0xFFFFFF50];
	(v2sf) =	vpush v17, $0xF  }
0x325: {  	s19 =	smov.u32 @p1 s2;
	s2 =	sadd.s32 $0xFAE2, s20;
	s3 =	smov.u32 @p0 s15;
	v31 =	vand.u32 $0x7FFFFFFF, v26;
	v10 =	vadd.f32 v10, v14;
	v21 =	vsub.f32 v24, v6;
	v24 =	vld [tilespmem:s5+$0xFFFFFF60]  }
0x326: {  	s19 =	smov.u32 @p2 s2;
	s2 =	sadd.s32 $0xFAE3, s20;
	p1 =	slt.f32 s9, s3;
	v28 =	vld [tilespmem:s5+$0xFFFFFED0];
	v17 =	vand.u32 $0x7FFFFFFF, v22;
	v22 =	vsub.f32 v8, v4;
	v8 =	vadd.f32 v23, v15;
	v15, _, _ =	vpop (xrf2)  }
0x327: {  	s0 =	sadd.s32 $0xFAE5, s20;
	s19 =	smov.u32 @p3 s2;
	s2 =	sadd.s32 $0xFAE4, s20;
	v29 =	vld [tilespmem:s5+$0xFFFFFF40];
	v19 =	vsub.f32 v19, v3;
	v14 =	vand.u32 $0x7FFFFFFF, v21;
	(v2sf) =	vpush v15, $0xF  }
0x328: {  	s21 =	sadd.s32 s31, s18;
	s19 =	smov.u32 @p4 s2;
	s3 =	smov.u32 @p1 s9;
	v32 =	vld [tilespmem:s5+$0xFFFFFFC0];
	v18 =	vand.u32 $0x7FFFFFFF, v18;
	v21 =	vand.u32 $0x7FFFFFFF, v22;
	v26 =	vadd.f32 v17, v14  }
0x329: {  	s19 =	smov.u32 @p5 s0;
	s0 =	sadd.s32 $0xFAE1, s21;
	p2 =	slt.f32 s8, s3;
	v23 =	vld [tilespmem:s5+$0x60];
	v14 =	vand.u32 $0x7FFFFFFF, v16;
	v16 =	vsub.f32 v25, v2;
	v25 =	vsub.f32 v27, v1  }
0x32a: {  	s19 =	smov.u32 @p6 s0;
	s0 =	sadd.s32 $0xFAE2, s21;
	v13 =	vand.u32 $0x7FFFFFFF, v13;
	v17 =	vld [tilespmem:s5+$0x50];
	v15 =	vadd.f32 v18, v21;
	v21 =	vsub.f32 v24, v2;
	v22, _, _ =	vpop (xrf2)  }
0x32b: {  	s19 =	smov.u32 @p0 s0;
	s0 =	sadd.s32 $0xFAE3, s21;
	s3 =	smov.u32 @p2 s8;
	v18 =	vld [tilespmem:s5+$0xFFFFFFD0];
	v24 =	vand.u32 $0x7FFFFFFF, v19;
	v19 =	vsub.f32 v28, v1;
	(v2sf) =	vpush v22, $0xF  }
0x32c: {  	s19 =	smov.u32 @p1 s0;
	s0 =	sadd.s32 $0xFAE4, s21;
	p0 =	slt.f32 s6, s3;
	v28 =	vsub.f32 v29, v0;
	v29 =	vand.u32 $0x7FFFFFFF, v25;
	v22 =	vand.u32 $0x7FFFFFFF, v20;
	v25 =	vld [tilespmem:s5+$0x40];
	v20, _, _ =	vpop (xrf2)  }
0x32d: {  	s2 =	sadd.s32 $0xFAE5, s21;
	s19 =	smov.u32 @p2 s0;
	v27 =	vand.u32 $0x7FFFFFFF, v16;
	v16 =	vadd.f32 v26, v15;
	v26 =	vld [tilespmem:s5+$0x70];
	s0 =	spop (v2sf);
	(v2sf) =	vpush v20, $0xF  }
0x32e: {  	s31 =	simm.s32 $0x5;
	s3 =	smov.u32 @p0 s6;
	s19 =	smov.u32 @p0 s2;
	v13 =	vadd.f32 v13, v31;
	v15 =	vand.u32 $0x7FFFFFFF, v28;
	v20 =	vadd.f32 v24, v27;
	v24 =	vld [tilespmem:s5+$0x130]  }
0x32f: {  	s2 =	simm.s32 $0x0;
	s6 =	simm.s32 $0xA;
	v28 =	vsub.f32 v32, v0;
	v15 =	vadd.f32 v29, v15;
	v29 =	vand.u32 $0x7FFFFFFF, v30;
	v27 =	vld [tilespmem:s5+$0x120];
	p2 =	slt.f32 s0, s3  }
.LBB2_11:
0x330: {  	p1 =	sne.s32 s6, $0x46;
	v21 =	vand.u32 $0x7FFFFFFF, v21;
	v18 =	vsub.f32 v18, v1;
	v23 =	vsub.f32 v23, v2;
	v30 =	vld [tilespmem:s5+$0x110];
	s7 =	smov.u32 s6;
	s6 =	sadd.s32 $0x5, s6  }
0x331: {  	v12 =	vadd.f32 v12, v29;
	v28 =	vand.u32 $0x7FFFFFFF, v28;
	v25 =	vsub.f32 v25, v0;
	v29 =	vld [tilespmem:s5+$0x100]  }
0x332: {  	v19 =	vand.u32 $0x7FFFFFFF, v19;
	v23 =	vand.u32 $0x7FFFFFFF, v23;
	v26 =	vsub.f32 v26, v3;
	v31 =	vld [tilespmem:s5+$0xF0]  }
0x333: {  	v9 =	vadd.f32 v9, v11;
	s3 =	smov.u32 @p2 s0;
	v21 =	vadd.f32 v22, v21;
	v11 =	vand.u32 $0x7FFFFFFF, v25;
	v22 =	vld [tilespmem:s5+$0xE0];
	s0 =	spop (v2sf)  }
0x334: {  	v14 =	vadd.f32 v19, v14;
	v19 =	vand.u32 $0x7FFFFFFF, v26;
	v25 =	vld [tilespmem:s5+$0xD0];
	v26 =	vsub.f32 v27, v6;
	p3 =	slt.f32 s0, s3  }
0x335: {  	v24 =	vsub.f32 v24, v7;
	v27 =	vld [tilespmem:s5+$0xC0];
	v30 =	vsub.f32 v30, v5  }
0x336: {  	v17 =	vsub.f32 v17, v1;
	v18 =	vand.u32 $0x7FFFFFFF, v18;
	v19 =	vadd.f32 v19, v23;
	s3 =	smov.u32 @p3 s0;
	s0 =	spop (v2sf)  }
0x337: {  	v10 =	vadd.f32 v13, v10;
	v14 =	vadd.f32 v20, v14;
	s5 =	sadd.s32 $0x280, s5;
	v20 =	vand.u32 $0x7FFFFFFF, v30;
	p0 =	slt.f32 s0, s3  }
0x338: {  	v18 =	vadd.f32 v18, v28;
	v23 =	vand.u32 $0x7FFFFFFF, v26;
	v13 =	vld [tilespmem:s5+$0xB0];
	v22 =	vsub.f32 v22, v2  }
0x339: {  	v14 =	vadd.f32 v16, v14;
	v16 =	vand.u32 $0x7FFFFFFF, v17;
	v26 =	vld [tilespmem:s5+$0xA0];
	v17 =	vsub.f32 v25, v1  }
0x33a: {  	s8 =	sadd.s32 s2, s18;
	v24 =	vand.u32 $0x7FFFFFFF, v24;
	v28 =	vsub.f32 v31, v3;
	s3 =	smov.u32 @p0 s0;
	v25 =	vld [tilespmem:s5+$0x90];
	v27 =	vsub.f32 v27, v0;
	s0 =	spop (v2sf)  }
0x33b: {  	s2 =	smov.u32 s31;
	s9 =	sadd.s32 $0xFB2C, s8;
	v15 =	vadd.f32 v21, v15;
	v21 =	vadd.f32 v24, v23;
	v30 =	vld [tilespmem:s5+$0x80];
	v17 =	vand.u32 $0x7FFFFFFF, v17;
	(xrf2) =	vadd.scan.msk.f32 $0xffff, v14;
	p4 =	slt.f32 s0, s3  }
0x33c: {  	s19 =	smov.u32 @p2 s9;
	s9 =	sadd.s32 $0xFB2D, s8;
	v24 =	vand.u32 $0x7FFFFFFF, v28;
	v14 =	vld [tilespmem:s5+$0x30];
	v23 =	vand.u32 $0x7FFFFFFF, v27;
	v27 =	vsub.f32 v29, v4;
	s15 =	spop (v2sf)  }
0x33d: {  	v11 =	vadd.f32 v16, v11;
	s19 =	smov.u32 @p3 s9;
	s9 =	sadd.s32 $0xFB2E, s8;
	v16 =	vand.u32 $0x7FFFFFFF, v22;
	v28 =	vld [tilespmem:s5+$0x20];
	v13 =	vsub.f32 v13, v7;
	s3 =	smov.u32 @p4 s0  }
0x33e: {  	v12 =	vadd.f32 v12, v18;
	s19 =	smov.u32 @p0 s9;
	s0 =	sadd.s32 $0xFB2F, s8;
	v22 =	vld [tilespmem:s5+$0x10];
	v26 =	vsub.f32 v26, v6;
	v18 =	vand.u32 $0x7FFFFFFF, v27;
	p0 =	slt.f32 s15, s3  }
0x33f: {  	s31 =	smov.u32 s7;
	s19 =	smov.u32 @p4 s0;
	s0 =	sadd.s32 $0xFB30, s8;
	v27 =	vld [tilespmem:s5+$0x0];
	v25 =	vsub.f32 v25, v5;
	v18 =	vadd.f32 v20, v18  }
0x340: {  	v11 =	vadd.f32 v19, v11;
	v20 =	vld [tilespmem:s5+$0xFFFFFFF0];
	v29 =	vsub.f32 v30, v4;
	s3 =	smov.u32 @p0 s15;
	s19 =	smov.u32 @p0 s0  }
0x341: {  	v8 =	vadd.f32 v8, v15;
	v19 =	vld [tilespmem:s5+$0xFFFFFFB0];
	v14 =	vsub.f32 v14, v7;
	v25 =	vand.u32 $0x7FFFFFFF, v25  }
0x342: {  	v18 =	vadd.f32 v21, v18;
	v15 =	vld [tilespmem:s5+$0xFFFFFFA0];
	v28 =	vsub.f32 v28, v6;
	v29 =	vand.u32 $0x7FFFFFFF, v29  }
0x343: {  	v10 =	vadd.f32 v10, v11;
	v21 =	vld [tilespmem:s5+$0xFFFFFF90];
	v30 =	vsub.f32 v22, v5;
	v14 =	vand.u32 $0x7FFFFFFF, v14;
	(xrf2) =	vadd.scan.msk.f32 $0xffff, v8  }
0x344: {  	v9 =	vadd.f32 v9, v12;
	v8 =	vld [tilespmem:s5+$0xFFFFFF80];
	v11 =	vsub.f32 v27, v4;
	v27 =	vand.u32 $0x7FFFFFFF, v28  }
0x345: {  	v16 =	vadd.f32 v24, v16;
	v28 =	vld [tilespmem:s5+$0xFFFFFF70];
	v12 =	vsub.f32 v20, v3;
	v20 =	vand.u32 $0x7FFFFFFF, v30;
	v22, _, _ =	vpop (xrf2)  }
0x346: {  	v17 =	vadd.f32 v17, v23;
	v24 =	vld [tilespmem:s5+$0xFFFFFEC0];
	v19 =	vsub.f32 v19, v7;
	v11 =	vand.u32 $0x7FFFFFFF, v11;
	(xrf2) =	vadd.scan.msk.f32 $0xffff, v9  }
0x347: {  	v23 =	vld [tilespmem:s5+$0xFFFFFF30];
	v15 =	vsub.f32 v15, v6;
	v12 =	vand.u32 $0x7FFFFFFF, v12;
	(v2sf) =	vpush v22, $0xF  }
0x348: {  	v16 =	vadd.f32 v16, v17;
	v22 =	vld [tilespmem:s5+$0xFFFFFF20];
	v21 =	vsub.f32 v21, v5  }
0x349: {  	v9 =	vadd.f32 v14, v27;
	v19 =	vand.u32 $0x7FFFFFFF, v19;
	v17 =	vld [tilespmem:s5+$0xFFFFFF10];
	v8 =	vsub.f32 v8, v4;
	(xrf2) =	vadd.scan.msk.f32 $0xffff, v10  }
0x34a: {  	v14 =	vand.u32 $0x7FFFFFFF, v15;
	v15 =	vadd.f32 v18, v16;
	v10 =	vld [tilespmem:s5+$0xFFFFFF00];
	v27 =	vsub.f32 v28, v3  }
0x34b: {  	v14 =	vadd.f32 v19, v14;
	v16 =	vsub.f32 v24, v0;
	v18 =	vld [tilespmem:s5+$0xFFFFFEF0];
	v8 =	vand.u32 $0x7FFFFFFF, v8  }
0x34c: {  	v11 =	vadd.f32 v20, v11;
	v24 =	vand.u32 $0x7FFFFFFF, v21;
	v19 =	vld [tilespmem:s5+$0xFFFFFEE0];
	v23 =	vsub.f32 v23, v7;
	(xrf2) =	vadd.scan.msk.f32 $0xffff, v15  }
0x34d: {  	v30 =	vand.u32 $0x7FFFFFFF, v26;
	v8 =	vadd.f32 v24, v8;
	v15 =	vld [tilespmem:s5+$0xFFFFFED0];
	v20 =	vsub.f32 v22, v6;
	v21, _, _ =	vpop (xrf2)  }
0x34e: {  	v17 =	vsub.f32 v17, v5;
	v22 =	vand.u32 $0x7FFFFFFF, v23;
	v23 =	vld [tilespmem:s5+$0xFFFFFF60];
	(v2sf) =	vpush v21, $0xF  }
0x34f: {  	v21 =	vsub.f32 v10, v4;
	v20 =	vand.u32 $0x7FFFFFFF, v20;
	v24 =	vld [tilespmem:s5+$0xFFFFFF50];
	v10 =	vadd.f32 v25, v29  }
0x350: {  	v8 =	vadd.f32 v14, v8;
	v25 =	vsub.f32 v18, v3;
	v26 =	vld [tilespmem:s5+$0xFFFFFF40];
	v14, _, _ =	vpop (xrf2)  }
0x351: {  	v17 =	vand.u32 $0x7FFFFFFF, v17;
	v18 =	vand.u32 $0x7FFFFFFF, v21;
	v28 =	vld [tilespmem:s5+$0xFFFFFFE0];
	(v2sf) =	vpush v14, $0xF  }
0x352: {  	v20 =	vadd.f32 v22, v20;
	v14 =	vand.u32 $0x7FFFFFFF, v16;
	v16 =	vadd.f32 v17, v18;
	v18 =	vld [tilespmem:s5+$0xFFFFFFD0]  }
0x353: {  	v17 =	vsub.f32 v19, v2;
	v29 =	vand.u32 $0x7FFFFFFF, v25;
	v21 =	vsub.f32 v23, v2;
	v31 =	vld [tilespmem:s5+$0xFFFFFFC0];
	v22, _, _ =	vpop (xrf2)  }
0x354: {  	v19 =	vsub.f32 v15, v1;
	v15 =	vsub.f32 v24, v1;
	v23 =	vld [tilespmem:s5+$0x60]  }
.Ltmp6:
0x355: {  	v24 =	vand.u32 $0x7FFFFFFF, v17;
	v26 =	vsub.f32 v26, v0;
	v17 =	vld [tilespmem:s5+$0x50];
	(v2sf) =	vpush v22, $0xF;
	(pc) =	sbr.rel @p1 .LBB2_11-.Ltmp6, $4  }
0x356: {  	v22 =	vand.u32 $0x7FFFFFFF, v27;
	v15 =	vand.u32 $0x7FFFFFFF, v15;
	v27 =	vsub.f32 v28, v2;
	v25 =	vld [tilespmem:s5+$0x40];
	s0 =	spop (v2sf);
	v28, _, _ =	vpop (xrf2)  }
0x357: {  	v16 =	vadd.f32 v20, v16;
	v32 =	vand.u32 $0x7FFFFFFF, v26;
	v26 =	vld [tilespmem:s5+$0x70];
	p2 =	slt.f32 s0, s3;
	(v2sf) =	vpush v28, $0xF  }
0x358: {  	v13 =	vand.u32 $0x7FFFFFFF, v13;
	v20 =	vadd.f32 v29, v24;
	v15 =	vadd.f32 v15, v32;
	v24 =	vld [tilespmem:s5+$0x130]  }
0x359: {  	v13 =	vadd.f32 v13, v30;
	v28 =	vsub.f32 v31, v0;
	v29 =	vand.u32 $0x7FFFFFFF, v27;
	v27 =	vld [tilespmem:s5+$0x120]  }
0x35a: {  	v18 =	vsub.f32 v18, v1;
	v23 =	vsub.f32 v23, v2  }
0x35b: {  	v21 =	vand.u32 $0x7FFFFFFF, v21;
	v12 =	vadd.f32 v12, v29;
	v9 =	vadd.f32 v9, v11  }
0x35c: {  	v30 =	vld [tilespmem:s5+$0x110];
	v19 =	vand.u32 $0x7FFFFFFF, v19;
	v17 =	vsub.f32 v17, v1;
	v25 =	vsub.f32 v25, v0  }
0x35d: {  	v45 =	vld [tilespmem:s5+$0xE0];
	v21 =	vadd.f32 v22, v21;
	v14 =	vadd.f32 v19, v14  }
0x35e: {  	v47 =	vld [tilespmem:s5+$0xD0];
	v28 =	vand.u32 $0x7FFFFFFF, v28;
	v10 =	vadd.f32 v13, v10;
	v26 =	vsub.f32 v26, v3  }
0x35f: {  	v49 =	vld [tilespmem:s5+$0xC0];
	v46 =	vand.u32 $0x7FFFFFFF, v23;
	v18 =	vand.u32 $0x7FFFFFFF, v18;
	v24 =	vsub.f32 v24, v7  }
0x360: {  	v31 =	vld [tilespmem:s5+$0xF0];
	v17 =	vand.u32 $0x7FFFFFFF, v17;
	v14 =	vadd.f32 v20, v14;
	v18 =	vadd.f32 v18, v28  }
0x361: {  	v44 =	vld [tilespmem:s5+$0x100];
	v25 =	vand.u32 $0x7FFFFFFF, v25;
	v15 =	vadd.f32 v21, v15;
	v48 =	vsub.f32 v27, v6  }
0x362: {  	v26 =	vand.u32 $0x7FFFFFFF, v26;
	v57 =	vadd.f32 v17, v25;
	v30 =	vsub.f32 v30, v5  }
0x363: {  	v22 =	vadd.f32 v26, v46;
	v11 =	vsub.f32 v45, v2  }
0x364: {  	v14 =	vadd.f32 v16, v14;
	v52 =	vsub.f32 v47, v1  }
0x365: {  	v53 =	vsub.f32 v49, v0;
	v54 =	vsub.f32 v31, v3  }
0x366: {  	v55 =	vand.u32 $0x7FFFFFFF, v24;
	v56 =	vsub.f32 v44, v4;
	v8 =	vadd.f32 v8, v15;
	(xrf2) =	vadd.scan.msk.f32 $0xffff, v14  }
0x367: {  	v12 =	vadd.f32 v12, v18;
	v51 =	vand.u32 $0x7FFFFFFF, v48;
	v50 =	vand.u32 $0x7FFFFFFF, v30  }
0x368: {  	v16 =	vand.u32 $0x7FFFFFFF, v52;
	v20 =	vadd.f32 v55, v51;
	v14 =	vand.u32 $0x7FFFFFFF, v56  }
0x369: {  	v58 =	vand.u32 $0x7FFFFFFF, v53;
	v59 =	vand.u32 $0x7FFFFFFF, v54;
	v60 =	vadd.f32 v22, v57;
	(xrf2) =	vadd.scan.msk.f32 $0xffff, v8  }
0x36a: {  	v9 =	vadd.f32 v9, v12;
	v13 =	vadd.f32 v50, v14;
	v8 =	vand.u32 $0x7FFFFFFF, v11  }
0x36b: {  	v61 =	vadd.f32 v16, v58;
	v8 =	vadd.f32 v59, v8  }
0x36c: {  	(xrf2) =	vadd.scan.msk.f32 $0xffff, v9;
	v62 =	vadd.f32 v10, v60  }
0x36d: {  	v13 =	vadd.f32 v20, v13;
	v8 =	vadd.f32 v8, v61;
	_ =	sdelay $0x1  }
0x36e: {  	(xrf2) =	vadd.scan.msk.f32 $0xffff, v62;
	v8 =	vadd.f32 v13, v8  }
0x36f: {  	v63, _, _ =	vpop (xrf2)  }
0x370: {  	(v2sf) =	vpush v63, $0xF  }
0x371: {  	(xrf2) =	vadd.scan.msk.f32 $0xffff, v8  }
0x372: {  	v8, _, _ =	vpop (xrf2)  }
0x373: {  	s3 =	smov.u32 @p2 s0;
	s0 =	spop (v2sf);
	(v2sf) =	vpush v8, $0xF  }
0x374: {  	p0 =	slt.f32 s0, s3  }
0x375: {  	v8, _, _ =	vpop (xrf2)  }
0x376: {  	s3 =	smov.u32 @p0 s0;
	s0 =	spop (v2sf);
	(v2sf) =	vpush v8, $0xF  }
0x377: {  	p1 =	slt.f32 s0, s3  }
0x378: {  	v8, _, _ =	vpop (xrf2)  }
0x379: {  	s3 =	smov.u32 @p1 s0;
	s0 =	spop (v2sf);
	(v2sf) =	vpush v8, $0xF  }
0x37a: {  	p3 =	slt.f32 s0, s3  }
0x37b: {  	v8, _, _ =	vpop (xrf2)  }
0x37c: {  	s5 =	spop (v2sf);
	s3 =	smov.u32 @p3 s0;
	(v2sf) =	vpush v8, $0xF  }
0x37d: {  	p4 =	slt.f32 s5, s3;
	_ =	sdelay $0x1  }
0x37e: {  	s2 =	sadd.s32 s2, s18;
	s3 =	smov.u32 @p4 s5;
	s0 =	spop (v2sf)  }
0x37f: {  	s5 =	sadd.s32 $0xFB2C, s2;
	p5 =	slt.f32 s0, s3  }
0x380: {  	s19 =	smov.u32 @p2 s5  }
0x381: {  	s5 =	sadd.s32 $0xFB2D, s2;
	s3 =	smov.u32 @p5 s0;
	s0 =	spop (v2sf)  }
0x382: {  	s19 =	smov.u32 @p0 s5;
	s5 =	sadd.s32 $0xFB2E, s2;
	p2 =	slt.f32 s0, s3  }
0x383: {  	s19 =	smov.u32 @p1 s5  }
0x384: {  	s5 =	sadd.s32 $0xFB2F, s2;
	s3 =	smov.u32 @p2 s0;
	s0 =	spop (v2sf)  }
0x385: {  	s2 =	sadd.s32 $0xFB30, s2;
	s19 =	smov.u32 @p3 s5;
	p0 =	slt.f32 s0, s3  }
0x386: {  	s21 =	sadd.s32 s31, s18;
	s19 =	smov.u32 @p4 s2  }
0x387: {  	s2 =	sadd.s32 $0xFB2C, s21;
	s3 =	smov.u32 @p0 s0;
	s0 =	spop (v2sf)  }
0x388: {  	s19 =	smov.u32 @p5 s2;
	s2 =	sadd.s32 $0xFB2D, s21;
	p1 =	slt.f32 s0, s3  }
0x389: {  	s31 =	sld [smem:$0x7FD];
	s19 =	smov.u32 @p2 s2  }
0x38a: {  	s2 =	sadd.s32 $0xFB2E, s21;
	s6 =	spop (v2sf);
	s3 =	smov.u32 @p1 s0  }
0x38b: {  	s19 =	smov.u32 @p0 s2;
	s0 =	sadd.s32 $0xFB2F, s21;
	p0 =	slt.f32 s6, s3  }
0x38c: {  	s19 =	smov.u32 @p1 s0;
	s0 =	sadd.s32 $0xFB30, s21  }
0x38d: {  	s3 =	smov.u32 @p0 s6;
	s19 =	smov.u32 @p0 s0;
	p0 =	seq.s32 s31, $0x1  }
.Ltmp7:
0x38e: {  	_ = 	snop;
	(pc) =	sbr.rel @p0 .LBB2_14-.Ltmp7, $1  }
0x38f: {  	_ =	sdelay $0x3  }
.Ltmp8:
0x390: {  	s0 =	sadd.s32 s23, s14;
	(pc) =	sbr.rel .LBB2_2-.Ltmp8, $4  }
0x391: {  	s0 =	sshll.u32 s0, $0x4  }
0x392: {  	s0 =	sand.u32 $0x1FFFFFF0, s0  }
0x393: {  	s22 =	sadd.s32 $0x1, s22;
	s18 =	sadd.s32 $0x177, s18;
	s0 =	sadd.s32 s1, s0  }
0x394: {  	[tilespmem:s24], [sflag:$0x5] =	stream.linear.gather [hbm4b:s0+s4], $0x2580, $0x38;
	[tilespmem:$0xBD00] =	vst v63  }
.LBB2_15:
0x395: {  	_ =	sfence.sel $0x180000  }
0x396: {  	[bflag:$0x0] =	sbarrier.arrive $0xFFFF  }
0x397: {  	_ =	strace $0x90000047  }
0x398: {  	s0 =	stileid.u32;
	[bflag:$0x2] =	sbarrier.arrive $0xFFFF  }
0x399: {  	p0 =	sne.s32 s0, $0x0;
	s0 =	rddreg [dreg:$0x3]  }
0x39a: {  	s0 =	sadd.s32 @!p0 $0x100000, s0  }
0x39b: {  	[sflag:s0] =	ssyncadd.tile.s32 @!p0 $0x1;
	_ =	shalt  }
.Lfunc_end2:
_tile_overlayer_lowered:
.L_overlay_start_2:
0x39c: {  	(tag) =	ssettag $0x2  }
0x39d: {  	s0 =	rddreg [dreg:$0x0];
	s2 =	stileid.u32  }
0x39e: {  	s1 =	rddreg [dreg:$0x1];
	p0 =	sne.s32 s2, $0x0  }
0x39f: {  	s3 =	rddreg [dreg:$0x2];
	[bflag:$0x3] =	sbarrier.arrive $0xFFFF;
	s2 =	simm.s32 @!p0 $0x1C06  }
0x3a0: {  	[timem:s3], [sflag:s2] =	dma.local @!p0 [hbm:s0], s1  }
0x3a1: {  	s0 =	simm.s32 @!p0 $0x6  }
0x3a2: {  	_ =	swait.ge @!p0 [sflag:s0], s1  }
0x3a3: {  	s1 =	ssub.s32 @!p0 $0x0, s1;
	[sflag:s0] =	ssyncset.done @!p0 $0x0  }
0x3a4: {  	[sflag:s0] =	ssyncadd.s32 @!p0 s1  }
0x3a5: {  	[bflag:$0x3] =	sbarrier.arrive $0xFFFF  }
0x3a6: {  	_ =	shalt  }

</sc_bundles>
